<compile_context>
chip_gen: v7x
topology: tpu7x:2x2x1
jax: 0.10.2.dev20260603
libtpu: 0.0.44.dev20260713+nightly
codegen_flags: <defaults>
</compile_context>

<pallas_src>
import functools

import jax
import jax.numpy as jnp
from jax import lax
from jax.experimental import pallas as pl
from jax.experimental.pallas import tpu as pltpu
from jax.experimental.pallas import tpu_sc as plsc

B = 16384
D = 32
NUM_TABLES = 4
V_SMALL = 1000
V_STORE = 100000
CH = 2048
NCH = B // CH
L = 16
UNROLL = 8

_info = plsc.get_sparse_core_info()
NC = _info.num_cores
NS = _info.num_subcores
NW = NC * NS

STREAM_CHUNKS = [(0, c) for c in range(NCH)] + [(1, c) for c in range(NCH)]
VECTOR_CHUNKS = ([(2, c) for c in range(NCH)]
                 + [(3, c) for c in range(NCH)])
NSB = 3
NVB = 2


@functools.partial(
    pl.kernel,
    out_type=jax.ShapeDtypeStruct((NUM_TABLES, D, B), jnp.float32),
    mesh=plsc.VectorSubcoreMesh(core_axis_name="c", subcore_axis_name="s"),
    compiler_params=pltpu.CompilerParams(use_tc_tiling_on_sc=True,
                                         needs_layout_passes=False),
    scratch_types=(
        [pltpu.VMEM((V_STORE,), jnp.float32)]
        + [pltpu.VMEM((V_SMALL,), jnp.float32)]
        + [pltpu.VMEM((V_SMALL,), jnp.float32)] * 2
        + [pltpu.VMEM_SHARED((NS * V_SMALL,), jnp.float32)] * 2
        + [pltpu.VMEM_SHARED((NUM_TABLES * B,), jnp.int32)]
        + [pltpu.VMEM((CH,), jnp.int32)] * (NVB + NSB)
        + [pltpu.VMEM((CH,), jnp.float32)] * (NVB + NSB)
        + [pltpu.SemaphoreType.DMA] * 20
    ),
)
def _encode(cat_h, col_h, fab_h, store_h,
            cat_t, col_t, fab_t, store_t,
            out_h,
            store_row, fab_row, b0, b1, sh0, sh1, idx_sh,
            iv0, iv1, is0, is1, is2, ov0, ov1, os0, os1, os2,
            *sems):
    sid = lax.axis_index("s")
    k = sid * NC + lax.axis_index("c")
    idx_srcs = (cat_h, col_h, fab_h, store_h)
    row_sems = sems[0:4]
    v2s_sems = sems[4:6]
    vidx_sems = sems[6:8]
    sidx_sems = sems[8:11]
    vout_sems = sems[11:13]
    sout_sems = sems[13:16]
    g_sems = sems[16:19]
    stg_sem = sems[19]

    vec_rows = {1: b1, 2: fab_row, 3: store_row}
    sh_rows = {0: sh0, 1: sh1}
    iv_bufs = (iv0, iv1)
    is_bufs = (is0, is1, is2)
    ov_bufs = (ov0, ov1)
    os_bufs = (os0, os1, os2)

    row_cp = {
        0: pltpu.async_copy(cat_t.at[k], b0, row_sems[0]),
        1: pltpu.async_copy(col_t.at[k], b1, row_sems[1]),
        2: pltpu.async_copy(fab_t.at[k], fab_row, row_sems[2]),
        3: pltpu.async_copy(store_t.at[k], store_row, row_sems[3]),
    }

    @pl.when(sid == 0)
    def _stage_indices():
        st_cp = [pltpu.async_copy(idx_srcs[t],
                                  idx_sh.at[pl.ds(t * B, B)],
                                  stg_sem)
                 for t in range(NUM_TABLES)]
        for cp in st_cp:
            cp.wait()
    plsc.subcore_barrier()

    v2s_cp = {}
    for t, bb in ((0, b0), (1, b1)):
        row_cp[t].wait()
        v2s_cp[t] = pltpu.async_copy(
            bb, sh_rows[t].at[pl.ds(sid * V_SMALL, V_SMALL)], v2s_sems[t])

    def idx_slice(t, c):
        return idx_sh.at[pl.ds((t * B) + c * CH, CH)]

    sidx_cp = {}
    vidx_cp = {}
    g_cp = {}
    out_cp = {}
    v2s_waited = set()
    row_waited = {0, 1}

    sidx_cp[0] = pltpu.async_copy(idx_slice(*STREAM_CHUNKS[0]),
                                  is_bufs[0], sidx_sems[0])
    vidx_cp[0] = pltpu.async_copy(idx_slice(*VECTOR_CHUNKS[0]),
                                  iv_bufs[0], vidx_sems[0])

    for p in range(len(VECTOR_CHUNKS)):
        if p < len(STREAM_CHUNKS):
            ts, cs = STREAM_CHUNKS[p]
            if p + 1 < len(STREAM_CHUNKS):
                nb = (p + 1) % NSB
                sidx_cp[p + 1] = pltpu.async_copy(
                    idx_slice(*STREAM_CHUNKS[p + 1]), is_bufs[nb],
                    sidx_sems[nb])
            if ts not in v2s_waited:
                v2s_cp[ts].wait()
                v2s_waited.add(ts)
            if p - NSB >= 0 and f"s{p - NSB}" in out_cp:
                out_cp.pop(f"s{p - NSB}").wait()
            sidx_cp.pop(p).wait()
            g_cp[p] = pltpu.async_copy(
                sh_rows[ts].at[pl.ds(sid * V_SMALL, V_SMALL)]
                .at[is_bufs[p % NSB]],
                os_bufs[p % NSB], g_sems[p % NSB])
        if p - 1 in g_cp:
            g_cp.pop(p - 1).wait()
            tso, cso = STREAM_CHUNKS[p - 1]
            out_cp[f"s{p - 1}"] = pltpu.async_copy(
                os_bufs[(p - 1) % NSB],
                out_h.at[tso, k, pl.ds(cso * CH, CH)],
                sout_sems[(p - 1) % NSB])

        tv, cv = VECTOR_CHUNKS[p]
        if p + 1 < len(VECTOR_CHUNKS):
            nb = (p + 1) % NVB
            vidx_cp[p + 1] = pltpu.async_copy(
                idx_slice(*VECTOR_CHUNKS[p + 1]), iv_bufs[nb], vidx_sems[nb])
        if tv not in row_waited:
            row_cp[tv].wait()
            row_waited.add(tv)
        if p - NVB >= 0 and f"v{p - NVB}" in out_cp:
            out_cp.pop(f"v{p - NVB}").wait()
        vidx_cp.pop(p).wait()
        ib = iv_bufs[p % NVB]
        ob = ov_bufs[p % NVB]
        row = vec_rows[tv]

        def body(i, _):
            base = i * (L * UNROLL)
            for u in range(UNROLL):
                ivec = ib[pl.ds(base + u * L, L)]
                ob[pl.ds(base + u * L, L)] = plsc.load_gather(row, [ivec])
            return 0

        lax.fori_loop(0, CH // (L * UNROLL), body, 0)
        out_cp[f"v{p}"] = pltpu.async_copy(
            ob, out_h.at[tv, k, pl.ds(cv * CH, CH)], vout_sems[p % NVB])

    last = len(STREAM_CHUNKS) - 1
    if last in g_cp:
        g_cp.pop(last).wait()
        tso, cso = STREAM_CHUNKS[last]
        out_cp[f"s{last}"] = pltpu.async_copy(
            os_bufs[last % NSB], out_h.at[tso, k, pl.ds(cso * CH, CH)],
            sout_sems[last % NSB])
    for key in sorted(out_cp):
        out_cp.pop(key).wait()


def kernel(cat, col, fab, store, cat_table, col_table, fab_table, store_table):
    out_phys = _encode(cat, col, fab, store,
                       cat_table.T, col_table.T, fab_table.T, store_table.T)
    return jnp.transpose(out_phys, (2, 0, 1))

# --- scband reference (transcript-rebuilt; emitter-appended) ---
"""Pipeline reference for scband-attribute-encoder-85753317031973 (READ-ONLY COPY).

The authoritative reference and input builder live on the scoring server;
editing this copy changes nothing except your own understanding.
"""

import jax, jax.numpy as jnp
import numpy as np

B = 16384
NUM_CAT = 1000
NUM_COL = 1000
NUM_FAB = 1000
NUM_STORE = 100000
D = 32

def setup_inputs(seed: int = 0) -> dict:
    key = jax.random.key(seed)
    k1, k2, k3, k4, k5, k6, k7, k8 = jax.random.split(key, 8)
    cat = jax.random.randint(k1, (B,), 0, NUM_CAT, dtype=jnp.int64 if jax.config.jax_enable_x64 else jnp.int32)
    col = jax.random.randint(k2, (B,), 0, NUM_COL, dtype=jnp.int64 if jax.config.jax_enable_x64 else jnp.int32)
    fab = jax.random.randint(k3, (B,), 0, NUM_FAB, dtype=jnp.int64 if jax.config.jax_enable_x64 else jnp.int32)
    store = jax.random.randint(k4, (B,), 0, NUM_STORE, dtype=jnp.int64 if jax.config.jax_enable_x64 else jnp.int32)
    cat_table = jax.random.normal(k5, (NUM_CAT, D), dtype=jnp.float32)
    col_table = jax.random.normal(k6, (NUM_COL, D), dtype=jnp.float32)
    fab_table = jax.random.normal(k7, (NUM_FAB, D), dtype=jnp.float32)
    store_table = jax.random.normal(k8, (NUM_STORE, D), dtype=jnp.float32)
    return {"cat": cat, "col": col, "fab": fab, "store": store,
            "cat_table": cat_table, "col_table": col_table,
            "fab_table": fab_table, "store_table": store_table}

def reference(cat, col, fab, store, cat_table, col_table, fab_table, store_table):
    # Embedding lookups (gather rows)
    e1 = jnp.take(cat_table, cat, axis=0)
    e2 = jnp.take(col_table, col, axis=0)
    e3 = jnp.take(fab_table, fab, axis=0)
    e4 = jnp.take(store_table, store, axis=0)
    # torch.stack([e1,e2,e3,e4], dim=1) -> [B, 4, D]
    out = jnp.stack([e1, e2, e3, e4], axis=1)
    # Dropout(0.1) in eval mode is identity; reference uses inference semantics.
    return out

if __name__ == "__main__":
    import jax
    _d = setup_inputs()
    print(jax.jit(kernel)(*tuple(_d.values())))

</pallas_src>

<mosaic_0001>
#map = affine_map<(d0, d1) -> (0)>
#map1 = affine_map<(d0, d1) -> (0, 0)>
#map2 = affine_map<(d0, d1) -> (0, 0, 0)>
module attributes {stable_mosaic.version = 14 : i64} {
  func.func @_encode(%arg0: i32, %arg1: i32, %arg2: memref<16384xi32, #tpu.memory_space<hbm>>, %arg3: memref<16384xi32, #tpu.memory_space<hbm>>, %arg4: memref<16384xi32, #tpu.memory_space<hbm>>, %arg5: memref<16384xi32, #tpu.memory_space<hbm>>, %arg6: memref<32x1000xf32, #tpu.memory_space<hbm>>, %arg7: memref<32x1000xf32, #tpu.memory_space<hbm>>, %arg8: memref<32x1000xf32, #tpu.memory_space<hbm>>, %arg9: memref<32x100000xf32, #tpu.memory_space<hbm>>, %arg10: memref<4x32x16384xf32, #tpu.memory_space<hbm>>, %arg11: memref<100000xf32, #tpu.memory_space<vmem>>, %arg12: memref<1000xf32, #tpu.memory_space<vmem>>, %arg13: memref<1000xf32, #tpu.memory_space<vmem>>, %arg14: memref<1000xf32, #tpu.memory_space<vmem>>, %arg15: memref<16000xf32, #tpu.memory_space<vmem_shared>>, %arg16: memref<16000xf32, #tpu.memory_space<vmem_shared>>, %arg17: memref<65536xi32, #tpu.memory_space<vmem_shared>>, %arg18: memref<2048xi32, #tpu.memory_space<vmem>>, %arg19: memref<2048xi32, #tpu.memory_space<vmem>>, %arg20: memref<2048xi32, #tpu.memory_space<vmem>>, %arg21: memref<2048xi32, #tpu.memory_space<vmem>>, %arg22: memref<2048xi32, #tpu.memory_space<vmem>>, %arg23: memref<2048xf32, #tpu.memory_space<vmem>>, %arg24: memref<2048xf32, #tpu.memory_space<vmem>>, %arg25: memref<2048xf32, #tpu.memory_space<vmem>>, %arg26: memref<2048xf32, #tpu.memory_space<vmem>>, %arg27: memref<2048xf32, #tpu.memory_space<vmem>>, %arg28: memref<!tpu.dma_semaphore, #tpu.memory_space<semaphore_mem>>, %arg29: memref<!tpu.dma_semaphore, #tpu.memory_space<semaphore_mem>>, %arg30: memref<!tpu.dma_semaphore, #tpu.memory_space<semaphore_mem>>, %arg31: memref<!tpu.dma_semaphore, #tpu.memory_space<semaphore_mem>>, %arg32: memref<!tpu.dma_semaphore, #tpu.memory_space<semaphore_mem>>, %arg33: memref<!tpu.dma_semaphore, #tpu.memory_space<semaphore_mem>>, %arg34: memref<!tpu.dma_semaphore, #tpu.memory_space<semaphore_mem>>, %arg35: memref<!tpu.dma_semaphore, #tpu.memory_space<semaphore_mem>>, %arg36: memref<!tpu.dma_semaphore, #tpu.memory_space<semaphore_mem>>, %arg37: memref<!tpu.dma_semaphore, #tpu.memory_space<semaphore_mem>>, %arg38: memref<!tpu.dma_semaphore, #tpu.memory_space<semaphore_mem>>, %arg39: memref<!tpu.dma_semaphore, #tpu.memory_space<semaphore_mem>>, %arg40: memref<!tpu.dma_semaphore, #tpu.memory_space<semaphore_mem>>, %arg41: memref<!tpu.dma_semaphore, #tpu.memory_space<semaphore_mem>>, %arg42: memref<!tpu.dma_semaphore, #tpu.memory_space<semaphore_mem>>, %arg43: memref<!tpu.dma_semaphore, #tpu.memory_space<semaphore_mem>>, %arg44: memref<!tpu.dma_semaphore, #tpu.memory_space<semaphore_mem>>, %arg45: memref<!tpu.dma_semaphore, #tpu.memory_space<semaphore_mem>>, %arg46: memref<!tpu.dma_semaphore, #tpu.memory_space<semaphore_mem>>, %arg47: memref<!tpu.dma_semaphore, #tpu.memory_space<semaphore_mem>>) attributes {dimension_semantics = [#tpu.dimension_semantics<core_parallel>, #tpu.dimension_semantics<subcore_parallel>], iteration_bounds = array<i64: 2, 16>, scalar_prefetch = 0 : i64, scratch_operands = 37 : i64, tpu.core_type = #tpu.core_type<sc_vector_subcore>, window_params = [{transform_indices = #map}, {transform_indices = #map}, {transform_indices = #map}, {transform_indices = #map}, {transform_indices = #map1}, {transform_indices = #map1}, {transform_indices = #map1}, {transform_indices = #map1}, {transform_indices = #map2}]} {
    %mul3A = arith.constant 2 : i32
    %mul3A_0 = arith.muli %arg1, %mul3A : i32
    %add3A = arith.addi %mul3A_0, %arg0 : i32
    %dma_start3A = arith.constant 0 : i32
    %dma_start3A_1 = tpu.memref_slice %arg6[%add3A, %dma_start3A] : memref<32x1000xf32, #tpu.memory_space<hbm>> -> memref<1x1000xf32, #tpu.memory_space<hbm>>
    %dma_start3A_2 = tpu.memref_squeeze %dma_start3A_1 : memref<1x1000xf32, #tpu.memory_space<hbm>> -> memref<1000xf32, #tpu.memory_space<hbm>>
    %dma_start3A_3 = arith.constant 0 : i32
    %dma_start3A_4 = tpu.memref_slice %arg6[%add3A, %dma_start3A_3] : memref<32x1000xf32, #tpu.memory_space<hbm>> -> memref<1x1000xf32, #tpu.memory_space<hbm>>
    %dma_start3A_5 = tpu.memref_squeeze %dma_start3A_4 : memref<1x1000xf32, #tpu.memory_space<hbm>> -> memref<1000xf32, #tpu.memory_space<hbm>>
    tpu.enqueue_dma source(%dma_start3A_5 : memref<1000xf32, #tpu.memory_space<hbm>>) target(%arg13 : memref<1000xf32, #tpu.memory_space<vmem>>) target_semaphore(%arg28 : memref<!tpu.dma_semaphore, #tpu.memory_space<semaphore_mem>>)
    %dma_start3A_6 = arith.constant 0 : i32
    %dma_start3A_7 = tpu.memref_slice %arg7[%add3A, %dma_start3A_6] : memref<32x1000xf32, #tpu.memory_space<hbm>> -> memref<1x1000xf32, #tpu.memory_space<hbm>>
    %dma_start3A_8 = tpu.memref_squeeze %dma_start3A_7 : memref<1x1000xf32, #tpu.memory_space<hbm>> -> memref<1000xf32, #tpu.memory_space<hbm>>
    %dma_start3A_9 = arith.constant 0 : i32
    %dma_start3A_10 = tpu.memref_slice %arg7[%add3A, %dma_start3A_9] : memref<32x1000xf32, #tpu.memory_space<hbm>> -> memref<1x1000xf32, #tpu.memory_space<hbm>>
    %dma_start3A_11 = tpu.memref_squeeze %dma_start3A_10 : memref<1x1000xf32, #tpu.memory_space<hbm>> -> memref<1000xf32, #tpu.memory_space<hbm>>
    tpu.enqueue_dma source(%dma_start3A_11 : memref<1000xf32, #tpu.memory_space<hbm>>) target(%arg14 : memref<1000xf32, #tpu.memory_space<vmem>>) target_semaphore(%arg29 : memref<!tpu.dma_semaphore, #tpu.memory_space<semaphore_mem>>)
    %dma_start3A_12 = arith.constant 0 : i32
    %dma_start3A_13 = tpu.memref_slice %arg8[%add3A, %dma_start3A_12] : memref<32x1000xf32, #tpu.memory_space<hbm>> -> memref<1x1000xf32, #tpu.memory_space<hbm>>
    %dma_start3A_14 = tpu.memref_squeeze %dma_start3A_13 : memref<1x1000xf32, #tpu.memory_space<hbm>> -> memref<1000xf32, #tpu.memory_space<hbm>>
    %dma_start3A_15 = arith.constant 0 : i32
    %dma_start3A_16 = tpu.memref_slice %arg8[%add3A, %dma_start3A_15] : memref<32x1000xf32, #tpu.memory_space<hbm>> -> memref<1x1000xf32, #tpu.memory_space<hbm>>
    %dma_start3A_17 = tpu.memref_squeeze %dma_start3A_16 : memref<1x1000xf32, #tpu.memory_space<hbm>> -> memref<1000xf32, #tpu.memory_space<hbm>>
    tpu.enqueue_dma source(%dma_start3A_17 : memref<1000xf32, #tpu.memory_space<hbm>>) target(%arg12 : memref<1000xf32, #tpu.memory_space<vmem>>) target_semaphore(%arg30 : memref<!tpu.dma_semaphore, #tpu.memory_space<semaphore_mem>>)
    %dma_start3A_18 = arith.constant 0 : i32
    %dma_start3A_19 = tpu.memref_slice %arg9[%add3A, %dma_start3A_18] : memref<32x100000xf32, #tpu.memory_space<hbm>> -> memref<1x100000xf32, #tpu.memory_space<hbm>>
    %dma_start3A_20 = tpu.memref_squeeze %dma_start3A_19 : memref<1x100000xf32, #tpu.memory_space<hbm>> -> memref<100000xf32, #tpu.memory_space<hbm>>
    %dma_start3A_21 = arith.constant 0 : i32
    %dma_start3A_22 = tpu.memref_slice %arg9[%add3A, %dma_start3A_21] : memref<32x100000xf32, #tpu.memory_space<hbm>> -> memref<1x100000xf32, #tpu.memory_space<hbm>>
    %dma_start3A_23 = tpu.memref_squeeze %dma_start3A_22 : memref<1x100000xf32, #tpu.memory_space<hbm>> -> memref<100000xf32, #tpu.memory_space<hbm>>
    tpu.enqueue_dma source(%dma_start3A_23 : memref<100000xf32, #tpu.memory_space<hbm>>) target(%arg11 : memref<100000xf32, #tpu.memory_space<vmem>>) target_semaphore(%arg31 : memref<!tpu.dma_semaphore, #tpu.memory_space<semaphore_mem>>)
    %eq3A = arith.constant 0 : i32
    %eq3A_24 = arith.cmpi eq, %arg1, %eq3A : i32
    %convert_element_type3A = arith.extui %eq3A_24 : i1 to i32
    %cond3A = arith.constant 0 : i32
    %cond3A_25 = arith.cmpi ne, %convert_element_type3A, %cond3A : i32
    scf.if %cond3A_25 {
      %dma_start3A_1004 = arith.constant 0 : i32
      %dma_start3A_1005 = tpu.memref_slice %arg17[%dma_start3A_1004] : memref<65536xi32, #tpu.memory_space<vmem_shared>> -> memref<16384xi32, #tpu.memory_space<vmem_shared>>
      tpu.enqueue_dma source(%arg2 : memref<16384xi32, #tpu.memory_space<hbm>>) target(%dma_start3A_1005 : memref<16384xi32, #tpu.memory_space<vmem_shared>>) target_semaphore(%arg47 : memref<!tpu.dma_semaphore, #tpu.memory_space<semaphore_mem>>)
      %dma_start3A_1006 = arith.constant 16384 : i32
      %dma_start3A_1007 = tpu.memref_slice %arg17[%dma_start3A_1006] : memref<65536xi32, #tpu.memory_space<vmem_shared>> -> memref<16384xi32, #tpu.memory_space<vmem_shared>>
      tpu.enqueue_dma source(%arg3 : memref<16384xi32, #tpu.memory_space<hbm>>) target(%dma_start3A_1007 : memref<16384xi32, #tpu.memory_space<vmem_shared>>) target_semaphore(%arg47 : memref<!tpu.dma_semaphore, #tpu.memory_space<semaphore_mem>>)
      %dma_start3A_1008 = arith.constant 32768 : i32
      %dma_start3A_1009 = tpu.memref_slice %arg17[%dma_start3A_1008] : memref<65536xi32, #tpu.memory_space<vmem_shared>> -> memref<16384xi32, #tpu.memory_space<vmem_shared>>
      tpu.enqueue_dma source(%arg4 : memref<16384xi32, #tpu.memory_space<hbm>>) target(%dma_start3A_1009 : memref<16384xi32, #tpu.memory_space<vmem_shared>>) target_semaphore(%arg47 : memref<!tpu.dma_semaphore, #tpu.memory_space<semaphore_mem>>)
      %dma_start3A_1010 = arith.constant 49152 : i32
      %dma_start3A_1011 = tpu.memref_slice %arg17[%dma_start3A_1010] : memref<65536xi32, #tpu.memory_space<vmem_shared>> -> memref<16384xi32, #tpu.memory_space<vmem_shared>>
      tpu.enqueue_dma source(%arg5 : memref<16384xi32, #tpu.memory_space<hbm>>) target(%dma_start3A_1011 : memref<16384xi32, #tpu.memory_space<vmem_shared>>) target_semaphore(%arg47 : memref<!tpu.dma_semaphore, #tpu.memory_space<semaphore_mem>>)
      %dma_wait3A_1012 = arith.constant 0 : i32
      %dma_wait3A_1013 = tpu.memref_slice %arg17[%dma_wait3A_1012] : memref<65536xi32, #tpu.memory_space<vmem_shared>> -> memref<16384xi32, #tpu.memory_space<vmem_shared>>
      tpu.wait_dma2 semaphore(%arg47 : memref<!tpu.dma_semaphore, #tpu.memory_space<semaphore_mem>>) src(%arg2 : memref<16384xi32, #tpu.memory_space<hbm>>) dst(%dma_wait3A_1013 : memref<16384xi32, #tpu.memory_space<vmem_shared>>)
      %dma_wait3A_1014 = arith.constant 16384 : i32
      %dma_wait3A_1015 = tpu.memref_slice %arg17[%dma_wait3A_1014] : memref<65536xi32, #tpu.memory_space<vmem_shared>> -> memref<16384xi32, #tpu.memory_space<vmem_shared>>
      tpu.wait_dma2 semaphore(%arg47 : memref<!tpu.dma_semaphore, #tpu.memory_space<semaphore_mem>>) src(%arg3 : memref<16384xi32, #tpu.memory_space<hbm>>) dst(%dma_wait3A_1015 : memref<16384xi32, #tpu.memory_space<vmem_shared>>)
      %dma_wait3A_1016 = arith.constant 32768 : i32
      %dma_wait3A_1017 = tpu.memref_slice %arg17[%dma_wait3A_1016] : memref<65536xi32, #tpu.memory_space<vmem_shared>> -> memref<16384xi32, #tpu.memory_space<vmem_shared>>
      tpu.wait_dma2 semaphore(%arg47 : memref<!tpu.dma_semaphore, #tpu.memory_space<semaphore_mem>>) src(%arg4 : memref<16384xi32, #tpu.memory_space<hbm>>) dst(%dma_wait3A_1017 : memref<16384xi32, #tpu.memory_space<vmem_shared>>)
      %dma_wait3A_1018 = arith.constant 49152 : i32
      %dma_wait3A_1019 = tpu.memref_slice %arg17[%dma_wait3A_1018] : memref<65536xi32, #tpu.memory_space<vmem_shared>> -> memref<16384xi32, #tpu.memory_space<vmem_shared>>
      tpu.wait_dma2 semaphore(%arg47 : memref<!tpu.dma_semaphore, #tpu.memory_space<semaphore_mem>>) src(%arg5 : memref<16384xi32, #tpu.memory_space<hbm>>) dst(%dma_wait3A_1019 : memref<16384xi32, #tpu.memory_space<vmem_shared>>)
    } else {
    }
    %barrier3A = arith.constant 0 : index
    tpu.barrier barrier_id(%barrier3A)
    %dma_wait3A = arith.constant 0 : i32
    %dma_wait3A_26 = tpu.memref_slice %arg6[%add3A, %dma_wait3A] : memref<32x1000xf32, #tpu.memory_space<hbm>> -> memref<1x1000xf32, #tpu.memory_space<hbm>>
    %dma_wait3A_27 = tpu.memref_squeeze %dma_wait3A_26 : memref<1x1000xf32, #tpu.memory_space<hbm>> -> memref<1000xf32, #tpu.memory_space<hbm>>
    %dma_wait3A_28 = arith.constant 0 : i32
    %dma_wait3A_29 = tpu.memref_slice %arg6[%add3A, %dma_wait3A_28] : memref<32x1000xf32, #tpu.memory_space<hbm>> -> memref<1x1000xf32, #tpu.memory_space<hbm>>
    %dma_wait3A_30 = tpu.memref_squeeze %dma_wait3A_29 : memref<1x1000xf32, #tpu.memory_space<hbm>> -> memref<1000xf32, #tpu.memory_space<hbm>>
    tpu.wait_dma2 semaphore(%arg28 : memref<!tpu.dma_semaphore, #tpu.memory_space<semaphore_mem>>) src(%dma_wait3A_30 : memref<1000xf32, #tpu.memory_space<hbm>>) dst(%arg13 : memref<1000xf32, #tpu.memory_space<vmem>>)
    %mul3A_31 = arith.constant 1000 : i32
    %mul3A_32 = arith.muli %arg1, %mul3A_31 : i32
    %dma_start3A_33 = tpu.memref_slice %arg15[%mul3A_32] : memref<16000xf32, #tpu.memory_space<vmem_shared>> -> memref<1000xf32, #tpu.memory_space<vmem_shared>>
    %dma_start3A_34 = tpu.memref_slice %arg15[%mul3A_32] : memref<16000xf32, #tpu.memory_space<vmem_shared>> -> memref<1000xf32, #tpu.memory_space<vmem_shared>>
    tpu.enqueue_dma source(%arg13 : memref<1000xf32, #tpu.memory_space<vmem>>) target(%dma_start3A_34 : memref<1000xf32, #tpu.memory_space<vmem_shared>>) target_semaphore(%arg32 : memref<!tpu.dma_semaphore, #tpu.memory_space<semaphore_mem>>)
    %dma_wait3A_35 = arith.constant 0 : i32
    %dma_wait3A_36 = tpu.memref_slice %arg7[%add3A, %dma_wait3A_35] : memref<32x1000xf32, #tpu.memory_space<hbm>> -> memref<1x1000xf32, #tpu.memory_space<hbm>>
    %dma_wait3A_37 = tpu.memref_squeeze %dma_wait3A_36 : memref<1x1000xf32, #tpu.memory_space<hbm>> -> memref<1000xf32, #tpu.memory_space<hbm>>
    %dma_wait3A_38 = arith.constant 0 : i32
    %dma_wait3A_39 = tpu.memref_slice %arg7[%add3A, %dma_wait3A_38] : memref<32x1000xf32, #tpu.memory_space<hbm>> -> memref<1x1000xf32, #tpu.memory_space<hbm>>
    %dma_wait3A_40 = tpu.memref_squeeze %dma_wait3A_39 : memref<1x1000xf32, #tpu.memory_space<hbm>> -> memref<1000xf32, #tpu.memory_space<hbm>>
    tpu.wait_dma2 semaphore(%arg29 : memref<!tpu.dma_semaphore, #tpu.memory_space<semaphore_mem>>) src(%dma_wait3A_40 : memref<1000xf32, #tpu.memory_space<hbm>>) dst(%arg14 : memref<1000xf32, #tpu.memory_space<vmem>>)
    %mul3A_41 = arith.constant 1000 : i32
    %mul3A_42 = arith.muli %arg1, %mul3A_41 : i32
    %dma_start3A_43 = tpu.memref_slice %arg16[%mul3A_42] : memref<16000xf32, #tpu.memory_space<vmem_shared>> -> memref<1000xf32, #tpu.memory_space<vmem_shared>>
    %dma_start3A_44 = tpu.memref_slice %arg16[%mul3A_42] : memref<16000xf32, #tpu.memory_space<vmem_shared>> -> memref<1000xf32, #tpu.memory_space<vmem_shared>>
    tpu.enqueue_dma source(%arg14 : memref<1000xf32, #tpu.memory_space<vmem>>) target(%dma_start3A_44 : memref<1000xf32, #tpu.memory_space<vmem_shared>>) target_semaphore(%arg33 : memref<!tpu.dma_semaphore, #tpu.memory_space<semaphore_mem>>)
    %dma_start3A_45 = arith.constant 0 : i32
    %dma_start3A_46 = tpu.memref_slice %arg17[%dma_start3A_45] : memref<65536xi32, #tpu.memory_space<vmem_shared>> -> memref<2048xi32, #tpu.memory_space<vmem_shared>>
    %dma_start3A_47 = arith.constant 0 : i32
    %dma_start3A_48 = tpu.memref_slice %arg17[%dma_start3A_47] : memref<65536xi32, #tpu.memory_space<vmem_shared>> -> memref<2048xi32, #tpu.memory_space<vmem_shared>>
    tpu.enqueue_dma source(%dma_start3A_48 : memref<2048xi32, #tpu.memory_space<vmem_shared>>) target(%arg20 : memref<2048xi32, #tpu.memory_space<vmem>>) target_semaphore(%arg36 : memref<!tpu.dma_semaphore, #tpu.memory_space<semaphore_mem>>)
    %dma_start3A_49 = arith.constant 32768 : i32
    %dma_start3A_50 = tpu.memref_slice %arg17[%dma_start3A_49] : memref<65536xi32, #tpu.memory_space<vmem_shared>> -> memref<2048xi32, #tpu.memory_space<vmem_shared>>
    %dma_start3A_51 = arith.constant 32768 : i32
    %dma_start3A_52 = tpu.memref_slice %arg17[%dma_start3A_51] : memref<65536xi32, #tpu.memory_space<vmem_shared>> -> memref<2048xi32, #tpu.memory_space<vmem_shared>>
    tpu.enqueue_dma source(%dma_start3A_52 : memref<2048xi32, #tpu.memory_space<vmem_shared>>) target(%arg18 : memref<2048xi32, #tpu.memory_space<vmem>>) target_semaphore(%arg34 : memref<!tpu.dma_semaphore, #tpu.memory_space<semaphore_mem>>)
    %dma_start3A_53 = arith.constant 2048 : i32
    %dma_start3A_54 = tpu.memref_slice %arg17[%dma_start3A_53] : memref<65536xi32, #tpu.memory_space<vmem_shared>> -> memref<2048xi32, #tpu.memory_space<vmem_shared>>
    %dma_start3A_55 = arith.constant 2048 : i32
    %dma_start3A_56 = tpu.memref_slice %arg17[%dma_start3A_55] : memref<65536xi32, #tpu.memory_space<vmem_shared>> -> memref<2048xi32, #tpu.memory_space<vmem_shared>>
    tpu.enqueue_dma source(%dma_start3A_56 : memref<2048xi32, #tpu.memory_space<vmem_shared>>) target(%arg21 : memref<2048xi32, #tpu.memory_space<vmem>>) target_semaphore(%arg37 : memref<!tpu.dma_semaphore, #tpu.memory_space<semaphore_mem>>)
    %dma_wait3A_57 = tpu.memref_slice %arg15[%mul3A_32] : memref<16000xf32, #tpu.memory_space<vmem_shared>> -> memref<1000xf32, #tpu.memory_space<vmem_shared>>
    %dma_wait3A_58 = tpu.memref_slice %arg15[%mul3A_32] : memref<16000xf32, #tpu.memory_space<vmem_shared>> -> memref<1000xf32, #tpu.memory_space<vmem_shared>>
    tpu.wait_dma2 semaphore(%arg32 : memref<!tpu.dma_semaphore, #tpu.memory_space<semaphore_mem>>) src(%arg13 : memref<1000xf32, #tpu.memory_space<vmem>>) dst(%dma_wait3A_58 : memref<1000xf32, #tpu.memory_space<vmem_shared>>)
    %dma_wait3A_59 = arith.constant 0 : i32
    %dma_wait3A_60 = tpu.memref_slice %arg17[%dma_wait3A_59] : memref<65536xi32, #tpu.memory_space<vmem_shared>> -> memref<2048xi32, #tpu.memory_space<vmem_shared>>
    %dma_wait3A_61 = arith.constant 0 : i32
    %dma_wait3A_62 = tpu.memref_slice %arg17[%dma_wait3A_61] : memref<65536xi32, #tpu.memory_space<vmem_shared>> -> memref<2048xi32, #tpu.memory_space<vmem_shared>>
    tpu.wait_dma2 semaphore(%arg36 : memref<!tpu.dma_semaphore, #tpu.memory_space<semaphore_mem>>) src(%dma_wait3A_62 : memref<2048xi32, #tpu.memory_space<vmem_shared>>) dst(%arg20 : memref<2048xi32, #tpu.memory_space<vmem>>)
    %mul3A_63 = arith.constant 1000 : i32
    %mul3A_64 = arith.muli %arg1, %mul3A_63 : i32
    %dma_start3A_65 = tpu.memref_slice %arg15[%mul3A_64] : memref<16000xf32, #tpu.memory_space<vmem_shared>> -> memref<1000xf32, #tpu.memory_space<vmem_shared>>
    %dma_start3A_66 = arith.constant 0 : i32
    %dma_start3A_67 = tpu.memref_slice %dma_start3A_65[%dma_start3A_66] : memref<1000xf32, #tpu.memory_space<vmem_shared>> -> memref<1000xf32, #tpu.memory_space<vmem_shared>>
    tpu.enqueue_indirect_dma source(%dma_start3A_67 : memref<1000xf32, #tpu.memory_space<vmem_shared>>) target(%arg25 : memref<2048xf32, #tpu.memory_space<vmem>>) offsets(%arg20 : memref<2048xi32, #tpu.memory_space<vmem>>) semaphore(%arg44 : memref<!tpu.dma_semaphore, #tpu.memory_space<semaphore_mem>>)
    %dma_start3A_68 = arith.constant 34816 : i32
    %dma_start3A_69 = tpu.memref_slice %arg17[%dma_start3A_68] : memref<65536xi32, #tpu.memory_space<vmem_shared>> -> memref<2048xi32, #tpu.memory_space<vmem_shared>>
    %dma_start3A_70 = arith.constant 34816 : i32
    %dma_start3A_71 = tpu.memref_slice %arg17[%dma_start3A_70] : memref<65536xi32, #tpu.memory_space<vmem_shared>> -> memref<2048xi32, #tpu.memory_space<vmem_shared>>
    tpu.enqueue_dma source(%dma_start3A_71 : memref<2048xi32, #tpu.memory_space<vmem_shared>>) target(%arg19 : memref<2048xi32, #tpu.memory_space<vmem>>) target_semaphore(%arg35 : memref<!tpu.dma_semaphore, #tpu.memory_space<semaphore_mem>>)
    %dma_wait3A_72 = arith.constant 0 : i32
    %dma_wait3A_73 = tpu.memref_slice %arg8[%add3A, %dma_wait3A_72] : memref<32x1000xf32, #tpu.memory_space<hbm>> -> memref<1x1000xf32, #tpu.memory_space<hbm>>
    %dma_wait3A_74 = tpu.memref_squeeze %dma_wait3A_73 : memref<1x1000xf32, #tpu.memory_space<hbm>> -> memref<1000xf32, #tpu.memory_space<hbm>>
    %dma_wait3A_75 = arith.constant 0 : i32
    %dma_wait3A_76 = tpu.memref_slice %arg8[%add3A, %dma_wait3A_75] : memref<32x1000xf32, #tpu.memory_space<hbm>> -> memref<1x1000xf32, #tpu.memory_space<hbm>>
    %dma_wait3A_77 = tpu.memref_squeeze %dma_wait3A_76 : memref<1x1000xf32, #tpu.memory_space<hbm>> -> memref<1000xf32, #tpu.memory_space<hbm>>
    tpu.wait_dma2 semaphore(%arg30 : memref<!tpu.dma_semaphore, #tpu.memory_space<semaphore_mem>>) src(%dma_wait3A_77 : memref<1000xf32, #tpu.memory_space<hbm>>) dst(%arg12 : memref<1000xf32, #tpu.memory_space<vmem>>)
    %dma_wait3A_78 = arith.constant 32768 : i32
    %dma_wait3A_79 = tpu.memref_slice %arg17[%dma_wait3A_78] : memref<65536xi32, #tpu.memory_space<vmem_shared>> -> memref<2048xi32, #tpu.memory_space<vmem_shared>>
    %dma_wait3A_80 = arith.constant 32768 : i32
    %dma_wait3A_81 = tpu.memref_slice %arg17[%dma_wait3A_80] : memref<65536xi32, #tpu.memory_space<vmem_shared>> -> memref<2048xi32, #tpu.memory_space<vmem_shared>>
    tpu.wait_dma2 semaphore(%arg34 : memref<!tpu.dma_semaphore, #tpu.memory_space<semaphore_mem>>) src(%dma_wait3A_81 : memref<2048xi32, #tpu.memory_space<vmem_shared>>) dst(%arg18 : memref<2048xi32, #tpu.memory_space<vmem>>)
    %scan3A = arith.constant 0 : i32
    %scan3A_82 = arith.constant 0 : i32
    %scan3A_83 = arith.constant 16 : i32
    %scan3A_84 = arith.addi %scan3A_82, %scan3A_83 : i32
    %scan3A_85 = arith.constant 1 : i32
    %scan3A_86 = scf.for %scan3A_1004 = %scan3A_82 to %scan3A_84 step %scan3A_85 iter_args(%scan3A_1005 = %scan3A) -> (i32)  : i32 {
      %mul3A_1006 = arith.constant 128 : i32
      %mul3A_1007 = arith.muli %scan3A_1004, %mul3A_1006 : i32
      %add3A_1008 = arith.constant 0 : i32
      %add3A_1009 = arith.addi %mul3A_1007, %add3A_1008 : i32
      %get3A = arith.index_cast %add3A_1009 : i32 to index
      %get3A_1010 = tpu.vector_load %arg18[%get3A] {strides = array<i32>} : memref<2048xi32, #tpu.memory_space<vmem>>, vector<16xi32>,
      %gather3A = tpu.vector_load_idx %arg12[%get3A_1010] : memref<1000xf32, #tpu.memory_space<vmem>>[vector<16xi32>], vector<16xf32>,
      %add3A_1011 = arith.constant 0 : i32
      %add3A_1012 = arith.addi %mul3A_1007, %add3A_1011 : i32
      %swap3A = arith.index_cast %add3A_1012 : i32 to index
      %swap3A_1013 = tpu.vector_load %arg23[%swap3A] {strides = array<i32>} : memref<2048xf32, #tpu.memory_space<vmem>>, vector<16xf32>,
      tpu.vector_store %arg23[%swap3A], %gather3A {strides = array<i32>} : memref<2048xf32, #tpu.memory_space<vmem>>, vector<16xf32>,
      %add3A_1014 = arith.constant 16 : i32
      %add3A_1015 = arith.addi %mul3A_1007, %add3A_1014 : i32
      %get3A_1016 = arith.index_cast %add3A_1015 : i32 to index
      %get3A_1017 = tpu.vector_load %arg18[%get3A_1016] {strides = array<i32>} : memref<2048xi32, #tpu.memory_space<vmem>>, vector<16xi32>,
      %gather3A_1018 = tpu.vector_load_idx %arg12[%get3A_1017] : memref<1000xf32, #tpu.memory_space<vmem>>[vector<16xi32>], vector<16xf32>,
      %add3A_1019 = arith.constant 16 : i32
      %add3A_1020 = arith.addi %mul3A_1007, %add3A_1019 : i32
      %swap3A_1021 = arith.index_cast %add3A_1020 : i32 to index
      %swap3A_1022 = tpu.vector_load %arg23[%swap3A_1021] {strides = array<i32>} : memref<2048xf32, #tpu.memory_space<vmem>>, vector<16xf32>,
      tpu.vector_store %arg23[%swap3A_1021], %gather3A_1018 {strides = array<i32>} : memref<2048xf32, #tpu.memory_space<vmem>>, vector<16xf32>,
      %add3A_1023 = arith.constant 32 : i32
      %add3A_1024 = arith.addi %mul3A_1007, %add3A_1023 : i32
      %get3A_1025 = arith.index_cast %add3A_1024 : i32 to index
      %get3A_1026 = tpu.vector_load %arg18[%get3A_1025] {strides = array<i32>} : memref<2048xi32, #tpu.memory_space<vmem>>, vector<16xi32>,
      %gather3A_1027 = tpu.vector_load_idx %arg12[%get3A_1026] : memref<1000xf32, #tpu.memory_space<vmem>>[vector<16xi32>], vector<16xf32>,
      %add3A_1028 = arith.constant 32 : i32
      %add3A_1029 = arith.addi %mul3A_1007, %add3A_1028 : i32
      %swap3A_1030 = arith.index_cast %add3A_1029 : i32 to index
      %swap3A_1031 = tpu.vector_load %arg23[%swap3A_1030] {strides = array<i32>} : memref<2048xf32, #tpu.memory_space<vmem>>, vector<16xf32>,
      tpu.vector_store %arg23[%swap3A_1030], %gather3A_1027 {strides = array<i32>} : memref<2048xf32, #tpu.memory_space<vmem>>, vector<16xf32>,
      %add3A_1032 = arith.constant 48 : i32
      %add3A_1033 = arith.addi %mul3A_1007, %add3A_1032 : i32
      %get3A_1034 = arith.index_cast %add3A_1033 : i32 to index
      %get3A_1035 = tpu.vector_load %arg18[%get3A_1034] {strides = array<i32>} : memref<2048xi32, #tpu.memory_space<vmem>>, vector<16xi32>,
      %gather3A_1036 = tpu.vector_load_idx %arg12[%get3A_1035] : memref<1000xf32, #tpu.memory_space<vmem>>[vector<16xi32>], vector<16xf32>,
      %add3A_1037 = arith.constant 48 : i32
      %add3A_1038 = arith.addi %mul3A_1007, %add3A_1037 : i32
      %swap3A_1039 = arith.index_cast %add3A_1038 : i32 to index
      %swap3A_1040 = tpu.vector_load %arg23[%swap3A_1039] {strides = array<i32>} : memref<2048xf32, #tpu.memory_space<vmem>>, vector<16xf32>,
      tpu.vector_store %arg23[%swap3A_1039], %gather3A_1036 {strides = array<i32>} : memref<2048xf32, #tpu.memory_space<vmem>>, vector<16xf32>,
      %add3A_1041 = arith.constant 64 : i32
      %add3A_1042 = arith.addi %mul3A_1007, %add3A_1041 : i32
      %get3A_1043 = arith.index_cast %add3A_1042 : i32 to index
      %get3A_1044 = tpu.vector_load %arg18[%get3A_1043] {strides = array<i32>} : memref<2048xi32, #tpu.memory_space<vmem>>, vector<16xi32>,
      %gather3A_1045 = tpu.vector_load_idx %arg12[%get3A_1044] : memref<1000xf32, #tpu.memory_space<vmem>>[vector<16xi32>], vector<16xf32>,
      %add3A_1046 = arith.constant 64 : i32
      %add3A_1047 = arith.addi %mul3A_1007, %add3A_1046 : i32
      %swap3A_1048 = arith.index_cast %add3A_1047 : i32 to index
      %swap3A_1049 = tpu.vector_load %arg23[%swap3A_1048] {strides = array<i32>} : memref<2048xf32, #tpu.memory_space<vmem>>, vector<16xf32>,
      tpu.vector_store %arg23[%swap3A_1048], %gather3A_1045 {strides = array<i32>} : memref<2048xf32, #tpu.memory_space<vmem>>, vector<16xf32>,
      %add3A_1050 = arith.constant 80 : i32
      %add3A_1051 = arith.addi %mul3A_1007, %add3A_1050 : i32
      %get3A_1052 = arith.index_cast %add3A_1051 : i32 to index
      %get3A_1053 = tpu.vector_load %arg18[%get3A_1052] {strides = array<i32>} : memref<2048xi32, #tpu.memory_space<vmem>>, vector<16xi32>,
      %gather3A_1054 = tpu.vector_load_idx %arg12[%get3A_1053] : memref<1000xf32, #tpu.memory_space<vmem>>[vector<16xi32>], vector<16xf32>,
      %add3A_1055 = arith.constant 80 : i32
      %add3A_1056 = arith.addi %mul3A_1007, %add3A_1055 : i32
      %swap3A_1057 = arith.index_cast %add3A_1056 : i32 to index
      %swap3A_1058 = tpu.vector_load %arg23[%swap3A_1057] {strides = array<i32>} : memref<2048xf32, #tpu.memory_space<vmem>>, vector<16xf32>,
      tpu.vector_store %arg23[%swap3A_1057], %gather3A_1054 {strides = array<i32>} : memref<2048xf32, #tpu.memory_space<vmem>>, vector<16xf32>,
      %add3A_1059 = arith.constant 96 : i32
      %add3A_1060 = arith.addi %mul3A_1007, %add3A_1059 : i32
      %get3A_1061 = arith.index_cast %add3A_1060 : i32 to index
      %get3A_1062 = tpu.vector_load %arg18[%get3A_1061] {strides = array<i32>} : memref<2048xi32, #tpu.memory_space<vmem>>, vector<16xi32>,
      %gather3A_1063 = tpu.vector_load_idx %arg12[%get3A_1062] : memref<1000xf32, #tpu.memory_space<vmem>>[vector<16xi32>], vector<16xf32>,
      %add3A_1064 = arith.constant 96 : i32
      %add3A_1065 = arith.addi %mul3A_1007, %add3A_1064 : i32
      %swap3A_1066 = arith.index_cast %add3A_1065 : i32 to index
      %swap3A_1067 = tpu.vector_load %arg23[%swap3A_1066] {strides = array<i32>} : memref<2048xf32, #tpu.memory_space<vmem>>, vector<16xf32>,
      tpu.vector_store %arg23[%swap3A_1066], %gather3A_1063 {strides = array<i32>} : memref<2048xf32, #tpu.memory_space<vmem>>, vector<16xf32>,
      %add3A_1068 = arith.constant 112 : i32
      %add3A_1069 = arith.addi %mul3A_1007, %add3A_1068 : i32
      %get3A_1070 = arith.index_cast %add3A_1069 : i32 to index
      %get3A_1071 = tpu.vector_load %arg18[%get3A_1070] {strides = array<i32>} : memref<2048xi32, #tpu.memory_space<vmem>>, vector<16xi32>,
      %gather3A_1072 = tpu.vector_load_idx %arg12[%get3A_1071] : memref<1000xf32, #tpu.memory_space<vmem>>[vector<16xi32>], vector<16xf32>,
      %add3A_1073 = arith.constant 112 : i32
      %add3A_1074 = arith.addi %mul3A_1007, %add3A_1073 : i32
      %swap3A_1075 = arith.index_cast %add3A_1074 : i32 to index
      %swap3A_1076 = tpu.vector_load %arg23[%swap3A_1075] {strides = array<i32>} : memref<2048xf32, #tpu.memory_space<vmem>>, vector<16xf32>,
      tpu.vector_store %arg23[%swap3A_1075], %gather3A_1072 {strides = array<i32>} : memref<2048xf32, #tpu.memory_space<vmem>>, vector<16xf32>,
      %scan3A_1077 = arith.constant 0 : i32
      scf.yield %scan3A_1077 : i32
    }
    %scan3A_87 = arith.constant 16 : i32
    %dma_start3A_88 = arith.constant 2 : i32
    %dma_start3A_89 = arith.constant 0 : i32
    %dma_start3A_90 = tpu.memref_slice %arg10[%dma_start3A_88, %add3A, %dma_start3A_89] : memref<4x32x16384xf32, #tpu.memory_space<hbm>> -> memref<1x1x2048xf32, #tpu.memory_space<hbm>>
    %dma_start3A_91 = tpu.memref_squeeze %dma_start3A_90 : memref<1x1x2048xf32, #tpu.memory_space<hbm>> -> memref<2048xf32, #tpu.memory_space<hbm>>
    %dma_start3A_92 = arith.constant 0 : i32
    %dma_start3A_93 = tpu.memref_slice %arg10[%dma_start3A_88, %add3A, %dma_start3A_92] : memref<4x32x16384xf32, #tpu.memory_space<hbm>> -> memref<1x1x2048xf32, #tpu.memory_space<hbm>>
    %dma_start3A_94 = tpu.memref_squeeze %dma_start3A_93 : memref<1x1x2048xf32, #tpu.memory_space<hbm>> -> memref<2048xf32, #tpu.memory_space<hbm>>
    tpu.enqueue_dma source(%arg23 : memref<2048xf32, #tpu.memory_space<vmem>>) target(%dma_start3A_94 : memref<2048xf32, #tpu.memory_space<hbm>>) target_semaphore(%arg39 : memref<!tpu.dma_semaphore, #tpu.memory_space<semaphore_mem>>)
    %dma_start3A_95 = arith.constant 4096 : i32
    %dma_start3A_96 = tpu.memref_slice %arg17[%dma_start3A_95] : memref<65536xi32, #tpu.memory_space<vmem_shared>> -> memref<2048xi32, #tpu.memory_space<vmem_shared>>
    %dma_start3A_97 = arith.constant 4096 : i32
    %dma_start3A_98 = tpu.memref_slice %arg17[%dma_start3A_97] : memref<65536xi32, #tpu.memory_space<vmem_shared>> -> memref<2048xi32, #tpu.memory_space<vmem_shared>>
    tpu.enqueue_dma source(%dma_start3A_98 : memref<2048xi32, #tpu.memory_space<vmem_shared>>) target(%arg22 : memref<2048xi32, #tpu.memory_space<vmem>>) target_semaphore(%arg38 : memref<!tpu.dma_semaphore, #tpu.memory_space<semaphore_mem>>)
    %dma_wait3A_99 = arith.constant 2048 : i32
    %dma_wait3A_100 = tpu.memref_slice %arg17[%dma_wait3A_99] : memref<65536xi32, #tpu.memory_space<vmem_shared>> -> memref<2048xi32, #tpu.memory_space<vmem_shared>>
    %dma_wait3A_101 = arith.constant 2048 : i32
    %dma_wait3A_102 = tpu.memref_slice %arg17[%dma_wait3A_101] : memref<65536xi32, #tpu.memory_space<vmem_shared>> -> memref<2048xi32, #tpu.memory_space<vmem_shared>>
    tpu.wait_dma2 semaphore(%arg37 : memref<!tpu.dma_semaphore, #tpu.memory_space<semaphore_mem>>) src(%dma_wait3A_102 : memref<2048xi32, #tpu.memory_space<vmem_shared>>) dst(%arg21 : memref<2048xi32, #tpu.memory_space<vmem>>)
    %mul3A_103 = arith.constant 1000 : i32
    %mul3A_104 = arith.muli %arg1, %mul3A_103 : i32
    %dma_start3A_105 = tpu.memref_slice %arg15[%mul3A_104] : memref<16000xf32, #tpu.memory_space<vmem_shared>> -> memref<1000xf32, #tpu.memory_space<vmem_shared>>
    %dma_start3A_106 = arith.constant 0 : i32
    %dma_start3A_107 = tpu.memref_slice %dma_start3A_105[%dma_start3A_106] : memref<1000xf32, #tpu.memory_space<vmem_shared>> -> memref<1000xf32, #tpu.memory_space<vmem_shared>>
    tpu.enqueue_indirect_dma source(%dma_start3A_107 : memref<1000xf32, #tpu.memory_space<vmem_shared>>) target(%arg26 : memref<2048xf32, #tpu.memory_space<vmem>>) offsets(%arg21 : memref<2048xi32, #tpu.memory_space<vmem>>) semaphore(%arg45 : memref<!tpu.dma_semaphore, #tpu.memory_space<semaphore_mem>>)
    %dma_wait3A_108 = tpu.memref_slice %arg15[%mul3A_64] : memref<16000xf32, #tpu.memory_space<vmem_shared>> -> memref<1000xf32, #tpu.memory_space<vmem_shared>>
    %dma_wait3A_109 = arith.constant 0 : i32
    %dma_wait3A_110 = tpu.memref_slice %dma_wait3A_108[%dma_wait3A_109] : memref<1000xf32, #tpu.memory_space<vmem_shared>> -> memref<1000xf32, #tpu.memory_space<vmem_shared>>
    tpu.wait_indirect_dma semaphore(%arg44 : memref<!tpu.dma_semaphore, #tpu.memory_space<semaphore_mem>>) src(%dma_wait3A_110 : memref<1000xf32, #tpu.memory_space<vmem_shared>>) dst(%arg25 : memref<2048xf32, #tpu.memory_space<vmem>>)
    %dma_start3A_111 = arith.constant 0 : i32
    %dma_start3A_112 = arith.constant 0 : i32
    %dma_start3A_113 = tpu.memref_slice %arg10[%dma_start3A_111, %add3A, %dma_start3A_112] : memref<4x32x16384xf32, #tpu.memory_space<hbm>> -> memref<1x1x2048xf32, #tpu.memory_space<hbm>>
    %dma_start3A_114 = tpu.memref_squeeze %dma_start3A_113 : memref<1x1x2048xf32, #tpu.memory_space<hbm>> -> memref<2048xf32, #tpu.memory_space<hbm>>
    %dma_start3A_115 = arith.constant 0 : i32
    %dma_start3A_116 = tpu.memref_slice %arg10[%dma_start3A_111, %add3A, %dma_start3A_115] : memref<4x32x16384xf32, #tpu.memory_space<hbm>> -> memref<1x1x2048xf32, #tpu.memory_space<hbm>>
    %dma_start3A_117 = tpu.memref_squeeze %dma_start3A_116 : memref<1x1x2048xf32, #tpu.memory_space<hbm>> -> memref<2048xf32, #tpu.memory_space<hbm>>
    tpu.enqueue_dma source(%arg25 : memref<2048xf32, #tpu.memory_space<vmem>>) target(%dma_start3A_117 : memref<2048xf32, #tpu.memory_space<hbm>>) target_semaphore(%arg41 : memref<!tpu.dma_semaphore, #tpu.memory_space<semaphore_mem>>)
    %dma_start3A_118 = arith.constant 36864 : i32
    %dma_start3A_119 = tpu.memref_slice %arg17[%dma_start3A_118] : memref<65536xi32, #tpu.memory_space<vmem_shared>> -> memref<2048xi32, #tpu.memory_space<vmem_shared>>
    %dma_start3A_120 = arith.constant 36864 : i32
    %dma_start3A_121 = tpu.memref_slice %arg17[%dma_start3A_120] : memref<65536xi32, #tpu.memory_space<vmem_shared>> -> memref<2048xi32, #tpu.memory_space<vmem_shared>>
    tpu.enqueue_dma source(%dma_start3A_121 : memref<2048xi32, #tpu.memory_space<vmem_shared>>) target(%arg18 : memref<2048xi32, #tpu.memory_space<vmem>>) target_semaphore(%arg34 : memref<!tpu.dma_semaphore, #tpu.memory_space<semaphore_mem>>)
    %dma_wait3A_122 = arith.constant 34816 : i32
    %dma_wait3A_123 = tpu.memref_slice %arg17[%dma_wait3A_122] : memref<65536xi32, #tpu.memory_space<vmem_shared>> -> memref<2048xi32, #tpu.memory_space<vmem_shared>>
    %dma_wait3A_124 = arith.constant 34816 : i32
    %dma_wait3A_125 = tpu.memref_slice %arg17[%dma_wait3A_124] : memref<65536xi32, #tpu.memory_space<vmem_shared>> -> memref<2048xi32, #tpu.memory_space<vmem_shared>>
    tpu.wait_dma2 semaphore(%arg35 : memref<!tpu.dma_semaphore, #tpu.memory_space<semaphore_mem>>) src(%dma_wait3A_125 : memref<2048xi32, #tpu.memory_space<vmem_shared>>) dst(%arg19 : memref<2048xi32, #tpu.memory_space<vmem>>)
    %scan3A_126 = arith.constant 0 : i32
    %scan3A_127 = arith.constant 0 : i32
    %scan3A_128 = arith.constant 16 : i32
    %scan3A_129 = arith.addi %scan3A_127, %scan3A_128 : i32
    %scan3A_130 = arith.constant 1 : i32
    %scan3A_131 = scf.for %scan3A_1004 = %scan3A_127 to %scan3A_129 step %scan3A_130 iter_args(%scan3A_1005 = %scan3A_126) -> (i32)  : i32 {
      %mul3A_1006 = arith.constant 128 : i32
      %mul3A_1007 = arith.muli %scan3A_1004, %mul3A_1006 : i32
      %add3A_1008 = arith.constant 0 : i32
      %add3A_1009 = arith.addi %mul3A_1007, %add3A_1008 : i32
      %get3A = arith.index_cast %add3A_1009 : i32 to index
      %get3A_1010 = tpu.vector_load %arg19[%get3A] {strides = array<i32>} : memref<2048xi32, #tpu.memory_space<vmem>>, vector<16xi32>,
      %gather3A = tpu.vector_load_idx %arg12[%get3A_1010] : memref<1000xf32, #tpu.memory_space<vmem>>[vector<16xi32>], vector<16xf32>,
      %add3A_1011 = arith.constant 0 : i32
      %add3A_1012 = arith.addi %mul3A_1007, %add3A_1011 : i32
      %swap3A = arith.index_cast %add3A_1012 : i32 to index
      %swap3A_1013 = tpu.vector_load %arg24[%swap3A] {strides = array<i32>} : memref<2048xf32, #tpu.memory_space<vmem>>, vector<16xf32>,
      tpu.vector_store %arg24[%swap3A], %gather3A {strides = array<i32>} : memref<2048xf32, #tpu.memory_space<vmem>>, vector<16xf32>,
      %add3A_1014 = arith.constant 16 : i32
      %add3A_1015 = arith.addi %mul3A_1007, %add3A_1014 : i32
      %get3A_1016 = arith.index_cast %add3A_1015 : i32 to index
      %get3A_1017 = tpu.vector_load %arg19[%get3A_1016] {strides = array<i32>} : memref<2048xi32, #tpu.memory_space<vmem>>, vector<16xi32>,
      %gather3A_1018 = tpu.vector_load_idx %arg12[%get3A_1017] : memref<1000xf32, #tpu.memory_space<vmem>>[vector<16xi32>], vector<16xf32>,
      %add3A_1019 = arith.constant 16 : i32
      %add3A_1020 = arith.addi %mul3A_1007, %add3A_1019 : i32
      %swap3A_1021 = arith.index_cast %add3A_1020 : i32 to index
      %swap3A_1022 = tpu.vector_load %arg24[%swap3A_1021] {strides = array<i32>} : memref<2048xf32, #tpu.memory_space<vmem>>, vector<16xf32>,
      tpu.vector_store %arg24[%swap3A_1021], %gather3A_1018 {strides = array<i32>} : memref<2048xf32, #tpu.memory_space<vmem>>, vector<16xf32>,
      %add3A_1023 = arith.constant 32 : i32
      %add3A_1024 = arith.addi %mul3A_1007, %add3A_1023 : i32
      %get3A_1025 = arith.index_cast %add3A_1024 : i32 to index
      %get3A_1026 = tpu.vector_load %arg19[%get3A_1025] {strides = array<i32>} : memref<2048xi32, #tpu.memory_space<vmem>>, vector<16xi32>,
      %gather3A_1027 = tpu.vector_load_idx %arg12[%get3A_1026] : memref<1000xf32, #tpu.memory_space<vmem>>[vector<16xi32>], vector<16xf32>,
      %add3A_1028 = arith.constant 32 : i32
      %add3A_1029 = arith.addi %mul3A_1007, %add3A_1028 : i32
      %swap3A_1030 = arith.index_cast %add3A_1029 : i32 to index
      %swap3A_1031 = tpu.vector_load %arg24[%swap3A_1030] {strides = array<i32>} : memref<2048xf32, #tpu.memory_space<vmem>>, vector<16xf32>,
      tpu.vector_store %arg24[%swap3A_1030], %gather3A_1027 {strides = array<i32>} : memref<2048xf32, #tpu.memory_space<vmem>>, vector<16xf32>,
      %add3A_1032 = arith.constant 48 : i32
      %add3A_1033 = arith.addi %mul3A_1007, %add3A_1032 : i32
      %get3A_1034 = arith.index_cast %add3A_1033 : i32 to index
      %get3A_1035 = tpu.vector_load %arg19[%get3A_1034] {strides = array<i32>} : memref<2048xi32, #tpu.memory_space<vmem>>, vector<16xi32>,
      %gather3A_1036 = tpu.vector_load_idx %arg12[%get3A_1035] : memref<1000xf32, #tpu.memory_space<vmem>>[vector<16xi32>], vector<16xf32>,
      %add3A_1037 = arith.constant 48 : i32
      %add3A_1038 = arith.addi %mul3A_1007, %add3A_1037 : i32
      %swap3A_1039 = arith.index_cast %add3A_1038 : i32 to index
      %swap3A_1040 = tpu.vector_load %arg24[%swap3A_1039] {strides = array<i32>} : memref<2048xf32, #tpu.memory_space<vmem>>, vector<16xf32>,
      tpu.vector_store %arg24[%swap3A_1039], %gather3A_1036 {strides = array<i32>} : memref<2048xf32, #tpu.memory_space<vmem>>, vector<16xf32>,
      %add3A_1041 = arith.constant 64 : i32
      %add3A_1042 = arith.addi %mul3A_1007, %add3A_1041 : i32
      %get3A_1043 = arith.index_cast %add3A_1042 : i32 to index
      %get3A_1044 = tpu.vector_load %arg19[%get3A_1043] {strides = array<i32>} : memref<2048xi32, #tpu.memory_space<vmem>>, vector<16xi32>,
      %gather3A_1045 = tpu.vector_load_idx %arg12[%get3A_1044] : memref<1000xf32, #tpu.memory_space<vmem>>[vector<16xi32>], vector<16xf32>,
      %add3A_1046 = arith.constant 64 : i32
      %add3A_1047 = arith.addi %mul3A_1007, %add3A_1046 : i32
      %swap3A_1048 = arith.index_cast %add3A_1047 : i32 to index
      %swap3A_1049 = tpu.vector_load %arg24[%swap3A_1048] {strides = array<i32>} : memref<2048xf32, #tpu.memory_space<vmem>>, vector<16xf32>,
      tpu.vector_store %arg24[%swap3A_1048], %gather3A_1045 {strides = array<i32>} : memref<2048xf32, #tpu.memory_space<vmem>>, vector<16xf32>,
      %add3A_1050 = arith.constant 80 : i32
      %add3A_1051 = arith.addi %mul3A_1007, %add3A_1050 : i32
      %get3A_1052 = arith.index_cast %add3A_1051 : i32 to index
      %get3A_1053 = tpu.vector_load %arg19[%get3A_1052] {strides = array<i32>} : memref<2048xi32, #tpu.memory_space<vmem>>, vector<16xi32>,
      %gather3A_1054 = tpu.vector_load_idx %arg12[%get3A_1053] : memref<1000xf32, #tpu.memory_space<vmem>>[vector<16xi32>], vector<16xf32>,
      %add3A_1055 = arith.constant 80 : i32
      %add3A_1056 = arith.addi %mul3A_1007, %add3A_1055 : i32
      %swap3A_1057 = arith.index_cast %add3A_1056 : i32 to index
      %swap3A_1058 = tpu.vector_load %arg24[%swap3A_1057] {strides = array<i32>} : memref<2048xf32, #tpu.memory_space<vmem>>, vector<16xf32>,
      tpu.vector_store %arg24[%swap3A_1057], %gather3A_1054 {strides = array<i32>} : memref<2048xf32, #tpu.memory_space<vmem>>, vector<16xf32>,
      %add3A_1059 = arith.constant 96 : i32
      %add3A_1060 = arith.addi %mul3A_1007, %add3A_1059 : i32
      %get3A_1061 = arith.index_cast %add3A_1060 : i32 to index
      %get3A_1062 = tpu.vector_load %arg19[%get3A_1061] {strides = array<i32>} : memref<2048xi32, #tpu.memory_space<vmem>>, vector<16xi32>,
      %gather3A_1063 = tpu.vector_load_idx %arg12[%get3A_1062] : memref<1000xf32, #tpu.memory_space<vmem>>[vector<16xi32>], vector<16xf32>,
      %add3A_1064 = arith.constant 96 : i32
      %add3A_1065 = arith.addi %mul3A_1007, %add3A_1064 : i32
      %swap3A_1066 = arith.index_cast %add3A_1065 : i32 to index
      %swap3A_1067 = tpu.vector_load %arg24[%swap3A_1066] {strides = array<i32>} : memref<2048xf32, #tpu.memory_space<vmem>>, vector<16xf32>,
      tpu.vector_store %arg24[%swap3A_1066], %gather3A_1063 {strides = array<i32>} : memref<2048xf32, #tpu.memory_space<vmem>>, vector<16xf32>,
      %add3A_1068 = arith.constant 112 : i32
      %add3A_1069 = arith.addi %mul3A_1007, %add3A_1068 : i32
      %get3A_1070 = arith.index_cast %add3A_1069 : i32 to index
      %get3A_1071 = tpu.vector_load %arg19[%get3A_1070] {strides = array<i32>} : memref<2048xi32, #tpu.memory_space<vmem>>, vector<16xi32>,
      %gather3A_1072 = tpu.vector_load_idx %arg12[%get3A_1071] : memref<1000xf32, #tpu.memory_space<vmem>>[vector<16xi32>], vector<16xf32>,
      %add3A_1073 = arith.constant 112 : i32
      %add3A_1074 = arith.addi %mul3A_1007, %add3A_1073 : i32
      %swap3A_1075 = arith.index_cast %add3A_1074 : i32 to index
      %swap3A_1076 = tpu.vector_load %arg24[%swap3A_1075] {strides = array<i32>} : memref<2048xf32, #tpu.memory_space<vmem>>, vector<16xf32>,
      tpu.vector_store %arg24[%swap3A_1075], %gather3A_1072 {strides = array<i32>} : memref<2048xf32, #tpu.memory_space<vmem>>, vector<16xf32>,
      %scan3A_1077 = arith.constant 0 : i32
      scf.yield %scan3A_1077 : i32
    }
    %scan3A_132 = arith.constant 16 : i32
    %dma_start3A_133 = arith.constant 2 : i32
    %dma_start3A_134 = arith.constant 2048 : i32
    %dma_start3A_135 = tpu.memref_slice %arg10[%dma_start3A_133, %add3A, %dma_start3A_134] : memref<4x32x16384xf32, #tpu.memory_space<hbm>> -> memref<1x1x2048xf32, #tpu.memory_space<hbm>>
    %dma_start3A_136 = tpu.memref_squeeze %dma_start3A_135 : memref<1x1x2048xf32, #tpu.memory_space<hbm>> -> memref<2048xf32, #tpu.memory_space<hbm>>
    %dma_start3A_137 = arith.constant 2048 : i32
    %dma_start3A_138 = tpu.memref_slice %arg10[%dma_start3A_133, %add3A, %dma_start3A_137] : memref<4x32x16384xf32, #tpu.memory_space<hbm>> -> memref<1x1x2048xf32, #tpu.memory_space<hbm>>
    %dma_start3A_139 = tpu.memref_squeeze %dma_start3A_138 : memref<1x1x2048xf32, #tpu.memory_space<hbm>> -> memref<2048xf32, #tpu.memory_space<hbm>>
    tpu.enqueue_dma source(%arg24 : memref<2048xf32, #tpu.memory_space<vmem>>) target(%dma_start3A_139 : memref<2048xf32, #tpu.memory_space<hbm>>) target_semaphore(%arg40 : memref<!tpu.dma_semaphore, #tpu.memory_space<semaphore_mem>>)
    %dma_start3A_140 = arith.constant 6144 : i32
    %dma_start3A_141 = tpu.memref_slice %arg17[%dma_start3A_140] : memref<65536xi32, #tpu.memory_space<vmem_shared>> -> memref<2048xi32, #tpu.memory_space<vmem_shared>>
    %dma_start3A_142 = arith.constant 6144 : i32
    %dma_start3A_143 = tpu.memref_slice %arg17[%dma_start3A_142] : memref<65536xi32, #tpu.memory_space<vmem_shared>> -> memref<2048xi32, #tpu.memory_space<vmem_shared>>
    tpu.enqueue_dma source(%dma_start3A_143 : memref<2048xi32, #tpu.memory_space<vmem_shared>>) target(%arg20 : memref<2048xi32, #tpu.memory_space<vmem>>) target_semaphore(%arg36 : memref<!tpu.dma_semaphore, #tpu.memory_space<semaphore_mem>>)
    %dma_wait3A_144 = arith.constant 4096 : i32
    %dma_wait3A_145 = tpu.memref_slice %arg17[%dma_wait3A_144] : memref<65536xi32, #tpu.memory_space<vmem_shared>> -> memref<2048xi32, #tpu.memory_space<vmem_shared>>
    %dma_wait3A_146 = arith.constant 4096 : i32
    %dma_wait3A_147 = tpu.memref_slice %arg17[%dma_wait3A_146] : memref<65536xi32, #tpu.memory_space<vmem_shared>> -> memref<2048xi32, #tpu.memory_space<vmem_shared>>
    tpu.wait_dma2 semaphore(%arg38 : memref<!tpu.dma_semaphore, #tpu.memory_space<semaphore_mem>>) src(%dma_wait3A_147 : memref<2048xi32, #tpu.memory_space<vmem_shared>>) dst(%arg22 : memref<2048xi32, #tpu.memory_space<vmem>>)
    %mul3A_148 = arith.constant 1000 : i32
    %mul3A_149 = arith.muli %arg1, %mul3A_148 : i32
    %dma_start3A_150 = tpu.memref_slice %arg15[%mul3A_149] : memref<16000xf32, #tpu.memory_space<vmem_shared>> -> memref<1000xf32, #tpu.memory_space<vmem_shared>>
    %dma_start3A_151 = arith.constant 0 : i32
    %dma_start3A_152 = tpu.memref_slice %dma_start3A_150[%dma_start3A_151] : memref<1000xf32, #tpu.memory_space<vmem_shared>> -> memref<1000xf32, #tpu.memory_space<vmem_shared>>
    tpu.enqueue_indirect_dma source(%dma_start3A_152 : memref<1000xf32, #tpu.memory_space<vmem_shared>>) target(%arg27 : memref<2048xf32, #tpu.memory_space<vmem>>) offsets(%arg22 : memref<2048xi32, #tpu.memory_space<vmem>>) semaphore(%arg46 : memref<!tpu.dma_semaphore, #tpu.memory_space<semaphore_mem>>)
    %dma_wait3A_153 = tpu.memref_slice %arg15[%mul3A_104] : memref<16000xf32, #tpu.memory_space<vmem_shared>> -> memref<1000xf32, #tpu.memory_space<vmem_shared>>
    %dma_wait3A_154 = arith.constant 0 : i32
    %dma_wait3A_155 = tpu.memref_slice %dma_wait3A_153[%dma_wait3A_154] : memref<1000xf32, #tpu.memory_space<vmem_shared>> -> memref<1000xf32, #tpu.memory_space<vmem_shared>>
    tpu.wait_indirect_dma semaphore(%arg45 : memref<!tpu.dma_semaphore, #tpu.memory_space<semaphore_mem>>) src(%dma_wait3A_155 : memref<1000xf32, #tpu.memory_space<vmem_shared>>) dst(%arg26 : memref<2048xf32, #tpu.memory_space<vmem>>)
    %dma_start3A_156 = arith.constant 0 : i32
    %dma_start3A_157 = arith.constant 2048 : i32
    %dma_start3A_158 = tpu.memref_slice %arg10[%dma_start3A_156, %add3A, %dma_start3A_157] : memref<4x32x16384xf32, #tpu.memory_space<hbm>> -> memref<1x1x2048xf32, #tpu.memory_space<hbm>>
    %dma_start3A_159 = tpu.memref_squeeze %dma_start3A_158 : memref<1x1x2048xf32, #tpu.memory_space<hbm>> -> memref<2048xf32, #tpu.memory_space<hbm>>
    %dma_start3A_160 = arith.constant 2048 : i32
    %dma_start3A_161 = tpu.memref_slice %arg10[%dma_start3A_156, %add3A, %dma_start3A_160] : memref<4x32x16384xf32, #tpu.memory_space<hbm>> -> memref<1x1x2048xf32, #tpu.memory_space<hbm>>
    %dma_start3A_162 = tpu.memref_squeeze %dma_start3A_161 : memref<1x1x2048xf32, #tpu.memory_space<hbm>> -> memref<2048xf32, #tpu.memory_space<hbm>>
    tpu.enqueue_dma source(%arg26 : memref<2048xf32, #tpu.memory_space<vmem>>) target(%dma_start3A_162 : memref<2048xf32, #tpu.memory_space<hbm>>) target_semaphore(%arg42 : memref<!tpu.dma_semaphore, #tpu.memory_space<semaphore_mem>>)
    %dma_start3A_163 = arith.constant 38912 : i32
    %dma_start3A_164 = tpu.memref_slice %arg17[%dma_start3A_163] : memref<65536xi32, #tpu.memory_space<vmem_shared>> -> memref<2048xi32, #tpu.memory_space<vmem_shared>>
    %dma_start3A_165 = arith.constant 38912 : i32
    %dma_start3A_166 = tpu.memref_slice %arg17[%dma_start3A_165] : memref<65536xi32, #tpu.memory_space<vmem_shared>> -> memref<2048xi32, #tpu.memory_space<vmem_shared>>
    tpu.enqueue_dma source(%dma_start3A_166 : memref<2048xi32, #tpu.memory_space<vmem_shared>>) target(%arg19 : memref<2048xi32, #tpu.memory_space<vmem>>) target_semaphore(%arg35 : memref<!tpu.dma_semaphore, #tpu.memory_space<semaphore_mem>>)
    %dma_wait3A_167 = arith.constant 2 : i32
    %dma_wait3A_168 = arith.constant 0 : i32
    %dma_wait3A_169 = tpu.memref_slice %arg10[%dma_wait3A_167, %add3A, %dma_wait3A_168] : memref<4x32x16384xf32, #tpu.memory_space<hbm>> -> memref<1x1x2048xf32, #tpu.memory_space<hbm>>
    %dma_wait3A_170 = tpu.memref_squeeze %dma_wait3A_169 : memref<1x1x2048xf32, #tpu.memory_space<hbm>> -> memref<2048xf32, #tpu.memory_space<hbm>>
    %dma_wait3A_171 = arith.constant 0 : i32
    %dma_wait3A_172 = tpu.memref_slice %arg10[%dma_wait3A_167, %add3A, %dma_wait3A_171] : memref<4x32x16384xf32, #tpu.memory_space<hbm>> -> memref<1x1x2048xf32, #tpu.memory_space<hbm>>
    %dma_wait3A_173 = tpu.memref_squeeze %dma_wait3A_172 : memref<1x1x2048xf32, #tpu.memory_space<hbm>> -> memref<2048xf32, #tpu.memory_space<hbm>>
    tpu.wait_dma2 semaphore(%arg39 : memref<!tpu.dma_semaphore, #tpu.memory_space<semaphore_mem>>) src(%arg23 : memref<2048xf32, #tpu.memory_space<vmem>>) dst(%dma_wait3A_173 : memref<2048xf32, #tpu.memory_space<hbm>>)
    %dma_wait3A_174 = arith.constant 36864 : i32
    %dma_wait3A_175 = tpu.memref_slice %arg17[%dma_wait3A_174] : memref<65536xi32, #tpu.memory_space<vmem_shared>> -> memref<2048xi32, #tpu.memory_space<vmem_shared>>
    %dma_wait3A_176 = arith.constant 36864 : i32
    %dma_wait3A_177 = tpu.memref_slice %arg17[%dma_wait3A_176] : memref<65536xi32, #tpu.memory_space<vmem_shared>> -> memref<2048xi32, #tpu.memory_space<vmem_shared>>
    tpu.wait_dma2 semaphore(%arg34 : memref<!tpu.dma_semaphore, #tpu.memory_space<semaphore_mem>>) src(%dma_wait3A_177 : memref<2048xi32, #tpu.memory_space<vmem_shared>>) dst(%arg18 : memref<2048xi32, #tpu.memory_space<vmem>>)
    %scan3A_178 = arith.constant 0 : i32
    %scan3A_179 = arith.constant 0 : i32
    %scan3A_180 = arith.constant 16 : i32
    %scan3A_181 = arith.addi %scan3A_179, %scan3A_180 : i32
    %scan3A_182 = arith.constant 1 : i32
    %scan3A_183 = scf.for %scan3A_1004 = %scan3A_179 to %scan3A_181 step %scan3A_182 iter_args(%scan3A_1005 = %scan3A_178) -> (i32)  : i32 {
      %mul3A_1006 = arith.constant 128 : i32
      %mul3A_1007 = arith.muli %scan3A_1004, %mul3A_1006 : i32
      %add3A_1008 = arith.constant 0 : i32
      %add3A_1009 = arith.addi %mul3A_1007, %add3A_1008 : i32
      %get3A = arith.index_cast %add3A_1009 : i32 to index
      %get3A_1010 = tpu.vector_load %arg18[%get3A] {strides = array<i32>} : memref<2048xi32, #tpu.memory_space<vmem>>, vector<16xi32>,
      %gather3A = tpu.vector_load_idx %arg12[%get3A_1010] : memref<1000xf32, #tpu.memory_space<vmem>>[vector<16xi32>], vector<16xf32>,
      %add3A_1011 = arith.constant 0 : i32
      %add3A_1012 = arith.addi %mul3A_1007, %add3A_1011 : i32
      %swap3A = arith.index_cast %add3A_1012 : i32 to index
      %swap3A_1013 = tpu.vector_load %arg23[%swap3A] {strides = array<i32>} : memref<2048xf32, #tpu.memory_space<vmem>>, vector<16xf32>,
      tpu.vector_store %arg23[%swap3A], %gather3A {strides = array<i32>} : memref<2048xf32, #tpu.memory_space<vmem>>, vector<16xf32>,
      %add3A_1014 = arith.constant 16 : i32
      %add3A_1015 = arith.addi %mul3A_1007, %add3A_1014 : i32
      %get3A_1016 = arith.index_cast %add3A_1015 : i32 to index
      %get3A_1017 = tpu.vector_load %arg18[%get3A_1016] {strides = array<i32>} : memref<2048xi32, #tpu.memory_space<vmem>>, vector<16xi32>,
      %gather3A_1018 = tpu.vector_load_idx %arg12[%get3A_1017] : memref<1000xf32, #tpu.memory_space<vmem>>[vector<16xi32>], vector<16xf32>,
      %add3A_1019 = arith.constant 16 : i32
      %add3A_1020 = arith.addi %mul3A_1007, %add3A_1019 : i32
      %swap3A_1021 = arith.index_cast %add3A_1020 : i32 to index
      %swap3A_1022 = tpu.vector_load %arg23[%swap3A_1021] {strides = array<i32>} : memref<2048xf32, #tpu.memory_space<vmem>>, vector<16xf32>,
      tpu.vector_store %arg23[%swap3A_1021], %gather3A_1018 {strides = array<i32>} : memref<2048xf32, #tpu.memory_space<vmem>>, vector<16xf32>,
      %add3A_1023 = arith.constant 32 : i32
      %add3A_1024 = arith.addi %mul3A_1007, %add3A_1023 : i32
      %get3A_1025 = arith.index_cast %add3A_1024 : i32 to index
      %get3A_1026 = tpu.vector_load %arg18[%get3A_1025] {strides = array<i32>} : memref<2048xi32, #tpu.memory_space<vmem>>, vector<16xi32>,
      %gather3A_1027 = tpu.vector_load_idx %arg12[%get3A_1026] : memref<1000xf32, #tpu.memory_space<vmem>>[vector<16xi32>], vector<16xf32>,
      %add3A_1028 = arith.constant 32 : i32
      %add3A_1029 = arith.addi %mul3A_1007, %add3A_1028 : i32
      %swap3A_1030 = arith.index_cast %add3A_1029 : i32 to index
      %swap3A_1031 = tpu.vector_load %arg23[%swap3A_1030] {strides = array<i32>} : memref<2048xf32, #tpu.memory_space<vmem>>, vector<16xf32>,
      tpu.vector_store %arg23[%swap3A_1030], %gather3A_1027 {strides = array<i32>} : memref<2048xf32, #tpu.memory_space<vmem>>, vector<16xf32>,
      %add3A_1032 = arith.constant 48 : i32
      %add3A_1033 = arith.addi %mul3A_1007, %add3A_1032 : i32
      %get3A_1034 = arith.index_cast %add3A_1033 : i32 to index
      %get3A_1035 = tpu.vector_load %arg18[%get3A_1034] {strides = array<i32>} : memref<2048xi32, #tpu.memory_space<vmem>>, vector<16xi32>,
      %gather3A_1036 = tpu.vector_load_idx %arg12[%get3A_1035] : memref<1000xf32, #tpu.memory_space<vmem>>[vector<16xi32>], vector<16xf32>,
      %add3A_1037 = arith.constant 48 : i32
      %add3A_1038 = arith.addi %mul3A_1007, %add3A_1037 : i32
      %swap3A_1039 = arith.index_cast %add3A_1038 : i32 to index
      %swap3A_1040 = tpu.vector_load %arg23[%swap3A_1039] {strides = array<i32>} : memref<2048xf32, #tpu.memory_space<vmem>>, vector<16xf32>,
      tpu.vector_store %arg23[%swap3A_1039], %gather3A_1036 {strides = array<i32>} : memref<2048xf32, #tpu.memory_space<vmem>>, vector<16xf32>,
      %add3A_1041 = arith.constant 64 : i32
      %add3A_1042 = arith.addi %mul3A_1007, %add3A_1041 : i32
      %get3A_1043 = arith.index_cast %add3A_1042 : i32 to index
      %get3A_1044 = tpu.vector_load %arg18[%get3A_1043] {strides = array<i32>} : memref<2048xi32, #tpu.memory_space<vmem>>, vector<16xi32>,
      %gather3A_1045 = tpu.vector_load_idx %arg12[%get3A_1044] : memref<1000xf32, #tpu.memory_space<vmem>>[vector<16xi32>], vector<16xf32>,
      %add3A_1046 = arith.constant 64 : i32
      %add3A_1047 = arith.addi %mul3A_1007, %add3A_1046 : i32
      %swap3A_1048 = arith.index_cast %add3A_1047 : i32 to index
      %swap3A_1049 = tpu.vector_load %arg23[%swap3A_1048] {strides = array<i32>} : memref<2048xf32, #tpu.memory_space<vmem>>, vector<16xf32>,
      tpu.vector_store %arg23[%swap3A_1048], %gather3A_1045 {strides = array<i32>} : memref<2048xf32, #tpu.memory_space<vmem>>, vector<16xf32>,
      %add3A_1050 = arith.constant 80 : i32
      %add3A_1051 = arith.addi %mul3A_1007, %add3A_1050 : i32
      %get3A_1052 = arith.index_cast %add3A_1051 : i32 to index
      %get3A_1053 = tpu.vector_load %arg18[%get3A_1052] {strides = array<i32>} : memref<2048xi32, #tpu.memory_space<vmem>>, vector<16xi32>,
      %gather3A_1054 = tpu.vector_load_idx %arg12[%get3A_1053] : memref<1000xf32, #tpu.memory_space<vmem>>[vector<16xi32>], vector<16xf32>,
      %add3A_1055 = arith.constant 80 : i32
      %add3A_1056 = arith.addi %mul3A_1007, %add3A_1055 : i32
      %swap3A_1057 = arith.index_cast %add3A_1056 : i32 to index
      %swap3A_1058 = tpu.vector_load %arg23[%swap3A_1057] {strides = array<i32>} : memref<2048xf32, #tpu.memory_space<vmem>>, vector<16xf32>,
      tpu.vector_store %arg23[%swap3A_1057], %gather3A_1054 {strides = array<i32>} : memref<2048xf32, #tpu.memory_space<vmem>>, vector<16xf32>,
      %add3A_1059 = arith.constant 96 : i32
      %add3A_1060 = arith.addi %mul3A_1007, %add3A_1059 : i32
      %get3A_1061 = arith.index_cast %add3A_1060 : i32 to index
      %get3A_1062 = tpu.vector_load %arg18[%get3A_1061] {strides = array<i32>} : memref<2048xi32, #tpu.memory_space<vmem>>, vector<16xi32>,
      %gather3A_1063 = tpu.vector_load_idx %arg12[%get3A_1062] : memref<1000xf32, #tpu.memory_space<vmem>>[vector<16xi32>], vector<16xf32>,
      %add3A_1064 = arith.constant 96 : i32
      %add3A_1065 = arith.addi %mul3A_1007, %add3A_1064 : i32
      %swap3A_1066 = arith.index_cast %add3A_1065 : i32 to index
      %swap3A_1067 = tpu.vector_load %arg23[%swap3A_1066] {strides = array<i32>} : memref<2048xf32, #tpu.memory_space<vmem>>, vector<16xf32>,
      tpu.vector_store %arg23[%swap3A_1066], %gather3A_1063 {strides = array<i32>} : memref<2048xf32, #tpu.memory_space<vmem>>, vector<16xf32>,
      %add3A_1068 = arith.constant 112 : i32
      %add3A_1069 = arith.addi %mul3A_1007, %add3A_1068 : i32
      %get3A_1070 = arith.index_cast %add3A_1069 : i32 to index
      %get3A_1071 = tpu.vector_load %arg18[%get3A_1070] {strides = array<i32>} : memref<2048xi32, #tpu.memory_space<vmem>>, vector<16xi32>,
      %gather3A_1072 = tpu.vector_load_idx %arg12[%get3A_1071] : memref<1000xf32, #tpu.memory_space<vmem>>[vector<16xi32>], vector<16xf32>,
      %add3A_1073 = arith.constant 112 : i32
      %add3A_1074 = arith.addi %mul3A_1007, %add3A_1073 : i32
      %swap3A_1075 = arith.index_cast %add3A_1074 : i32 to index
      %swap3A_1076 = tpu.vector_load %arg23[%swap3A_1075] {strides = array<i32>} : memref<2048xf32, #tpu.memory_space<vmem>>, vector<16xf32>,
      tpu.vector_store %arg23[%swap3A_1075], %gather3A_1072 {strides = array<i32>} : memref<2048xf32, #tpu.memory_space<vmem>>, vector<16xf32>,
      %scan3A_1077 = arith.constant 0 : i32
      scf.yield %scan3A_1077 : i32
    }
    %scan3A_184 = arith.constant 16 : i32
    %dma_start3A_185 = arith.constant 2 : i32
    %dma_start3A_186 = arith.constant 4096 : i32
    %dma_start3A_187 = tpu.memref_slice %arg10[%dma_start3A_185, %add3A, %dma_start3A_186] : memref<4x32x16384xf32, #tpu.memory_space<hbm>> -> memref<1x1x2048xf32, #tpu.memory_space<hbm>>
    %dma_start3A_188 = tpu.memref_squeeze %dma_start3A_187 : memref<1x1x2048xf32, #tpu.memory_space<hbm>> -> memref<2048xf32, #tpu.memory_space<hbm>>
    %dma_start3A_189 = arith.constant 4096 : i32
    %dma_start3A_190 = tpu.memref_slice %arg10[%dma_start3A_185, %add3A, %dma_start3A_189] : memref<4x32x16384xf32, #tpu.memory_space<hbm>> -> memref<1x1x2048xf32, #tpu.memory_space<hbm>>
    %dma_start3A_191 = tpu.memref_squeeze %dma_start3A_190 : memref<1x1x2048xf32, #tpu.memory_space<hbm>> -> memref<2048xf32, #tpu.memory_space<hbm>>
    tpu.enqueue_dma source(%arg23 : memref<2048xf32, #tpu.memory_space<vmem>>) target(%dma_start3A_191 : memref<2048xf32, #tpu.memory_space<hbm>>) target_semaphore(%arg39 : memref<!tpu.dma_semaphore, #tpu.memory_space<semaphore_mem>>)
    %dma_start3A_192 = arith.constant 8192 : i32
    %dma_start3A_193 = tpu.memref_slice %arg17[%dma_start3A_192] : memref<65536xi32, #tpu.memory_space<vmem_shared>> -> memref<2048xi32, #tpu.memory_space<vmem_shared>>
    %dma_start3A_194 = arith.constant 8192 : i32
    %dma_start3A_195 = tpu.memref_slice %arg17[%dma_start3A_194] : memref<65536xi32, #tpu.memory_space<vmem_shared>> -> memref<2048xi32, #tpu.memory_space<vmem_shared>>
    tpu.enqueue_dma source(%dma_start3A_195 : memref<2048xi32, #tpu.memory_space<vmem_shared>>) target(%arg21 : memref<2048xi32, #tpu.memory_space<vmem>>) target_semaphore(%arg37 : memref<!tpu.dma_semaphore, #tpu.memory_space<semaphore_mem>>)
    %dma_wait3A_196 = arith.constant 0 : i32
    %dma_wait3A_197 = arith.constant 0 : i32
    %dma_wait3A_198 = tpu.memref_slice %arg10[%dma_wait3A_196, %add3A, %dma_wait3A_197] : memref<4x32x16384xf32, #tpu.memory_space<hbm>> -> memref<1x1x2048xf32, #tpu.memory_space<hbm>>
    %dma_wait3A_199 = tpu.memref_squeeze %dma_wait3A_198 : memref<1x1x2048xf32, #tpu.memory_space<hbm>> -> memref<2048xf32, #tpu.memory_space<hbm>>
    %dma_wait3A_200 = arith.constant 0 : i32
    %dma_wait3A_201 = tpu.memref_slice %arg10[%dma_wait3A_196, %add3A, %dma_wait3A_200] : memref<4x32x16384xf32, #tpu.memory_space<hbm>> -> memref<1x1x2048xf32, #tpu.memory_space<hbm>>
    %dma_wait3A_202 = tpu.memref_squeeze %dma_wait3A_201 : memref<1x1x2048xf32, #tpu.memory_space<hbm>> -> memref<2048xf32, #tpu.memory_space<hbm>>
    tpu.wait_dma2 semaphore(%arg41 : memref<!tpu.dma_semaphore, #tpu.memory_space<semaphore_mem>>) src(%arg25 : memref<2048xf32, #tpu.memory_space<vmem>>) dst(%dma_wait3A_202 : memref<2048xf32, #tpu.memory_space<hbm>>)
    %dma_wait3A_203 = arith.constant 6144 : i32
    %dma_wait3A_204 = tpu.memref_slice %arg17[%dma_wait3A_203] : memref<65536xi32, #tpu.memory_space<vmem_shared>> -> memref<2048xi32, #tpu.memory_space<vmem_shared>>
    %dma_wait3A_205 = arith.constant 6144 : i32
    %dma_wait3A_206 = tpu.memref_slice %arg17[%dma_wait3A_205] : memref<65536xi32, #tpu.memory_space<vmem_shared>> -> memref<2048xi32, #tpu.memory_space<vmem_shared>>
    tpu.wait_dma2 semaphore(%arg36 : memref<!tpu.dma_semaphore, #tpu.memory_space<semaphore_mem>>) src(%dma_wait3A_206 : memref<2048xi32, #tpu.memory_space<vmem_shared>>) dst(%arg20 : memref<2048xi32, #tpu.memory_space<vmem>>)
    %mul3A_207 = arith.constant 1000 : i32
    %mul3A_208 = arith.muli %arg1, %mul3A_207 : i32
    %dma_start3A_209 = tpu.memref_slice %arg15[%mul3A_208] : memref<16000xf32, #tpu.memory_space<vmem_shared>> -> memref<1000xf32, #tpu.memory_space<vmem_shared>>
    %dma_start3A_210 = arith.constant 0 : i32
    %dma_start3A_211 = tpu.memref_slice %dma_start3A_209[%dma_start3A_210] : memref<1000xf32, #tpu.memory_space<vmem_shared>> -> memref<1000xf32, #tpu.memory_space<vmem_shared>>
    tpu.enqueue_indirect_dma source(%dma_start3A_211 : memref<1000xf32, #tpu.memory_space<vmem_shared>>) target(%arg25 : memref<2048xf32, #tpu.memory_space<vmem>>) offsets(%arg20 : memref<2048xi32, #tpu.memory_space<vmem>>) semaphore(%arg44 : memref<!tpu.dma_semaphore, #tpu.memory_space<semaphore_mem>>)
    %dma_wait3A_212 = tpu.memref_slice %arg15[%mul3A_149] : memref<16000xf32, #tpu.memory_space<vmem_shared>> -> memref<1000xf32, #tpu.memory_space<vmem_shared>>
    %dma_wait3A_213 = arith.constant 0 : i32
    %dma_wait3A_214 = tpu.memref_slice %dma_wait3A_212[%dma_wait3A_213] : memref<1000xf32, #tpu.memory_space<vmem_shared>> -> memref<1000xf32, #tpu.memory_space<vmem_shared>>
    tpu.wait_indirect_dma semaphore(%arg46 : memref<!tpu.dma_semaphore, #tpu.memory_space<semaphore_mem>>) src(%dma_wait3A_214 : memref<1000xf32, #tpu.memory_space<vmem_shared>>) dst(%arg27 : memref<2048xf32, #tpu.memory_space<vmem>>)
    %dma_start3A_215 = arith.constant 0 : i32
    %dma_start3A_216 = arith.constant 4096 : i32
    %dma_start3A_217 = tpu.memref_slice %arg10[%dma_start3A_215, %add3A, %dma_start3A_216] : memref<4x32x16384xf32, #tpu.memory_space<hbm>> -> memref<1x1x2048xf32, #tpu.memory_space<hbm>>
    %dma_start3A_218 = tpu.memref_squeeze %dma_start3A_217 : memref<1x1x2048xf32, #tpu.memory_space<hbm>> -> memref<2048xf32, #tpu.memory_space<hbm>>
    %dma_start3A_219 = arith.constant 4096 : i32
    %dma_start3A_220 = tpu.memref_slice %arg10[%dma_start3A_215, %add3A, %dma_start3A_219] : memref<4x32x16384xf32, #tpu.memory_space<hbm>> -> memref<1x1x2048xf32, #tpu.memory_space<hbm>>
    %dma_start3A_221 = tpu.memref_squeeze %dma_start3A_220 : memref<1x1x2048xf32, #tpu.memory_space<hbm>> -> memref<2048xf32, #tpu.memory_space<hbm>>
    tpu.enqueue_dma source(%arg27 : memref<2048xf32, #tpu.memory_space<vmem>>) target(%dma_start3A_221 : memref<2048xf32, #tpu.memory_space<hbm>>) target_semaphore(%arg43 : memref<!tpu.dma_semaphore, #tpu.memory_space<semaphore_mem>>)
    %dma_start3A_222 = arith.constant 40960 : i32
    %dma_start3A_223 = tpu.memref_slice %arg17[%dma_start3A_222] : memref<65536xi32, #tpu.memory_space<vmem_shared>> -> memref<2048xi32, #tpu.memory_space<vmem_shared>>
    %dma_start3A_224 = arith.constant 40960 : i32
    %dma_start3A_225 = tpu.memref_slice %arg17[%dma_start3A_224] : memref<65536xi32, #tpu.memory_space<vmem_shared>> -> memref<2048xi32, #tpu.memory_space<vmem_shared>>
    tpu.enqueue_dma source(%dma_start3A_225 : memref<2048xi32, #tpu.memory_space<vmem_shared>>) target(%arg18 : memref<2048xi32, #tpu.memory_space<vmem>>) target_semaphore(%arg34 : memref<!tpu.dma_semaphore, #tpu.memory_space<semaphore_mem>>)
    %dma_wait3A_226 = arith.constant 2 : i32
    %dma_wait3A_227 = arith.constant 2048 : i32
    %dma_wait3A_228 = tpu.memref_slice %arg10[%dma_wait3A_226, %add3A, %dma_wait3A_227] : memref<4x32x16384xf32, #tpu.memory_space<hbm>> -> memref<1x1x2048xf32, #tpu.memory_space<hbm>>
    %dma_wait3A_229 = tpu.memref_squeeze %dma_wait3A_228 : memref<1x1x2048xf32, #tpu.memory_space<hbm>> -> memref<2048xf32, #tpu.memory_space<hbm>>
    %dma_wait3A_230 = arith.constant 2048 : i32
    %dma_wait3A_231 = tpu.memref_slice %arg10[%dma_wait3A_226, %add3A, %dma_wait3A_230] : memref<4x32x16384xf32, #tpu.memory_space<hbm>> -> memref<1x1x2048xf32, #tpu.memory_space<hbm>>
    %dma_wait3A_232 = tpu.memref_squeeze %dma_wait3A_231 : memref<1x1x2048xf32, #tpu.memory_space<hbm>> -> memref<2048xf32, #tpu.memory_space<hbm>>
    tpu.wait_dma2 semaphore(%arg40 : memref<!tpu.dma_semaphore, #tpu.memory_space<semaphore_mem>>) src(%arg24 : memref<2048xf32, #tpu.memory_space<vmem>>) dst(%dma_wait3A_232 : memref<2048xf32, #tpu.memory_space<hbm>>)
    %dma_wait3A_233 = arith.constant 38912 : i32
    %dma_wait3A_234 = tpu.memref_slice %arg17[%dma_wait3A_233] : memref<65536xi32, #tpu.memory_space<vmem_shared>> -> memref<2048xi32, #tpu.memory_space<vmem_shared>>
    %dma_wait3A_235 = arith.constant 38912 : i32
    %dma_wait3A_236 = tpu.memref_slice %arg17[%dma_wait3A_235] : memref<65536xi32, #tpu.memory_space<vmem_shared>> -> memref<2048xi32, #tpu.memory_space<vmem_shared>>
    tpu.wait_dma2 semaphore(%arg35 : memref<!tpu.dma_semaphore, #tpu.memory_space<semaphore_mem>>) src(%dma_wait3A_236 : memref<2048xi32, #tpu.memory_space<vmem_shared>>) dst(%arg19 : memref<2048xi32, #tpu.memory_space<vmem>>)
    %scan3A_237 = arith.constant 0 : i32
    %scan3A_238 = arith.constant 0 : i32
    %scan3A_239 = arith.constant 16 : i32
    %scan3A_240 = arith.addi %scan3A_238, %scan3A_239 : i32
    %scan3A_241 = arith.constant 1 : i32
    %scan3A_242 = scf.for %scan3A_1004 = %scan3A_238 to %scan3A_240 step %scan3A_241 iter_args(%scan3A_1005 = %scan3A_237) -> (i32)  : i32 {
      %mul3A_1006 = arith.constant 128 : i32
      %mul3A_1007 = arith.muli %scan3A_1004, %mul3A_1006 : i32
      %add3A_1008 = arith.constant 0 : i32
      %add3A_1009 = arith.addi %mul3A_1007, %add3A_1008 : i32
      %get3A = arith.index_cast %add3A_1009 : i32 to index
      %get3A_1010 = tpu.vector_load %arg19[%get3A] {strides = array<i32>} : memref<2048xi32, #tpu.memory_space<vmem>>, vector<16xi32>,
      %gather3A = tpu.vector_load_idx %arg12[%get3A_1010] : memref<1000xf32, #tpu.memory_space<vmem>>[vector<16xi32>], vector<16xf32>,
      %add3A_1011 = arith.constant 0 : i32
      %add3A_1012 = arith.addi %mul3A_1007, %add3A_1011 : i32
      %swap3A = arith.index_cast %add3A_1012 : i32 to index
      %swap3A_1013 = tpu.vector_load %arg24[%swap3A] {strides = array<i32>} : memref<2048xf32, #tpu.memory_space<vmem>>, vector<16xf32>,
      tpu.vector_store %arg24[%swap3A], %gather3A {strides = array<i32>} : memref<2048xf32, #tpu.memory_space<vmem>>, vector<16xf32>,
      %add3A_1014 = arith.constant 16 : i32
      %add3A_1015 = arith.addi %mul3A_1007, %add3A_1014 : i32
      %get3A_1016 = arith.index_cast %add3A_1015 : i32 to index
      %get3A_1017 = tpu.vector_load %arg19[%get3A_1016] {strides = array<i32>} : memref<2048xi32, #tpu.memory_space<vmem>>, vector<16xi32>,
      %gather3A_1018 = tpu.vector_load_idx %arg12[%get3A_1017] : memref<1000xf32, #tpu.memory_space<vmem>>[vector<16xi32>], vector<16xf32>,
      %add3A_1019 = arith.constant 16 : i32
      %add3A_1020 = arith.addi %mul3A_1007, %add3A_1019 : i32
      %swap3A_1021 = arith.index_cast %add3A_1020 : i32 to index
      %swap3A_1022 = tpu.vector_load %arg24[%swap3A_1021] {strides = array<i32>} : memref<2048xf32, #tpu.memory_space<vmem>>, vector<16xf32>,
      tpu.vector_store %arg24[%swap3A_1021], %gather3A_1018 {strides = array<i32>} : memref<2048xf32, #tpu.memory_space<vmem>>, vector<16xf32>,
      %add3A_1023 = arith.constant 32 : i32
      %add3A_1024 = arith.addi %mul3A_1007, %add3A_1023 : i32
      %get3A_1025 = arith.index_cast %add3A_1024 : i32 to index
      %get3A_1026 = tpu.vector_load %arg19[%get3A_1025] {strides = array<i32>} : memref<2048xi32, #tpu.memory_space<vmem>>, vector<16xi32>,
      %gather3A_1027 = tpu.vector_load_idx %arg12[%get3A_1026] : memref<1000xf32, #tpu.memory_space<vmem>>[vector<16xi32>], vector<16xf32>,
      %add3A_1028 = arith.constant 32 : i32
      %add3A_1029 = arith.addi %mul3A_1007, %add3A_1028 : i32
      %swap3A_1030 = arith.index_cast %add3A_1029 : i32 to index
      %swap3A_1031 = tpu.vector_load %arg24[%swap3A_1030] {strides = array<i32>} : memref<2048xf32, #tpu.memory_space<vmem>>, vector<16xf32>,
      tpu.vector_store %arg24[%swap3A_1030], %gather3A_1027 {strides = array<i32>} : memref<2048xf32, #tpu.memory_space<vmem>>, vector<16xf32>,
      %add3A_1032 = arith.constant 48 : i32
      %add3A_1033 = arith.addi %mul3A_1007, %add3A_1032 : i32
      %get3A_1034 = arith.index_cast %add3A_1033 : i32 to index
      %get3A_1035 = tpu.vector_load %arg19[%get3A_1034] {strides = array<i32>} : memref<2048xi32, #tpu.memory_space<vmem>>, vector<16xi32>,
      %gather3A_1036 = tpu.vector_load_idx %arg12[%get3A_1035] : memref<1000xf32, #tpu.memory_space<vmem>>[vector<16xi32>], vector<16xf32>,
      %add3A_1037 = arith.constant 48 : i32
      %add3A_1038 = arith.addi %mul3A_1007, %add3A_1037 : i32
      %swap3A_1039 = arith.index_cast %add3A_1038 : i32 to index
      %swap3A_1040 = tpu.vector_load %arg24[%swap3A_1039] {strides = array<i32>} : memref<2048xf32, #tpu.memory_space<vmem>>, vector<16xf32>,
      tpu.vector_store %arg24[%swap3A_1039], %gather3A_1036 {strides = array<i32>} : memref<2048xf32, #tpu.memory_space<vmem>>, vector<16xf32>,
      %add3A_1041 = arith.constant 64 : i32
      %add3A_1042 = arith.addi %mul3A_1007, %add3A_1041 : i32
      %get3A_1043 = arith.index_cast %add3A_1042 : i32 to index
      %get3A_1044 = tpu.vector_load %arg19[%get3A_1043] {strides = array<i32>} : memref<2048xi32, #tpu.memory_space<vmem>>, vector<16xi32>,
      %gather3A_1045 = tpu.vector_load_idx %arg12[%get3A_1044] : memref<1000xf32, #tpu.memory_space<vmem>>[vector<16xi32>], vector<16xf32>,
      %add3A_1046 = arith.constant 64 : i32
      %add3A_1047 = arith.addi %mul3A_1007, %add3A_1046 : i32
      %swap3A_1048 = arith.index_cast %add3A_1047 : i32 to index
      %swap3A_1049 = tpu.vector_load %arg24[%swap3A_1048] {strides = array<i32>} : memref<2048xf32, #tpu.memory_space<vmem>>, vector<16xf32>,
      tpu.vector_store %arg24[%swap3A_1048], %gather3A_1045 {strides = array<i32>} : memref<2048xf32, #tpu.memory_space<vmem>>, vector<16xf32>,
      %add3A_1050 = arith.constant 80 : i32
      %add3A_1051 = arith.addi %mul3A_1007, %add3A_1050 : i32
      %get3A_1052 = arith.index_cast %add3A_1051 : i32 to index
      %get3A_1053 = tpu.vector_load %arg19[%get3A_1052] {strides = array<i32>} : memref<2048xi32, #tpu.memory_space<vmem>>, vector<16xi32>,
      %gather3A_1054 = tpu.vector_load_idx %arg12[%get3A_1053] : memref<1000xf32, #tpu.memory_space<vmem>>[vector<16xi32>], vector<16xf32>,
      %add3A_1055 = arith.constant 80 : i32
      %add3A_1056 = arith.addi %mul3A_1007, %add3A_1055 : i32
      %swap3A_1057 = arith.index_cast %add3A_1056 : i32 to index
      %swap3A_1058 = tpu.vector_load %arg24[%swap3A_1057] {strides = array<i32>} : memref<2048xf32, #tpu.memory_space<vmem>>, vector<16xf32>,
      tpu.vector_store %arg24[%swap3A_1057], %gather3A_1054 {strides = array<i32>} : memref<2048xf32, #tpu.memory_space<vmem>>, vector<16xf32>,
      %add3A_1059 = arith.constant 96 : i32
      %add3A_1060 = arith.addi %mul3A_1007, %add3A_1059 : i32
      %get3A_1061 = arith.index_cast %add3A_1060 : i32 to index
      %get3A_1062 = tpu.vector_load %arg19[%get3A_1061] {strides = array<i32>} : memref<2048xi32, #tpu.memory_space<vmem>>, vector<16xi32>,
      %gather3A_1063 = tpu.vector_load_idx %arg12[%get3A_1062] : memref<1000xf32, #tpu.memory_space<vmem>>[vector<16xi32>], vector<16xf32>,
      %add3A_1064 = arith.constant 96 : i32
      %add3A_1065 = arith.addi %mul3A_1007, %add3A_1064 : i32
      %swap3A_1066 = arith.index_cast %add3A_1065 : i32 to index
      %swap3A_1067 = tpu.vector_load %arg24[%swap3A_1066] {strides = array<i32>} : memref<2048xf32, #tpu.memory_space<vmem>>, vector<16xf32>,
      tpu.vector_store %arg24[%swap3A_1066], %gather3A_1063 {strides = array<i32>} : memref<2048xf32, #tpu.memory_space<vmem>>, vector<16xf32>,
      %add3A_1068 = arith.constant 112 : i32
      %add3A_1069 = arith.addi %mul3A_1007, %add3A_1068 : i32
      %get3A_1070 = arith.index_cast %add3A_1069 : i32 to index
      %get3A_1071 = tpu.vector_load %arg19[%get3A_1070] {strides = array<i32>} : memref<2048xi32, #tpu.memory_space<vmem>>, vector<16xi32>,
      %gather3A_1072 = tpu.vector_load_idx %arg12[%get3A_1071] : memref<1000xf32, #tpu.memory_space<vmem>>[vector<16xi32>], vector<16xf32>,
      %add3A_1073 = arith.constant 112 : i32
      %add3A_1074 = arith.addi %mul3A_1007, %add3A_1073 : i32
      %swap3A_1075 = arith.index_cast %add3A_1074 : i32 to index
      %swap3A_1076 = tpu.vector_load %arg24[%swap3A_1075] {strides = array<i32>} : memref<2048xf32, #tpu.memory_space<vmem>>, vector<16xf32>,
      tpu.vector_store %arg24[%swap3A_1075], %gather3A_1072 {strides = array<i32>} : memref<2048xf32, #tpu.memory_space<vmem>>, vector<16xf32>,
      %scan3A_1077 = arith.constant 0 : i32
      scf.yield %scan3A_1077 : i32
    }
    %scan3A_243 = arith.constant 16 : i32
    %dma_start3A_244 = arith.constant 2 : i32
    %dma_start3A_245 = arith.constant 6144 : i32
    %dma_start3A_246 = tpu.memref_slice %arg10[%dma_start3A_244, %add3A, %dma_start3A_245] : memref<4x32x16384xf32, #tpu.memory_space<hbm>> -> memref<1x1x2048xf32, #tpu.memory_space<hbm>>
    %dma_start3A_247 = tpu.memref_squeeze %dma_start3A_246 : memref<1x1x2048xf32, #tpu.memory_space<hbm>> -> memref<2048xf32, #tpu.memory_space<hbm>>
    %dma_start3A_248 = arith.constant 6144 : i32
    %dma_start3A_249 = tpu.memref_slice %arg10[%dma_start3A_244, %add3A, %dma_start3A_248] : memref<4x32x16384xf32, #tpu.memory_space<hbm>> -> memref<1x1x2048xf32, #tpu.memory_space<hbm>>
    %dma_start3A_250 = tpu.memref_squeeze %dma_start3A_249 : memref<1x1x2048xf32, #tpu.memory_space<hbm>> -> memref<2048xf32, #tpu.memory_space<hbm>>
    tpu.enqueue_dma source(%arg24 : memref<2048xf32, #tpu.memory_space<vmem>>) target(%dma_start3A_250 : memref<2048xf32, #tpu.memory_space<hbm>>) target_semaphore(%arg40 : memref<!tpu.dma_semaphore, #tpu.memory_space<semaphore_mem>>)
    %dma_start3A_251 = arith.constant 10240 : i32
    %dma_start3A_252 = tpu.memref_slice %arg17[%dma_start3A_251] : memref<65536xi32, #tpu.memory_space<vmem_shared>> -> memref<2048xi32, #tpu.memory_space<vmem_shared>>
    %dma_start3A_253 = arith.constant 10240 : i32
    %dma_start3A_254 = tpu.memref_slice %arg17[%dma_start3A_253] : memref<65536xi32, #tpu.memory_space<vmem_shared>> -> memref<2048xi32, #tpu.memory_space<vmem_shared>>
    tpu.enqueue_dma source(%dma_start3A_254 : memref<2048xi32, #tpu.memory_space<vmem_shared>>) target(%arg22 : memref<2048xi32, #tpu.memory_space<vmem>>) target_semaphore(%arg38 : memref<!tpu.dma_semaphore, #tpu.memory_space<semaphore_mem>>)
    %dma_wait3A_255 = arith.constant 0 : i32
    %dma_wait3A_256 = arith.constant 2048 : i32
    %dma_wait3A_257 = tpu.memref_slice %arg10[%dma_wait3A_255, %add3A, %dma_wait3A_256] : memref<4x32x16384xf32, #tpu.memory_space<hbm>> -> memref<1x1x2048xf32, #tpu.memory_space<hbm>>
    %dma_wait3A_258 = tpu.memref_squeeze %dma_wait3A_257 : memref<1x1x2048xf32, #tpu.memory_space<hbm>> -> memref<2048xf32, #tpu.memory_space<hbm>>
    %dma_wait3A_259 = arith.constant 2048 : i32
    %dma_wait3A_260 = tpu.memref_slice %arg10[%dma_wait3A_255, %add3A, %dma_wait3A_259] : memref<4x32x16384xf32, #tpu.memory_space<hbm>> -> memref<1x1x2048xf32, #tpu.memory_space<hbm>>
    %dma_wait3A_261 = tpu.memref_squeeze %dma_wait3A_260 : memref<1x1x2048xf32, #tpu.memory_space<hbm>> -> memref<2048xf32, #tpu.memory_space<hbm>>
    tpu.wait_dma2 semaphore(%arg42 : memref<!tpu.dma_semaphore, #tpu.memory_space<semaphore_mem>>) src(%arg26 : memref<2048xf32, #tpu.memory_space<vmem>>) dst(%dma_wait3A_261 : memref<2048xf32, #tpu.memory_space<hbm>>)
    %dma_wait3A_262 = arith.constant 8192 : i32
    %dma_wait3A_263 = tpu.memref_slice %arg17[%dma_wait3A_262] : memref<65536xi32, #tpu.memory_space<vmem_shared>> -> memref<2048xi32, #tpu.memory_space<vmem_shared>>
    %dma_wait3A_264 = arith.constant 8192 : i32
    %dma_wait3A_265 = tpu.memref_slice %arg17[%dma_wait3A_264] : memref<65536xi32, #tpu.memory_space<vmem_shared>> -> memref<2048xi32, #tpu.memory_space<vmem_shared>>
    tpu.wait_dma2 semaphore(%arg37 : memref<!tpu.dma_semaphore, #tpu.memory_space<semaphore_mem>>) src(%dma_wait3A_265 : memref<2048xi32, #tpu.memory_space<vmem_shared>>) dst(%arg21 : memref<2048xi32, #tpu.memory_space<vmem>>)
    %mul3A_266 = arith.constant 1000 : i32
    %mul3A_267 = arith.muli %arg1, %mul3A_266 : i32
    %dma_start3A_268 = tpu.memref_slice %arg15[%mul3A_267] : memref<16000xf32, #tpu.memory_space<vmem_shared>> -> memref<1000xf32, #tpu.memory_space<vmem_shared>>
    %dma_start3A_269 = arith.constant 0 : i32
    %dma_start3A_270 = tpu.memref_slice %dma_start3A_268[%dma_start3A_269] : memref<1000xf32, #tpu.memory_space<vmem_shared>> -> memref<1000xf32, #tpu.memory_space<vmem_shared>>
    tpu.enqueue_indirect_dma source(%dma_start3A_270 : memref<1000xf32, #tpu.memory_space<vmem_shared>>) target(%arg26 : memref<2048xf32, #tpu.memory_space<vmem>>) offsets(%arg21 : memref<2048xi32, #tpu.memory_space<vmem>>) semaphore(%arg45 : memref<!tpu.dma_semaphore, #tpu.memory_space<semaphore_mem>>)
    %dma_wait3A_271 = tpu.memref_slice %arg15[%mul3A_208] : memref<16000xf32, #tpu.memory_space<vmem_shared>> -> memref<1000xf32, #tpu.memory_space<vmem_shared>>
    %dma_wait3A_272 = arith.constant 0 : i32
    %dma_wait3A_273 = tpu.memref_slice %dma_wait3A_271[%dma_wait3A_272] : memref<1000xf32, #tpu.memory_space<vmem_shared>> -> memref<1000xf32, #tpu.memory_space<vmem_shared>>
    tpu.wait_indirect_dma semaphore(%arg44 : memref<!tpu.dma_semaphore, #tpu.memory_space<semaphore_mem>>) src(%dma_wait3A_273 : memref<1000xf32, #tpu.memory_space<vmem_shared>>) dst(%arg25 : memref<2048xf32, #tpu.memory_space<vmem>>)
    %dma_start3A_274 = arith.constant 0 : i32
    %dma_start3A_275 = arith.constant 6144 : i32
    %dma_start3A_276 = tpu.memref_slice %arg10[%dma_start3A_274, %add3A, %dma_start3A_275] : memref<4x32x16384xf32, #tpu.memory_space<hbm>> -> memref<1x1x2048xf32, #tpu.memory_space<hbm>>
    %dma_start3A_277 = tpu.memref_squeeze %dma_start3A_276 : memref<1x1x2048xf32, #tpu.memory_space<hbm>> -> memref<2048xf32, #tpu.memory_space<hbm>>
    %dma_start3A_278 = arith.constant 6144 : i32
    %dma_start3A_279 = tpu.memref_slice %arg10[%dma_start3A_274, %add3A, %dma_start3A_278] : memref<4x32x16384xf32, #tpu.memory_space<hbm>> -> memref<1x1x2048xf32, #tpu.memory_space<hbm>>
    %dma_start3A_280 = tpu.memref_squeeze %dma_start3A_279 : memref<1x1x2048xf32, #tpu.memory_space<hbm>> -> memref<2048xf32, #tpu.memory_space<hbm>>
    tpu.enqueue_dma source(%arg25 : memref<2048xf32, #tpu.memory_space<vmem>>) target(%dma_start3A_280 : memref<2048xf32, #tpu.memory_space<hbm>>) target_semaphore(%arg41 : memref<!tpu.dma_semaphore, #tpu.memory_space<semaphore_mem>>)
    %dma_start3A_281 = arith.constant 43008 : i32
    %dma_start3A_282 = tpu.memref_slice %arg17[%dma_start3A_281] : memref<65536xi32, #tpu.memory_space<vmem_shared>> -> memref<2048xi32, #tpu.memory_space<vmem_shared>>
    %dma_start3A_283 = arith.constant 43008 : i32
    %dma_start3A_284 = tpu.memref_slice %arg17[%dma_start3A_283] : memref<65536xi32, #tpu.memory_space<vmem_shared>> -> memref<2048xi32, #tpu.memory_space<vmem_shared>>
    tpu.enqueue_dma source(%dma_start3A_284 : memref<2048xi32, #tpu.memory_space<vmem_shared>>) target(%arg19 : memref<2048xi32, #tpu.memory_space<vmem>>) target_semaphore(%arg35 : memref<!tpu.dma_semaphore, #tpu.memory_space<semaphore_mem>>)
    %dma_wait3A_285 = arith.constant 2 : i32
    %dma_wait3A_286 = arith.constant 4096 : i32
    %dma_wait3A_287 = tpu.memref_slice %arg10[%dma_wait3A_285, %add3A, %dma_wait3A_286] : memref<4x32x16384xf32, #tpu.memory_space<hbm>> -> memref<1x1x2048xf32, #tpu.memory_space<hbm>>
    %dma_wait3A_288 = tpu.memref_squeeze %dma_wait3A_287 : memref<1x1x2048xf32, #tpu.memory_space<hbm>> -> memref<2048xf32, #tpu.memory_space<hbm>>
    %dma_wait3A_289 = arith.constant 4096 : i32
    %dma_wait3A_290 = tpu.memref_slice %arg10[%dma_wait3A_285, %add3A, %dma_wait3A_289] : memref<4x32x16384xf32, #tpu.memory_space<hbm>> -> memref<1x1x2048xf32, #tpu.memory_space<hbm>>
    %dma_wait3A_291 = tpu.memref_squeeze %dma_wait3A_290 : memref<1x1x2048xf32, #tpu.memory_space<hbm>> -> memref<2048xf32, #tpu.memory_space<hbm>>
    tpu.wait_dma2 semaphore(%arg39 : memref<!tpu.dma_semaphore, #tpu.memory_space<semaphore_mem>>) src(%arg23 : memref<2048xf32, #tpu.memory_space<vmem>>) dst(%dma_wait3A_291 : memref<2048xf32, #tpu.memory_space<hbm>>)
    %dma_wait3A_292 = arith.constant 40960 : i32
    %dma_wait3A_293 = tpu.memref_slice %arg17[%dma_wait3A_292] : memref<65536xi32, #tpu.memory_space<vmem_shared>> -> memref<2048xi32, #tpu.memory_space<vmem_shared>>
    %dma_wait3A_294 = arith.constant 40960 : i32
    %dma_wait3A_295 = tpu.memref_slice %arg17[%dma_wait3A_294] : memref<65536xi32, #tpu.memory_space<vmem_shared>> -> memref<2048xi32, #tpu.memory_space<vmem_shared>>
    tpu.wait_dma2 semaphore(%arg34 : memref<!tpu.dma_semaphore, #tpu.memory_space<semaphore_mem>>) src(%dma_wait3A_295 : memref<2048xi32, #tpu.memory_space<vmem_shared>>) dst(%arg18 : memref<2048xi32, #tpu.memory_space<vmem>>)
    %scan3A_296 = arith.constant 0 : i32
    %scan3A_297 = arith.constant 0 : i32
    %scan3A_298 = arith.constant 16 : i32
    %scan3A_299 = arith.addi %scan3A_297, %scan3A_298 : i32
    %scan3A_300 = arith.constant 1 : i32
    %scan3A_301 = scf.for %scan3A_1004 = %scan3A_297 to %scan3A_299 step %scan3A_300 iter_args(%scan3A_1005 = %scan3A_296) -> (i32)  : i32 {
      %mul3A_1006 = arith.constant 128 : i32
      %mul3A_1007 = arith.muli %scan3A_1004, %mul3A_1006 : i32
      %add3A_1008 = arith.constant 0 : i32
      %add3A_1009 = arith.addi %mul3A_1007, %add3A_1008 : i32
      %get3A = arith.index_cast %add3A_1009 : i32 to index
      %get3A_1010 = tpu.vector_load %arg18[%get3A] {strides = array<i32>} : memref<2048xi32, #tpu.memory_space<vmem>>, vector<16xi32>,
      %gather3A = tpu.vector_load_idx %arg12[%get3A_1010] : memref<1000xf32, #tpu.memory_space<vmem>>[vector<16xi32>], vector<16xf32>,
      %add3A_1011 = arith.constant 0 : i32
      %add3A_1012 = arith.addi %mul3A_1007, %add3A_1011 : i32
      %swap3A = arith.index_cast %add3A_1012 : i32 to index
      %swap3A_1013 = tpu.vector_load %arg23[%swap3A] {strides = array<i32>} : memref<2048xf32, #tpu.memory_space<vmem>>, vector<16xf32>,
      tpu.vector_store %arg23[%swap3A], %gather3A {strides = array<i32>} : memref<2048xf32, #tpu.memory_space<vmem>>, vector<16xf32>,
      %add3A_1014 = arith.constant 16 : i32
      %add3A_1015 = arith.addi %mul3A_1007, %add3A_1014 : i32
      %get3A_1016 = arith.index_cast %add3A_1015 : i32 to index
      %get3A_1017 = tpu.vector_load %arg18[%get3A_1016] {strides = array<i32>} : memref<2048xi32, #tpu.memory_space<vmem>>, vector<16xi32>,
      %gather3A_1018 = tpu.vector_load_idx %arg12[%get3A_1017] : memref<1000xf32, #tpu.memory_space<vmem>>[vector<16xi32>], vector<16xf32>,
      %add3A_1019 = arith.constant 16 : i32
      %add3A_1020 = arith.addi %mul3A_1007, %add3A_1019 : i32
      %swap3A_1021 = arith.index_cast %add3A_1020 : i32 to index
      %swap3A_1022 = tpu.vector_load %arg23[%swap3A_1021] {strides = array<i32>} : memref<2048xf32, #tpu.memory_space<vmem>>, vector<16xf32>,
      tpu.vector_store %arg23[%swap3A_1021], %gather3A_1018 {strides = array<i32>} : memref<2048xf32, #tpu.memory_space<vmem>>, vector<16xf32>,
      %add3A_1023 = arith.constant 32 : i32
      %add3A_1024 = arith.addi %mul3A_1007, %add3A_1023 : i32
      %get3A_1025 = arith.index_cast %add3A_1024 : i32 to index
      %get3A_1026 = tpu.vector_load %arg18[%get3A_1025] {strides = array<i32>} : memref<2048xi32, #tpu.memory_space<vmem>>, vector<16xi32>,
      %gather3A_1027 = tpu.vector_load_idx %arg12[%get3A_1026] : memref<1000xf32, #tpu.memory_space<vmem>>[vector<16xi32>], vector<16xf32>,
      %add3A_1028 = arith.constant 32 : i32
      %add3A_1029 = arith.addi %mul3A_1007, %add3A_1028 : i32
      %swap3A_1030 = arith.index_cast %add3A_1029 : i32 to index
      %swap3A_1031 = tpu.vector_load %arg23[%swap3A_1030] {strides = array<i32>} : memref<2048xf32, #tpu.memory_space<vmem>>, vector<16xf32>,
      tpu.vector_store %arg23[%swap3A_1030], %gather3A_1027 {strides = array<i32>} : memref<2048xf32, #tpu.memory_space<vmem>>, vector<16xf32>,
      %add3A_1032 = arith.constant 48 : i32
      %add3A_1033 = arith.addi %mul3A_1007, %add3A_1032 : i32
      %get3A_1034 = arith.index_cast %add3A_1033 : i32 to index
      %get3A_1035 = tpu.vector_load %arg18[%get3A_1034] {strides = array<i32>} : memref<2048xi32, #tpu.memory_space<vmem>>, vector<16xi32>,
      %gather3A_1036 = tpu.vector_load_idx %arg12[%get3A_1035] : memref<1000xf32, #tpu.memory_space<vmem>>[vector<16xi32>], vector<16xf32>,
      %add3A_1037 = arith.constant 48 : i32
      %add3A_1038 = arith.addi %mul3A_1007, %add3A_1037 : i32
      %swap3A_1039 = arith.index_cast %add3A_1038 : i32 to index
      %swap3A_1040 = tpu.vector_load %arg23[%swap3A_1039] {strides = array<i32>} : memref<2048xf32, #tpu.memory_space<vmem>>, vector<16xf32>,
      tpu.vector_store %arg23[%swap3A_1039], %gather3A_1036 {strides = array<i32>} : memref<2048xf32, #tpu.memory_space<vmem>>, vector<16xf32>,
      %add3A_1041 = arith.constant 64 : i32
      %add3A_1042 = arith.addi %mul3A_1007, %add3A_1041 : i32
      %get3A_1043 = arith.index_cast %add3A_1042 : i32 to index
      %get3A_1044 = tpu.vector_load %arg18[%get3A_1043] {strides = array<i32>} : memref<2048xi32, #tpu.memory_space<vmem>>, vector<16xi32>,
      %gather3A_1045 = tpu.vector_load_idx %arg12[%get3A_1044] : memref<1000xf32, #tpu.memory_space<vmem>>[vector<16xi32>], vector<16xf32>,
      %add3A_1046 = arith.constant 64 : i32
      %add3A_1047 = arith.addi %mul3A_1007, %add3A_1046 : i32
      %swap3A_1048 = arith.index_cast %add3A_1047 : i32 to index
      %swap3A_1049 = tpu.vector_load %arg23[%swap3A_1048] {strides = array<i32>} : memref<2048xf32, #tpu.memory_space<vmem>>, vector<16xf32>,
      tpu.vector_store %arg23[%swap3A_1048], %gather3A_1045 {strides = array<i32>} : memref<2048xf32, #tpu.memory_space<vmem>>, vector<16xf32>,
      %add3A_1050 = arith.constant 80 : i32
      %add3A_1051 = arith.addi %mul3A_1007, %add3A_1050 : i32
      %get3A_1052 = arith.index_cast %add3A_1051 : i32 to index
      %get3A_1053 = tpu.vector_load %arg18[%get3A_1052] {strides = array<i32>} : memref<2048xi32, #tpu.memory_space<vmem>>, vector<16xi32>,
      %gather3A_1054 = tpu.vector_load_idx %arg12[%get3A_1053] : memref<1000xf32, #tpu.memory_space<vmem>>[vector<16xi32>], vector<16xf32>,
      %add3A_1055 = arith.constant 80 : i32
      %add3A_1056 = arith.addi %mul3A_1007, %add3A_1055 : i32
      %swap3A_1057 = arith.index_cast %add3A_1056 : i32 to index
      %swap3A_1058 = tpu.vector_load %arg23[%swap3A_1057] {strides = array<i32>} : memref<2048xf32, #tpu.memory_space<vmem>>, vector<16xf32>,
      tpu.vector_store %arg23[%swap3A_1057], %gather3A_1054 {strides = array<i32>} : memref<2048xf32, #tpu.memory_space<vmem>>, vector<16xf32>,
      %add3A_1059 = arith.constant 96 : i32
      %add3A_1060 = arith.addi %mul3A_1007, %add3A_1059 : i32
      %get3A_1061 = arith.index_cast %add3A_1060 : i32 to index
      %get3A_1062 = tpu.vector_load %arg18[%get3A_1061] {strides = array<i32>} : memref<2048xi32, #tpu.memory_space<vmem>>, vector<16xi32>,
      %gather3A_1063 = tpu.vector_load_idx %arg12[%get3A_1062] : memref<1000xf32, #tpu.memory_space<vmem>>[vector<16xi32>], vector<16xf32>,
      %add3A_1064 = arith.constant 96 : i32
      %add3A_1065 = arith.addi %mul3A_1007, %add3A_1064 : i32
      %swap3A_1066 = arith.index_cast %add3A_1065 : i32 to index
      %swap3A_1067 = tpu.vector_load %arg23[%swap3A_1066] {strides = array<i32>} : memref<2048xf32, #tpu.memory_space<vmem>>, vector<16xf32>,
      tpu.vector_store %arg23[%swap3A_1066], %gather3A_1063 {strides = array<i32>} : memref<2048xf32, #tpu.memory_space<vmem>>, vector<16xf32>,
      %add3A_1068 = arith.constant 112 : i32
      %add3A_1069 = arith.addi %mul3A_1007, %add3A_1068 : i32
      %get3A_1070 = arith.index_cast %add3A_1069 : i32 to index
      %get3A_1071 = tpu.vector_load %arg18[%get3A_1070] {strides = array<i32>} : memref<2048xi32, #tpu.memory_space<vmem>>, vector<16xi32>,
      %gather3A_1072 = tpu.vector_load_idx %arg12[%get3A_1071] : memref<1000xf32, #tpu.memory_space<vmem>>[vector<16xi32>], vector<16xf32>,
      %add3A_1073 = arith.constant 112 : i32
      %add3A_1074 = arith.addi %mul3A_1007, %add3A_1073 : i32
      %swap3A_1075 = arith.index_cast %add3A_1074 : i32 to index
      %swap3A_1076 = tpu.vector_load %arg23[%swap3A_1075] {strides = array<i32>} : memref<2048xf32, #tpu.memory_space<vmem>>, vector<16xf32>,
      tpu.vector_store %arg23[%swap3A_1075], %gather3A_1072 {strides = array<i32>} : memref<2048xf32, #tpu.memory_space<vmem>>, vector<16xf32>,
      %scan3A_1077 = arith.constant 0 : i32
      scf.yield %scan3A_1077 : i32
    }
    %scan3A_302 = arith.constant 16 : i32
    %dma_start3A_303 = arith.constant 2 : i32
    %dma_start3A_304 = arith.constant 8192 : i32
    %dma_start3A_305 = tpu.memref_slice %arg10[%dma_start3A_303, %add3A, %dma_start3A_304] : memref<4x32x16384xf32, #tpu.memory_space<hbm>> -> memref<1x1x2048xf32, #tpu.memory_space<hbm>>
    %dma_start3A_306 = tpu.memref_squeeze %dma_start3A_305 : memref<1x1x2048xf32, #tpu.memory_space<hbm>> -> memref<2048xf32, #tpu.memory_space<hbm>>
    %dma_start3A_307 = arith.constant 8192 : i32
    %dma_start3A_308 = tpu.memref_slice %arg10[%dma_start3A_303, %add3A, %dma_start3A_307] : memref<4x32x16384xf32, #tpu.memory_space<hbm>> -> memref<1x1x2048xf32, #tpu.memory_space<hbm>>
    %dma_start3A_309 = tpu.memref_squeeze %dma_start3A_308 : memref<1x1x2048xf32, #tpu.memory_space<hbm>> -> memref<2048xf32, #tpu.memory_space<hbm>>
    tpu.enqueue_dma source(%arg23 : memref<2048xf32, #tpu.memory_space<vmem>>) target(%dma_start3A_309 : memref<2048xf32, #tpu.memory_space<hbm>>) target_semaphore(%arg39 : memref<!tpu.dma_semaphore, #tpu.memory_space<semaphore_mem>>)
    %dma_start3A_310 = arith.constant 12288 : i32
    %dma_start3A_311 = tpu.memref_slice %arg17[%dma_start3A_310] : memref<65536xi32, #tpu.memory_space<vmem_shared>> -> memref<2048xi32, #tpu.memory_space<vmem_shared>>
    %dma_start3A_312 = arith.constant 12288 : i32
    %dma_start3A_313 = tpu.memref_slice %arg17[%dma_start3A_312] : memref<65536xi32, #tpu.memory_space<vmem_shared>> -> memref<2048xi32, #tpu.memory_space<vmem_shared>>
    tpu.enqueue_dma source(%dma_start3A_313 : memref<2048xi32, #tpu.memory_space<vmem_shared>>) target(%arg20 : memref<2048xi32, #tpu.memory_space<vmem>>) target_semaphore(%arg36 : memref<!tpu.dma_semaphore, #tpu.memory_space<semaphore_mem>>)
    %dma_wait3A_314 = arith.constant 0 : i32
    %dma_wait3A_315 = arith.constant 4096 : i32
    %dma_wait3A_316 = tpu.memref_slice %arg10[%dma_wait3A_314, %add3A, %dma_wait3A_315] : memref<4x32x16384xf32, #tpu.memory_space<hbm>> -> memref<1x1x2048xf32, #tpu.memory_space<hbm>>
    %dma_wait3A_317 = tpu.memref_squeeze %dma_wait3A_316 : memref<1x1x2048xf32, #tpu.memory_space<hbm>> -> memref<2048xf32, #tpu.memory_space<hbm>>
    %dma_wait3A_318 = arith.constant 4096 : i32
    %dma_wait3A_319 = tpu.memref_slice %arg10[%dma_wait3A_314, %add3A, %dma_wait3A_318] : memref<4x32x16384xf32, #tpu.memory_space<hbm>> -> memref<1x1x2048xf32, #tpu.memory_space<hbm>>
    %dma_wait3A_320 = tpu.memref_squeeze %dma_wait3A_319 : memref<1x1x2048xf32, #tpu.memory_space<hbm>> -> memref<2048xf32, #tpu.memory_space<hbm>>
    tpu.wait_dma2 semaphore(%arg43 : memref<!tpu.dma_semaphore, #tpu.memory_space<semaphore_mem>>) src(%arg27 : memref<2048xf32, #tpu.memory_space<vmem>>) dst(%dma_wait3A_320 : memref<2048xf32, #tpu.memory_space<hbm>>)
    %dma_wait3A_321 = arith.constant 10240 : i32
    %dma_wait3A_322 = tpu.memref_slice %arg17[%dma_wait3A_321] : memref<65536xi32, #tpu.memory_space<vmem_shared>> -> memref<2048xi32, #tpu.memory_space<vmem_shared>>
    %dma_wait3A_323 = arith.constant 10240 : i32
    %dma_wait3A_324 = tpu.memref_slice %arg17[%dma_wait3A_323] : memref<65536xi32, #tpu.memory_space<vmem_shared>> -> memref<2048xi32, #tpu.memory_space<vmem_shared>>
    tpu.wait_dma2 semaphore(%arg38 : memref<!tpu.dma_semaphore, #tpu.memory_space<semaphore_mem>>) src(%dma_wait3A_324 : memref<2048xi32, #tpu.memory_space<vmem_shared>>) dst(%arg22 : memref<2048xi32, #tpu.memory_space<vmem>>)
    %mul3A_325 = arith.constant 1000 : i32
    %mul3A_326 = arith.muli %arg1, %mul3A_325 : i32
    %dma_start3A_327 = tpu.memref_slice %arg15[%mul3A_326] : memref<16000xf32, #tpu.memory_space<vmem_shared>> -> memref<1000xf32, #tpu.memory_space<vmem_shared>>
    %dma_start3A_328 = arith.constant 0 : i32
    %dma_start3A_329 = tpu.memref_slice %dma_start3A_327[%dma_start3A_328] : memref<1000xf32, #tpu.memory_space<vmem_shared>> -> memref<1000xf32, #tpu.memory_space<vmem_shared>>
    tpu.enqueue_indirect_dma source(%dma_start3A_329 : memref<1000xf32, #tpu.memory_space<vmem_shared>>) target(%arg27 : memref<2048xf32, #tpu.memory_space<vmem>>) offsets(%arg22 : memref<2048xi32, #tpu.memory_space<vmem>>) semaphore(%arg46 : memref<!tpu.dma_semaphore, #tpu.memory_space<semaphore_mem>>)
    %dma_wait3A_330 = tpu.memref_slice %arg15[%mul3A_267] : memref<16000xf32, #tpu.memory_space<vmem_shared>> -> memref<1000xf32, #tpu.memory_space<vmem_shared>>
    %dma_wait3A_331 = arith.constant 0 : i32
    %dma_wait3A_332 = tpu.memref_slice %dma_wait3A_330[%dma_wait3A_331] : memref<1000xf32, #tpu.memory_space<vmem_shared>> -> memref<1000xf32, #tpu.memory_space<vmem_shared>>
    tpu.wait_indirect_dma semaphore(%arg45 : memref<!tpu.dma_semaphore, #tpu.memory_space<semaphore_mem>>) src(%dma_wait3A_332 : memref<1000xf32, #tpu.memory_space<vmem_shared>>) dst(%arg26 : memref<2048xf32, #tpu.memory_space<vmem>>)
    %dma_start3A_333 = arith.constant 0 : i32
    %dma_start3A_334 = arith.constant 8192 : i32
    %dma_start3A_335 = tpu.memref_slice %arg10[%dma_start3A_333, %add3A, %dma_start3A_334] : memref<4x32x16384xf32, #tpu.memory_space<hbm>> -> memref<1x1x2048xf32, #tpu.memory_space<hbm>>
    %dma_start3A_336 = tpu.memref_squeeze %dma_start3A_335 : memref<1x1x2048xf32, #tpu.memory_space<hbm>> -> memref<2048xf32, #tpu.memory_space<hbm>>
    %dma_start3A_337 = arith.constant 8192 : i32
    %dma_start3A_338 = tpu.memref_slice %arg10[%dma_start3A_333, %add3A, %dma_start3A_337] : memref<4x32x16384xf32, #tpu.memory_space<hbm>> -> memref<1x1x2048xf32, #tpu.memory_space<hbm>>
    %dma_start3A_339 = tpu.memref_squeeze %dma_start3A_338 : memref<1x1x2048xf32, #tpu.memory_space<hbm>> -> memref<2048xf32, #tpu.memory_space<hbm>>
    tpu.enqueue_dma source(%arg26 : memref<2048xf32, #tpu.memory_space<vmem>>) target(%dma_start3A_339 : memref<2048xf32, #tpu.memory_space<hbm>>) target_semaphore(%arg42 : memref<!tpu.dma_semaphore, #tpu.memory_space<semaphore_mem>>)
    %dma_start3A_340 = arith.constant 45056 : i32
    %dma_start3A_341 = tpu.memref_slice %arg17[%dma_start3A_340] : memref<65536xi32, #tpu.memory_space<vmem_shared>> -> memref<2048xi32, #tpu.memory_space<vmem_shared>>
    %dma_start3A_342 = arith.constant 45056 : i32
    %dma_start3A_343 = tpu.memref_slice %arg17[%dma_start3A_342] : memref<65536xi32, #tpu.memory_space<vmem_shared>> -> memref<2048xi32, #tpu.memory_space<vmem_shared>>
    tpu.enqueue_dma source(%dma_start3A_343 : memref<2048xi32, #tpu.memory_space<vmem_shared>>) target(%arg18 : memref<2048xi32, #tpu.memory_space<vmem>>) target_semaphore(%arg34 : memref<!tpu.dma_semaphore, #tpu.memory_space<semaphore_mem>>)
    %dma_wait3A_344 = arith.constant 2 : i32
    %dma_wait3A_345 = arith.constant 6144 : i32
    %dma_wait3A_346 = tpu.memref_slice %arg10[%dma_wait3A_344, %add3A, %dma_wait3A_345] : memref<4x32x16384xf32, #tpu.memory_space<hbm>> -> memref<1x1x2048xf32, #tpu.memory_space<hbm>>
    %dma_wait3A_347 = tpu.memref_squeeze %dma_wait3A_346 : memref<1x1x2048xf32, #tpu.memory_space<hbm>> -> memref<2048xf32, #tpu.memory_space<hbm>>
    %dma_wait3A_348 = arith.constant 6144 : i32
    %dma_wait3A_349 = tpu.memref_slice %arg10[%dma_wait3A_344, %add3A, %dma_wait3A_348] : memref<4x32x16384xf32, #tpu.memory_space<hbm>> -> memref<1x1x2048xf32, #tpu.memory_space<hbm>>
    %dma_wait3A_350 = tpu.memref_squeeze %dma_wait3A_349 : memref<1x1x2048xf32, #tpu.memory_space<hbm>> -> memref<2048xf32, #tpu.memory_space<hbm>>
    tpu.wait_dma2 semaphore(%arg40 : memref<!tpu.dma_semaphore, #tpu.memory_space<semaphore_mem>>) src(%arg24 : memref<2048xf32, #tpu.memory_space<vmem>>) dst(%dma_wait3A_350 : memref<2048xf32, #tpu.memory_space<hbm>>)
    %dma_wait3A_351 = arith.constant 43008 : i32
    %dma_wait3A_352 = tpu.memref_slice %arg17[%dma_wait3A_351] : memref<65536xi32, #tpu.memory_space<vmem_shared>> -> memref<2048xi32, #tpu.memory_space<vmem_shared>>
    %dma_wait3A_353 = arith.constant 43008 : i32
    %dma_wait3A_354 = tpu.memref_slice %arg17[%dma_wait3A_353] : memref<65536xi32, #tpu.memory_space<vmem_shared>> -> memref<2048xi32, #tpu.memory_space<vmem_shared>>
    tpu.wait_dma2 semaphore(%arg35 : memref<!tpu.dma_semaphore, #tpu.memory_space<semaphore_mem>>) src(%dma_wait3A_354 : memref<2048xi32, #tpu.memory_space<vmem_shared>>) dst(%arg19 : memref<2048xi32, #tpu.memory_space<vmem>>)
    %scan3A_355 = arith.constant 0 : i32
    %scan3A_356 = arith.constant 0 : i32
    %scan3A_357 = arith.constant 16 : i32
    %scan3A_358 = arith.addi %scan3A_356, %scan3A_357 : i32
    %scan3A_359 = arith.constant 1 : i32
    %scan3A_360 = scf.for %scan3A_1004 = %scan3A_356 to %scan3A_358 step %scan3A_359 iter_args(%scan3A_1005 = %scan3A_355) -> (i32)  : i32 {
      %mul3A_1006 = arith.constant 128 : i32
      %mul3A_1007 = arith.muli %scan3A_1004, %mul3A_1006 : i32
      %add3A_1008 = arith.constant 0 : i32
      %add3A_1009 = arith.addi %mul3A_1007, %add3A_1008 : i32
      %get3A = arith.index_cast %add3A_1009 : i32 to index
      %get3A_1010 = tpu.vector_load %arg19[%get3A] {strides = array<i32>} : memref<2048xi32, #tpu.memory_space<vmem>>, vector<16xi32>,
      %gather3A = tpu.vector_load_idx %arg12[%get3A_1010] : memref<1000xf32, #tpu.memory_space<vmem>>[vector<16xi32>], vector<16xf32>,
      %add3A_1011 = arith.constant 0 : i32
      %add3A_1012 = arith.addi %mul3A_1007, %add3A_1011 : i32
      %swap3A = arith.index_cast %add3A_1012 : i32 to index
      %swap3A_1013 = tpu.vector_load %arg24[%swap3A] {strides = array<i32>} : memref<2048xf32, #tpu.memory_space<vmem>>, vector<16xf32>,
      tpu.vector_store %arg24[%swap3A], %gather3A {strides = array<i32>} : memref<2048xf32, #tpu.memory_space<vmem>>, vector<16xf32>,
      %add3A_1014 = arith.constant 16 : i32
      %add3A_1015 = arith.addi %mul3A_1007, %add3A_1014 : i32
      %get3A_1016 = arith.index_cast %add3A_1015 : i32 to index
      %get3A_1017 = tpu.vector_load %arg19[%get3A_1016] {strides = array<i32>} : memref<2048xi32, #tpu.memory_space<vmem>>, vector<16xi32>,
      %gather3A_1018 = tpu.vector_load_idx %arg12[%get3A_1017] : memref<1000xf32, #tpu.memory_space<vmem>>[vector<16xi32>], vector<16xf32>,
      %add3A_1019 = arith.constant 16 : i32
      %add3A_1020 = arith.addi %mul3A_1007, %add3A_1019 : i32
      %swap3A_1021 = arith.index_cast %add3A_1020 : i32 to index
      %swap3A_1022 = tpu.vector_load %arg24[%swap3A_1021] {strides = array<i32>} : memref<2048xf32, #tpu.memory_space<vmem>>, vector<16xf32>,
      tpu.vector_store %arg24[%swap3A_1021], %gather3A_1018 {strides = array<i32>} : memref<2048xf32, #tpu.memory_space<vmem>>, vector<16xf32>,
      %add3A_1023 = arith.constant 32 : i32
      %add3A_1024 = arith.addi %mul3A_1007, %add3A_1023 : i32
      %get3A_1025 = arith.index_cast %add3A_1024 : i32 to index
      %get3A_1026 = tpu.vector_load %arg19[%get3A_1025] {strides = array<i32>} : memref<2048xi32, #tpu.memory_space<vmem>>, vector<16xi32>,
      %gather3A_1027 = tpu.vector_load_idx %arg12[%get3A_1026] : memref<1000xf32, #tpu.memory_space<vmem>>[vector<16xi32>], vector<16xf32>,
      %add3A_1028 = arith.constant 32 : i32
      %add3A_1029 = arith.addi %mul3A_1007, %add3A_1028 : i32
      %swap3A_1030 = arith.index_cast %add3A_1029 : i32 to index
      %swap3A_1031 = tpu.vector_load %arg24[%swap3A_1030] {strides = array<i32>} : memref<2048xf32, #tpu.memory_space<vmem>>, vector<16xf32>,
      tpu.vector_store %arg24[%swap3A_1030], %gather3A_1027 {strides = array<i32>} : memref<2048xf32, #tpu.memory_space<vmem>>, vector<16xf32>,
      %add3A_1032 = arith.constant 48 : i32
      %add3A_1033 = arith.addi %mul3A_1007, %add3A_1032 : i32
      %get3A_1034 = arith.index_cast %add3A_1033 : i32 to index
      %get3A_1035 = tpu.vector_load %arg19[%get3A_1034] {strides = array<i32>} : memref<2048xi32, #tpu.memory_space<vmem>>, vector<16xi32>,
      %gather3A_1036 = tpu.vector_load_idx %arg12[%get3A_1035] : memref<1000xf32, #tpu.memory_space<vmem>>[vector<16xi32>], vector<16xf32>,
      %add3A_1037 = arith.constant 48 : i32
      %add3A_1038 = arith.addi %mul3A_1007, %add3A_1037 : i32
      %swap3A_1039 = arith.index_cast %add3A_1038 : i32 to index
      %swap3A_1040 = tpu.vector_load %arg24[%swap3A_1039] {strides = array<i32>} : memref<2048xf32, #tpu.memory_space<vmem>>, vector<16xf32>,
      tpu.vector_store %arg24[%swap3A_1039], %gather3A_1036 {strides = array<i32>} : memref<2048xf32, #tpu.memory_space<vmem>>, vector<16xf32>,
      %add3A_1041 = arith.constant 64 : i32
      %add3A_1042 = arith.addi %mul3A_1007, %add3A_1041 : i32
      %get3A_1043 = arith.index_cast %add3A_1042 : i32 to index
      %get3A_1044 = tpu.vector_load %arg19[%get3A_1043] {strides = array<i32>} : memref<2048xi32, #tpu.memory_space<vmem>>, vector<16xi32>,
      %gather3A_1045 = tpu.vector_load_idx %arg12[%get3A_1044] : memref<1000xf32, #tpu.memory_space<vmem>>[vector<16xi32>], vector<16xf32>,
      %add3A_1046 = arith.constant 64 : i32
      %add3A_1047 = arith.addi %mul3A_1007, %add3A_1046 : i32
      %swap3A_1048 = arith.index_cast %add3A_1047 : i32 to index
      %swap3A_1049 = tpu.vector_load %arg24[%swap3A_1048] {strides = array<i32>} : memref<2048xf32, #tpu.memory_space<vmem>>, vector<16xf32>,
      tpu.vector_store %arg24[%swap3A_1048], %gather3A_1045 {strides = array<i32>} : memref<2048xf32, #tpu.memory_space<vmem>>, vector<16xf32>,
      %add3A_1050 = arith.constant 80 : i32
      %add3A_1051 = arith.addi %mul3A_1007, %add3A_1050 : i32
      %get3A_1052 = arith.index_cast %add3A_1051 : i32 to index
      %get3A_1053 = tpu.vector_load %arg19[%get3A_1052] {strides = array<i32>} : memref<2048xi32, #tpu.memory_space<vmem>>, vector<16xi32>,
      %gather3A_1054 = tpu.vector_load_idx %arg12[%get3A_1053] : memref<1000xf32, #tpu.memory_space<vmem>>[vector<16xi32>], vector<16xf32>,
      %add3A_1055 = arith.constant 80 : i32
      %add3A_1056 = arith.addi %mul3A_1007, %add3A_1055 : i32
      %swap3A_1057 = arith.index_cast %add3A_1056 : i32 to index
      %swap3A_1058 = tpu.vector_load %arg24[%swap3A_1057] {strides = array<i32>} : memref<2048xf32, #tpu.memory_space<vmem>>, vector<16xf32>,
      tpu.vector_store %arg24[%swap3A_1057], %gather3A_1054 {strides = array<i32>} : memref<2048xf32, #tpu.memory_space<vmem>>, vector<16xf32>,
      %add3A_1059 = arith.constant 96 : i32
      %add3A_1060 = arith.addi %mul3A_1007, %add3A_1059 : i32
      %get3A_1061 = arith.index_cast %add3A_1060 : i32 to index
      %get3A_1062 = tpu.vector_load %arg19[%get3A_1061] {strides = array<i32>} : memref<2048xi32, #tpu.memory_space<vmem>>, vector<16xi32>,
      %gather3A_1063 = tpu.vector_load_idx %arg12[%get3A_1062] : memref<1000xf32, #tpu.memory_space<vmem>>[vector<16xi32>], vector<16xf32>,
      %add3A_1064 = arith.constant 96 : i32
      %add3A_1065 = arith.addi %mul3A_1007, %add3A_1064 : i32
      %swap3A_1066 = arith.index_cast %add3A_1065 : i32 to index
      %swap3A_1067 = tpu.vector_load %arg24[%swap3A_1066] {strides = array<i32>} : memref<2048xf32, #tpu.memory_space<vmem>>, vector<16xf32>,
      tpu.vector_store %arg24[%swap3A_1066], %gather3A_1063 {strides = array<i32>} : memref<2048xf32, #tpu.memory_space<vmem>>, vector<16xf32>,
      %add3A_1068 = arith.constant 112 : i32
      %add3A_1069 = arith.addi %mul3A_1007, %add3A_1068 : i32
      %get3A_1070 = arith.index_cast %add3A_1069 : i32 to index
      %get3A_1071 = tpu.vector_load %arg19[%get3A_1070] {strides = array<i32>} : memref<2048xi32, #tpu.memory_space<vmem>>, vector<16xi32>,
      %gather3A_1072 = tpu.vector_load_idx %arg12[%get3A_1071] : memref<1000xf32, #tpu.memory_space<vmem>>[vector<16xi32>], vector<16xf32>,
      %add3A_1073 = arith.constant 112 : i32
      %add3A_1074 = arith.addi %mul3A_1007, %add3A_1073 : i32
      %swap3A_1075 = arith.index_cast %add3A_1074 : i32 to index
      %swap3A_1076 = tpu.vector_load %arg24[%swap3A_1075] {strides = array<i32>} : memref<2048xf32, #tpu.memory_space<vmem>>, vector<16xf32>,
      tpu.vector_store %arg24[%swap3A_1075], %gather3A_1072 {strides = array<i32>} : memref<2048xf32, #tpu.memory_space<vmem>>, vector<16xf32>,
      %scan3A_1077 = arith.constant 0 : i32
      scf.yield %scan3A_1077 : i32
    }
    %scan3A_361 = arith.constant 16 : i32
    %dma_start3A_362 = arith.constant 2 : i32
    %dma_start3A_363 = arith.constant 10240 : i32
    %dma_start3A_364 = tpu.memref_slice %arg10[%dma_start3A_362, %add3A, %dma_start3A_363] : memref<4x32x16384xf32, #tpu.memory_space<hbm>> -> memref<1x1x2048xf32, #tpu.memory_space<hbm>>
    %dma_start3A_365 = tpu.memref_squeeze %dma_start3A_364 : memref<1x1x2048xf32, #tpu.memory_space<hbm>> -> memref<2048xf32, #tpu.memory_space<hbm>>
    %dma_start3A_366 = arith.constant 10240 : i32
    %dma_start3A_367 = tpu.memref_slice %arg10[%dma_start3A_362, %add3A, %dma_start3A_366] : memref<4x32x16384xf32, #tpu.memory_space<hbm>> -> memref<1x1x2048xf32, #tpu.memory_space<hbm>>
    %dma_start3A_368 = tpu.memref_squeeze %dma_start3A_367 : memref<1x1x2048xf32, #tpu.memory_space<hbm>> -> memref<2048xf32, #tpu.memory_space<hbm>>
    tpu.enqueue_dma source(%arg24 : memref<2048xf32, #tpu.memory_space<vmem>>) target(%dma_start3A_368 : memref<2048xf32, #tpu.memory_space<hbm>>) target_semaphore(%arg40 : memref<!tpu.dma_semaphore, #tpu.memory_space<semaphore_mem>>)
    %dma_start3A_369 = arith.constant 14336 : i32
    %dma_start3A_370 = tpu.memref_slice %arg17[%dma_start3A_369] : memref<65536xi32, #tpu.memory_space<vmem_shared>> -> memref<2048xi32, #tpu.memory_space<vmem_shared>>
    %dma_start3A_371 = arith.constant 14336 : i32
    %dma_start3A_372 = tpu.memref_slice %arg17[%dma_start3A_371] : memref<65536xi32, #tpu.memory_space<vmem_shared>> -> memref<2048xi32, #tpu.memory_space<vmem_shared>>
    tpu.enqueue_dma source(%dma_start3A_372 : memref<2048xi32, #tpu.memory_space<vmem_shared>>) target(%arg21 : memref<2048xi32, #tpu.memory_space<vmem>>) target_semaphore(%arg37 : memref<!tpu.dma_semaphore, #tpu.memory_space<semaphore_mem>>)
    %dma_wait3A_373 = arith.constant 0 : i32
    %dma_wait3A_374 = arith.constant 6144 : i32
    %dma_wait3A_375 = tpu.memref_slice %arg10[%dma_wait3A_373, %add3A, %dma_wait3A_374] : memref<4x32x16384xf32, #tpu.memory_space<hbm>> -> memref<1x1x2048xf32, #tpu.memory_space<hbm>>
    %dma_wait3A_376 = tpu.memref_squeeze %dma_wait3A_375 : memref<1x1x2048xf32, #tpu.memory_space<hbm>> -> memref<2048xf32, #tpu.memory_space<hbm>>
    %dma_wait3A_377 = arith.constant 6144 : i32
    %dma_wait3A_378 = tpu.memref_slice %arg10[%dma_wait3A_373, %add3A, %dma_wait3A_377] : memref<4x32x16384xf32, #tpu.memory_space<hbm>> -> memref<1x1x2048xf32, #tpu.memory_space<hbm>>
    %dma_wait3A_379 = tpu.memref_squeeze %dma_wait3A_378 : memref<1x1x2048xf32, #tpu.memory_space<hbm>> -> memref<2048xf32, #tpu.memory_space<hbm>>
    tpu.wait_dma2 semaphore(%arg41 : memref<!tpu.dma_semaphore, #tpu.memory_space<semaphore_mem>>) src(%arg25 : memref<2048xf32, #tpu.memory_space<vmem>>) dst(%dma_wait3A_379 : memref<2048xf32, #tpu.memory_space<hbm>>)
    %dma_wait3A_380 = arith.constant 12288 : i32
    %dma_wait3A_381 = tpu.memref_slice %arg17[%dma_wait3A_380] : memref<65536xi32, #tpu.memory_space<vmem_shared>> -> memref<2048xi32, #tpu.memory_space<vmem_shared>>
    %dma_wait3A_382 = arith.constant 12288 : i32
    %dma_wait3A_383 = tpu.memref_slice %arg17[%dma_wait3A_382] : memref<65536xi32, #tpu.memory_space<vmem_shared>> -> memref<2048xi32, #tpu.memory_space<vmem_shared>>
    tpu.wait_dma2 semaphore(%arg36 : memref<!tpu.dma_semaphore, #tpu.memory_space<semaphore_mem>>) src(%dma_wait3A_383 : memref<2048xi32, #tpu.memory_space<vmem_shared>>) dst(%arg20 : memref<2048xi32, #tpu.memory_space<vmem>>)
    %mul3A_384 = arith.constant 1000 : i32
    %mul3A_385 = arith.muli %arg1, %mul3A_384 : i32
    %dma_start3A_386 = tpu.memref_slice %arg15[%mul3A_385] : memref<16000xf32, #tpu.memory_space<vmem_shared>> -> memref<1000xf32, #tpu.memory_space<vmem_shared>>
    %dma_start3A_387 = arith.constant 0 : i32
    %dma_start3A_388 = tpu.memref_slice %dma_start3A_386[%dma_start3A_387] : memref<1000xf32, #tpu.memory_space<vmem_shared>> -> memref<1000xf32, #tpu.memory_space<vmem_shared>>
    tpu.enqueue_indirect_dma source(%dma_start3A_388 : memref<1000xf32, #tpu.memory_space<vmem_shared>>) target(%arg25 : memref<2048xf32, #tpu.memory_space<vmem>>) offsets(%arg20 : memref<2048xi32, #tpu.memory_space<vmem>>) semaphore(%arg44 : memref<!tpu.dma_semaphore, #tpu.memory_space<semaphore_mem>>)
    %dma_wait3A_389 = tpu.memref_slice %arg15[%mul3A_326] : memref<16000xf32, #tpu.memory_space<vmem_shared>> -> memref<1000xf32, #tpu.memory_space<vmem_shared>>
    %dma_wait3A_390 = arith.constant 0 : i32
    %dma_wait3A_391 = tpu.memref_slice %dma_wait3A_389[%dma_wait3A_390] : memref<1000xf32, #tpu.memory_space<vmem_shared>> -> memref<1000xf32, #tpu.memory_space<vmem_shared>>
    tpu.wait_indirect_dma semaphore(%arg46 : memref<!tpu.dma_semaphore, #tpu.memory_space<semaphore_mem>>) src(%dma_wait3A_391 : memref<1000xf32, #tpu.memory_space<vmem_shared>>) dst(%arg27 : memref<2048xf32, #tpu.memory_space<vmem>>)
    %dma_start3A_392 = arith.constant 0 : i32
    %dma_start3A_393 = arith.constant 10240 : i32
    %dma_start3A_394 = tpu.memref_slice %arg10[%dma_start3A_392, %add3A, %dma_start3A_393] : memref<4x32x16384xf32, #tpu.memory_space<hbm>> -> memref<1x1x2048xf32, #tpu.memory_space<hbm>>
    %dma_start3A_395 = tpu.memref_squeeze %dma_start3A_394 : memref<1x1x2048xf32, #tpu.memory_space<hbm>> -> memref<2048xf32, #tpu.memory_space<hbm>>
    %dma_start3A_396 = arith.constant 10240 : i32
    %dma_start3A_397 = tpu.memref_slice %arg10[%dma_start3A_392, %add3A, %dma_start3A_396] : memref<4x32x16384xf32, #tpu.memory_space<hbm>> -> memref<1x1x2048xf32, #tpu.memory_space<hbm>>
    %dma_start3A_398 = tpu.memref_squeeze %dma_start3A_397 : memref<1x1x2048xf32, #tpu.memory_space<hbm>> -> memref<2048xf32, #tpu.memory_space<hbm>>
    tpu.enqueue_dma source(%arg27 : memref<2048xf32, #tpu.memory_space<vmem>>) target(%dma_start3A_398 : memref<2048xf32, #tpu.memory_space<hbm>>) target_semaphore(%arg43 : memref<!tpu.dma_semaphore, #tpu.memory_space<semaphore_mem>>)
    %dma_start3A_399 = arith.constant 47104 : i32
    %dma_start3A_400 = tpu.memref_slice %arg17[%dma_start3A_399] : memref<65536xi32, #tpu.memory_space<vmem_shared>> -> memref<2048xi32, #tpu.memory_space<vmem_shared>>
    %dma_start3A_401 = arith.constant 47104 : i32
    %dma_start3A_402 = tpu.memref_slice %arg17[%dma_start3A_401] : memref<65536xi32, #tpu.memory_space<vmem_shared>> -> memref<2048xi32, #tpu.memory_space<vmem_shared>>
    tpu.enqueue_dma source(%dma_start3A_402 : memref<2048xi32, #tpu.memory_space<vmem_shared>>) target(%arg19 : memref<2048xi32, #tpu.memory_space<vmem>>) target_semaphore(%arg35 : memref<!tpu.dma_semaphore, #tpu.memory_space<semaphore_mem>>)
    %dma_wait3A_403 = arith.constant 2 : i32
    %dma_wait3A_404 = arith.constant 8192 : i32
    %dma_wait3A_405 = tpu.memref_slice %arg10[%dma_wait3A_403, %add3A, %dma_wait3A_404] : memref<4x32x16384xf32, #tpu.memory_space<hbm>> -> memref<1x1x2048xf32, #tpu.memory_space<hbm>>
    %dma_wait3A_406 = tpu.memref_squeeze %dma_wait3A_405 : memref<1x1x2048xf32, #tpu.memory_space<hbm>> -> memref<2048xf32, #tpu.memory_space<hbm>>
    %dma_wait3A_407 = arith.constant 8192 : i32
    %dma_wait3A_408 = tpu.memref_slice %arg10[%dma_wait3A_403, %add3A, %dma_wait3A_407] : memref<4x32x16384xf32, #tpu.memory_space<hbm>> -> memref<1x1x2048xf32, #tpu.memory_space<hbm>>
    %dma_wait3A_409 = tpu.memref_squeeze %dma_wait3A_408 : memref<1x1x2048xf32, #tpu.memory_space<hbm>> -> memref<2048xf32, #tpu.memory_space<hbm>>
    tpu.wait_dma2 semaphore(%arg39 : memref<!tpu.dma_semaphore, #tpu.memory_space<semaphore_mem>>) src(%arg23 : memref<2048xf32, #tpu.memory_space<vmem>>) dst(%dma_wait3A_409 : memref<2048xf32, #tpu.memory_space<hbm>>)
    %dma_wait3A_410 = arith.constant 45056 : i32
    %dma_wait3A_411 = tpu.memref_slice %arg17[%dma_wait3A_410] : memref<65536xi32, #tpu.memory_space<vmem_shared>> -> memref<2048xi32, #tpu.memory_space<vmem_shared>>
    %dma_wait3A_412 = arith.constant 45056 : i32
    %dma_wait3A_413 = tpu.memref_slice %arg17[%dma_wait3A_412] : memref<65536xi32, #tpu.memory_space<vmem_shared>> -> memref<2048xi32, #tpu.memory_space<vmem_shared>>
    tpu.wait_dma2 semaphore(%arg34 : memref<!tpu.dma_semaphore, #tpu.memory_space<semaphore_mem>>) src(%dma_wait3A_413 : memref<2048xi32, #tpu.memory_space<vmem_shared>>) dst(%arg18 : memref<2048xi32, #tpu.memory_space<vmem>>)
    %scan3A_414 = arith.constant 0 : i32
    %scan3A_415 = arith.constant 0 : i32
    %scan3A_416 = arith.constant 16 : i32
    %scan3A_417 = arith.addi %scan3A_415, %scan3A_416 : i32
    %scan3A_418 = arith.constant 1 : i32
    %scan3A_419 = scf.for %scan3A_1004 = %scan3A_415 to %scan3A_417 step %scan3A_418 iter_args(%scan3A_1005 = %scan3A_414) -> (i32)  : i32 {
      %mul3A_1006 = arith.constant 128 : i32
      %mul3A_1007 = arith.muli %scan3A_1004, %mul3A_1006 : i32
      %add3A_1008 = arith.constant 0 : i32
      %add3A_1009 = arith.addi %mul3A_1007, %add3A_1008 : i32
      %get3A = arith.index_cast %add3A_1009 : i32 to index
      %get3A_1010 = tpu.vector_load %arg18[%get3A] {strides = array<i32>} : memref<2048xi32, #tpu.memory_space<vmem>>, vector<16xi32>,
      %gather3A = tpu.vector_load_idx %arg12[%get3A_1010] : memref<1000xf32, #tpu.memory_space<vmem>>[vector<16xi32>], vector<16xf32>,
      %add3A_1011 = arith.constant 0 : i32
      %add3A_1012 = arith.addi %mul3A_1007, %add3A_1011 : i32
      %swap3A = arith.index_cast %add3A_1012 : i32 to index
      %swap3A_1013 = tpu.vector_load %arg23[%swap3A] {strides = array<i32>} : memref<2048xf32, #tpu.memory_space<vmem>>, vector<16xf32>,
      tpu.vector_store %arg23[%swap3A], %gather3A {strides = array<i32>} : memref<2048xf32, #tpu.memory_space<vmem>>, vector<16xf32>,
      %add3A_1014 = arith.constant 16 : i32
      %add3A_1015 = arith.addi %mul3A_1007, %add3A_1014 : i32
      %get3A_1016 = arith.index_cast %add3A_1015 : i32 to index
      %get3A_1017 = tpu.vector_load %arg18[%get3A_1016] {strides = array<i32>} : memref<2048xi32, #tpu.memory_space<vmem>>, vector<16xi32>,
      %gather3A_1018 = tpu.vector_load_idx %arg12[%get3A_1017] : memref<1000xf32, #tpu.memory_space<vmem>>[vector<16xi32>], vector<16xf32>,
      %add3A_1019 = arith.constant 16 : i32
      %add3A_1020 = arith.addi %mul3A_1007, %add3A_1019 : i32
      %swap3A_1021 = arith.index_cast %add3A_1020 : i32 to index
      %swap3A_1022 = tpu.vector_load %arg23[%swap3A_1021] {strides = array<i32>} : memref<2048xf32, #tpu.memory_space<vmem>>, vector<16xf32>,
      tpu.vector_store %arg23[%swap3A_1021], %gather3A_1018 {strides = array<i32>} : memref<2048xf32, #tpu.memory_space<vmem>>, vector<16xf32>,
      %add3A_1023 = arith.constant 32 : i32
      %add3A_1024 = arith.addi %mul3A_1007, %add3A_1023 : i32
      %get3A_1025 = arith.index_cast %add3A_1024 : i32 to index
      %get3A_1026 = tpu.vector_load %arg18[%get3A_1025] {strides = array<i32>} : memref<2048xi32, #tpu.memory_space<vmem>>, vector<16xi32>,
      %gather3A_1027 = tpu.vector_load_idx %arg12[%get3A_1026] : memref<1000xf32, #tpu.memory_space<vmem>>[vector<16xi32>], vector<16xf32>,
      %add3A_1028 = arith.constant 32 : i32
      %add3A_1029 = arith.addi %mul3A_1007, %add3A_1028 : i32
      %swap3A_1030 = arith.index_cast %add3A_1029 : i32 to index
      %swap3A_1031 = tpu.vector_load %arg23[%swap3A_1030] {strides = array<i32>} : memref<2048xf32, #tpu.memory_space<vmem>>, vector<16xf32>,
      tpu.vector_store %arg23[%swap3A_1030], %gather3A_1027 {strides = array<i32>} : memref<2048xf32, #tpu.memory_space<vmem>>, vector<16xf32>,
      %add3A_1032 = arith.constant 48 : i32
      %add3A_1033 = arith.addi %mul3A_1007, %add3A_1032 : i32
      %get3A_1034 = arith.index_cast %add3A_1033 : i32 to index
      %get3A_1035 = tpu.vector_load %arg18[%get3A_1034] {strides = array<i32>} : memref<2048xi32, #tpu.memory_space<vmem>>, vector<16xi32>,
      %gather3A_1036 = tpu.vector_load_idx %arg12[%get3A_1035] : memref<1000xf32, #tpu.memory_space<vmem>>[vector<16xi32>], vector<16xf32>,
      %add3A_1037 = arith.constant 48 : i32
      %add3A_1038 = arith.addi %mul3A_1007, %add3A_1037 : i32
      %swap3A_1039 = arith.index_cast %add3A_1038 : i32 to index
      %swap3A_1040 = tpu.vector_load %arg23[%swap3A_1039] {strides = array<i32>} : memref<2048xf32, #tpu.memory_space<vmem>>, vector<16xf32>,
      tpu.vector_store %arg23[%swap3A_1039], %gather3A_1036 {strides = array<i32>} : memref<2048xf32, #tpu.memory_space<vmem>>, vector<16xf32>,
      %add3A_1041 = arith.constant 64 : i32
      %add3A_1042 = arith.addi %mul3A_1007, %add3A_1041 : i32
      %get3A_1043 = arith.index_cast %add3A_1042 : i32 to index
      %get3A_1044 = tpu.vector_load %arg18[%get3A_1043] {strides = array<i32>} : memref<2048xi32, #tpu.memory_space<vmem>>, vector<16xi32>,
      %gather3A_1045 = tpu.vector_load_idx %arg12[%get3A_1044] : memref<1000xf32, #tpu.memory_space<vmem>>[vector<16xi32>], vector<16xf32>,
      %add3A_1046 = arith.constant 64 : i32
      %add3A_1047 = arith.addi %mul3A_1007, %add3A_1046 : i32
      %swap3A_1048 = arith.index_cast %add3A_1047 : i32 to index
      %swap3A_1049 = tpu.vector_load %arg23[%swap3A_1048] {strides = array<i32>} : memref<2048xf32, #tpu.memory_space<vmem>>, vector<16xf32>,
      tpu.vector_store %arg23[%swap3A_1048], %gather3A_1045 {strides = array<i32>} : memref<2048xf32, #tpu.memory_space<vmem>>, vector<16xf32>,
      %add3A_1050 = arith.constant 80 : i32
      %add3A_1051 = arith.addi %mul3A_1007, %add3A_1050 : i32
      %get3A_1052 = arith.index_cast %add3A_1051 : i32 to index
      %get3A_1053 = tpu.vector_load %arg18[%get3A_1052] {strides = array<i32>} : memref<2048xi32, #tpu.memory_space<vmem>>, vector<16xi32>,
      %gather3A_1054 = tpu.vector_load_idx %arg12[%get3A_1053] : memref<1000xf32, #tpu.memory_space<vmem>>[vector<16xi32>], vector<16xf32>,
      %add3A_1055 = arith.constant 80 : i32
      %add3A_1056 = arith.addi %mul3A_1007, %add3A_1055 : i32
      %swap3A_1057 = arith.index_cast %add3A_1056 : i32 to index
      %swap3A_1058 = tpu.vector_load %arg23[%swap3A_1057] {strides = array<i32>} : memref<2048xf32, #tpu.memory_space<vmem>>, vector<16xf32>,
      tpu.vector_store %arg23[%swap3A_1057], %gather3A_1054 {strides = array<i32>} : memref<2048xf32, #tpu.memory_space<vmem>>, vector<16xf32>,
      %add3A_1059 = arith.constant 96 : i32
      %add3A_1060 = arith.addi %mul3A_1007, %add3A_1059 : i32
      %get3A_1061 = arith.index_cast %add3A_1060 : i32 to index
      %get3A_1062 = tpu.vector_load %arg18[%get3A_1061] {strides = array<i32>} : memref<2048xi32, #tpu.memory_space<vmem>>, vector<16xi32>,
      %gather3A_1063 = tpu.vector_load_idx %arg12[%get3A_1062] : memref<1000xf32, #tpu.memory_space<vmem>>[vector<16xi32>], vector<16xf32>,
      %add3A_1064 = arith.constant 96 : i32
      %add3A_1065 = arith.addi %mul3A_1007, %add3A_1064 : i32
      %swap3A_1066 = arith.index_cast %add3A_1065 : i32 to index
      %swap3A_1067 = tpu.vector_load %arg23[%swap3A_1066] {strides = array<i32>} : memref<2048xf32, #tpu.memory_space<vmem>>, vector<16xf32>,
      tpu.vector_store %arg23[%swap3A_1066], %gather3A_1063 {strides = array<i32>} : memref<2048xf32, #tpu.memory_space<vmem>>, vector<16xf32>,
      %add3A_1068 = arith.constant 112 : i32
      %add3A_1069 = arith.addi %mul3A_1007, %add3A_1068 : i32
      %get3A_1070 = arith.index_cast %add3A_1069 : i32 to index
      %get3A_1071 = tpu.vector_load %arg18[%get3A_1070] {strides = array<i32>} : memref<2048xi32, #tpu.memory_space<vmem>>, vector<16xi32>,
      %gather3A_1072 = tpu.vector_load_idx %arg12[%get3A_1071] : memref<1000xf32, #tpu.memory_space<vmem>>[vector<16xi32>], vector<16xf32>,
      %add3A_1073 = arith.constant 112 : i32
      %add3A_1074 = arith.addi %mul3A_1007, %add3A_1073 : i32
      %swap3A_1075 = arith.index_cast %add3A_1074 : i32 to index
      %swap3A_1076 = tpu.vector_load %arg23[%swap3A_1075] {strides = array<i32>} : memref<2048xf32, #tpu.memory_space<vmem>>, vector<16xf32>,
      tpu.vector_store %arg23[%swap3A_1075], %gather3A_1072 {strides = array<i32>} : memref<2048xf32, #tpu.memory_space<vmem>>, vector<16xf32>,
      %scan3A_1077 = arith.constant 0 : i32
      scf.yield %scan3A_1077 : i32
    }
    %scan3A_420 = arith.constant 16 : i32
    %dma_start3A_421 = arith.constant 2 : i32
    %dma_start3A_422 = arith.constant 12288 : i32
    %dma_start3A_423 = tpu.memref_slice %arg10[%dma_start3A_421, %add3A, %dma_start3A_422] : memref<4x32x16384xf32, #tpu.memory_space<hbm>> -> memref<1x1x2048xf32, #tpu.memory_space<hbm>>
    %dma_start3A_424 = tpu.memref_squeeze %dma_start3A_423 : memref<1x1x2048xf32, #tpu.memory_space<hbm>> -> memref<2048xf32, #tpu.memory_space<hbm>>
    %dma_start3A_425 = arith.constant 12288 : i32
    %dma_start3A_426 = tpu.memref_slice %arg10[%dma_start3A_421, %add3A, %dma_start3A_425] : memref<4x32x16384xf32, #tpu.memory_space<hbm>> -> memref<1x1x2048xf32, #tpu.memory_space<hbm>>
    %dma_start3A_427 = tpu.memref_squeeze %dma_start3A_426 : memref<1x1x2048xf32, #tpu.memory_space<hbm>> -> memref<2048xf32, #tpu.memory_space<hbm>>
    tpu.enqueue_dma source(%arg23 : memref<2048xf32, #tpu.memory_space<vmem>>) target(%dma_start3A_427 : memref<2048xf32, #tpu.memory_space<hbm>>) target_semaphore(%arg39 : memref<!tpu.dma_semaphore, #tpu.memory_space<semaphore_mem>>)
    %dma_start3A_428 = arith.constant 16384 : i32
    %dma_start3A_429 = tpu.memref_slice %arg17[%dma_start3A_428] : memref<65536xi32, #tpu.memory_space<vmem_shared>> -> memref<2048xi32, #tpu.memory_space<vmem_shared>>
    %dma_start3A_430 = arith.constant 16384 : i32
    %dma_start3A_431 = tpu.memref_slice %arg17[%dma_start3A_430] : memref<65536xi32, #tpu.memory_space<vmem_shared>> -> memref<2048xi32, #tpu.memory_space<vmem_shared>>
    tpu.enqueue_dma source(%dma_start3A_431 : memref<2048xi32, #tpu.memory_space<vmem_shared>>) target(%arg22 : memref<2048xi32, #tpu.memory_space<vmem>>) target_semaphore(%arg38 : memref<!tpu.dma_semaphore, #tpu.memory_space<semaphore_mem>>)
    %dma_wait3A_432 = arith.constant 0 : i32
    %dma_wait3A_433 = arith.constant 8192 : i32
    %dma_wait3A_434 = tpu.memref_slice %arg10[%dma_wait3A_432, %add3A, %dma_wait3A_433] : memref<4x32x16384xf32, #tpu.memory_space<hbm>> -> memref<1x1x2048xf32, #tpu.memory_space<hbm>>
    %dma_wait3A_435 = tpu.memref_squeeze %dma_wait3A_434 : memref<1x1x2048xf32, #tpu.memory_space<hbm>> -> memref<2048xf32, #tpu.memory_space<hbm>>
    %dma_wait3A_436 = arith.constant 8192 : i32
    %dma_wait3A_437 = tpu.memref_slice %arg10[%dma_wait3A_432, %add3A, %dma_wait3A_436] : memref<4x32x16384xf32, #tpu.memory_space<hbm>> -> memref<1x1x2048xf32, #tpu.memory_space<hbm>>
    %dma_wait3A_438 = tpu.memref_squeeze %dma_wait3A_437 : memref<1x1x2048xf32, #tpu.memory_space<hbm>> -> memref<2048xf32, #tpu.memory_space<hbm>>
    tpu.wait_dma2 semaphore(%arg42 : memref<!tpu.dma_semaphore, #tpu.memory_space<semaphore_mem>>) src(%arg26 : memref<2048xf32, #tpu.memory_space<vmem>>) dst(%dma_wait3A_438 : memref<2048xf32, #tpu.memory_space<hbm>>)
    %dma_wait3A_439 = arith.constant 14336 : i32
    %dma_wait3A_440 = tpu.memref_slice %arg17[%dma_wait3A_439] : memref<65536xi32, #tpu.memory_space<vmem_shared>> -> memref<2048xi32, #tpu.memory_space<vmem_shared>>
    %dma_wait3A_441 = arith.constant 14336 : i32
    %dma_wait3A_442 = tpu.memref_slice %arg17[%dma_wait3A_441] : memref<65536xi32, #tpu.memory_space<vmem_shared>> -> memref<2048xi32, #tpu.memory_space<vmem_shared>>
    tpu.wait_dma2 semaphore(%arg37 : memref<!tpu.dma_semaphore, #tpu.memory_space<semaphore_mem>>) src(%dma_wait3A_442 : memref<2048xi32, #tpu.memory_space<vmem_shared>>) dst(%arg21 : memref<2048xi32, #tpu.memory_space<vmem>>)
    %mul3A_443 = arith.constant 1000 : i32
    %mul3A_444 = arith.muli %arg1, %mul3A_443 : i32
    %dma_start3A_445 = tpu.memref_slice %arg15[%mul3A_444] : memref<16000xf32, #tpu.memory_space<vmem_shared>> -> memref<1000xf32, #tpu.memory_space<vmem_shared>>
    %dma_start3A_446 = arith.constant 0 : i32
    %dma_start3A_447 = tpu.memref_slice %dma_start3A_445[%dma_start3A_446] : memref<1000xf32, #tpu.memory_space<vmem_shared>> -> memref<1000xf32, #tpu.memory_space<vmem_shared>>
    tpu.enqueue_indirect_dma source(%dma_start3A_447 : memref<1000xf32, #tpu.memory_space<vmem_shared>>) target(%arg26 : memref<2048xf32, #tpu.memory_space<vmem>>) offsets(%arg21 : memref<2048xi32, #tpu.memory_space<vmem>>) semaphore(%arg45 : memref<!tpu.dma_semaphore, #tpu.memory_space<semaphore_mem>>)
    %dma_wait3A_448 = tpu.memref_slice %arg15[%mul3A_385] : memref<16000xf32, #tpu.memory_space<vmem_shared>> -> memref<1000xf32, #tpu.memory_space<vmem_shared>>
    %dma_wait3A_449 = arith.constant 0 : i32
    %dma_wait3A_450 = tpu.memref_slice %dma_wait3A_448[%dma_wait3A_449] : memref<1000xf32, #tpu.memory_space<vmem_shared>> -> memref<1000xf32, #tpu.memory_space<vmem_shared>>
    tpu.wait_indirect_dma semaphore(%arg44 : memref<!tpu.dma_semaphore, #tpu.memory_space<semaphore_mem>>) src(%dma_wait3A_450 : memref<1000xf32, #tpu.memory_space<vmem_shared>>) dst(%arg25 : memref<2048xf32, #tpu.memory_space<vmem>>)
    %dma_start3A_451 = arith.constant 0 : i32
    %dma_start3A_452 = arith.constant 12288 : i32
    %dma_start3A_453 = tpu.memref_slice %arg10[%dma_start3A_451, %add3A, %dma_start3A_452] : memref<4x32x16384xf32, #tpu.memory_space<hbm>> -> memref<1x1x2048xf32, #tpu.memory_space<hbm>>
    %dma_start3A_454 = tpu.memref_squeeze %dma_start3A_453 : memref<1x1x2048xf32, #tpu.memory_space<hbm>> -> memref<2048xf32, #tpu.memory_space<hbm>>
    %dma_start3A_455 = arith.constant 12288 : i32
    %dma_start3A_456 = tpu.memref_slice %arg10[%dma_start3A_451, %add3A, %dma_start3A_455] : memref<4x32x16384xf32, #tpu.memory_space<hbm>> -> memref<1x1x2048xf32, #tpu.memory_space<hbm>>
    %dma_start3A_457 = tpu.memref_squeeze %dma_start3A_456 : memref<1x1x2048xf32, #tpu.memory_space<hbm>> -> memref<2048xf32, #tpu.memory_space<hbm>>
    tpu.enqueue_dma source(%arg25 : memref<2048xf32, #tpu.memory_space<vmem>>) target(%dma_start3A_457 : memref<2048xf32, #tpu.memory_space<hbm>>) target_semaphore(%arg41 : memref<!tpu.dma_semaphore, #tpu.memory_space<semaphore_mem>>)
    %dma_start3A_458 = arith.constant 49152 : i32
    %dma_start3A_459 = tpu.memref_slice %arg17[%dma_start3A_458] : memref<65536xi32, #tpu.memory_space<vmem_shared>> -> memref<2048xi32, #tpu.memory_space<vmem_shared>>
    %dma_start3A_460 = arith.constant 49152 : i32
    %dma_start3A_461 = tpu.memref_slice %arg17[%dma_start3A_460] : memref<65536xi32, #tpu.memory_space<vmem_shared>> -> memref<2048xi32, #tpu.memory_space<vmem_shared>>
    tpu.enqueue_dma source(%dma_start3A_461 : memref<2048xi32, #tpu.memory_space<vmem_shared>>) target(%arg18 : memref<2048xi32, #tpu.memory_space<vmem>>) target_semaphore(%arg34 : memref<!tpu.dma_semaphore, #tpu.memory_space<semaphore_mem>>)
    %dma_wait3A_462 = arith.constant 2 : i32
    %dma_wait3A_463 = arith.constant 10240 : i32
    %dma_wait3A_464 = tpu.memref_slice %arg10[%dma_wait3A_462, %add3A, %dma_wait3A_463] : memref<4x32x16384xf32, #tpu.memory_space<hbm>> -> memref<1x1x2048xf32, #tpu.memory_space<hbm>>
    %dma_wait3A_465 = tpu.memref_squeeze %dma_wait3A_464 : memref<1x1x2048xf32, #tpu.memory_space<hbm>> -> memref<2048xf32, #tpu.memory_space<hbm>>
    %dma_wait3A_466 = arith.constant 10240 : i32
    %dma_wait3A_467 = tpu.memref_slice %arg10[%dma_wait3A_462, %add3A, %dma_wait3A_466] : memref<4x32x16384xf32, #tpu.memory_space<hbm>> -> memref<1x1x2048xf32, #tpu.memory_space<hbm>>
    %dma_wait3A_468 = tpu.memref_squeeze %dma_wait3A_467 : memref<1x1x2048xf32, #tpu.memory_space<hbm>> -> memref<2048xf32, #tpu.memory_space<hbm>>
    tpu.wait_dma2 semaphore(%arg40 : memref<!tpu.dma_semaphore, #tpu.memory_space<semaphore_mem>>) src(%arg24 : memref<2048xf32, #tpu.memory_space<vmem>>) dst(%dma_wait3A_468 : memref<2048xf32, #tpu.memory_space<hbm>>)
    %dma_wait3A_469 = arith.constant 47104 : i32
    %dma_wait3A_470 = tpu.memref_slice %arg17[%dma_wait3A_469] : memref<65536xi32, #tpu.memory_space<vmem_shared>> -> memref<2048xi32, #tpu.memory_space<vmem_shared>>
    %dma_wait3A_471 = arith.constant 47104 : i32
    %dma_wait3A_472 = tpu.memref_slice %arg17[%dma_wait3A_471] : memref<65536xi32, #tpu.memory_space<vmem_shared>> -> memref<2048xi32, #tpu.memory_space<vmem_shared>>
    tpu.wait_dma2 semaphore(%arg35 : memref<!tpu.dma_semaphore, #tpu.memory_space<semaphore_mem>>) src(%dma_wait3A_472 : memref<2048xi32, #tpu.memory_space<vmem_shared>>) dst(%arg19 : memref<2048xi32, #tpu.memory_space<vmem>>)
    %scan3A_473 = arith.constant 0 : i32
    %scan3A_474 = arith.constant 0 : i32
    %scan3A_475 = arith.constant 16 : i32
    %scan3A_476 = arith.addi %scan3A_474, %scan3A_475 : i32
    %scan3A_477 = arith.constant 1 : i32
    %scan3A_478 = scf.for %scan3A_1004 = %scan3A_474 to %scan3A_476 step %scan3A_477 iter_args(%scan3A_1005 = %scan3A_473) -> (i32)  : i32 {
      %mul3A_1006 = arith.constant 128 : i32
      %mul3A_1007 = arith.muli %scan3A_1004, %mul3A_1006 : i32
      %add3A_1008 = arith.constant 0 : i32
      %add3A_1009 = arith.addi %mul3A_1007, %add3A_1008 : i32
      %get3A = arith.index_cast %add3A_1009 : i32 to index
      %get3A_1010 = tpu.vector_load %arg19[%get3A] {strides = array<i32>} : memref<2048xi32, #tpu.memory_space<vmem>>, vector<16xi32>,
      %gather3A = tpu.vector_load_idx %arg12[%get3A_1010] : memref<1000xf32, #tpu.memory_space<vmem>>[vector<16xi32>], vector<16xf32>,
      %add3A_1011 = arith.constant 0 : i32
      %add3A_1012 = arith.addi %mul3A_1007, %add3A_1011 : i32
      %swap3A = arith.index_cast %add3A_1012 : i32 to index
      %swap3A_1013 = tpu.vector_load %arg24[%swap3A] {strides = array<i32>} : memref<2048xf32, #tpu.memory_space<vmem>>, vector<16xf32>,
      tpu.vector_store %arg24[%swap3A], %gather3A {strides = array<i32>} : memref<2048xf32, #tpu.memory_space<vmem>>, vector<16xf32>,
      %add3A_1014 = arith.constant 16 : i32
      %add3A_1015 = arith.addi %mul3A_1007, %add3A_1014 : i32
      %get3A_1016 = arith.index_cast %add3A_1015 : i32 to index
      %get3A_1017 = tpu.vector_load %arg19[%get3A_1016] {strides = array<i32>} : memref<2048xi32, #tpu.memory_space<vmem>>, vector<16xi32>,
      %gather3A_1018 = tpu.vector_load_idx %arg12[%get3A_1017] : memref<1000xf32, #tpu.memory_space<vmem>>[vector<16xi32>], vector<16xf32>,
      %add3A_1019 = arith.constant 16 : i32
      %add3A_1020 = arith.addi %mul3A_1007, %add3A_1019 : i32
      %swap3A_1021 = arith.index_cast %add3A_1020 : i32 to index
      %swap3A_1022 = tpu.vector_load %arg24[%swap3A_1021] {strides = array<i32>} : memref<2048xf32, #tpu.memory_space<vmem>>, vector<16xf32>,
      tpu.vector_store %arg24[%swap3A_1021], %gather3A_1018 {strides = array<i32>} : memref<2048xf32, #tpu.memory_space<vmem>>, vector<16xf32>,
      %add3A_1023 = arith.constant 32 : i32
      %add3A_1024 = arith.addi %mul3A_1007, %add3A_1023 : i32
      %get3A_1025 = arith.index_cast %add3A_1024 : i32 to index
      %get3A_1026 = tpu.vector_load %arg19[%get3A_1025] {strides = array<i32>} : memref<2048xi32, #tpu.memory_space<vmem>>, vector<16xi32>,
      %gather3A_1027 = tpu.vector_load_idx %arg12[%get3A_1026] : memref<1000xf32, #tpu.memory_space<vmem>>[vector<16xi32>], vector<16xf32>,
      %add3A_1028 = arith.constant 32 : i32
      %add3A_1029 = arith.addi %mul3A_1007, %add3A_1028 : i32
      %swap3A_1030 = arith.index_cast %add3A_1029 : i32 to index
      %swap3A_1031 = tpu.vector_load %arg24[%swap3A_1030] {strides = array<i32>} : memref<2048xf32, #tpu.memory_space<vmem>>, vector<16xf32>,
      tpu.vector_store %arg24[%swap3A_1030], %gather3A_1027 {strides = array<i32>} : memref<2048xf32, #tpu.memory_space<vmem>>, vector<16xf32>,
      %add3A_1032 = arith.constant 48 : i32
      %add3A_1033 = arith.addi %mul3A_1007, %add3A_1032 : i32
      %get3A_1034 = arith.index_cast %add3A_1033 : i32 to index
      %get3A_1035 = tpu.vector_load %arg19[%get3A_1034] {strides = array<i32>} : memref<2048xi32, #tpu.memory_space<vmem>>, vector<16xi32>,
      %gather3A_1036 = tpu.vector_load_idx %arg12[%get3A_1035] : memref<1000xf32, #tpu.memory_space<vmem>>[vector<16xi32>], vector<16xf32>,
      %add3A_1037 = arith.constant 48 : i32
      %add3A_1038 = arith.addi %mul3A_1007, %add3A_1037 : i32
      %swap3A_1039 = arith.index_cast %add3A_1038 : i32 to index
      %swap3A_1040 = tpu.vector_load %arg24[%swap3A_1039] {strides = array<i32>} : memref<2048xf32, #tpu.memory_space<vmem>>, vector<16xf32>,
      tpu.vector_store %arg24[%swap3A_1039], %gather3A_1036 {strides = array<i32>} : memref<2048xf32, #tpu.memory_space<vmem>>, vector<16xf32>,
      %add3A_1041 = arith.constant 64 : i32
      %add3A_1042 = arith.addi %mul3A_1007, %add3A_1041 : i32
      %get3A_1043 = arith.index_cast %add3A_1042 : i32 to index
      %get3A_1044 = tpu.vector_load %arg19[%get3A_1043] {strides = array<i32>} : memref<2048xi32, #tpu.memory_space<vmem>>, vector<16xi32>,
      %gather3A_1045 = tpu.vector_load_idx %arg12[%get3A_1044] : memref<1000xf32, #tpu.memory_space<vmem>>[vector<16xi32>], vector<16xf32>,
      %add3A_1046 = arith.constant 64 : i32
      %add3A_1047 = arith.addi %mul3A_1007, %add3A_1046 : i32
      %swap3A_1048 = arith.index_cast %add3A_1047 : i32 to index
      %swap3A_1049 = tpu.vector_load %arg24[%swap3A_1048] {strides = array<i32>} : memref<2048xf32, #tpu.memory_space<vmem>>, vector<16xf32>,
      tpu.vector_store %arg24[%swap3A_1048], %gather3A_1045 {strides = array<i32>} : memref<2048xf32, #tpu.memory_space<vmem>>, vector<16xf32>,
      %add3A_1050 = arith.constant 80 : i32
      %add3A_1051 = arith.addi %mul3A_1007, %add3A_1050 : i32
      %get3A_1052 = arith.index_cast %add3A_1051 : i32 to index
      %get3A_1053 = tpu.vector_load %arg19[%get3A_1052] {strides = array<i32>} : memref<2048xi32, #tpu.memory_space<vmem>>, vector<16xi32>,
      %gather3A_1054 = tpu.vector_load_idx %arg12[%get3A_1053] : memref<1000xf32, #tpu.memory_space<vmem>>[vector<16xi32>], vector<16xf32>,
      %add3A_1055 = arith.constant 80 : i32
      %add3A_1056 = arith.addi %mul3A_1007, %add3A_1055 : i32
      %swap3A_1057 = arith.index_cast %add3A_1056 : i32 to index
      %swap3A_1058 = tpu.vector_load %arg24[%swap3A_1057] {strides = array<i32>} : memref<2048xf32, #tpu.memory_space<vmem>>, vector<16xf32>,
      tpu.vector_store %arg24[%swap3A_1057], %gather3A_1054 {strides = array<i32>} : memref<2048xf32, #tpu.memory_space<vmem>>, vector<16xf32>,
      %add3A_1059 = arith.constant 96 : i32
      %add3A_1060 = arith.addi %mul3A_1007, %add3A_1059 : i32
      %get3A_1061 = arith.index_cast %add3A_1060 : i32 to index
      %get3A_1062 = tpu.vector_load %arg19[%get3A_1061] {strides = array<i32>} : memref<2048xi32, #tpu.memory_space<vmem>>, vector<16xi32>,
      %gather3A_1063 = tpu.vector_load_idx %arg12[%get3A_1062] : memref<1000xf32, #tpu.memory_space<vmem>>[vector<16xi32>], vector<16xf32>,
      %add3A_1064 = arith.constant 96 : i32
      %add3A_1065 = arith.addi %mul3A_1007, %add3A_1064 : i32
      %swap3A_1066 = arith.index_cast %add3A_1065 : i32 to index
      %swap3A_1067 = tpu.vector_load %arg24[%swap3A_1066] {strides = array<i32>} : memref<2048xf32, #tpu.memory_space<vmem>>, vector<16xf32>,
      tpu.vector_store %arg24[%swap3A_1066], %gather3A_1063 {strides = array<i32>} : memref<2048xf32, #tpu.memory_space<vmem>>, vector<16xf32>,
      %add3A_1068 = arith.constant 112 : i32
      %add3A_1069 = arith.addi %mul3A_1007, %add3A_1068 : i32
      %get3A_1070 = arith.index_cast %add3A_1069 : i32 to index
      %get3A_1071 = tpu.vector_load %arg19[%get3A_1070] {strides = array<i32>} : memref<2048xi32, #tpu.memory_space<vmem>>, vector<16xi32>,
      %gather3A_1072 = tpu.vector_load_idx %arg12[%get3A_1071] : memref<1000xf32, #tpu.memory_space<vmem>>[vector<16xi32>], vector<16xf32>,
      %add3A_1073 = arith.constant 112 : i32
      %add3A_1074 = arith.addi %mul3A_1007, %add3A_1073 : i32
      %swap3A_1075 = arith.index_cast %add3A_1074 : i32 to index
      %swap3A_1076 = tpu.vector_load %arg24[%swap3A_1075] {strides = array<i32>} : memref<2048xf32, #tpu.memory_space<vmem>>, vector<16xf32>,
      tpu.vector_store %arg24[%swap3A_1075], %gather3A_1072 {strides = array<i32>} : memref<2048xf32, #tpu.memory_space<vmem>>, vector<16xf32>,
      %scan3A_1077 = arith.constant 0 : i32
      scf.yield %scan3A_1077 : i32
    }
    %scan3A_479 = arith.constant 16 : i32
    %dma_start3A_480 = arith.constant 2 : i32
    %dma_start3A_481 = arith.constant 14336 : i32
    %dma_start3A_482 = tpu.memref_slice %arg10[%dma_start3A_480, %add3A, %dma_start3A_481] : memref<4x32x16384xf32, #tpu.memory_space<hbm>> -> memref<1x1x2048xf32, #tpu.memory_space<hbm>>
    %dma_start3A_483 = tpu.memref_squeeze %dma_start3A_482 : memref<1x1x2048xf32, #tpu.memory_space<hbm>> -> memref<2048xf32, #tpu.memory_space<hbm>>
    %dma_start3A_484 = arith.constant 14336 : i32
    %dma_start3A_485 = tpu.memref_slice %arg10[%dma_start3A_480, %add3A, %dma_start3A_484] : memref<4x32x16384xf32, #tpu.memory_space<hbm>> -> memref<1x1x2048xf32, #tpu.memory_space<hbm>>
    %dma_start3A_486 = tpu.memref_squeeze %dma_start3A_485 : memref<1x1x2048xf32, #tpu.memory_space<hbm>> -> memref<2048xf32, #tpu.memory_space<hbm>>
    tpu.enqueue_dma source(%arg24 : memref<2048xf32, #tpu.memory_space<vmem>>) target(%dma_start3A_486 : memref<2048xf32, #tpu.memory_space<hbm>>) target_semaphore(%arg40 : memref<!tpu.dma_semaphore, #tpu.memory_space<semaphore_mem>>)
    %dma_start3A_487 = arith.constant 18432 : i32
    %dma_start3A_488 = tpu.memref_slice %arg17[%dma_start3A_487] : memref<65536xi32, #tpu.memory_space<vmem_shared>> -> memref<2048xi32, #tpu.memory_space<vmem_shared>>
    %dma_start3A_489 = arith.constant 18432 : i32
    %dma_start3A_490 = tpu.memref_slice %arg17[%dma_start3A_489] : memref<65536xi32, #tpu.memory_space<vmem_shared>> -> memref<2048xi32, #tpu.memory_space<vmem_shared>>
    tpu.enqueue_dma source(%dma_start3A_490 : memref<2048xi32, #tpu.memory_space<vmem_shared>>) target(%arg20 : memref<2048xi32, #tpu.memory_space<vmem>>) target_semaphore(%arg36 : memref<!tpu.dma_semaphore, #tpu.memory_space<semaphore_mem>>)
    %dma_wait3A_491 = tpu.memref_slice %arg16[%mul3A_42] : memref<16000xf32, #tpu.memory_space<vmem_shared>> -> memref<1000xf32, #tpu.memory_space<vmem_shared>>
    %dma_wait3A_492 = tpu.memref_slice %arg16[%mul3A_42] : memref<16000xf32, #tpu.memory_space<vmem_shared>> -> memref<1000xf32, #tpu.memory_space<vmem_shared>>
    tpu.wait_dma2 semaphore(%arg33 : memref<!tpu.dma_semaphore, #tpu.memory_space<semaphore_mem>>) src(%arg14 : memref<1000xf32, #tpu.memory_space<vmem>>) dst(%dma_wait3A_492 : memref<1000xf32, #tpu.memory_space<vmem_shared>>)
    %dma_wait3A_493 = arith.constant 0 : i32
    %dma_wait3A_494 = arith.constant 10240 : i32
    %dma_wait3A_495 = tpu.memref_slice %arg10[%dma_wait3A_493, %add3A, %dma_wait3A_494] : memref<4x32x16384xf32, #tpu.memory_space<hbm>> -> memref<1x1x2048xf32, #tpu.memory_space<hbm>>
    %dma_wait3A_496 = tpu.memref_squeeze %dma_wait3A_495 : memref<1x1x2048xf32, #tpu.memory_space<hbm>> -> memref<2048xf32, #tpu.memory_space<hbm>>
    %dma_wait3A_497 = arith.constant 10240 : i32
    %dma_wait3A_498 = tpu.memref_slice %arg10[%dma_wait3A_493, %add3A, %dma_wait3A_497] : memref<4x32x16384xf32, #tpu.memory_space<hbm>> -> memref<1x1x2048xf32, #tpu.memory_space<hbm>>
    %dma_wait3A_499 = tpu.memref_squeeze %dma_wait3A_498 : memref<1x1x2048xf32, #tpu.memory_space<hbm>> -> memref<2048xf32, #tpu.memory_space<hbm>>
    tpu.wait_dma2 semaphore(%arg43 : memref<!tpu.dma_semaphore, #tpu.memory_space<semaphore_mem>>) src(%arg27 : memref<2048xf32, #tpu.memory_space<vmem>>) dst(%dma_wait3A_499 : memref<2048xf32, #tpu.memory_space<hbm>>)
    %dma_wait3A_500 = arith.constant 16384 : i32
    %dma_wait3A_501 = tpu.memref_slice %arg17[%dma_wait3A_500] : memref<65536xi32, #tpu.memory_space<vmem_shared>> -> memref<2048xi32, #tpu.memory_space<vmem_shared>>
    %dma_wait3A_502 = arith.constant 16384 : i32
    %dma_wait3A_503 = tpu.memref_slice %arg17[%dma_wait3A_502] : memref<65536xi32, #tpu.memory_space<vmem_shared>> -> memref<2048xi32, #tpu.memory_space<vmem_shared>>
    tpu.wait_dma2 semaphore(%arg38 : memref<!tpu.dma_semaphore, #tpu.memory_space<semaphore_mem>>) src(%dma_wait3A_503 : memref<2048xi32, #tpu.memory_space<vmem_shared>>) dst(%arg22 : memref<2048xi32, #tpu.memory_space<vmem>>)
    %mul3A_504 = arith.constant 1000 : i32
    %mul3A_505 = arith.muli %arg1, %mul3A_504 : i32
    %dma_start3A_506 = tpu.memref_slice %arg16[%mul3A_505] : memref<16000xf32, #tpu.memory_space<vmem_shared>> -> memref<1000xf32, #tpu.memory_space<vmem_shared>>
    %dma_start3A_507 = arith.constant 0 : i32
    %dma_start3A_508 = tpu.memref_slice %dma_start3A_506[%dma_start3A_507] : memref<1000xf32, #tpu.memory_space<vmem_shared>> -> memref<1000xf32, #tpu.memory_space<vmem_shared>>
    tpu.enqueue_indirect_dma source(%dma_start3A_508 : memref<1000xf32, #tpu.memory_space<vmem_shared>>) target(%arg27 : memref<2048xf32, #tpu.memory_space<vmem>>) offsets(%arg22 : memref<2048xi32, #tpu.memory_space<vmem>>) semaphore(%arg46 : memref<!tpu.dma_semaphore, #tpu.memory_space<semaphore_mem>>)
    %dma_wait3A_509 = tpu.memref_slice %arg15[%mul3A_444] : memref<16000xf32, #tpu.memory_space<vmem_shared>> -> memref<1000xf32, #tpu.memory_space<vmem_shared>>
    %dma_wait3A_510 = arith.constant 0 : i32
    %dma_wait3A_511 = tpu.memref_slice %dma_wait3A_509[%dma_wait3A_510] : memref<1000xf32, #tpu.memory_space<vmem_shared>> -> memref<1000xf32, #tpu.memory_space<vmem_shared>>
    tpu.wait_indirect_dma semaphore(%arg45 : memref<!tpu.dma_semaphore, #tpu.memory_space<semaphore_mem>>) src(%dma_wait3A_511 : memref<1000xf32, #tpu.memory_space<vmem_shared>>) dst(%arg26 : memref<2048xf32, #tpu.memory_space<vmem>>)
    %dma_start3A_512 = arith.constant 0 : i32
    %dma_start3A_513 = arith.constant 14336 : i32
    %dma_start3A_514 = tpu.memref_slice %arg10[%dma_start3A_512, %add3A, %dma_start3A_513] : memref<4x32x16384xf32, #tpu.memory_space<hbm>> -> memref<1x1x2048xf32, #tpu.memory_space<hbm>>
    %dma_start3A_515 = tpu.memref_squeeze %dma_start3A_514 : memref<1x1x2048xf32, #tpu.memory_space<hbm>> -> memref<2048xf32, #tpu.memory_space<hbm>>
    %dma_start3A_516 = arith.constant 14336 : i32
    %dma_start3A_517 = tpu.memref_slice %arg10[%dma_start3A_512, %add3A, %dma_start3A_516] : memref<4x32x16384xf32, #tpu.memory_space<hbm>> -> memref<1x1x2048xf32, #tpu.memory_space<hbm>>
    %dma_start3A_518 = tpu.memref_squeeze %dma_start3A_517 : memref<1x1x2048xf32, #tpu.memory_space<hbm>> -> memref<2048xf32, #tpu.memory_space<hbm>>
    tpu.enqueue_dma source(%arg26 : memref<2048xf32, #tpu.memory_space<vmem>>) target(%dma_start3A_518 : memref<2048xf32, #tpu.memory_space<hbm>>) target_semaphore(%arg42 : memref<!tpu.dma_semaphore, #tpu.memory_space<semaphore_mem>>)
    %dma_start3A_519 = arith.constant 51200 : i32
    %dma_start3A_520 = tpu.memref_slice %arg17[%dma_start3A_519] : memref<65536xi32, #tpu.memory_space<vmem_shared>> -> memref<2048xi32, #tpu.memory_space<vmem_shared>>
    %dma_start3A_521 = arith.constant 51200 : i32
    %dma_start3A_522 = tpu.memref_slice %arg17[%dma_start3A_521] : memref<65536xi32, #tpu.memory_space<vmem_shared>> -> memref<2048xi32, #tpu.memory_space<vmem_shared>>
    tpu.enqueue_dma source(%dma_start3A_522 : memref<2048xi32, #tpu.memory_space<vmem_shared>>) target(%arg19 : memref<2048xi32, #tpu.memory_space<vmem>>) target_semaphore(%arg35 : memref<!tpu.dma_semaphore, #tpu.memory_space<semaphore_mem>>)
    %dma_wait3A_523 = arith.constant 0 : i32
    %dma_wait3A_524 = tpu.memref_slice %arg9[%add3A, %dma_wait3A_523] : memref<32x100000xf32, #tpu.memory_space<hbm>> -> memref<1x100000xf32, #tpu.memory_space<hbm>>
    %dma_wait3A_525 = tpu.memref_squeeze %dma_wait3A_524 : memref<1x100000xf32, #tpu.memory_space<hbm>> -> memref<100000xf32, #tpu.memory_space<hbm>>
    %dma_wait3A_526 = arith.constant 0 : i32
    %dma_wait3A_527 = tpu.memref_slice %arg9[%add3A, %dma_wait3A_526] : memref<32x100000xf32, #tpu.memory_space<hbm>> -> memref<1x100000xf32, #tpu.memory_space<hbm>>
    %dma_wait3A_528 = tpu.memref_squeeze %dma_wait3A_527 : memref<1x100000xf32, #tpu.memory_space<hbm>> -> memref<100000xf32, #tpu.memory_space<hbm>>
    tpu.wait_dma2 semaphore(%arg31 : memref<!tpu.dma_semaphore, #tpu.memory_space<semaphore_mem>>) src(%dma_wait3A_528 : memref<100000xf32, #tpu.memory_space<hbm>>) dst(%arg11 : memref<100000xf32, #tpu.memory_space<vmem>>)
    %dma_wait3A_529 = arith.constant 2 : i32
    %dma_wait3A_530 = arith.constant 12288 : i32
    %dma_wait3A_531 = tpu.memref_slice %arg10[%dma_wait3A_529, %add3A, %dma_wait3A_530] : memref<4x32x16384xf32, #tpu.memory_space<hbm>> -> memref<1x1x2048xf32, #tpu.memory_space<hbm>>
    %dma_wait3A_532 = tpu.memref_squeeze %dma_wait3A_531 : memref<1x1x2048xf32, #tpu.memory_space<hbm>> -> memref<2048xf32, #tpu.memory_space<hbm>>
    %dma_wait3A_533 = arith.constant 12288 : i32
    %dma_wait3A_534 = tpu.memref_slice %arg10[%dma_wait3A_529, %add3A, %dma_wait3A_533] : memref<4x32x16384xf32, #tpu.memory_space<hbm>> -> memref<1x1x2048xf32, #tpu.memory_space<hbm>>
    %dma_wait3A_535 = tpu.memref_squeeze %dma_wait3A_534 : memref<1x1x2048xf32, #tpu.memory_space<hbm>> -> memref<2048xf32, #tpu.memory_space<hbm>>
    tpu.wait_dma2 semaphore(%arg39 : memref<!tpu.dma_semaphore, #tpu.memory_space<semaphore_mem>>) src(%arg23 : memref<2048xf32, #tpu.memory_space<vmem>>) dst(%dma_wait3A_535 : memref<2048xf32, #tpu.memory_space<hbm>>)
    %dma_wait3A_536 = arith.constant 49152 : i32
    %dma_wait3A_537 = tpu.memref_slice %arg17[%dma_wait3A_536] : memref<65536xi32, #tpu.memory_space<vmem_shared>> -> memref<2048xi32, #tpu.memory_space<vmem_shared>>
    %dma_wait3A_538 = arith.constant 49152 : i32
    %dma_wait3A_539 = tpu.memref_slice %arg17[%dma_wait3A_538] : memref<65536xi32, #tpu.memory_space<vmem_shared>> -> memref<2048xi32, #tpu.memory_space<vmem_shared>>
    tpu.wait_dma2 semaphore(%arg34 : memref<!tpu.dma_semaphore, #tpu.memory_space<semaphore_mem>>) src(%dma_wait3A_539 : memref<2048xi32, #tpu.memory_space<vmem_shared>>) dst(%arg18 : memref<2048xi32, #tpu.memory_space<vmem>>)
    %scan3A_540 = arith.constant 0 : i32
    %scan3A_541 = arith.constant 0 : i32
    %scan3A_542 = arith.constant 16 : i32
    %scan3A_543 = arith.addi %scan3A_541, %scan3A_542 : i32
    %scan3A_544 = arith.constant 1 : i32
    %scan3A_545 = scf.for %scan3A_1004 = %scan3A_541 to %scan3A_543 step %scan3A_544 iter_args(%scan3A_1005 = %scan3A_540) -> (i32)  : i32 {
      %mul3A_1006 = arith.constant 128 : i32
      %mul3A_1007 = arith.muli %scan3A_1004, %mul3A_1006 : i32
      %add3A_1008 = arith.constant 0 : i32
      %add3A_1009 = arith.addi %mul3A_1007, %add3A_1008 : i32
      %get3A = arith.index_cast %add3A_1009 : i32 to index
      %get3A_1010 = tpu.vector_load %arg18[%get3A] {strides = array<i32>} : memref<2048xi32, #tpu.memory_space<vmem>>, vector<16xi32>,
      %gather3A = tpu.vector_load_idx %arg11[%get3A_1010] : memref<100000xf32, #tpu.memory_space<vmem>>[vector<16xi32>], vector<16xf32>,
      %add3A_1011 = arith.constant 0 : i32
      %add3A_1012 = arith.addi %mul3A_1007, %add3A_1011 : i32
      %swap3A = arith.index_cast %add3A_1012 : i32 to index
      %swap3A_1013 = tpu.vector_load %arg23[%swap3A] {strides = array<i32>} : memref<2048xf32, #tpu.memory_space<vmem>>, vector<16xf32>,
      tpu.vector_store %arg23[%swap3A], %gather3A {strides = array<i32>} : memref<2048xf32, #tpu.memory_space<vmem>>, vector<16xf32>,
      %add3A_1014 = arith.constant 16 : i32
      %add3A_1015 = arith.addi %mul3A_1007, %add3A_1014 : i32
      %get3A_1016 = arith.index_cast %add3A_1015 : i32 to index
      %get3A_1017 = tpu.vector_load %arg18[%get3A_1016] {strides = array<i32>} : memref<2048xi32, #tpu.memory_space<vmem>>, vector<16xi32>,
      %gather3A_1018 = tpu.vector_load_idx %arg11[%get3A_1017] : memref<100000xf32, #tpu.memory_space<vmem>>[vector<16xi32>], vector<16xf32>,
      %add3A_1019 = arith.constant 16 : i32
      %add3A_1020 = arith.addi %mul3A_1007, %add3A_1019 : i32
      %swap3A_1021 = arith.index_cast %add3A_1020 : i32 to index
      %swap3A_1022 = tpu.vector_load %arg23[%swap3A_1021] {strides = array<i32>} : memref<2048xf32, #tpu.memory_space<vmem>>, vector<16xf32>,
      tpu.vector_store %arg23[%swap3A_1021], %gather3A_1018 {strides = array<i32>} : memref<2048xf32, #tpu.memory_space<vmem>>, vector<16xf32>,
      %add3A_1023 = arith.constant 32 : i32
      %add3A_1024 = arith.addi %mul3A_1007, %add3A_1023 : i32
      %get3A_1025 = arith.index_cast %add3A_1024 : i32 to index
      %get3A_1026 = tpu.vector_load %arg18[%get3A_1025] {strides = array<i32>} : memref<2048xi32, #tpu.memory_space<vmem>>, vector<16xi32>,
      %gather3A_1027 = tpu.vector_load_idx %arg11[%get3A_1026] : memref<100000xf32, #tpu.memory_space<vmem>>[vector<16xi32>], vector<16xf32>,
      %add3A_1028 = arith.constant 32 : i32
      %add3A_1029 = arith.addi %mul3A_1007, %add3A_1028 : i32
      %swap3A_1030 = arith.index_cast %add3A_1029 : i32 to index
      %swap3A_1031 = tpu.vector_load %arg23[%swap3A_1030] {strides = array<i32>} : memref<2048xf32, #tpu.memory_space<vmem>>, vector<16xf32>,
      tpu.vector_store %arg23[%swap3A_1030], %gather3A_1027 {strides = array<i32>} : memref<2048xf32, #tpu.memory_space<vmem>>, vector<16xf32>,
      %add3A_1032 = arith.constant 48 : i32
      %add3A_1033 = arith.addi %mul3A_1007, %add3A_1032 : i32
      %get3A_1034 = arith.index_cast %add3A_1033 : i32 to index
      %get3A_1035 = tpu.vector_load %arg18[%get3A_1034] {strides = array<i32>} : memref<2048xi32, #tpu.memory_space<vmem>>, vector<16xi32>,
      %gather3A_1036 = tpu.vector_load_idx %arg11[%get3A_1035] : memref<100000xf32, #tpu.memory_space<vmem>>[vector<16xi32>], vector<16xf32>,
      %add3A_1037 = arith.constant 48 : i32
      %add3A_1038 = arith.addi %mul3A_1007, %add3A_1037 : i32
      %swap3A_1039 = arith.index_cast %add3A_1038 : i32 to index
      %swap3A_1040 = tpu.vector_load %arg23[%swap3A_1039] {strides = array<i32>} : memref<2048xf32, #tpu.memory_space<vmem>>, vector<16xf32>,
      tpu.vector_store %arg23[%swap3A_1039], %gather3A_1036 {strides = array<i32>} : memref<2048xf32, #tpu.memory_space<vmem>>, vector<16xf32>,
      %add3A_1041 = arith.constant 64 : i32
      %add3A_1042 = arith.addi %mul3A_1007, %add3A_1041 : i32
      %get3A_1043 = arith.index_cast %add3A_1042 : i32 to index
      %get3A_1044 = tpu.vector_load %arg18[%get3A_1043] {strides = array<i32>} : memref<2048xi32, #tpu.memory_space<vmem>>, vector<16xi32>,
      %gather3A_1045 = tpu.vector_load_idx %arg11[%get3A_1044] : memref<100000xf32, #tpu.memory_space<vmem>>[vector<16xi32>], vector<16xf32>,
      %add3A_1046 = arith.constant 64 : i32
      %add3A_1047 = arith.addi %mul3A_1007, %add3A_1046 : i32
      %swap3A_1048 = arith.index_cast %add3A_1047 : i32 to index
      %swap3A_1049 = tpu.vector_load %arg23[%swap3A_1048] {strides = array<i32>} : memref<2048xf32, #tpu.memory_space<vmem>>, vector<16xf32>,
      tpu.vector_store %arg23[%swap3A_1048], %gather3A_1045 {strides = array<i32>} : memref<2048xf32, #tpu.memory_space<vmem>>, vector<16xf32>,
      %add3A_1050 = arith.constant 80 : i32
      %add3A_1051 = arith.addi %mul3A_1007, %add3A_1050 : i32
      %get3A_1052 = arith.index_cast %add3A_1051 : i32 to index
      %get3A_1053 = tpu.vector_load %arg18[%get3A_1052] {strides = array<i32>} : memref<2048xi32, #tpu.memory_space<vmem>>, vector<16xi32>,
      %gather3A_1054 = tpu.vector_load_idx %arg11[%get3A_1053] : memref<100000xf32, #tpu.memory_space<vmem>>[vector<16xi32>], vector<16xf32>,
      %add3A_1055 = arith.constant 80 : i32
      %add3A_1056 = arith.addi %mul3A_1007, %add3A_1055 : i32
      %swap3A_1057 = arith.index_cast %add3A_1056 : i32 to index
      %swap3A_1058 = tpu.vector_load %arg23[%swap3A_1057] {strides = array<i32>} : memref<2048xf32, #tpu.memory_space<vmem>>, vector<16xf32>,
      tpu.vector_store %arg23[%swap3A_1057], %gather3A_1054 {strides = array<i32>} : memref<2048xf32, #tpu.memory_space<vmem>>, vector<16xf32>,
      %add3A_1059 = arith.constant 96 : i32
      %add3A_1060 = arith.addi %mul3A_1007, %add3A_1059 : i32
      %get3A_1061 = arith.index_cast %add3A_1060 : i32 to index
      %get3A_1062 = tpu.vector_load %arg18[%get3A_1061] {strides = array<i32>} : memref<2048xi32, #tpu.memory_space<vmem>>, vector<16xi32>,
      %gather3A_1063 = tpu.vector_load_idx %arg11[%get3A_1062] : memref<100000xf32, #tpu.memory_space<vmem>>[vector<16xi32>], vector<16xf32>,
      %add3A_1064 = arith.constant 96 : i32
      %add3A_1065 = arith.addi %mul3A_1007, %add3A_1064 : i32
      %swap3A_1066 = arith.index_cast %add3A_1065 : i32 to index
      %swap3A_1067 = tpu.vector_load %arg23[%swap3A_1066] {strides = array<i32>} : memref<2048xf32, #tpu.memory_space<vmem>>, vector<16xf32>,
      tpu.vector_store %arg23[%swap3A_1066], %gather3A_1063 {strides = array<i32>} : memref<2048xf32, #tpu.memory_space<vmem>>, vector<16xf32>,
      %add3A_1068 = arith.constant 112 : i32
      %add3A_1069 = arith.addi %mul3A_1007, %add3A_1068 : i32
      %get3A_1070 = arith.index_cast %add3A_1069 : i32 to index
      %get3A_1071 = tpu.vector_load %arg18[%get3A_1070] {strides = array<i32>} : memref<2048xi32, #tpu.memory_space<vmem>>, vector<16xi32>,
      %gather3A_1072 = tpu.vector_load_idx %arg11[%get3A_1071] : memref<100000xf32, #tpu.memory_space<vmem>>[vector<16xi32>], vector<16xf32>,
      %add3A_1073 = arith.constant 112 : i32
      %add3A_1074 = arith.addi %mul3A_1007, %add3A_1073 : i32
      %swap3A_1075 = arith.index_cast %add3A_1074 : i32 to index
      %swap3A_1076 = tpu.vector_load %arg23[%swap3A_1075] {strides = array<i32>} : memref<2048xf32, #tpu.memory_space<vmem>>, vector<16xf32>,
      tpu.vector_store %arg23[%swap3A_1075], %gather3A_1072 {strides = array<i32>} : memref<2048xf32, #tpu.memory_space<vmem>>, vector<16xf32>,
      %scan3A_1077 = arith.constant 0 : i32
      scf.yield %scan3A_1077 : i32
    }
    %scan3A_546 = arith.constant 16 : i32
    %dma_start3A_547 = arith.constant 3 : i32
    %dma_start3A_548 = arith.constant 0 : i32
    %dma_start3A_549 = tpu.memref_slice %arg10[%dma_start3A_547, %add3A, %dma_start3A_548] : memref<4x32x16384xf32, #tpu.memory_space<hbm>> -> memref<1x1x2048xf32, #tpu.memory_space<hbm>>
    %dma_start3A_550 = tpu.memref_squeeze %dma_start3A_549 : memref<1x1x2048xf32, #tpu.memory_space<hbm>> -> memref<2048xf32, #tpu.memory_space<hbm>>
    %dma_start3A_551 = arith.constant 0 : i32
    %dma_start3A_552 = tpu.memref_slice %arg10[%dma_start3A_547, %add3A, %dma_start3A_551] : memref<4x32x16384xf32, #tpu.memory_space<hbm>> -> memref<1x1x2048xf32, #tpu.memory_space<hbm>>
    %dma_start3A_553 = tpu.memref_squeeze %dma_start3A_552 : memref<1x1x2048xf32, #tpu.memory_space<hbm>> -> memref<2048xf32, #tpu.memory_space<hbm>>
    tpu.enqueue_dma source(%arg23 : memref<2048xf32, #tpu.memory_space<vmem>>) target(%dma_start3A_553 : memref<2048xf32, #tpu.memory_space<hbm>>) target_semaphore(%arg39 : memref<!tpu.dma_semaphore, #tpu.memory_space<semaphore_mem>>)
    %dma_start3A_554 = arith.constant 20480 : i32
    %dma_start3A_555 = tpu.memref_slice %arg17[%dma_start3A_554] : memref<65536xi32, #tpu.memory_space<vmem_shared>> -> memref<2048xi32, #tpu.memory_space<vmem_shared>>
    %dma_start3A_556 = arith.constant 20480 : i32
    %dma_start3A_557 = tpu.memref_slice %arg17[%dma_start3A_556] : memref<65536xi32, #tpu.memory_space<vmem_shared>> -> memref<2048xi32, #tpu.memory_space<vmem_shared>>
    tpu.enqueue_dma source(%dma_start3A_557 : memref<2048xi32, #tpu.memory_space<vmem_shared>>) target(%arg21 : memref<2048xi32, #tpu.memory_space<vmem>>) target_semaphore(%arg37 : memref<!tpu.dma_semaphore, #tpu.memory_space<semaphore_mem>>)
    %dma_wait3A_558 = arith.constant 0 : i32
    %dma_wait3A_559 = arith.constant 12288 : i32
    %dma_wait3A_560 = tpu.memref_slice %arg10[%dma_wait3A_558, %add3A, %dma_wait3A_559] : memref<4x32x16384xf32, #tpu.memory_space<hbm>> -> memref<1x1x2048xf32, #tpu.memory_space<hbm>>
    %dma_wait3A_561 = tpu.memref_squeeze %dma_wait3A_560 : memref<1x1x2048xf32, #tpu.memory_space<hbm>> -> memref<2048xf32, #tpu.memory_space<hbm>>
    %dma_wait3A_562 = arith.constant 12288 : i32
    %dma_wait3A_563 = tpu.memref_slice %arg10[%dma_wait3A_558, %add3A, %dma_wait3A_562] : memref<4x32x16384xf32, #tpu.memory_space<hbm>> -> memref<1x1x2048xf32, #tpu.memory_space<hbm>>
    %dma_wait3A_564 = tpu.memref_squeeze %dma_wait3A_563 : memref<1x1x2048xf32, #tpu.memory_space<hbm>> -> memref<2048xf32, #tpu.memory_space<hbm>>
    tpu.wait_dma2 semaphore(%arg41 : memref<!tpu.dma_semaphore, #tpu.memory_space<semaphore_mem>>) src(%arg25 : memref<2048xf32, #tpu.memory_space<vmem>>) dst(%dma_wait3A_564 : memref<2048xf32, #tpu.memory_space<hbm>>)
    %dma_wait3A_565 = arith.constant 18432 : i32
    %dma_wait3A_566 = tpu.memref_slice %arg17[%dma_wait3A_565] : memref<65536xi32, #tpu.memory_space<vmem_shared>> -> memref<2048xi32, #tpu.memory_space<vmem_shared>>
    %dma_wait3A_567 = arith.constant 18432 : i32
    %dma_wait3A_568 = tpu.memref_slice %arg17[%dma_wait3A_567] : memref<65536xi32, #tpu.memory_space<vmem_shared>> -> memref<2048xi32, #tpu.memory_space<vmem_shared>>
    tpu.wait_dma2 semaphore(%arg36 : memref<!tpu.dma_semaphore, #tpu.memory_space<semaphore_mem>>) src(%dma_wait3A_568 : memref<2048xi32, #tpu.memory_space<vmem_shared>>) dst(%arg20 : memref<2048xi32, #tpu.memory_space<vmem>>)
    %mul3A_569 = arith.constant 1000 : i32
    %mul3A_570 = arith.muli %arg1, %mul3A_569 : i32
    %dma_start3A_571 = tpu.memref_slice %arg16[%mul3A_570] : memref<16000xf32, #tpu.memory_space<vmem_shared>> -> memref<1000xf32, #tpu.memory_space<vmem_shared>>
    %dma_start3A_572 = arith.constant 0 : i32
    %dma_start3A_573 = tpu.memref_slice %dma_start3A_571[%dma_start3A_572] : memref<1000xf32, #tpu.memory_space<vmem_shared>> -> memref<1000xf32, #tpu.memory_space<vmem_shared>>
    tpu.enqueue_indirect_dma source(%dma_start3A_573 : memref<1000xf32, #tpu.memory_space<vmem_shared>>) target(%arg25 : memref<2048xf32, #tpu.memory_space<vmem>>) offsets(%arg20 : memref<2048xi32, #tpu.memory_space<vmem>>) semaphore(%arg44 : memref<!tpu.dma_semaphore, #tpu.memory_space<semaphore_mem>>)
    %dma_wait3A_574 = tpu.memref_slice %arg16[%mul3A_505] : memref<16000xf32, #tpu.memory_space<vmem_shared>> -> memref<1000xf32, #tpu.memory_space<vmem_shared>>
    %dma_wait3A_575 = arith.constant 0 : i32
    %dma_wait3A_576 = tpu.memref_slice %dma_wait3A_574[%dma_wait3A_575] : memref<1000xf32, #tpu.memory_space<vmem_shared>> -> memref<1000xf32, #tpu.memory_space<vmem_shared>>
    tpu.wait_indirect_dma semaphore(%arg46 : memref<!tpu.dma_semaphore, #tpu.memory_space<semaphore_mem>>) src(%dma_wait3A_576 : memref<1000xf32, #tpu.memory_space<vmem_shared>>) dst(%arg27 : memref<2048xf32, #tpu.memory_space<vmem>>)
    %dma_start3A_577 = arith.constant 1 : i32
    %dma_start3A_578 = arith.constant 0 : i32
    %dma_start3A_579 = tpu.memref_slice %arg10[%dma_start3A_577, %add3A, %dma_start3A_578] : memref<4x32x16384xf32, #tpu.memory_space<hbm>> -> memref<1x1x2048xf32, #tpu.memory_space<hbm>>
    %dma_start3A_580 = tpu.memref_squeeze %dma_start3A_579 : memref<1x1x2048xf32, #tpu.memory_space<hbm>> -> memref<2048xf32, #tpu.memory_space<hbm>>
    %dma_start3A_581 = arith.constant 0 : i32
    %dma_start3A_582 = tpu.memref_slice %arg10[%dma_start3A_577, %add3A, %dma_start3A_581] : memref<4x32x16384xf32, #tpu.memory_space<hbm>> -> memref<1x1x2048xf32, #tpu.memory_space<hbm>>
    %dma_start3A_583 = tpu.memref_squeeze %dma_start3A_582 : memref<1x1x2048xf32, #tpu.memory_space<hbm>> -> memref<2048xf32, #tpu.memory_space<hbm>>
    tpu.enqueue_dma source(%arg27 : memref<2048xf32, #tpu.memory_space<vmem>>) target(%dma_start3A_583 : memref<2048xf32, #tpu.memory_space<hbm>>) target_semaphore(%arg43 : memref<!tpu.dma_semaphore, #tpu.memory_space<semaphore_mem>>)
    %dma_start3A_584 = arith.constant 53248 : i32
    %dma_start3A_585 = tpu.memref_slice %arg17[%dma_start3A_584] : memref<65536xi32, #tpu.memory_space<vmem_shared>> -> memref<2048xi32, #tpu.memory_space<vmem_shared>>
    %dma_start3A_586 = arith.constant 53248 : i32
    %dma_start3A_587 = tpu.memref_slice %arg17[%dma_start3A_586] : memref<65536xi32, #tpu.memory_space<vmem_shared>> -> memref<2048xi32, #tpu.memory_space<vmem_shared>>
    tpu.enqueue_dma source(%dma_start3A_587 : memref<2048xi32, #tpu.memory_space<vmem_shared>>) target(%arg18 : memref<2048xi32, #tpu.memory_space<vmem>>) target_semaphore(%arg34 : memref<!tpu.dma_semaphore, #tpu.memory_space<semaphore_mem>>)
    %dma_wait3A_588 = arith.constant 2 : i32
    %dma_wait3A_589 = arith.constant 14336 : i32
    %dma_wait3A_590 = tpu.memref_slice %arg10[%dma_wait3A_588, %add3A, %dma_wait3A_589] : memref<4x32x16384xf32, #tpu.memory_space<hbm>> -> memref<1x1x2048xf32, #tpu.memory_space<hbm>>
    %dma_wait3A_591 = tpu.memref_squeeze %dma_wait3A_590 : memref<1x1x2048xf32, #tpu.memory_space<hbm>> -> memref<2048xf32, #tpu.memory_space<hbm>>
    %dma_wait3A_592 = arith.constant 14336 : i32
    %dma_wait3A_593 = tpu.memref_slice %arg10[%dma_wait3A_588, %add3A, %dma_wait3A_592] : memref<4x32x16384xf32, #tpu.memory_space<hbm>> -> memref<1x1x2048xf32, #tpu.memory_space<hbm>>
    %dma_wait3A_594 = tpu.memref_squeeze %dma_wait3A_593 : memref<1x1x2048xf32, #tpu.memory_space<hbm>> -> memref<2048xf32, #tpu.memory_space<hbm>>
    tpu.wait_dma2 semaphore(%arg40 : memref<!tpu.dma_semaphore, #tpu.memory_space<semaphore_mem>>) src(%arg24 : memref<2048xf32, #tpu.memory_space<vmem>>) dst(%dma_wait3A_594 : memref<2048xf32, #tpu.memory_space<hbm>>)
    %dma_wait3A_595 = arith.constant 51200 : i32
    %dma_wait3A_596 = tpu.memref_slice %arg17[%dma_wait3A_595] : memref<65536xi32, #tpu.memory_space<vmem_shared>> -> memref<2048xi32, #tpu.memory_space<vmem_shared>>
    %dma_wait3A_597 = arith.constant 51200 : i32
    %dma_wait3A_598 = tpu.memref_slice %arg17[%dma_wait3A_597] : memref<65536xi32, #tpu.memory_space<vmem_shared>> -> memref<2048xi32, #tpu.memory_space<vmem_shared>>
    tpu.wait_dma2 semaphore(%arg35 : memref<!tpu.dma_semaphore, #tpu.memory_space<semaphore_mem>>) src(%dma_wait3A_598 : memref<2048xi32, #tpu.memory_space<vmem_shared>>) dst(%arg19 : memref<2048xi32, #tpu.memory_space<vmem>>)
    %scan3A_599 = arith.constant 0 : i32
    %scan3A_600 = arith.constant 0 : i32
    %scan3A_601 = arith.constant 16 : i32
    %scan3A_602 = arith.addi %scan3A_600, %scan3A_601 : i32
    %scan3A_603 = arith.constant 1 : i32
    %scan3A_604 = scf.for %scan3A_1004 = %scan3A_600 to %scan3A_602 step %scan3A_603 iter_args(%scan3A_1005 = %scan3A_599) -> (i32)  : i32 {
      %mul3A_1006 = arith.constant 128 : i32
      %mul3A_1007 = arith.muli %scan3A_1004, %mul3A_1006 : i32
      %add3A_1008 = arith.constant 0 : i32
      %add3A_1009 = arith.addi %mul3A_1007, %add3A_1008 : i32
      %get3A = arith.index_cast %add3A_1009 : i32 to index
      %get3A_1010 = tpu.vector_load %arg19[%get3A] {strides = array<i32>} : memref<2048xi32, #tpu.memory_space<vmem>>, vector<16xi32>,
      %gather3A = tpu.vector_load_idx %arg11[%get3A_1010] : memref<100000xf32, #tpu.memory_space<vmem>>[vector<16xi32>], vector<16xf32>,
      %add3A_1011 = arith.constant 0 : i32
      %add3A_1012 = arith.addi %mul3A_1007, %add3A_1011 : i32
      %swap3A = arith.index_cast %add3A_1012 : i32 to index
      %swap3A_1013 = tpu.vector_load %arg24[%swap3A] {strides = array<i32>} : memref<2048xf32, #tpu.memory_space<vmem>>, vector<16xf32>,
      tpu.vector_store %arg24[%swap3A], %gather3A {strides = array<i32>} : memref<2048xf32, #tpu.memory_space<vmem>>, vector<16xf32>,
      %add3A_1014 = arith.constant 16 : i32
      %add3A_1015 = arith.addi %mul3A_1007, %add3A_1014 : i32
      %get3A_1016 = arith.index_cast %add3A_1015 : i32 to index
      %get3A_1017 = tpu.vector_load %arg19[%get3A_1016] {strides = array<i32>} : memref<2048xi32, #tpu.memory_space<vmem>>, vector<16xi32>,
      %gather3A_1018 = tpu.vector_load_idx %arg11[%get3A_1017] : memref<100000xf32, #tpu.memory_space<vmem>>[vector<16xi32>], vector<16xf32>,
      %add3A_1019 = arith.constant 16 : i32
      %add3A_1020 = arith.addi %mul3A_1007, %add3A_1019 : i32
      %swap3A_1021 = arith.index_cast %add3A_1020 : i32 to index
      %swap3A_1022 = tpu.vector_load %arg24[%swap3A_1021] {strides = array<i32>} : memref<2048xf32, #tpu.memory_space<vmem>>, vector<16xf32>,
      tpu.vector_store %arg24[%swap3A_1021], %gather3A_1018 {strides = array<i32>} : memref<2048xf32, #tpu.memory_space<vmem>>, vector<16xf32>,
      %add3A_1023 = arith.constant 32 : i32
      %add3A_1024 = arith.addi %mul3A_1007, %add3A_1023 : i32
      %get3A_1025 = arith.index_cast %add3A_1024 : i32 to index
      %get3A_1026 = tpu.vector_load %arg19[%get3A_1025] {strides = array<i32>} : memref<2048xi32, #tpu.memory_space<vmem>>, vector<16xi32>,
      %gather3A_1027 = tpu.vector_load_idx %arg11[%get3A_1026] : memref<100000xf32, #tpu.memory_space<vmem>>[vector<16xi32>], vector<16xf32>,
      %add3A_1028 = arith.constant 32 : i32
      %add3A_1029 = arith.addi %mul3A_1007, %add3A_1028 : i32
      %swap3A_1030 = arith.index_cast %add3A_1029 : i32 to index
      %swap3A_1031 = tpu.vector_load %arg24[%swap3A_1030] {strides = array<i32>} : memref<2048xf32, #tpu.memory_space<vmem>>, vector<16xf32>,
      tpu.vector_store %arg24[%swap3A_1030], %gather3A_1027 {strides = array<i32>} : memref<2048xf32, #tpu.memory_space<vmem>>, vector<16xf32>,
      %add3A_1032 = arith.constant 48 : i32
      %add3A_1033 = arith.addi %mul3A_1007, %add3A_1032 : i32
      %get3A_1034 = arith.index_cast %add3A_1033 : i32 to index
      %get3A_1035 = tpu.vector_load %arg19[%get3A_1034] {strides = array<i32>} : memref<2048xi32, #tpu.memory_space<vmem>>, vector<16xi32>,
      %gather3A_1036 = tpu.vector_load_idx %arg11[%get3A_1035] : memref<100000xf32, #tpu.memory_space<vmem>>[vector<16xi32>], vector<16xf32>,
      %add3A_1037 = arith.constant 48 : i32
      %add3A_1038 = arith.addi %mul3A_1007, %add3A_1037 : i32
      %swap3A_1039 = arith.index_cast %add3A_1038 : i32 to index
      %swap3A_1040 = tpu.vector_load %arg24[%swap3A_1039] {strides = array<i32>} : memref<2048xf32, #tpu.memory_space<vmem>>, vector<16xf32>,
      tpu.vector_store %arg24[%swap3A_1039], %gather3A_1036 {strides = array<i32>} : memref<2048xf32, #tpu.memory_space<vmem>>, vector<16xf32>,
      %add3A_1041 = arith.constant 64 : i32
      %add3A_1042 = arith.addi %mul3A_1007, %add3A_1041 : i32
      %get3A_1043 = arith.index_cast %add3A_1042 : i32 to index
      %get3A_1044 = tpu.vector_load %arg19[%get3A_1043] {strides = array<i32>} : memref<2048xi32, #tpu.memory_space<vmem>>, vector<16xi32>,
      %gather3A_1045 = tpu.vector_load_idx %arg11[%get3A_1044] : memref<100000xf32, #tpu.memory_space<vmem>>[vector<16xi32>], vector<16xf32>,
      %add3A_1046 = arith.constant 64 : i32
      %add3A_1047 = arith.addi %mul3A_1007, %add3A_1046 : i32
      %swap3A_1048 = arith.index_cast %add3A_1047 : i32 to index
      %swap3A_1049 = tpu.vector_load %arg24[%swap3A_1048] {strides = array<i32>} : memref<2048xf32, #tpu.memory_space<vmem>>, vector<16xf32>,
      tpu.vector_store %arg24[%swap3A_1048], %gather3A_1045 {strides = array<i32>} : memref<2048xf32, #tpu.memory_space<vmem>>, vector<16xf32>,
      %add3A_1050 = arith.constant 80 : i32
      %add3A_1051 = arith.addi %mul3A_1007, %add3A_1050 : i32
      %get3A_1052 = arith.index_cast %add3A_1051 : i32 to index
      %get3A_1053 = tpu.vector_load %arg19[%get3A_1052] {strides = array<i32>} : memref<2048xi32, #tpu.memory_space<vmem>>, vector<16xi32>,
      %gather3A_1054 = tpu.vector_load_idx %arg11[%get3A_1053] : memref<100000xf32, #tpu.memory_space<vmem>>[vector<16xi32>], vector<16xf32>,
      %add3A_1055 = arith.constant 80 : i32
      %add3A_1056 = arith.addi %mul3A_1007, %add3A_1055 : i32
      %swap3A_1057 = arith.index_cast %add3A_1056 : i32 to index
      %swap3A_1058 = tpu.vector_load %arg24[%swap3A_1057] {strides = array<i32>} : memref<2048xf32, #tpu.memory_space<vmem>>, vector<16xf32>,
      tpu.vector_store %arg24[%swap3A_1057], %gather3A_1054 {strides = array<i32>} : memref<2048xf32, #tpu.memory_space<vmem>>, vector<16xf32>,
      %add3A_1059 = arith.constant 96 : i32
      %add3A_1060 = arith.addi %mul3A_1007, %add3A_1059 : i32
      %get3A_1061 = arith.index_cast %add3A_1060 : i32 to index
      %get3A_1062 = tpu.vector_load %arg19[%get3A_1061] {strides = array<i32>} : memref<2048xi32, #tpu.memory_space<vmem>>, vector<16xi32>,
      %gather3A_1063 = tpu.vector_load_idx %arg11[%get3A_1062] : memref<100000xf32, #tpu.memory_space<vmem>>[vector<16xi32>], vector<16xf32>,
      %add3A_1064 = arith.constant 96 : i32
      %add3A_1065 = arith.addi %mul3A_1007, %add3A_1064 : i32
      %swap3A_1066 = arith.index_cast %add3A_1065 : i32 to index
      %swap3A_1067 = tpu.vector_load %arg24[%swap3A_1066] {strides = array<i32>} : memref<2048xf32, #tpu.memory_space<vmem>>, vector<16xf32>,
      tpu.vector_store %arg24[%swap3A_1066], %gather3A_1063 {strides = array<i32>} : memref<2048xf32, #tpu.memory_space<vmem>>, vector<16xf32>,
      %add3A_1068 = arith.constant 112 : i32
      %add3A_1069 = arith.addi %mul3A_1007, %add3A_1068 : i32
      %get3A_1070 = arith.index_cast %add3A_1069 : i32 to index
      %get3A_1071 = tpu.vector_load %arg19[%get3A_1070] {strides = array<i32>} : memref<2048xi32, #tpu.memory_space<vmem>>, vector<16xi32>,
      %gather3A_1072 = tpu.vector_load_idx %arg11[%get3A_1071] : memref<100000xf32, #tpu.memory_space<vmem>>[vector<16xi32>], vector<16xf32>,
      %add3A_1073 = arith.constant 112 : i32
      %add3A_1074 = arith.addi %mul3A_1007, %add3A_1073 : i32
      %swap3A_1075 = arith.index_cast %add3A_1074 : i32 to index
      %swap3A_1076 = tpu.vector_load %arg24[%swap3A_1075] {strides = array<i32>} : memref<2048xf32, #tpu.memory_space<vmem>>, vector<16xf32>,
      tpu.vector_store %arg24[%swap3A_1075], %gather3A_1072 {strides = array<i32>} : memref<2048xf32, #tpu.memory_space<vmem>>, vector<16xf32>,
      %scan3A_1077 = arith.constant 0 : i32
      scf.yield %scan3A_1077 : i32
    }
    %scan3A_605 = arith.constant 16 : i32
    %dma_start3A_606 = arith.constant 3 : i32
    %dma_start3A_607 = arith.constant 2048 : i32
    %dma_start3A_608 = tpu.memref_slice %arg10[%dma_start3A_606, %add3A, %dma_start3A_607] : memref<4x32x16384xf32, #tpu.memory_space<hbm>> -> memref<1x1x2048xf32, #tpu.memory_space<hbm>>
    %dma_start3A_609 = tpu.memref_squeeze %dma_start3A_608 : memref<1x1x2048xf32, #tpu.memory_space<hbm>> -> memref<2048xf32, #tpu.memory_space<hbm>>
    %dma_start3A_610 = arith.constant 2048 : i32
    %dma_start3A_611 = tpu.memref_slice %arg10[%dma_start3A_606, %add3A, %dma_start3A_610] : memref<4x32x16384xf32, #tpu.memory_space<hbm>> -> memref<1x1x2048xf32, #tpu.memory_space<hbm>>
    %dma_start3A_612 = tpu.memref_squeeze %dma_start3A_611 : memref<1x1x2048xf32, #tpu.memory_space<hbm>> -> memref<2048xf32, #tpu.memory_space<hbm>>
    tpu.enqueue_dma source(%arg24 : memref<2048xf32, #tpu.memory_space<vmem>>) target(%dma_start3A_612 : memref<2048xf32, #tpu.memory_space<hbm>>) target_semaphore(%arg40 : memref<!tpu.dma_semaphore, #tpu.memory_space<semaphore_mem>>)
    %dma_start3A_613 = arith.constant 22528 : i32
    %dma_start3A_614 = tpu.memref_slice %arg17[%dma_start3A_613] : memref<65536xi32, #tpu.memory_space<vmem_shared>> -> memref<2048xi32, #tpu.memory_space<vmem_shared>>
    %dma_start3A_615 = arith.constant 22528 : i32
    %dma_start3A_616 = tpu.memref_slice %arg17[%dma_start3A_615] : memref<65536xi32, #tpu.memory_space<vmem_shared>> -> memref<2048xi32, #tpu.memory_space<vmem_shared>>
    tpu.enqueue_dma source(%dma_start3A_616 : memref<2048xi32, #tpu.memory_space<vmem_shared>>) target(%arg22 : memref<2048xi32, #tpu.memory_space<vmem>>) target_semaphore(%arg38 : memref<!tpu.dma_semaphore, #tpu.memory_space<semaphore_mem>>)
    %dma_wait3A_617 = arith.constant 0 : i32
    %dma_wait3A_618 = arith.constant 14336 : i32
    %dma_wait3A_619 = tpu.memref_slice %arg10[%dma_wait3A_617, %add3A, %dma_wait3A_618] : memref<4x32x16384xf32, #tpu.memory_space<hbm>> -> memref<1x1x2048xf32, #tpu.memory_space<hbm>>
    %dma_wait3A_620 = tpu.memref_squeeze %dma_wait3A_619 : memref<1x1x2048xf32, #tpu.memory_space<hbm>> -> memref<2048xf32, #tpu.memory_space<hbm>>
    %dma_wait3A_621 = arith.constant 14336 : i32
    %dma_wait3A_622 = tpu.memref_slice %arg10[%dma_wait3A_617, %add3A, %dma_wait3A_621] : memref<4x32x16384xf32, #tpu.memory_space<hbm>> -> memref<1x1x2048xf32, #tpu.memory_space<hbm>>
    %dma_wait3A_623 = tpu.memref_squeeze %dma_wait3A_622 : memref<1x1x2048xf32, #tpu.memory_space<hbm>> -> memref<2048xf32, #tpu.memory_space<hbm>>
    tpu.wait_dma2 semaphore(%arg42 : memref<!tpu.dma_semaphore, #tpu.memory_space<semaphore_mem>>) src(%arg26 : memref<2048xf32, #tpu.memory_space<vmem>>) dst(%dma_wait3A_623 : memref<2048xf32, #tpu.memory_space<hbm>>)
    %dma_wait3A_624 = arith.constant 20480 : i32
    %dma_wait3A_625 = tpu.memref_slice %arg17[%dma_wait3A_624] : memref<65536xi32, #tpu.memory_space<vmem_shared>> -> memref<2048xi32, #tpu.memory_space<vmem_shared>>
    %dma_wait3A_626 = arith.constant 20480 : i32
    %dma_wait3A_627 = tpu.memref_slice %arg17[%dma_wait3A_626] : memref<65536xi32, #tpu.memory_space<vmem_shared>> -> memref<2048xi32, #tpu.memory_space<vmem_shared>>
    tpu.wait_dma2 semaphore(%arg37 : memref<!tpu.dma_semaphore, #tpu.memory_space<semaphore_mem>>) src(%dma_wait3A_627 : memref<2048xi32, #tpu.memory_space<vmem_shared>>) dst(%arg21 : memref<2048xi32, #tpu.memory_space<vmem>>)
    %mul3A_628 = arith.constant 1000 : i32
    %mul3A_629 = arith.muli %arg1, %mul3A_628 : i32
    %dma_start3A_630 = tpu.memref_slice %arg16[%mul3A_629] : memref<16000xf32, #tpu.memory_space<vmem_shared>> -> memref<1000xf32, #tpu.memory_space<vmem_shared>>
    %dma_start3A_631 = arith.constant 0 : i32
    %dma_start3A_632 = tpu.memref_slice %dma_start3A_630[%dma_start3A_631] : memref<1000xf32, #tpu.memory_space<vmem_shared>> -> memref<1000xf32, #tpu.memory_space<vmem_shared>>
    tpu.enqueue_indirect_dma source(%dma_start3A_632 : memref<1000xf32, #tpu.memory_space<vmem_shared>>) target(%arg26 : memref<2048xf32, #tpu.memory_space<vmem>>) offsets(%arg21 : memref<2048xi32, #tpu.memory_space<vmem>>) semaphore(%arg45 : memref<!tpu.dma_semaphore, #tpu.memory_space<semaphore_mem>>)
    %dma_wait3A_633 = tpu.memref_slice %arg16[%mul3A_570] : memref<16000xf32, #tpu.memory_space<vmem_shared>> -> memref<1000xf32, #tpu.memory_space<vmem_shared>>
    %dma_wait3A_634 = arith.constant 0 : i32
    %dma_wait3A_635 = tpu.memref_slice %dma_wait3A_633[%dma_wait3A_634] : memref<1000xf32, #tpu.memory_space<vmem_shared>> -> memref<1000xf32, #tpu.memory_space<vmem_shared>>
    tpu.wait_indirect_dma semaphore(%arg44 : memref<!tpu.dma_semaphore, #tpu.memory_space<semaphore_mem>>) src(%dma_wait3A_635 : memref<1000xf32, #tpu.memory_space<vmem_shared>>) dst(%arg25 : memref<2048xf32, #tpu.memory_space<vmem>>)
    %dma_start3A_636 = arith.constant 1 : i32
    %dma_start3A_637 = arith.constant 2048 : i32
    %dma_start3A_638 = tpu.memref_slice %arg10[%dma_start3A_636, %add3A, %dma_start3A_637] : memref<4x32x16384xf32, #tpu.memory_space<hbm>> -> memref<1x1x2048xf32, #tpu.memory_space<hbm>>
    %dma_start3A_639 = tpu.memref_squeeze %dma_start3A_638 : memref<1x1x2048xf32, #tpu.memory_space<hbm>> -> memref<2048xf32, #tpu.memory_space<hbm>>
    %dma_start3A_640 = arith.constant 2048 : i32
    %dma_start3A_641 = tpu.memref_slice %arg10[%dma_start3A_636, %add3A, %dma_start3A_640] : memref<4x32x16384xf32, #tpu.memory_space<hbm>> -> memref<1x1x2048xf32, #tpu.memory_space<hbm>>
    %dma_start3A_642 = tpu.memref_squeeze %dma_start3A_641 : memref<1x1x2048xf32, #tpu.memory_space<hbm>> -> memref<2048xf32, #tpu.memory_space<hbm>>
    tpu.enqueue_dma source(%arg25 : memref<2048xf32, #tpu.memory_space<vmem>>) target(%dma_start3A_642 : memref<2048xf32, #tpu.memory_space<hbm>>) target_semaphore(%arg41 : memref<!tpu.dma_semaphore, #tpu.memory_space<semaphore_mem>>)
    %dma_start3A_643 = arith.constant 55296 : i32
    %dma_start3A_644 = tpu.memref_slice %arg17[%dma_start3A_643] : memref<65536xi32, #tpu.memory_space<vmem_shared>> -> memref<2048xi32, #tpu.memory_space<vmem_shared>>
    %dma_start3A_645 = arith.constant 55296 : i32
    %dma_start3A_646 = tpu.memref_slice %arg17[%dma_start3A_645] : memref<65536xi32, #tpu.memory_space<vmem_shared>> -> memref<2048xi32, #tpu.memory_space<vmem_shared>>
    tpu.enqueue_dma source(%dma_start3A_646 : memref<2048xi32, #tpu.memory_space<vmem_shared>>) target(%arg19 : memref<2048xi32, #tpu.memory_space<vmem>>) target_semaphore(%arg35 : memref<!tpu.dma_semaphore, #tpu.memory_space<semaphore_mem>>)
    %dma_wait3A_647 = arith.constant 3 : i32
    %dma_wait3A_648 = arith.constant 0 : i32
    %dma_wait3A_649 = tpu.memref_slice %arg10[%dma_wait3A_647, %add3A, %dma_wait3A_648] : memref<4x32x16384xf32, #tpu.memory_space<hbm>> -> memref<1x1x2048xf32, #tpu.memory_space<hbm>>
    %dma_wait3A_650 = tpu.memref_squeeze %dma_wait3A_649 : memref<1x1x2048xf32, #tpu.memory_space<hbm>> -> memref<2048xf32, #tpu.memory_space<hbm>>
    %dma_wait3A_651 = arith.constant 0 : i32
    %dma_wait3A_652 = tpu.memref_slice %arg10[%dma_wait3A_647, %add3A, %dma_wait3A_651] : memref<4x32x16384xf32, #tpu.memory_space<hbm>> -> memref<1x1x2048xf32, #tpu.memory_space<hbm>>
    %dma_wait3A_653 = tpu.memref_squeeze %dma_wait3A_652 : memref<1x1x2048xf32, #tpu.memory_space<hbm>> -> memref<2048xf32, #tpu.memory_space<hbm>>
    tpu.wait_dma2 semaphore(%arg39 : memref<!tpu.dma_semaphore, #tpu.memory_space<semaphore_mem>>) src(%arg23 : memref<2048xf32, #tpu.memory_space<vmem>>) dst(%dma_wait3A_653 : memref<2048xf32, #tpu.memory_space<hbm>>)
    %dma_wait3A_654 = arith.constant 53248 : i32
    %dma_wait3A_655 = tpu.memref_slice %arg17[%dma_wait3A_654] : memref<65536xi32, #tpu.memory_space<vmem_shared>> -> memref<2048xi32, #tpu.memory_space<vmem_shared>>
    %dma_wait3A_656 = arith.constant 53248 : i32
    %dma_wait3A_657 = tpu.memref_slice %arg17[%dma_wait3A_656] : memref<65536xi32, #tpu.memory_space<vmem_shared>> -> memref<2048xi32, #tpu.memory_space<vmem_shared>>
    tpu.wait_dma2 semaphore(%arg34 : memref<!tpu.dma_semaphore, #tpu.memory_space<semaphore_mem>>) src(%dma_wait3A_657 : memref<2048xi32, #tpu.memory_space<vmem_shared>>) dst(%arg18 : memref<2048xi32, #tpu.memory_space<vmem>>)
    %scan3A_658 = arith.constant 0 : i32
    %scan3A_659 = arith.constant 0 : i32
    %scan3A_660 = arith.constant 16 : i32
    %scan3A_661 = arith.addi %scan3A_659, %scan3A_660 : i32
    %scan3A_662 = arith.constant 1 : i32
    %scan3A_663 = scf.for %scan3A_1004 = %scan3A_659 to %scan3A_661 step %scan3A_662 iter_args(%scan3A_1005 = %scan3A_658) -> (i32)  : i32 {
      %mul3A_1006 = arith.constant 128 : i32
      %mul3A_1007 = arith.muli %scan3A_1004, %mul3A_1006 : i32
      %add3A_1008 = arith.constant 0 : i32
      %add3A_1009 = arith.addi %mul3A_1007, %add3A_1008 : i32
      %get3A = arith.index_cast %add3A_1009 : i32 to index
      %get3A_1010 = tpu.vector_load %arg18[%get3A] {strides = array<i32>} : memref<2048xi32, #tpu.memory_space<vmem>>, vector<16xi32>,
      %gather3A = tpu.vector_load_idx %arg11[%get3A_1010] : memref<100000xf32, #tpu.memory_space<vmem>>[vector<16xi32>], vector<16xf32>,
      %add3A_1011 = arith.constant 0 : i32
      %add3A_1012 = arith.addi %mul3A_1007, %add3A_1011 : i32
      %swap3A = arith.index_cast %add3A_1012 : i32 to index
      %swap3A_1013 = tpu.vector_load %arg23[%swap3A] {strides = array<i32>} : memref<2048xf32, #tpu.memory_space<vmem>>, vector<16xf32>,
      tpu.vector_store %arg23[%swap3A], %gather3A {strides = array<i32>} : memref<2048xf32, #tpu.memory_space<vmem>>, vector<16xf32>,
      %add3A_1014 = arith.constant 16 : i32
      %add3A_1015 = arith.addi %mul3A_1007, %add3A_1014 : i32
      %get3A_1016 = arith.index_cast %add3A_1015 : i32 to index
      %get3A_1017 = tpu.vector_load %arg18[%get3A_1016] {strides = array<i32>} : memref<2048xi32, #tpu.memory_space<vmem>>, vector<16xi32>,
      %gather3A_1018 = tpu.vector_load_idx %arg11[%get3A_1017] : memref<100000xf32, #tpu.memory_space<vmem>>[vector<16xi32>], vector<16xf32>,
      %add3A_1019 = arith.constant 16 : i32
      %add3A_1020 = arith.addi %mul3A_1007, %add3A_1019 : i32
      %swap3A_1021 = arith.index_cast %add3A_1020 : i32 to index
      %swap3A_1022 = tpu.vector_load %arg23[%swap3A_1021] {strides = array<i32>} : memref<2048xf32, #tpu.memory_space<vmem>>, vector<16xf32>,
      tpu.vector_store %arg23[%swap3A_1021], %gather3A_1018 {strides = array<i32>} : memref<2048xf32, #tpu.memory_space<vmem>>, vector<16xf32>,
      %add3A_1023 = arith.constant 32 : i32
      %add3A_1024 = arith.addi %mul3A_1007, %add3A_1023 : i32
      %get3A_1025 = arith.index_cast %add3A_1024 : i32 to index
      %get3A_1026 = tpu.vector_load %arg18[%get3A_1025] {strides = array<i32>} : memref<2048xi32, #tpu.memory_space<vmem>>, vector<16xi32>,
      %gather3A_1027 = tpu.vector_load_idx %arg11[%get3A_1026] : memref<100000xf32, #tpu.memory_space<vmem>>[vector<16xi32>], vector<16xf32>,
      %add3A_1028 = arith.constant 32 : i32
      %add3A_1029 = arith.addi %mul3A_1007, %add3A_1028 : i32
      %swap3A_1030 = arith.index_cast %add3A_1029 : i32 to index
      %swap3A_1031 = tpu.vector_load %arg23[%swap3A_1030] {strides = array<i32>} : memref<2048xf32, #tpu.memory_space<vmem>>, vector<16xf32>,
      tpu.vector_store %arg23[%swap3A_1030], %gather3A_1027 {strides = array<i32>} : memref<2048xf32, #tpu.memory_space<vmem>>, vector<16xf32>,
      %add3A_1032 = arith.constant 48 : i32
      %add3A_1033 = arith.addi %mul3A_1007, %add3A_1032 : i32
      %get3A_1034 = arith.index_cast %add3A_1033 : i32 to index
      %get3A_1035 = tpu.vector_load %arg18[%get3A_1034] {strides = array<i32>} : memref<2048xi32, #tpu.memory_space<vmem>>, vector<16xi32>,
      %gather3A_1036 = tpu.vector_load_idx %arg11[%get3A_1035] : memref<100000xf32, #tpu.memory_space<vmem>>[vector<16xi32>], vector<16xf32>,
      %add3A_1037 = arith.constant 48 : i32
      %add3A_1038 = arith.addi %mul3A_1007, %add3A_1037 : i32
      %swap3A_1039 = arith.index_cast %add3A_1038 : i32 to index
      %swap3A_1040 = tpu.vector_load %arg23[%swap3A_1039] {strides = array<i32>} : memref<2048xf32, #tpu.memory_space<vmem>>, vector<16xf32>,
      tpu.vector_store %arg23[%swap3A_1039], %gather3A_1036 {strides = array<i32>} : memref<2048xf32, #tpu.memory_space<vmem>>, vector<16xf32>,
      %add3A_1041 = arith.constant 64 : i32
      %add3A_1042 = arith.addi %mul3A_1007, %add3A_1041 : i32
      %get3A_1043 = arith.index_cast %add3A_1042 : i32 to index
      %get3A_1044 = tpu.vector_load %arg18[%get3A_1043] {strides = array<i32>} : memref<2048xi32, #tpu.memory_space<vmem>>, vector<16xi32>,
      %gather3A_1045 = tpu.vector_load_idx %arg11[%get3A_1044] : memref<100000xf32, #tpu.memory_space<vmem>>[vector<16xi32>], vector<16xf32>,
      %add3A_1046 = arith.constant 64 : i32
      %add3A_1047 = arith.addi %mul3A_1007, %add3A_1046 : i32
      %swap3A_1048 = arith.index_cast %add3A_1047 : i32 to index
      %swap3A_1049 = tpu.vector_load %arg23[%swap3A_1048] {strides = array<i32>} : memref<2048xf32, #tpu.memory_space<vmem>>, vector<16xf32>,
      tpu.vector_store %arg23[%swap3A_1048], %gather3A_1045 {strides = array<i32>} : memref<2048xf32, #tpu.memory_space<vmem>>, vector<16xf32>,
      %add3A_1050 = arith.constant 80 : i32
      %add3A_1051 = arith.addi %mul3A_1007, %add3A_1050 : i32
      %get3A_1052 = arith.index_cast %add3A_1051 : i32 to index
      %get3A_1053 = tpu.vector_load %arg18[%get3A_1052] {strides = array<i32>} : memref<2048xi32, #tpu.memory_space<vmem>>, vector<16xi32>,
      %gather3A_1054 = tpu.vector_load_idx %arg11[%get3A_1053] : memref<100000xf32, #tpu.memory_space<vmem>>[vector<16xi32>], vector<16xf32>,
      %add3A_1055 = arith.constant 80 : i32
      %add3A_1056 = arith.addi %mul3A_1007, %add3A_1055 : i32
      %swap3A_1057 = arith.index_cast %add3A_1056 : i32 to index
      %swap3A_1058 = tpu.vector_load %arg23[%swap3A_1057] {strides = array<i32>} : memref<2048xf32, #tpu.memory_space<vmem>>, vector<16xf32>,
      tpu.vector_store %arg23[%swap3A_1057], %gather3A_1054 {strides = array<i32>} : memref<2048xf32, #tpu.memory_space<vmem>>, vector<16xf32>,
      %add3A_1059 = arith.constant 96 : i32
      %add3A_1060 = arith.addi %mul3A_1007, %add3A_1059 : i32
      %get3A_1061 = arith.index_cast %add3A_1060 : i32 to index
      %get3A_1062 = tpu.vector_load %arg18[%get3A_1061] {strides = array<i32>} : memref<2048xi32, #tpu.memory_space<vmem>>, vector<16xi32>,
      %gather3A_1063 = tpu.vector_load_idx %arg11[%get3A_1062] : memref<100000xf32, #tpu.memory_space<vmem>>[vector<16xi32>], vector<16xf32>,
      %add3A_1064 = arith.constant 96 : i32
      %add3A_1065 = arith.addi %mul3A_1007, %add3A_1064 : i32
      %swap3A_1066 = arith.index_cast %add3A_1065 : i32 to index
      %swap3A_1067 = tpu.vector_load %arg23[%swap3A_1066] {strides = array<i32>} : memref<2048xf32, #tpu.memory_space<vmem>>, vector<16xf32>,
      tpu.vector_store %arg23[%swap3A_1066], %gather3A_1063 {strides = array<i32>} : memref<2048xf32, #tpu.memory_space<vmem>>, vector<16xf32>,
      %add3A_1068 = arith.constant 112 : i32
      %add3A_1069 = arith.addi %mul3A_1007, %add3A_1068 : i32
      %get3A_1070 = arith.index_cast %add3A_1069 : i32 to index
      %get3A_1071 = tpu.vector_load %arg18[%get3A_1070] {strides = array<i32>} : memref<2048xi32, #tpu.memory_space<vmem>>, vector<16xi32>,
      %gather3A_1072 = tpu.vector_load_idx %arg11[%get3A_1071] : memref<100000xf32, #tpu.memory_space<vmem>>[vector<16xi32>], vector<16xf32>,
      %add3A_1073 = arith.constant 112 : i32
      %add3A_1074 = arith.addi %mul3A_1007, %add3A_1073 : i32
      %swap3A_1075 = arith.index_cast %add3A_1074 : i32 to index
      %swap3A_1076 = tpu.vector_load %arg23[%swap3A_1075] {strides = array<i32>} : memref<2048xf32, #tpu.memory_space<vmem>>, vector<16xf32>,
      tpu.vector_store %arg23[%swap3A_1075], %gather3A_1072 {strides = array<i32>} : memref<2048xf32, #tpu.memory_space<vmem>>, vector<16xf32>,
      %scan3A_1077 = arith.constant 0 : i32
      scf.yield %scan3A_1077 : i32
    }
    %scan3A_664 = arith.constant 16 : i32
    %dma_start3A_665 = arith.constant 3 : i32
    %dma_start3A_666 = arith.constant 4096 : i32
    %dma_start3A_667 = tpu.memref_slice %arg10[%dma_start3A_665, %add3A, %dma_start3A_666] : memref<4x32x16384xf32, #tpu.memory_space<hbm>> -> memref<1x1x2048xf32, #tpu.memory_space<hbm>>
    %dma_start3A_668 = tpu.memref_squeeze %dma_start3A_667 : memref<1x1x2048xf32, #tpu.memory_space<hbm>> -> memref<2048xf32, #tpu.memory_space<hbm>>
    %dma_start3A_669 = arith.constant 4096 : i32
    %dma_start3A_670 = tpu.memref_slice %arg10[%dma_start3A_665, %add3A, %dma_start3A_669] : memref<4x32x16384xf32, #tpu.memory_space<hbm>> -> memref<1x1x2048xf32, #tpu.memory_space<hbm>>
    %dma_start3A_671 = tpu.memref_squeeze %dma_start3A_670 : memref<1x1x2048xf32, #tpu.memory_space<hbm>> -> memref<2048xf32, #tpu.memory_space<hbm>>
    tpu.enqueue_dma source(%arg23 : memref<2048xf32, #tpu.memory_space<vmem>>) target(%dma_start3A_671 : memref<2048xf32, #tpu.memory_space<hbm>>) target_semaphore(%arg39 : memref<!tpu.dma_semaphore, #tpu.memory_space<semaphore_mem>>)
    %dma_start3A_672 = arith.constant 24576 : i32
    %dma_start3A_673 = tpu.memref_slice %arg17[%dma_start3A_672] : memref<65536xi32, #tpu.memory_space<vmem_shared>> -> memref<2048xi32, #tpu.memory_space<vmem_shared>>
    %dma_start3A_674 = arith.constant 24576 : i32
    %dma_start3A_675 = tpu.memref_slice %arg17[%dma_start3A_674] : memref<65536xi32, #tpu.memory_space<vmem_shared>> -> memref<2048xi32, #tpu.memory_space<vmem_shared>>
    tpu.enqueue_dma source(%dma_start3A_675 : memref<2048xi32, #tpu.memory_space<vmem_shared>>) target(%arg20 : memref<2048xi32, #tpu.memory_space<vmem>>) target_semaphore(%arg36 : memref<!tpu.dma_semaphore, #tpu.memory_space<semaphore_mem>>)
    %dma_wait3A_676 = arith.constant 1 : i32
    %dma_wait3A_677 = arith.constant 0 : i32
    %dma_wait3A_678 = tpu.memref_slice %arg10[%dma_wait3A_676, %add3A, %dma_wait3A_677] : memref<4x32x16384xf32, #tpu.memory_space<hbm>> -> memref<1x1x2048xf32, #tpu.memory_space<hbm>>
    %dma_wait3A_679 = tpu.memref_squeeze %dma_wait3A_678 : memref<1x1x2048xf32, #tpu.memory_space<hbm>> -> memref<2048xf32, #tpu.memory_space<hbm>>
    %dma_wait3A_680 = arith.constant 0 : i32
    %dma_wait3A_681 = tpu.memref_slice %arg10[%dma_wait3A_676, %add3A, %dma_wait3A_680] : memref<4x32x16384xf32, #tpu.memory_space<hbm>> -> memref<1x1x2048xf32, #tpu.memory_space<hbm>>
    %dma_wait3A_682 = tpu.memref_squeeze %dma_wait3A_681 : memref<1x1x2048xf32, #tpu.memory_space<hbm>> -> memref<2048xf32, #tpu.memory_space<hbm>>
    tpu.wait_dma2 semaphore(%arg43 : memref<!tpu.dma_semaphore, #tpu.memory_space<semaphore_mem>>) src(%arg27 : memref<2048xf32, #tpu.memory_space<vmem>>) dst(%dma_wait3A_682 : memref<2048xf32, #tpu.memory_space<hbm>>)
    %dma_wait3A_683 = arith.constant 22528 : i32
    %dma_wait3A_684 = tpu.memref_slice %arg17[%dma_wait3A_683] : memref<65536xi32, #tpu.memory_space<vmem_shared>> -> memref<2048xi32, #tpu.memory_space<vmem_shared>>
    %dma_wait3A_685 = arith.constant 22528 : i32
    %dma_wait3A_686 = tpu.memref_slice %arg17[%dma_wait3A_685] : memref<65536xi32, #tpu.memory_space<vmem_shared>> -> memref<2048xi32, #tpu.memory_space<vmem_shared>>
    tpu.wait_dma2 semaphore(%arg38 : memref<!tpu.dma_semaphore, #tpu.memory_space<semaphore_mem>>) src(%dma_wait3A_686 : memref<2048xi32, #tpu.memory_space<vmem_shared>>) dst(%arg22 : memref<2048xi32, #tpu.memory_space<vmem>>)
    %mul3A_687 = arith.constant 1000 : i32
    %mul3A_688 = arith.muli %arg1, %mul3A_687 : i32
    %dma_start3A_689 = tpu.memref_slice %arg16[%mul3A_688] : memref<16000xf32, #tpu.memory_space<vmem_shared>> -> memref<1000xf32, #tpu.memory_space<vmem_shared>>
    %dma_start3A_690 = arith.constant 0 : i32
    %dma_start3A_691 = tpu.memref_slice %dma_start3A_689[%dma_start3A_690] : memref<1000xf32, #tpu.memory_space<vmem_shared>> -> memref<1000xf32, #tpu.memory_space<vmem_shared>>
    tpu.enqueue_indirect_dma source(%dma_start3A_691 : memref<1000xf32, #tpu.memory_space<vmem_shared>>) target(%arg27 : memref<2048xf32, #tpu.memory_space<vmem>>) offsets(%arg22 : memref<2048xi32, #tpu.memory_space<vmem>>) semaphore(%arg46 : memref<!tpu.dma_semaphore, #tpu.memory_space<semaphore_mem>>)
    %dma_wait3A_692 = tpu.memref_slice %arg16[%mul3A_629] : memref<16000xf32, #tpu.memory_space<vmem_shared>> -> memref<1000xf32, #tpu.memory_space<vmem_shared>>
    %dma_wait3A_693 = arith.constant 0 : i32
    %dma_wait3A_694 = tpu.memref_slice %dma_wait3A_692[%dma_wait3A_693] : memref<1000xf32, #tpu.memory_space<vmem_shared>> -> memref<1000xf32, #tpu.memory_space<vmem_shared>>
    tpu.wait_indirect_dma semaphore(%arg45 : memref<!tpu.dma_semaphore, #tpu.memory_space<semaphore_mem>>) src(%dma_wait3A_694 : memref<1000xf32, #tpu.memory_space<vmem_shared>>) dst(%arg26 : memref<2048xf32, #tpu.memory_space<vmem>>)
    %dma_start3A_695 = arith.constant 1 : i32
    %dma_start3A_696 = arith.constant 4096 : i32
    %dma_start3A_697 = tpu.memref_slice %arg10[%dma_start3A_695, %add3A, %dma_start3A_696] : memref<4x32x16384xf32, #tpu.memory_space<hbm>> -> memref<1x1x2048xf32, #tpu.memory_space<hbm>>
    %dma_start3A_698 = tpu.memref_squeeze %dma_start3A_697 : memref<1x1x2048xf32, #tpu.memory_space<hbm>> -> memref<2048xf32, #tpu.memory_space<hbm>>
    %dma_start3A_699 = arith.constant 4096 : i32
    %dma_start3A_700 = tpu.memref_slice %arg10[%dma_start3A_695, %add3A, %dma_start3A_699] : memref<4x32x16384xf32, #tpu.memory_space<hbm>> -> memref<1x1x2048xf32, #tpu.memory_space<hbm>>
    %dma_start3A_701 = tpu.memref_squeeze %dma_start3A_700 : memref<1x1x2048xf32, #tpu.memory_space<hbm>> -> memref<2048xf32, #tpu.memory_space<hbm>>
    tpu.enqueue_dma source(%arg26 : memref<2048xf32, #tpu.memory_space<vmem>>) target(%dma_start3A_701 : memref<2048xf32, #tpu.memory_space<hbm>>) target_semaphore(%arg42 : memref<!tpu.dma_semaphore, #tpu.memory_space<semaphore_mem>>)
    %dma_start3A_702 = arith.constant 57344 : i32
    %dma_start3A_703 = tpu.memref_slice %arg17[%dma_start3A_702] : memref<65536xi32, #tpu.memory_space<vmem_shared>> -> memref<2048xi32, #tpu.memory_space<vmem_shared>>
    %dma_start3A_704 = arith.constant 57344 : i32
    %dma_start3A_705 = tpu.memref_slice %arg17[%dma_start3A_704] : memref<65536xi32, #tpu.memory_space<vmem_shared>> -> memref<2048xi32, #tpu.memory_space<vmem_shared>>
    tpu.enqueue_dma source(%dma_start3A_705 : memref<2048xi32, #tpu.memory_space<vmem_shared>>) target(%arg18 : memref<2048xi32, #tpu.memory_space<vmem>>) target_semaphore(%arg34 : memref<!tpu.dma_semaphore, #tpu.memory_space<semaphore_mem>>)
    %dma_wait3A_706 = arith.constant 3 : i32
    %dma_wait3A_707 = arith.constant 2048 : i32
    %dma_wait3A_708 = tpu.memref_slice %arg10[%dma_wait3A_706, %add3A, %dma_wait3A_707] : memref<4x32x16384xf32, #tpu.memory_space<hbm>> -> memref<1x1x2048xf32, #tpu.memory_space<hbm>>
    %dma_wait3A_709 = tpu.memref_squeeze %dma_wait3A_708 : memref<1x1x2048xf32, #tpu.memory_space<hbm>> -> memref<2048xf32, #tpu.memory_space<hbm>>
    %dma_wait3A_710 = arith.constant 2048 : i32
    %dma_wait3A_711 = tpu.memref_slice %arg10[%dma_wait3A_706, %add3A, %dma_wait3A_710] : memref<4x32x16384xf32, #tpu.memory_space<hbm>> -> memref<1x1x2048xf32, #tpu.memory_space<hbm>>
    %dma_wait3A_712 = tpu.memref_squeeze %dma_wait3A_711 : memref<1x1x2048xf32, #tpu.memory_space<hbm>> -> memref<2048xf32, #tpu.memory_space<hbm>>
    tpu.wait_dma2 semaphore(%arg40 : memref<!tpu.dma_semaphore, #tpu.memory_space<semaphore_mem>>) src(%arg24 : memref<2048xf32, #tpu.memory_space<vmem>>) dst(%dma_wait3A_712 : memref<2048xf32, #tpu.memory_space<hbm>>)
    %dma_wait3A_713 = arith.constant 55296 : i32
    %dma_wait3A_714 = tpu.memref_slice %arg17[%dma_wait3A_713] : memref<65536xi32, #tpu.memory_space<vmem_shared>> -> memref<2048xi32, #tpu.memory_space<vmem_shared>>
    %dma_wait3A_715 = arith.constant 55296 : i32
    %dma_wait3A_716 = tpu.memref_slice %arg17[%dma_wait3A_715] : memref<65536xi32, #tpu.memory_space<vmem_shared>> -> memref<2048xi32, #tpu.memory_space<vmem_shared>>
    tpu.wait_dma2 semaphore(%arg35 : memref<!tpu.dma_semaphore, #tpu.memory_space<semaphore_mem>>) src(%dma_wait3A_716 : memref<2048xi32, #tpu.memory_space<vmem_shared>>) dst(%arg19 : memref<2048xi32, #tpu.memory_space<vmem>>)
    %scan3A_717 = arith.constant 0 : i32
    %scan3A_718 = arith.constant 0 : i32
    %scan3A_719 = arith.constant 16 : i32
    %scan3A_720 = arith.addi %scan3A_718, %scan3A_719 : i32
    %scan3A_721 = arith.constant 1 : i32
    %scan3A_722 = scf.for %scan3A_1004 = %scan3A_718 to %scan3A_720 step %scan3A_721 iter_args(%scan3A_1005 = %scan3A_717) -> (i32)  : i32 {
      %mul3A_1006 = arith.constant 128 : i32
      %mul3A_1007 = arith.muli %scan3A_1004, %mul3A_1006 : i32
      %add3A_1008 = arith.constant 0 : i32
      %add3A_1009 = arith.addi %mul3A_1007, %add3A_1008 : i32
      %get3A = arith.index_cast %add3A_1009 : i32 to index
      %get3A_1010 = tpu.vector_load %arg19[%get3A] {strides = array<i32>} : memref<2048xi32, #tpu.memory_space<vmem>>, vector<16xi32>,
      %gather3A = tpu.vector_load_idx %arg11[%get3A_1010] : memref<100000xf32, #tpu.memory_space<vmem>>[vector<16xi32>], vector<16xf32>,
      %add3A_1011 = arith.constant 0 : i32
      %add3A_1012 = arith.addi %mul3A_1007, %add3A_1011 : i32
      %swap3A = arith.index_cast %add3A_1012 : i32 to index
      %swap3A_1013 = tpu.vector_load %arg24[%swap3A] {strides = array<i32>} : memref<2048xf32, #tpu.memory_space<vmem>>, vector<16xf32>,
      tpu.vector_store %arg24[%swap3A], %gather3A {strides = array<i32>} : memref<2048xf32, #tpu.memory_space<vmem>>, vector<16xf32>,
      %add3A_1014 = arith.constant 16 : i32
      %add3A_1015 = arith.addi %mul3A_1007, %add3A_1014 : i32
      %get3A_1016 = arith.index_cast %add3A_1015 : i32 to index
      %get3A_1017 = tpu.vector_load %arg19[%get3A_1016] {strides = array<i32>} : memref<2048xi32, #tpu.memory_space<vmem>>, vector<16xi32>,
      %gather3A_1018 = tpu.vector_load_idx %arg11[%get3A_1017] : memref<100000xf32, #tpu.memory_space<vmem>>[vector<16xi32>], vector<16xf32>,
      %add3A_1019 = arith.constant 16 : i32
      %add3A_1020 = arith.addi %mul3A_1007, %add3A_1019 : i32
      %swap3A_1021 = arith.index_cast %add3A_1020 : i32 to index
      %swap3A_1022 = tpu.vector_load %arg24[%swap3A_1021] {strides = array<i32>} : memref<2048xf32, #tpu.memory_space<vmem>>, vector<16xf32>,
      tpu.vector_store %arg24[%swap3A_1021], %gather3A_1018 {strides = array<i32>} : memref<2048xf32, #tpu.memory_space<vmem>>, vector<16xf32>,
      %add3A_1023 = arith.constant 32 : i32
      %add3A_1024 = arith.addi %mul3A_1007, %add3A_1023 : i32
      %get3A_1025 = arith.index_cast %add3A_1024 : i32 to index
      %get3A_1026 = tpu.vector_load %arg19[%get3A_1025] {strides = array<i32>} : memref<2048xi32, #tpu.memory_space<vmem>>, vector<16xi32>,
      %gather3A_1027 = tpu.vector_load_idx %arg11[%get3A_1026] : memref<100000xf32, #tpu.memory_space<vmem>>[vector<16xi32>], vector<16xf32>,
      %add3A_1028 = arith.constant 32 : i32
      %add3A_1029 = arith.addi %mul3A_1007, %add3A_1028 : i32
      %swap3A_1030 = arith.index_cast %add3A_1029 : i32 to index
      %swap3A_1031 = tpu.vector_load %arg24[%swap3A_1030] {strides = array<i32>} : memref<2048xf32, #tpu.memory_space<vmem>>, vector<16xf32>,
      tpu.vector_store %arg24[%swap3A_1030], %gather3A_1027 {strides = array<i32>} : memref<2048xf32, #tpu.memory_space<vmem>>, vector<16xf32>,
      %add3A_1032 = arith.constant 48 : i32
      %add3A_1033 = arith.addi %mul3A_1007, %add3A_1032 : i32
      %get3A_1034 = arith.index_cast %add3A_1033 : i32 to index
      %get3A_1035 = tpu.vector_load %arg19[%get3A_1034] {strides = array<i32>} : memref<2048xi32, #tpu.memory_space<vmem>>, vector<16xi32>,
      %gather3A_1036 = tpu.vector_load_idx %arg11[%get3A_1035] : memref<100000xf32, #tpu.memory_space<vmem>>[vector<16xi32>], vector<16xf32>,
      %add3A_1037 = arith.constant 48 : i32
      %add3A_1038 = arith.addi %mul3A_1007, %add3A_1037 : i32
      %swap3A_1039 = arith.index_cast %add3A_1038 : i32 to index
      %swap3A_1040 = tpu.vector_load %arg24[%swap3A_1039] {strides = array<i32>} : memref<2048xf32, #tpu.memory_space<vmem>>, vector<16xf32>,
      tpu.vector_store %arg24[%swap3A_1039], %gather3A_1036 {strides = array<i32>} : memref<2048xf32, #tpu.memory_space<vmem>>, vector<16xf32>,
      %add3A_1041 = arith.constant 64 : i32
      %add3A_1042 = arith.addi %mul3A_1007, %add3A_1041 : i32
      %get3A_1043 = arith.index_cast %add3A_1042 : i32 to index
      %get3A_1044 = tpu.vector_load %arg19[%get3A_1043] {strides = array<i32>} : memref<2048xi32, #tpu.memory_space<vmem>>, vector<16xi32>,
      %gather3A_1045 = tpu.vector_load_idx %arg11[%get3A_1044] : memref<100000xf32, #tpu.memory_space<vmem>>[vector<16xi32>], vector<16xf32>,
      %add3A_1046 = arith.constant 64 : i32
      %add3A_1047 = arith.addi %mul3A_1007, %add3A_1046 : i32
      %swap3A_1048 = arith.index_cast %add3A_1047 : i32 to index
      %swap3A_1049 = tpu.vector_load %arg24[%swap3A_1048] {strides = array<i32>} : memref<2048xf32, #tpu.memory_space<vmem>>, vector<16xf32>,
      tpu.vector_store %arg24[%swap3A_1048], %gather3A_1045 {strides = array<i32>} : memref<2048xf32, #tpu.memory_space<vmem>>, vector<16xf32>,
      %add3A_1050 = arith.constant 80 : i32
      %add3A_1051 = arith.addi %mul3A_1007, %add3A_1050 : i32
      %get3A_1052 = arith.index_cast %add3A_1051 : i32 to index
      %get3A_1053 = tpu.vector_load %arg19[%get3A_1052] {strides = array<i32>} : memref<2048xi32, #tpu.memory_space<vmem>>, vector<16xi32>,
      %gather3A_1054 = tpu.vector_load_idx %arg11[%get3A_1053] : memref<100000xf32, #tpu.memory_space<vmem>>[vector<16xi32>], vector<16xf32>,
      %add3A_1055 = arith.constant 80 : i32
      %add3A_1056 = arith.addi %mul3A_1007, %add3A_1055 : i32
      %swap3A_1057 = arith.index_cast %add3A_1056 : i32 to index
      %swap3A_1058 = tpu.vector_load %arg24[%swap3A_1057] {strides = array<i32>} : memref<2048xf32, #tpu.memory_space<vmem>>, vector<16xf32>,
      tpu.vector_store %arg24[%swap3A_1057], %gather3A_1054 {strides = array<i32>} : memref<2048xf32, #tpu.memory_space<vmem>>, vector<16xf32>,
      %add3A_1059 = arith.constant 96 : i32
      %add3A_1060 = arith.addi %mul3A_1007, %add3A_1059 : i32
      %get3A_1061 = arith.index_cast %add3A_1060 : i32 to index
      %get3A_1062 = tpu.vector_load %arg19[%get3A_1061] {strides = array<i32>} : memref<2048xi32, #tpu.memory_space<vmem>>, vector<16xi32>,
      %gather3A_1063 = tpu.vector_load_idx %arg11[%get3A_1062] : memref<100000xf32, #tpu.memory_space<vmem>>[vector<16xi32>], vector<16xf32>,
      %add3A_1064 = arith.constant 96 : i32
      %add3A_1065 = arith.addi %mul3A_1007, %add3A_1064 : i32
      %swap3A_1066 = arith.index_cast %add3A_1065 : i32 to index
      %swap3A_1067 = tpu.vector_load %arg24[%swap3A_1066] {strides = array<i32>} : memref<2048xf32, #tpu.memory_space<vmem>>, vector<16xf32>,
      tpu.vector_store %arg24[%swap3A_1066], %gather3A_1063 {strides = array<i32>} : memref<2048xf32, #tpu.memory_space<vmem>>, vector<16xf32>,
      %add3A_1068 = arith.constant 112 : i32
      %add3A_1069 = arith.addi %mul3A_1007, %add3A_1068 : i32
      %get3A_1070 = arith.index_cast %add3A_1069 : i32 to index
      %get3A_1071 = tpu.vector_load %arg19[%get3A_1070] {strides = array<i32>} : memref<2048xi32, #tpu.memory_space<vmem>>, vector<16xi32>,
      %gather3A_1072 = tpu.vector_load_idx %arg11[%get3A_1071] : memref<100000xf32, #tpu.memory_space<vmem>>[vector<16xi32>], vector<16xf32>,
      %add3A_1073 = arith.constant 112 : i32
      %add3A_1074 = arith.addi %mul3A_1007, %add3A_1073 : i32
      %swap3A_1075 = arith.index_cast %add3A_1074 : i32 to index
      %swap3A_1076 = tpu.vector_load %arg24[%swap3A_1075] {strides = array<i32>} : memref<2048xf32, #tpu.memory_space<vmem>>, vector<16xf32>,
      tpu.vector_store %arg24[%swap3A_1075], %gather3A_1072 {strides = array<i32>} : memref<2048xf32, #tpu.memory_space<vmem>>, vector<16xf32>,
      %scan3A_1077 = arith.constant 0 : i32
      scf.yield %scan3A_1077 : i32
    }
    %scan3A_723 = arith.constant 16 : i32
    %dma_start3A_724 = arith.constant 3 : i32
    %dma_start3A_725 = arith.constant 6144 : i32
    %dma_start3A_726 = tpu.memref_slice %arg10[%dma_start3A_724, %add3A, %dma_start3A_725] : memref<4x32x16384xf32, #tpu.memory_space<hbm>> -> memref<1x1x2048xf32, #tpu.memory_space<hbm>>
    %dma_start3A_727 = tpu.memref_squeeze %dma_start3A_726 : memref<1x1x2048xf32, #tpu.memory_space<hbm>> -> memref<2048xf32, #tpu.memory_space<hbm>>
    %dma_start3A_728 = arith.constant 6144 : i32
    %dma_start3A_729 = tpu.memref_slice %arg10[%dma_start3A_724, %add3A, %dma_start3A_728] : memref<4x32x16384xf32, #tpu.memory_space<hbm>> -> memref<1x1x2048xf32, #tpu.memory_space<hbm>>
    %dma_start3A_730 = tpu.memref_squeeze %dma_start3A_729 : memref<1x1x2048xf32, #tpu.memory_space<hbm>> -> memref<2048xf32, #tpu.memory_space<hbm>>
    tpu.enqueue_dma source(%arg24 : memref<2048xf32, #tpu.memory_space<vmem>>) target(%dma_start3A_730 : memref<2048xf32, #tpu.memory_space<hbm>>) target_semaphore(%arg40 : memref<!tpu.dma_semaphore, #tpu.memory_space<semaphore_mem>>)
    %dma_start3A_731 = arith.constant 26624 : i32
    %dma_start3A_732 = tpu.memref_slice %arg17[%dma_start3A_731] : memref<65536xi32, #tpu.memory_space<vmem_shared>> -> memref<2048xi32, #tpu.memory_space<vmem_shared>>
    %dma_start3A_733 = arith.constant 26624 : i32
    %dma_start3A_734 = tpu.memref_slice %arg17[%dma_start3A_733] : memref<65536xi32, #tpu.memory_space<vmem_shared>> -> memref<2048xi32, #tpu.memory_space<vmem_shared>>
    tpu.enqueue_dma source(%dma_start3A_734 : memref<2048xi32, #tpu.memory_space<vmem_shared>>) target(%arg21 : memref<2048xi32, #tpu.memory_space<vmem>>) target_semaphore(%arg37 : memref<!tpu.dma_semaphore, #tpu.memory_space<semaphore_mem>>)
    %dma_wait3A_735 = arith.constant 1 : i32
    %dma_wait3A_736 = arith.constant 2048 : i32
    %dma_wait3A_737 = tpu.memref_slice %arg10[%dma_wait3A_735, %add3A, %dma_wait3A_736] : memref<4x32x16384xf32, #tpu.memory_space<hbm>> -> memref<1x1x2048xf32, #tpu.memory_space<hbm>>
    %dma_wait3A_738 = tpu.memref_squeeze %dma_wait3A_737 : memref<1x1x2048xf32, #tpu.memory_space<hbm>> -> memref<2048xf32, #tpu.memory_space<hbm>>
    %dma_wait3A_739 = arith.constant 2048 : i32
    %dma_wait3A_740 = tpu.memref_slice %arg10[%dma_wait3A_735, %add3A, %dma_wait3A_739] : memref<4x32x16384xf32, #tpu.memory_space<hbm>> -> memref<1x1x2048xf32, #tpu.memory_space<hbm>>
    %dma_wait3A_741 = tpu.memref_squeeze %dma_wait3A_740 : memref<1x1x2048xf32, #tpu.memory_space<hbm>> -> memref<2048xf32, #tpu.memory_space<hbm>>
    tpu.wait_dma2 semaphore(%arg41 : memref<!tpu.dma_semaphore, #tpu.memory_space<semaphore_mem>>) src(%arg25 : memref<2048xf32, #tpu.memory_space<vmem>>) dst(%dma_wait3A_741 : memref<2048xf32, #tpu.memory_space<hbm>>)
    %dma_wait3A_742 = arith.constant 24576 : i32
    %dma_wait3A_743 = tpu.memref_slice %arg17[%dma_wait3A_742] : memref<65536xi32, #tpu.memory_space<vmem_shared>> -> memref<2048xi32, #tpu.memory_space<vmem_shared>>
    %dma_wait3A_744 = arith.constant 24576 : i32
    %dma_wait3A_745 = tpu.memref_slice %arg17[%dma_wait3A_744] : memref<65536xi32, #tpu.memory_space<vmem_shared>> -> memref<2048xi32, #tpu.memory_space<vmem_shared>>
    tpu.wait_dma2 semaphore(%arg36 : memref<!tpu.dma_semaphore, #tpu.memory_space<semaphore_mem>>) src(%dma_wait3A_745 : memref<2048xi32, #tpu.memory_space<vmem_shared>>) dst(%arg20 : memref<2048xi32, #tpu.memory_space<vmem>>)
    %mul3A_746 = arith.constant 1000 : i32
    %mul3A_747 = arith.muli %arg1, %mul3A_746 : i32
    %dma_start3A_748 = tpu.memref_slice %arg16[%mul3A_747] : memref<16000xf32, #tpu.memory_space<vmem_shared>> -> memref<1000xf32, #tpu.memory_space<vmem_shared>>
    %dma_start3A_749 = arith.constant 0 : i32
    %dma_start3A_750 = tpu.memref_slice %dma_start3A_748[%dma_start3A_749] : memref<1000xf32, #tpu.memory_space<vmem_shared>> -> memref<1000xf32, #tpu.memory_space<vmem_shared>>
    tpu.enqueue_indirect_dma source(%dma_start3A_750 : memref<1000xf32, #tpu.memory_space<vmem_shared>>) target(%arg25 : memref<2048xf32, #tpu.memory_space<vmem>>) offsets(%arg20 : memref<2048xi32, #tpu.memory_space<vmem>>) semaphore(%arg44 : memref<!tpu.dma_semaphore, #tpu.memory_space<semaphore_mem>>)
    %dma_wait3A_751 = tpu.memref_slice %arg16[%mul3A_688] : memref<16000xf32, #tpu.memory_space<vmem_shared>> -> memref<1000xf32, #tpu.memory_space<vmem_shared>>
    %dma_wait3A_752 = arith.constant 0 : i32
    %dma_wait3A_753 = tpu.memref_slice %dma_wait3A_751[%dma_wait3A_752] : memref<1000xf32, #tpu.memory_space<vmem_shared>> -> memref<1000xf32, #tpu.memory_space<vmem_shared>>
    tpu.wait_indirect_dma semaphore(%arg46 : memref<!tpu.dma_semaphore, #tpu.memory_space<semaphore_mem>>) src(%dma_wait3A_753 : memref<1000xf32, #tpu.memory_space<vmem_shared>>) dst(%arg27 : memref<2048xf32, #tpu.memory_space<vmem>>)
    %dma_start3A_754 = arith.constant 1 : i32
    %dma_start3A_755 = arith.constant 6144 : i32
    %dma_start3A_756 = tpu.memref_slice %arg10[%dma_start3A_754, %add3A, %dma_start3A_755] : memref<4x32x16384xf32, #tpu.memory_space<hbm>> -> memref<1x1x2048xf32, #tpu.memory_space<hbm>>
    %dma_start3A_757 = tpu.memref_squeeze %dma_start3A_756 : memref<1x1x2048xf32, #tpu.memory_space<hbm>> -> memref<2048xf32, #tpu.memory_space<hbm>>
    %dma_start3A_758 = arith.constant 6144 : i32
    %dma_start3A_759 = tpu.memref_slice %arg10[%dma_start3A_754, %add3A, %dma_start3A_758] : memref<4x32x16384xf32, #tpu.memory_space<hbm>> -> memref<1x1x2048xf32, #tpu.memory_space<hbm>>
    %dma_start3A_760 = tpu.memref_squeeze %dma_start3A_759 : memref<1x1x2048xf32, #tpu.memory_space<hbm>> -> memref<2048xf32, #tpu.memory_space<hbm>>
    tpu.enqueue_dma source(%arg27 : memref<2048xf32, #tpu.memory_space<vmem>>) target(%dma_start3A_760 : memref<2048xf32, #tpu.memory_space<hbm>>) target_semaphore(%arg43 : memref<!tpu.dma_semaphore, #tpu.memory_space<semaphore_mem>>)
    %dma_start3A_761 = arith.constant 59392 : i32
    %dma_start3A_762 = tpu.memref_slice %arg17[%dma_start3A_761] : memref<65536xi32, #tpu.memory_space<vmem_shared>> -> memref<2048xi32, #tpu.memory_space<vmem_shared>>
    %dma_start3A_763 = arith.constant 59392 : i32
    %dma_start3A_764 = tpu.memref_slice %arg17[%dma_start3A_763] : memref<65536xi32, #tpu.memory_space<vmem_shared>> -> memref<2048xi32, #tpu.memory_space<vmem_shared>>
    tpu.enqueue_dma source(%dma_start3A_764 : memref<2048xi32, #tpu.memory_space<vmem_shared>>) target(%arg19 : memref<2048xi32, #tpu.memory_space<vmem>>) target_semaphore(%arg35 : memref<!tpu.dma_semaphore, #tpu.memory_space<semaphore_mem>>)
    %dma_wait3A_765 = arith.constant 3 : i32
    %dma_wait3A_766 = arith.constant 4096 : i32
    %dma_wait3A_767 = tpu.memref_slice %arg10[%dma_wait3A_765, %add3A, %dma_wait3A_766] : memref<4x32x16384xf32, #tpu.memory_space<hbm>> -> memref<1x1x2048xf32, #tpu.memory_space<hbm>>
    %dma_wait3A_768 = tpu.memref_squeeze %dma_wait3A_767 : memref<1x1x2048xf32, #tpu.memory_space<hbm>> -> memref<2048xf32, #tpu.memory_space<hbm>>
    %dma_wait3A_769 = arith.constant 4096 : i32
    %dma_wait3A_770 = tpu.memref_slice %arg10[%dma_wait3A_765, %add3A, %dma_wait3A_769] : memref<4x32x16384xf32, #tpu.memory_space<hbm>> -> memref<1x1x2048xf32, #tpu.memory_space<hbm>>
    %dma_wait3A_771 = tpu.memref_squeeze %dma_wait3A_770 : memref<1x1x2048xf32, #tpu.memory_space<hbm>> -> memref<2048xf32, #tpu.memory_space<hbm>>
    tpu.wait_dma2 semaphore(%arg39 : memref<!tpu.dma_semaphore, #tpu.memory_space<semaphore_mem>>) src(%arg23 : memref<2048xf32, #tpu.memory_space<vmem>>) dst(%dma_wait3A_771 : memref<2048xf32, #tpu.memory_space<hbm>>)
    %dma_wait3A_772 = arith.constant 57344 : i32
    %dma_wait3A_773 = tpu.memref_slice %arg17[%dma_wait3A_772] : memref<65536xi32, #tpu.memory_space<vmem_shared>> -> memref<2048xi32, #tpu.memory_space<vmem_shared>>
    %dma_wait3A_774 = arith.constant 57344 : i32
    %dma_wait3A_775 = tpu.memref_slice %arg17[%dma_wait3A_774] : memref<65536xi32, #tpu.memory_space<vmem_shared>> -> memref<2048xi32, #tpu.memory_space<vmem_shared>>
    tpu.wait_dma2 semaphore(%arg34 : memref<!tpu.dma_semaphore, #tpu.memory_space<semaphore_mem>>) src(%dma_wait3A_775 : memref<2048xi32, #tpu.memory_space<vmem_shared>>) dst(%arg18 : memref<2048xi32, #tpu.memory_space<vmem>>)
    %scan3A_776 = arith.constant 0 : i32
    %scan3A_777 = arith.constant 0 : i32
    %scan3A_778 = arith.constant 16 : i32
    %scan3A_779 = arith.addi %scan3A_777, %scan3A_778 : i32
    %scan3A_780 = arith.constant 1 : i32
    %scan3A_781 = scf.for %scan3A_1004 = %scan3A_777 to %scan3A_779 step %scan3A_780 iter_args(%scan3A_1005 = %scan3A_776) -> (i32)  : i32 {
      %mul3A_1006 = arith.constant 128 : i32
      %mul3A_1007 = arith.muli %scan3A_1004, %mul3A_1006 : i32
      %add3A_1008 = arith.constant 0 : i32
      %add3A_1009 = arith.addi %mul3A_1007, %add3A_1008 : i32
      %get3A = arith.index_cast %add3A_1009 : i32 to index
      %get3A_1010 = tpu.vector_load %arg18[%get3A] {strides = array<i32>} : memref<2048xi32, #tpu.memory_space<vmem>>, vector<16xi32>,
      %gather3A = tpu.vector_load_idx %arg11[%get3A_1010] : memref<100000xf32, #tpu.memory_space<vmem>>[vector<16xi32>], vector<16xf32>,
      %add3A_1011 = arith.constant 0 : i32
      %add3A_1012 = arith.addi %mul3A_1007, %add3A_1011 : i32
      %swap3A = arith.index_cast %add3A_1012 : i32 to index
      %swap3A_1013 = tpu.vector_load %arg23[%swap3A] {strides = array<i32>} : memref<2048xf32, #tpu.memory_space<vmem>>, vector<16xf32>,
      tpu.vector_store %arg23[%swap3A], %gather3A {strides = array<i32>} : memref<2048xf32, #tpu.memory_space<vmem>>, vector<16xf32>,
      %add3A_1014 = arith.constant 16 : i32
      %add3A_1015 = arith.addi %mul3A_1007, %add3A_1014 : i32
      %get3A_1016 = arith.index_cast %add3A_1015 : i32 to index
      %get3A_1017 = tpu.vector_load %arg18[%get3A_1016] {strides = array<i32>} : memref<2048xi32, #tpu.memory_space<vmem>>, vector<16xi32>,
      %gather3A_1018 = tpu.vector_load_idx %arg11[%get3A_1017] : memref<100000xf32, #tpu.memory_space<vmem>>[vector<16xi32>], vector<16xf32>,
      %add3A_1019 = arith.constant 16 : i32
      %add3A_1020 = arith.addi %mul3A_1007, %add3A_1019 : i32
      %swap3A_1021 = arith.index_cast %add3A_1020 : i32 to index
      %swap3A_1022 = tpu.vector_load %arg23[%swap3A_1021] {strides = array<i32>} : memref<2048xf32, #tpu.memory_space<vmem>>, vector<16xf32>,
      tpu.vector_store %arg23[%swap3A_1021], %gather3A_1018 {strides = array<i32>} : memref<2048xf32, #tpu.memory_space<vmem>>, vector<16xf32>,
      %add3A_1023 = arith.constant 32 : i32
      %add3A_1024 = arith.addi %mul3A_1007, %add3A_1023 : i32
      %get3A_1025 = arith.index_cast %add3A_1024 : i32 to index
      %get3A_1026 = tpu.vector_load %arg18[%get3A_1025] {strides = array<i32>} : memref<2048xi32, #tpu.memory_space<vmem>>, vector<16xi32>,
      %gather3A_1027 = tpu.vector_load_idx %arg11[%get3A_1026] : memref<100000xf32, #tpu.memory_space<vmem>>[vector<16xi32>], vector<16xf32>,
      %add3A_1028 = arith.constant 32 : i32
      %add3A_1029 = arith.addi %mul3A_1007, %add3A_1028 : i32
      %swap3A_1030 = arith.index_cast %add3A_1029 : i32 to index
      %swap3A_1031 = tpu.vector_load %arg23[%swap3A_1030] {strides = array<i32>} : memref<2048xf32, #tpu.memory_space<vmem>>, vector<16xf32>,
      tpu.vector_store %arg23[%swap3A_1030], %gather3A_1027 {strides = array<i32>} : memref<2048xf32, #tpu.memory_space<vmem>>, vector<16xf32>,
      %add3A_1032 = arith.constant 48 : i32
      %add3A_1033 = arith.addi %mul3A_1007, %add3A_1032 : i32
      %get3A_1034 = arith.index_cast %add3A_1033 : i32 to index
      %get3A_1035 = tpu.vector_load %arg18[%get3A_1034] {strides = array<i32>} : memref<2048xi32, #tpu.memory_space<vmem>>, vector<16xi32>,
      %gather3A_1036 = tpu.vector_load_idx %arg11[%get3A_1035] : memref<100000xf32, #tpu.memory_space<vmem>>[vector<16xi32>], vector<16xf32>,
      %add3A_1037 = arith.constant 48 : i32
      %add3A_1038 = arith.addi %mul3A_1007, %add3A_1037 : i32
      %swap3A_1039 = arith.index_cast %add3A_1038 : i32 to index
      %swap3A_1040 = tpu.vector_load %arg23[%swap3A_1039] {strides = array<i32>} : memref<2048xf32, #tpu.memory_space<vmem>>, vector<16xf32>,
      tpu.vector_store %arg23[%swap3A_1039], %gather3A_1036 {strides = array<i32>} : memref<2048xf32, #tpu.memory_space<vmem>>, vector<16xf32>,
      %add3A_1041 = arith.constant 64 : i32
      %add3A_1042 = arith.addi %mul3A_1007, %add3A_1041 : i32
      %get3A_1043 = arith.index_cast %add3A_1042 : i32 to index
      %get3A_1044 = tpu.vector_load %arg18[%get3A_1043] {strides = array<i32>} : memref<2048xi32, #tpu.memory_space<vmem>>, vector<16xi32>,
      %gather3A_1045 = tpu.vector_load_idx %arg11[%get3A_1044] : memref<100000xf32, #tpu.memory_space<vmem>>[vector<16xi32>], vector<16xf32>,
      %add3A_1046 = arith.constant 64 : i32
      %add3A_1047 = arith.addi %mul3A_1007, %add3A_1046 : i32
      %swap3A_1048 = arith.index_cast %add3A_1047 : i32 to index
      %swap3A_1049 = tpu.vector_load %arg23[%swap3A_1048] {strides = array<i32>} : memref<2048xf32, #tpu.memory_space<vmem>>, vector<16xf32>,
      tpu.vector_store %arg23[%swap3A_1048], %gather3A_1045 {strides = array<i32>} : memref<2048xf32, #tpu.memory_space<vmem>>, vector<16xf32>,
      %add3A_1050 = arith.constant 80 : i32
      %add3A_1051 = arith.addi %mul3A_1007, %add3A_1050 : i32
      %get3A_1052 = arith.index_cast %add3A_1051 : i32 to index
      %get3A_1053 = tpu.vector_load %arg18[%get3A_1052] {strides = array<i32>} : memref<2048xi32, #tpu.memory_space<vmem>>, vector<16xi32>,
      %gather3A_1054 = tpu.vector_load_idx %arg11[%get3A_1053] : memref<100000xf32, #tpu.memory_space<vmem>>[vector<16xi32>], vector<16xf32>,
      %add3A_1055 = arith.constant 80 : i32
      %add3A_1056 = arith.addi %mul3A_1007, %add3A_1055 : i32
      %swap3A_1057 = arith.index_cast %add3A_1056 : i32 to index
      %swap3A_1058 = tpu.vector_load %arg23[%swap3A_1057] {strides = array<i32>} : memref<2048xf32, #tpu.memory_space<vmem>>, vector<16xf32>,
      tpu.vector_store %arg23[%swap3A_1057], %gather3A_1054 {strides = array<i32>} : memref<2048xf32, #tpu.memory_space<vmem>>, vector<16xf32>,
      %add3A_1059 = arith.constant 96 : i32
      %add3A_1060 = arith.addi %mul3A_1007, %add3A_1059 : i32
      %get3A_1061 = arith.index_cast %add3A_1060 : i32 to index
      %get3A_1062 = tpu.vector_load %arg18[%get3A_1061] {strides = array<i32>} : memref<2048xi32, #tpu.memory_space<vmem>>, vector<16xi32>,
      %gather3A_1063 = tpu.vector_load_idx %arg11[%get3A_1062] : memref<100000xf32, #tpu.memory_space<vmem>>[vector<16xi32>], vector<16xf32>,
      %add3A_1064 = arith.constant 96 : i32
      %add3A_1065 = arith.addi %mul3A_1007, %add3A_1064 : i32
      %swap3A_1066 = arith.index_cast %add3A_1065 : i32 to index
      %swap3A_1067 = tpu.vector_load %arg23[%swap3A_1066] {strides = array<i32>} : memref<2048xf32, #tpu.memory_space<vmem>>, vector<16xf32>,
      tpu.vector_store %arg23[%swap3A_1066], %gather3A_1063 {strides = array<i32>} : memref<2048xf32, #tpu.memory_space<vmem>>, vector<16xf32>,
      %add3A_1068 = arith.constant 112 : i32
      %add3A_1069 = arith.addi %mul3A_1007, %add3A_1068 : i32
      %get3A_1070 = arith.index_cast %add3A_1069 : i32 to index
      %get3A_1071 = tpu.vector_load %arg18[%get3A_1070] {strides = array<i32>} : memref<2048xi32, #tpu.memory_space<vmem>>, vector<16xi32>,
      %gather3A_1072 = tpu.vector_load_idx %arg11[%get3A_1071] : memref<100000xf32, #tpu.memory_space<vmem>>[vector<16xi32>], vector<16xf32>,
      %add3A_1073 = arith.constant 112 : i32
      %add3A_1074 = arith.addi %mul3A_1007, %add3A_1073 : i32
      %swap3A_1075 = arith.index_cast %add3A_1074 : i32 to index
      %swap3A_1076 = tpu.vector_load %arg23[%swap3A_1075] {strides = array<i32>} : memref<2048xf32, #tpu.memory_space<vmem>>, vector<16xf32>,
      tpu.vector_store %arg23[%swap3A_1075], %gather3A_1072 {strides = array<i32>} : memref<2048xf32, #tpu.memory_space<vmem>>, vector<16xf32>,
      %scan3A_1077 = arith.constant 0 : i32
      scf.yield %scan3A_1077 : i32
    }
    %scan3A_782 = arith.constant 16 : i32
    %dma_start3A_783 = arith.constant 3 : i32
    %dma_start3A_784 = arith.constant 8192 : i32
    %dma_start3A_785 = tpu.memref_slice %arg10[%dma_start3A_783, %add3A, %dma_start3A_784] : memref<4x32x16384xf32, #tpu.memory_space<hbm>> -> memref<1x1x2048xf32, #tpu.memory_space<hbm>>
    %dma_start3A_786 = tpu.memref_squeeze %dma_start3A_785 : memref<1x1x2048xf32, #tpu.memory_space<hbm>> -> memref<2048xf32, #tpu.memory_space<hbm>>
    %dma_start3A_787 = arith.constant 8192 : i32
    %dma_start3A_788 = tpu.memref_slice %arg10[%dma_start3A_783, %add3A, %dma_start3A_787] : memref<4x32x16384xf32, #tpu.memory_space<hbm>> -> memref<1x1x2048xf32, #tpu.memory_space<hbm>>
    %dma_start3A_789 = tpu.memref_squeeze %dma_start3A_788 : memref<1x1x2048xf32, #tpu.memory_space<hbm>> -> memref<2048xf32, #tpu.memory_space<hbm>>
    tpu.enqueue_dma source(%arg23 : memref<2048xf32, #tpu.memory_space<vmem>>) target(%dma_start3A_789 : memref<2048xf32, #tpu.memory_space<hbm>>) target_semaphore(%arg39 : memref<!tpu.dma_semaphore, #tpu.memory_space<semaphore_mem>>)
    %dma_start3A_790 = arith.constant 28672 : i32
    %dma_start3A_791 = tpu.memref_slice %arg17[%dma_start3A_790] : memref<65536xi32, #tpu.memory_space<vmem_shared>> -> memref<2048xi32, #tpu.memory_space<vmem_shared>>
    %dma_start3A_792 = arith.constant 28672 : i32
    %dma_start3A_793 = tpu.memref_slice %arg17[%dma_start3A_792] : memref<65536xi32, #tpu.memory_space<vmem_shared>> -> memref<2048xi32, #tpu.memory_space<vmem_shared>>
    tpu.enqueue_dma source(%dma_start3A_793 : memref<2048xi32, #tpu.memory_space<vmem_shared>>) target(%arg22 : memref<2048xi32, #tpu.memory_space<vmem>>) target_semaphore(%arg38 : memref<!tpu.dma_semaphore, #tpu.memory_space<semaphore_mem>>)
    %dma_wait3A_794 = arith.constant 1 : i32
    %dma_wait3A_795 = arith.constant 4096 : i32
    %dma_wait3A_796 = tpu.memref_slice %arg10[%dma_wait3A_794, %add3A, %dma_wait3A_795] : memref<4x32x16384xf32, #tpu.memory_space<hbm>> -> memref<1x1x2048xf32, #tpu.memory_space<hbm>>
    %dma_wait3A_797 = tpu.memref_squeeze %dma_wait3A_796 : memref<1x1x2048xf32, #tpu.memory_space<hbm>> -> memref<2048xf32, #tpu.memory_space<hbm>>
    %dma_wait3A_798 = arith.constant 4096 : i32
    %dma_wait3A_799 = tpu.memref_slice %arg10[%dma_wait3A_794, %add3A, %dma_wait3A_798] : memref<4x32x16384xf32, #tpu.memory_space<hbm>> -> memref<1x1x2048xf32, #tpu.memory_space<hbm>>
    %dma_wait3A_800 = tpu.memref_squeeze %dma_wait3A_799 : memref<1x1x2048xf32, #tpu.memory_space<hbm>> -> memref<2048xf32, #tpu.memory_space<hbm>>
    tpu.wait_dma2 semaphore(%arg42 : memref<!tpu.dma_semaphore, #tpu.memory_space<semaphore_mem>>) src(%arg26 : memref<2048xf32, #tpu.memory_space<vmem>>) dst(%dma_wait3A_800 : memref<2048xf32, #tpu.memory_space<hbm>>)
    %dma_wait3A_801 = arith.constant 26624 : i32
    %dma_wait3A_802 = tpu.memref_slice %arg17[%dma_wait3A_801] : memref<65536xi32, #tpu.memory_space<vmem_shared>> -> memref<2048xi32, #tpu.memory_space<vmem_shared>>
    %dma_wait3A_803 = arith.constant 26624 : i32
    %dma_wait3A_804 = tpu.memref_slice %arg17[%dma_wait3A_803] : memref<65536xi32, #tpu.memory_space<vmem_shared>> -> memref<2048xi32, #tpu.memory_space<vmem_shared>>
    tpu.wait_dma2 semaphore(%arg37 : memref<!tpu.dma_semaphore, #tpu.memory_space<semaphore_mem>>) src(%dma_wait3A_804 : memref<2048xi32, #tpu.memory_space<vmem_shared>>) dst(%arg21 : memref<2048xi32, #tpu.memory_space<vmem>>)
    %mul3A_805 = arith.constant 1000 : i32
    %mul3A_806 = arith.muli %arg1, %mul3A_805 : i32
    %dma_start3A_807 = tpu.memref_slice %arg16[%mul3A_806] : memref<16000xf32, #tpu.memory_space<vmem_shared>> -> memref<1000xf32, #tpu.memory_space<vmem_shared>>
    %dma_start3A_808 = arith.constant 0 : i32
    %dma_start3A_809 = tpu.memref_slice %dma_start3A_807[%dma_start3A_808] : memref<1000xf32, #tpu.memory_space<vmem_shared>> -> memref<1000xf32, #tpu.memory_space<vmem_shared>>
    tpu.enqueue_indirect_dma source(%dma_start3A_809 : memref<1000xf32, #tpu.memory_space<vmem_shared>>) target(%arg26 : memref<2048xf32, #tpu.memory_space<vmem>>) offsets(%arg21 : memref<2048xi32, #tpu.memory_space<vmem>>) semaphore(%arg45 : memref<!tpu.dma_semaphore, #tpu.memory_space<semaphore_mem>>)
    %dma_wait3A_810 = tpu.memref_slice %arg16[%mul3A_747] : memref<16000xf32, #tpu.memory_space<vmem_shared>> -> memref<1000xf32, #tpu.memory_space<vmem_shared>>
    %dma_wait3A_811 = arith.constant 0 : i32
    %dma_wait3A_812 = tpu.memref_slice %dma_wait3A_810[%dma_wait3A_811] : memref<1000xf32, #tpu.memory_space<vmem_shared>> -> memref<1000xf32, #tpu.memory_space<vmem_shared>>
    tpu.wait_indirect_dma semaphore(%arg44 : memref<!tpu.dma_semaphore, #tpu.memory_space<semaphore_mem>>) src(%dma_wait3A_812 : memref<1000xf32, #tpu.memory_space<vmem_shared>>) dst(%arg25 : memref<2048xf32, #tpu.memory_space<vmem>>)
    %dma_start3A_813 = arith.constant 1 : i32
    %dma_start3A_814 = arith.constant 8192 : i32
    %dma_start3A_815 = tpu.memref_slice %arg10[%dma_start3A_813, %add3A, %dma_start3A_814] : memref<4x32x16384xf32, #tpu.memory_space<hbm>> -> memref<1x1x2048xf32, #tpu.memory_space<hbm>>
    %dma_start3A_816 = tpu.memref_squeeze %dma_start3A_815 : memref<1x1x2048xf32, #tpu.memory_space<hbm>> -> memref<2048xf32, #tpu.memory_space<hbm>>
    %dma_start3A_817 = arith.constant 8192 : i32
    %dma_start3A_818 = tpu.memref_slice %arg10[%dma_start3A_813, %add3A, %dma_start3A_817] : memref<4x32x16384xf32, #tpu.memory_space<hbm>> -> memref<1x1x2048xf32, #tpu.memory_space<hbm>>
    %dma_start3A_819 = tpu.memref_squeeze %dma_start3A_818 : memref<1x1x2048xf32, #tpu.memory_space<hbm>> -> memref<2048xf32, #tpu.memory_space<hbm>>
    tpu.enqueue_dma source(%arg25 : memref<2048xf32, #tpu.memory_space<vmem>>) target(%dma_start3A_819 : memref<2048xf32, #tpu.memory_space<hbm>>) target_semaphore(%arg41 : memref<!tpu.dma_semaphore, #tpu.memory_space<semaphore_mem>>)
    %dma_start3A_820 = arith.constant 61440 : i32
    %dma_start3A_821 = tpu.memref_slice %arg17[%dma_start3A_820] : memref<65536xi32, #tpu.memory_space<vmem_shared>> -> memref<2048xi32, #tpu.memory_space<vmem_shared>>
    %dma_start3A_822 = arith.constant 61440 : i32
    %dma_start3A_823 = tpu.memref_slice %arg17[%dma_start3A_822] : memref<65536xi32, #tpu.memory_space<vmem_shared>> -> memref<2048xi32, #tpu.memory_space<vmem_shared>>
    tpu.enqueue_dma source(%dma_start3A_823 : memref<2048xi32, #tpu.memory_space<vmem_shared>>) target(%arg18 : memref<2048xi32, #tpu.memory_space<vmem>>) target_semaphore(%arg34 : memref<!tpu.dma_semaphore, #tpu.memory_space<semaphore_mem>>)
    %dma_wait3A_824 = arith.constant 3 : i32
    %dma_wait3A_825 = arith.constant 6144 : i32
    %dma_wait3A_826 = tpu.memref_slice %arg10[%dma_wait3A_824, %add3A, %dma_wait3A_825] : memref<4x32x16384xf32, #tpu.memory_space<hbm>> -> memref<1x1x2048xf32, #tpu.memory_space<hbm>>
    %dma_wait3A_827 = tpu.memref_squeeze %dma_wait3A_826 : memref<1x1x2048xf32, #tpu.memory_space<hbm>> -> memref<2048xf32, #tpu.memory_space<hbm>>
    %dma_wait3A_828 = arith.constant 6144 : i32
    %dma_wait3A_829 = tpu.memref_slice %arg10[%dma_wait3A_824, %add3A, %dma_wait3A_828] : memref<4x32x16384xf32, #tpu.memory_space<hbm>> -> memref<1x1x2048xf32, #tpu.memory_space<hbm>>
    %dma_wait3A_830 = tpu.memref_squeeze %dma_wait3A_829 : memref<1x1x2048xf32, #tpu.memory_space<hbm>> -> memref<2048xf32, #tpu.memory_space<hbm>>
    tpu.wait_dma2 semaphore(%arg40 : memref<!tpu.dma_semaphore, #tpu.memory_space<semaphore_mem>>) src(%arg24 : memref<2048xf32, #tpu.memory_space<vmem>>) dst(%dma_wait3A_830 : memref<2048xf32, #tpu.memory_space<hbm>>)
    %dma_wait3A_831 = arith.constant 59392 : i32
    %dma_wait3A_832 = tpu.memref_slice %arg17[%dma_wait3A_831] : memref<65536xi32, #tpu.memory_space<vmem_shared>> -> memref<2048xi32, #tpu.memory_space<vmem_shared>>
    %dma_wait3A_833 = arith.constant 59392 : i32
    %dma_wait3A_834 = tpu.memref_slice %arg17[%dma_wait3A_833] : memref<65536xi32, #tpu.memory_space<vmem_shared>> -> memref<2048xi32, #tpu.memory_space<vmem_shared>>
    tpu.wait_dma2 semaphore(%arg35 : memref<!tpu.dma_semaphore, #tpu.memory_space<semaphore_mem>>) src(%dma_wait3A_834 : memref<2048xi32, #tpu.memory_space<vmem_shared>>) dst(%arg19 : memref<2048xi32, #tpu.memory_space<vmem>>)
    %scan3A_835 = arith.constant 0 : i32
    %scan3A_836 = arith.constant 0 : i32
    %scan3A_837 = arith.constant 16 : i32
    %scan3A_838 = arith.addi %scan3A_836, %scan3A_837 : i32
    %scan3A_839 = arith.constant 1 : i32
    %scan3A_840 = scf.for %scan3A_1004 = %scan3A_836 to %scan3A_838 step %scan3A_839 iter_args(%scan3A_1005 = %scan3A_835) -> (i32)  : i32 {
      %mul3A_1006 = arith.constant 128 : i32
      %mul3A_1007 = arith.muli %scan3A_1004, %mul3A_1006 : i32
      %add3A_1008 = arith.constant 0 : i32
      %add3A_1009 = arith.addi %mul3A_1007, %add3A_1008 : i32
      %get3A = arith.index_cast %add3A_1009 : i32 to index
      %get3A_1010 = tpu.vector_load %arg19[%get3A] {strides = array<i32>} : memref<2048xi32, #tpu.memory_space<vmem>>, vector<16xi32>,
      %gather3A = tpu.vector_load_idx %arg11[%get3A_1010] : memref<100000xf32, #tpu.memory_space<vmem>>[vector<16xi32>], vector<16xf32>,
      %add3A_1011 = arith.constant 0 : i32
      %add3A_1012 = arith.addi %mul3A_1007, %add3A_1011 : i32
      %swap3A = arith.index_cast %add3A_1012 : i32 to index
      %swap3A_1013 = tpu.vector_load %arg24[%swap3A] {strides = array<i32>} : memref<2048xf32, #tpu.memory_space<vmem>>, vector<16xf32>,
      tpu.vector_store %arg24[%swap3A], %gather3A {strides = array<i32>} : memref<2048xf32, #tpu.memory_space<vmem>>, vector<16xf32>,
      %add3A_1014 = arith.constant 16 : i32
      %add3A_1015 = arith.addi %mul3A_1007, %add3A_1014 : i32
      %get3A_1016 = arith.index_cast %add3A_1015 : i32 to index
      %get3A_1017 = tpu.vector_load %arg19[%get3A_1016] {strides = array<i32>} : memref<2048xi32, #tpu.memory_space<vmem>>, vector<16xi32>,
      %gather3A_1018 = tpu.vector_load_idx %arg11[%get3A_1017] : memref<100000xf32, #tpu.memory_space<vmem>>[vector<16xi32>], vector<16xf32>,
      %add3A_1019 = arith.constant 16 : i32
      %add3A_1020 = arith.addi %mul3A_1007, %add3A_1019 : i32
      %swap3A_1021 = arith.index_cast %add3A_1020 : i32 to index
      %swap3A_1022 = tpu.vector_load %arg24[%swap3A_1021] {strides = array<i32>} : memref<2048xf32, #tpu.memory_space<vmem>>, vector<16xf32>,
      tpu.vector_store %arg24[%swap3A_1021], %gather3A_1018 {strides = array<i32>} : memref<2048xf32, #tpu.memory_space<vmem>>, vector<16xf32>,
      %add3A_1023 = arith.constant 32 : i32
      %add3A_1024 = arith.addi %mul3A_1007, %add3A_1023 : i32
      %get3A_1025 = arith.index_cast %add3A_1024 : i32 to index
      %get3A_1026 = tpu.vector_load %arg19[%get3A_1025] {strides = array<i32>} : memref<2048xi32, #tpu.memory_space<vmem>>, vector<16xi32>,
      %gather3A_1027 = tpu.vector_load_idx %arg11[%get3A_1026] : memref<100000xf32, #tpu.memory_space<vmem>>[vector<16xi32>], vector<16xf32>,
      %add3A_1028 = arith.constant 32 : i32
      %add3A_1029 = arith.addi %mul3A_1007, %add3A_1028 : i32
      %swap3A_1030 = arith.index_cast %add3A_1029 : i32 to index
      %swap3A_1031 = tpu.vector_load %arg24[%swap3A_1030] {strides = array<i32>} : memref<2048xf32, #tpu.memory_space<vmem>>, vector<16xf32>,
      tpu.vector_store %arg24[%swap3A_1030], %gather3A_1027 {strides = array<i32>} : memref<2048xf32, #tpu.memory_space<vmem>>, vector<16xf32>,
      %add3A_1032 = arith.constant 48 : i32
      %add3A_1033 = arith.addi %mul3A_1007, %add3A_1032 : i32
      %get3A_1034 = arith.index_cast %add3A_1033 : i32 to index
      %get3A_1035 = tpu.vector_load %arg19[%get3A_1034] {strides = array<i32>} : memref<2048xi32, #tpu.memory_space<vmem>>, vector<16xi32>,
      %gather3A_1036 = tpu.vector_load_idx %arg11[%get3A_1035] : memref<100000xf32, #tpu.memory_space<vmem>>[vector<16xi32>], vector<16xf32>,
      %add3A_1037 = arith.constant 48 : i32
      %add3A_1038 = arith.addi %mul3A_1007, %add3A_1037 : i32
      %swap3A_1039 = arith.index_cast %add3A_1038 : i32 to index
      %swap3A_1040 = tpu.vector_load %arg24[%swap3A_1039] {strides = array<i32>} : memref<2048xf32, #tpu.memory_space<vmem>>, vector<16xf32>,
      tpu.vector_store %arg24[%swap3A_1039], %gather3A_1036 {strides = array<i32>} : memref<2048xf32, #tpu.memory_space<vmem>>, vector<16xf32>,
      %add3A_1041 = arith.constant 64 : i32
      %add3A_1042 = arith.addi %mul3A_1007, %add3A_1041 : i32
      %get3A_1043 = arith.index_cast %add3A_1042 : i32 to index
      %get3A_1044 = tpu.vector_load %arg19[%get3A_1043] {strides = array<i32>} : memref<2048xi32, #tpu.memory_space<vmem>>, vector<16xi32>,
      %gather3A_1045 = tpu.vector_load_idx %arg11[%get3A_1044] : memref<100000xf32, #tpu.memory_space<vmem>>[vector<16xi32>], vector<16xf32>,
      %add3A_1046 = arith.constant 64 : i32
      %add3A_1047 = arith.addi %mul3A_1007, %add3A_1046 : i32
      %swap3A_1048 = arith.index_cast %add3A_1047 : i32 to index
      %swap3A_1049 = tpu.vector_load %arg24[%swap3A_1048] {strides = array<i32>} : memref<2048xf32, #tpu.memory_space<vmem>>, vector<16xf32>,
      tpu.vector_store %arg24[%swap3A_1048], %gather3A_1045 {strides = array<i32>} : memref<2048xf32, #tpu.memory_space<vmem>>, vector<16xf32>,
      %add3A_1050 = arith.constant 80 : i32
      %add3A_1051 = arith.addi %mul3A_1007, %add3A_1050 : i32
      %get3A_1052 = arith.index_cast %add3A_1051 : i32 to index
      %get3A_1053 = tpu.vector_load %arg19[%get3A_1052] {strides = array<i32>} : memref<2048xi32, #tpu.memory_space<vmem>>, vector<16xi32>,
      %gather3A_1054 = tpu.vector_load_idx %arg11[%get3A_1053] : memref<100000xf32, #tpu.memory_space<vmem>>[vector<16xi32>], vector<16xf32>,
      %add3A_1055 = arith.constant 80 : i32
      %add3A_1056 = arith.addi %mul3A_1007, %add3A_1055 : i32
      %swap3A_1057 = arith.index_cast %add3A_1056 : i32 to index
      %swap3A_1058 = tpu.vector_load %arg24[%swap3A_1057] {strides = array<i32>} : memref<2048xf32, #tpu.memory_space<vmem>>, vector<16xf32>,
      tpu.vector_store %arg24[%swap3A_1057], %gather3A_1054 {strides = array<i32>} : memref<2048xf32, #tpu.memory_space<vmem>>, vector<16xf32>,
      %add3A_1059 = arith.constant 96 : i32
      %add3A_1060 = arith.addi %mul3A_1007, %add3A_1059 : i32
      %get3A_1061 = arith.index_cast %add3A_1060 : i32 to index
      %get3A_1062 = tpu.vector_load %arg19[%get3A_1061] {strides = array<i32>} : memref<2048xi32, #tpu.memory_space<vmem>>, vector<16xi32>,
      %gather3A_1063 = tpu.vector_load_idx %arg11[%get3A_1062] : memref<100000xf32, #tpu.memory_space<vmem>>[vector<16xi32>], vector<16xf32>,
      %add3A_1064 = arith.constant 96 : i32
      %add3A_1065 = arith.addi %mul3A_1007, %add3A_1064 : i32
      %swap3A_1066 = arith.index_cast %add3A_1065 : i32 to index
      %swap3A_1067 = tpu.vector_load %arg24[%swap3A_1066] {strides = array<i32>} : memref<2048xf32, #tpu.memory_space<vmem>>, vector<16xf32>,
      tpu.vector_store %arg24[%swap3A_1066], %gather3A_1063 {strides = array<i32>} : memref<2048xf32, #tpu.memory_space<vmem>>, vector<16xf32>,
      %add3A_1068 = arith.constant 112 : i32
      %add3A_1069 = arith.addi %mul3A_1007, %add3A_1068 : i32
      %get3A_1070 = arith.index_cast %add3A_1069 : i32 to index
      %get3A_1071 = tpu.vector_load %arg19[%get3A_1070] {strides = array<i32>} : memref<2048xi32, #tpu.memory_space<vmem>>, vector<16xi32>,
      %gather3A_1072 = tpu.vector_load_idx %arg11[%get3A_1071] : memref<100000xf32, #tpu.memory_space<vmem>>[vector<16xi32>], vector<16xf32>,
      %add3A_1073 = arith.constant 112 : i32
      %add3A_1074 = arith.addi %mul3A_1007, %add3A_1073 : i32
      %swap3A_1075 = arith.index_cast %add3A_1074 : i32 to index
      %swap3A_1076 = tpu.vector_load %arg24[%swap3A_1075] {strides = array<i32>} : memref<2048xf32, #tpu.memory_space<vmem>>, vector<16xf32>,
      tpu.vector_store %arg24[%swap3A_1075], %gather3A_1072 {strides = array<i32>} : memref<2048xf32, #tpu.memory_space<vmem>>, vector<16xf32>,
      %scan3A_1077 = arith.constant 0 : i32
      scf.yield %scan3A_1077 : i32
    }
    %scan3A_841 = arith.constant 16 : i32
    %dma_start3A_842 = arith.constant 3 : i32
    %dma_start3A_843 = arith.constant 10240 : i32
    %dma_start3A_844 = tpu.memref_slice %arg10[%dma_start3A_842, %add3A, %dma_start3A_843] : memref<4x32x16384xf32, #tpu.memory_space<hbm>> -> memref<1x1x2048xf32, #tpu.memory_space<hbm>>
    %dma_start3A_845 = tpu.memref_squeeze %dma_start3A_844 : memref<1x1x2048xf32, #tpu.memory_space<hbm>> -> memref<2048xf32, #tpu.memory_space<hbm>>
    %dma_start3A_846 = arith.constant 10240 : i32
    %dma_start3A_847 = tpu.memref_slice %arg10[%dma_start3A_842, %add3A, %dma_start3A_846] : memref<4x32x16384xf32, #tpu.memory_space<hbm>> -> memref<1x1x2048xf32, #tpu.memory_space<hbm>>
    %dma_start3A_848 = tpu.memref_squeeze %dma_start3A_847 : memref<1x1x2048xf32, #tpu.memory_space<hbm>> -> memref<2048xf32, #tpu.memory_space<hbm>>
    tpu.enqueue_dma source(%arg24 : memref<2048xf32, #tpu.memory_space<vmem>>) target(%dma_start3A_848 : memref<2048xf32, #tpu.memory_space<hbm>>) target_semaphore(%arg40 : memref<!tpu.dma_semaphore, #tpu.memory_space<semaphore_mem>>)
    %dma_start3A_849 = arith.constant 30720 : i32
    %dma_start3A_850 = tpu.memref_slice %arg17[%dma_start3A_849] : memref<65536xi32, #tpu.memory_space<vmem_shared>> -> memref<2048xi32, #tpu.memory_space<vmem_shared>>
    %dma_start3A_851 = arith.constant 30720 : i32
    %dma_start3A_852 = tpu.memref_slice %arg17[%dma_start3A_851] : memref<65536xi32, #tpu.memory_space<vmem_shared>> -> memref<2048xi32, #tpu.memory_space<vmem_shared>>
    tpu.enqueue_dma source(%dma_start3A_852 : memref<2048xi32, #tpu.memory_space<vmem_shared>>) target(%arg20 : memref<2048xi32, #tpu.memory_space<vmem>>) target_semaphore(%arg36 : memref<!tpu.dma_semaphore, #tpu.memory_space<semaphore_mem>>)
    %dma_wait3A_853 = arith.constant 1 : i32
    %dma_wait3A_854 = arith.constant 6144 : i32
    %dma_wait3A_855 = tpu.memref_slice %arg10[%dma_wait3A_853, %add3A, %dma_wait3A_854] : memref<4x32x16384xf32, #tpu.memory_space<hbm>> -> memref<1x1x2048xf32, #tpu.memory_space<hbm>>
    %dma_wait3A_856 = tpu.memref_squeeze %dma_wait3A_855 : memref<1x1x2048xf32, #tpu.memory_space<hbm>> -> memref<2048xf32, #tpu.memory_space<hbm>>
    %dma_wait3A_857 = arith.constant 6144 : i32
    %dma_wait3A_858 = tpu.memref_slice %arg10[%dma_wait3A_853, %add3A, %dma_wait3A_857] : memref<4x32x16384xf32, #tpu.memory_space<hbm>> -> memref<1x1x2048xf32, #tpu.memory_space<hbm>>
    %dma_wait3A_859 = tpu.memref_squeeze %dma_wait3A_858 : memref<1x1x2048xf32, #tpu.memory_space<hbm>> -> memref<2048xf32, #tpu.memory_space<hbm>>
    tpu.wait_dma2 semaphore(%arg43 : memref<!tpu.dma_semaphore, #tpu.memory_space<semaphore_mem>>) src(%arg27 : memref<2048xf32, #tpu.memory_space<vmem>>) dst(%dma_wait3A_859 : memref<2048xf32, #tpu.memory_space<hbm>>)
    %dma_wait3A_860 = arith.constant 28672 : i32
    %dma_wait3A_861 = tpu.memref_slice %arg17[%dma_wait3A_860] : memref<65536xi32, #tpu.memory_space<vmem_shared>> -> memref<2048xi32, #tpu.memory_space<vmem_shared>>
    %dma_wait3A_862 = arith.constant 28672 : i32
    %dma_wait3A_863 = tpu.memref_slice %arg17[%dma_wait3A_862] : memref<65536xi32, #tpu.memory_space<vmem_shared>> -> memref<2048xi32, #tpu.memory_space<vmem_shared>>
    tpu.wait_dma2 semaphore(%arg38 : memref<!tpu.dma_semaphore, #tpu.memory_space<semaphore_mem>>) src(%dma_wait3A_863 : memref<2048xi32, #tpu.memory_space<vmem_shared>>) dst(%arg22 : memref<2048xi32, #tpu.memory_space<vmem>>)
    %mul3A_864 = arith.constant 1000 : i32
    %mul3A_865 = arith.muli %arg1, %mul3A_864 : i32
    %dma_start3A_866 = tpu.memref_slice %arg16[%mul3A_865] : memref<16000xf32, #tpu.memory_space<vmem_shared>> -> memref<1000xf32, #tpu.memory_space<vmem_shared>>
    %dma_start3A_867 = arith.constant 0 : i32
    %dma_start3A_868 = tpu.memref_slice %dma_start3A_866[%dma_start3A_867] : memref<1000xf32, #tpu.memory_space<vmem_shared>> -> memref<1000xf32, #tpu.memory_space<vmem_shared>>
    tpu.enqueue_indirect_dma source(%dma_start3A_868 : memref<1000xf32, #tpu.memory_space<vmem_shared>>) target(%arg27 : memref<2048xf32, #tpu.memory_space<vmem>>) offsets(%arg22 : memref<2048xi32, #tpu.memory_space<vmem>>) semaphore(%arg46 : memref<!tpu.dma_semaphore, #tpu.memory_space<semaphore_mem>>)
    %dma_wait3A_869 = tpu.memref_slice %arg16[%mul3A_806] : memref<16000xf32, #tpu.memory_space<vmem_shared>> -> memref<1000xf32, #tpu.memory_space<vmem_shared>>
    %dma_wait3A_870 = arith.constant 0 : i32
    %dma_wait3A_871 = tpu.memref_slice %dma_wait3A_869[%dma_wait3A_870] : memref<1000xf32, #tpu.memory_space<vmem_shared>> -> memref<1000xf32, #tpu.memory_space<vmem_shared>>
    tpu.wait_indirect_dma semaphore(%arg45 : memref<!tpu.dma_semaphore, #tpu.memory_space<semaphore_mem>>) src(%dma_wait3A_871 : memref<1000xf32, #tpu.memory_space<vmem_shared>>) dst(%arg26 : memref<2048xf32, #tpu.memory_space<vmem>>)
    %dma_start3A_872 = arith.constant 1 : i32
    %dma_start3A_873 = arith.constant 10240 : i32
    %dma_start3A_874 = tpu.memref_slice %arg10[%dma_start3A_872, %add3A, %dma_start3A_873] : memref<4x32x16384xf32, #tpu.memory_space<hbm>> -> memref<1x1x2048xf32, #tpu.memory_space<hbm>>
    %dma_start3A_875 = tpu.memref_squeeze %dma_start3A_874 : memref<1x1x2048xf32, #tpu.memory_space<hbm>> -> memref<2048xf32, #tpu.memory_space<hbm>>
    %dma_start3A_876 = arith.constant 10240 : i32
    %dma_start3A_877 = tpu.memref_slice %arg10[%dma_start3A_872, %add3A, %dma_start3A_876] : memref<4x32x16384xf32, #tpu.memory_space<hbm>> -> memref<1x1x2048xf32, #tpu.memory_space<hbm>>
    %dma_start3A_878 = tpu.memref_squeeze %dma_start3A_877 : memref<1x1x2048xf32, #tpu.memory_space<hbm>> -> memref<2048xf32, #tpu.memory_space<hbm>>
    tpu.enqueue_dma source(%arg26 : memref<2048xf32, #tpu.memory_space<vmem>>) target(%dma_start3A_878 : memref<2048xf32, #tpu.memory_space<hbm>>) target_semaphore(%arg42 : memref<!tpu.dma_semaphore, #tpu.memory_space<semaphore_mem>>)
    %dma_start3A_879 = arith.constant 63488 : i32
    %dma_start3A_880 = tpu.memref_slice %arg17[%dma_start3A_879] : memref<65536xi32, #tpu.memory_space<vmem_shared>> -> memref<2048xi32, #tpu.memory_space<vmem_shared>>
    %dma_start3A_881 = arith.constant 63488 : i32
    %dma_start3A_882 = tpu.memref_slice %arg17[%dma_start3A_881] : memref<65536xi32, #tpu.memory_space<vmem_shared>> -> memref<2048xi32, #tpu.memory_space<vmem_shared>>
    tpu.enqueue_dma source(%dma_start3A_882 : memref<2048xi32, #tpu.memory_space<vmem_shared>>) target(%arg19 : memref<2048xi32, #tpu.memory_space<vmem>>) target_semaphore(%arg35 : memref<!tpu.dma_semaphore, #tpu.memory_space<semaphore_mem>>)
    %dma_wait3A_883 = arith.constant 3 : i32
    %dma_wait3A_884 = arith.constant 8192 : i32
    %dma_wait3A_885 = tpu.memref_slice %arg10[%dma_wait3A_883, %add3A, %dma_wait3A_884] : memref<4x32x16384xf32, #tpu.memory_space<hbm>> -> memref<1x1x2048xf32, #tpu.memory_space<hbm>>
    %dma_wait3A_886 = tpu.memref_squeeze %dma_wait3A_885 : memref<1x1x2048xf32, #tpu.memory_space<hbm>> -> memref<2048xf32, #tpu.memory_space<hbm>>
    %dma_wait3A_887 = arith.constant 8192 : i32
    %dma_wait3A_888 = tpu.memref_slice %arg10[%dma_wait3A_883, %add3A, %dma_wait3A_887] : memref<4x32x16384xf32, #tpu.memory_space<hbm>> -> memref<1x1x2048xf32, #tpu.memory_space<hbm>>
    %dma_wait3A_889 = tpu.memref_squeeze %dma_wait3A_888 : memref<1x1x2048xf32, #tpu.memory_space<hbm>> -> memref<2048xf32, #tpu.memory_space<hbm>>
    tpu.wait_dma2 semaphore(%arg39 : memref<!tpu.dma_semaphore, #tpu.memory_space<semaphore_mem>>) src(%arg23 : memref<2048xf32, #tpu.memory_space<vmem>>) dst(%dma_wait3A_889 : memref<2048xf32, #tpu.memory_space<hbm>>)
    %dma_wait3A_890 = arith.constant 61440 : i32
    %dma_wait3A_891 = tpu.memref_slice %arg17[%dma_wait3A_890] : memref<65536xi32, #tpu.memory_space<vmem_shared>> -> memref<2048xi32, #tpu.memory_space<vmem_shared>>
    %dma_wait3A_892 = arith.constant 61440 : i32
    %dma_wait3A_893 = tpu.memref_slice %arg17[%dma_wait3A_892] : memref<65536xi32, #tpu.memory_space<vmem_shared>> -> memref<2048xi32, #tpu.memory_space<vmem_shared>>
    tpu.wait_dma2 semaphore(%arg34 : memref<!tpu.dma_semaphore, #tpu.memory_space<semaphore_mem>>) src(%dma_wait3A_893 : memref<2048xi32, #tpu.memory_space<vmem_shared>>) dst(%arg18 : memref<2048xi32, #tpu.memory_space<vmem>>)
    %scan3A_894 = arith.constant 0 : i32
    %scan3A_895 = arith.constant 0 : i32
    %scan3A_896 = arith.constant 16 : i32
    %scan3A_897 = arith.addi %scan3A_895, %scan3A_896 : i32
    %scan3A_898 = arith.constant 1 : i32
    %scan3A_899 = scf.for %scan3A_1004 = %scan3A_895 to %scan3A_897 step %scan3A_898 iter_args(%scan3A_1005 = %scan3A_894) -> (i32)  : i32 {
      %mul3A_1006 = arith.constant 128 : i32
      %mul3A_1007 = arith.muli %scan3A_1004, %mul3A_1006 : i32
      %add3A_1008 = arith.constant 0 : i32
      %add3A_1009 = arith.addi %mul3A_1007, %add3A_1008 : i32
      %get3A = arith.index_cast %add3A_1009 : i32 to index
      %get3A_1010 = tpu.vector_load %arg18[%get3A] {strides = array<i32>} : memref<2048xi32, #tpu.memory_space<vmem>>, vector<16xi32>,
      %gather3A = tpu.vector_load_idx %arg11[%get3A_1010] : memref<100000xf32, #tpu.memory_space<vmem>>[vector<16xi32>], vector<16xf32>,
      %add3A_1011 = arith.constant 0 : i32
      %add3A_1012 = arith.addi %mul3A_1007, %add3A_1011 : i32
      %swap3A = arith.index_cast %add3A_1012 : i32 to index
      %swap3A_1013 = tpu.vector_load %arg23[%swap3A] {strides = array<i32>} : memref<2048xf32, #tpu.memory_space<vmem>>, vector<16xf32>,
      tpu.vector_store %arg23[%swap3A], %gather3A {strides = array<i32>} : memref<2048xf32, #tpu.memory_space<vmem>>, vector<16xf32>,
      %add3A_1014 = arith.constant 16 : i32
      %add3A_1015 = arith.addi %mul3A_1007, %add3A_1014 : i32
      %get3A_1016 = arith.index_cast %add3A_1015 : i32 to index
      %get3A_1017 = tpu.vector_load %arg18[%get3A_1016] {strides = array<i32>} : memref<2048xi32, #tpu.memory_space<vmem>>, vector<16xi32>,
      %gather3A_1018 = tpu.vector_load_idx %arg11[%get3A_1017] : memref<100000xf32, #tpu.memory_space<vmem>>[vector<16xi32>], vector<16xf32>,
      %add3A_1019 = arith.constant 16 : i32
      %add3A_1020 = arith.addi %mul3A_1007, %add3A_1019 : i32
      %swap3A_1021 = arith.index_cast %add3A_1020 : i32 to index
      %swap3A_1022 = tpu.vector_load %arg23[%swap3A_1021] {strides = array<i32>} : memref<2048xf32, #tpu.memory_space<vmem>>, vector<16xf32>,
      tpu.vector_store %arg23[%swap3A_1021], %gather3A_1018 {strides = array<i32>} : memref<2048xf32, #tpu.memory_space<vmem>>, vector<16xf32>,
      %add3A_1023 = arith.constant 32 : i32
      %add3A_1024 = arith.addi %mul3A_1007, %add3A_1023 : i32
      %get3A_1025 = arith.index_cast %add3A_1024 : i32 to index
      %get3A_1026 = tpu.vector_load %arg18[%get3A_1025] {strides = array<i32>} : memref<2048xi32, #tpu.memory_space<vmem>>, vector<16xi32>,
      %gather3A_1027 = tpu.vector_load_idx %arg11[%get3A_1026] : memref<100000xf32, #tpu.memory_space<vmem>>[vector<16xi32>], vector<16xf32>,
      %add3A_1028 = arith.constant 32 : i32
      %add3A_1029 = arith.addi %mul3A_1007, %add3A_1028 : i32
      %swap3A_1030 = arith.index_cast %add3A_1029 : i32 to index
      %swap3A_1031 = tpu.vector_load %arg23[%swap3A_1030] {strides = array<i32>} : memref<2048xf32, #tpu.memory_space<vmem>>, vector<16xf32>,
      tpu.vector_store %arg23[%swap3A_1030], %gather3A_1027 {strides = array<i32>} : memref<2048xf32, #tpu.memory_space<vmem>>, vector<16xf32>,
      %add3A_1032 = arith.constant 48 : i32
      %add3A_1033 = arith.addi %mul3A_1007, %add3A_1032 : i32
      %get3A_1034 = arith.index_cast %add3A_1033 : i32 to index
      %get3A_1035 = tpu.vector_load %arg18[%get3A_1034] {strides = array<i32>} : memref<2048xi32, #tpu.memory_space<vmem>>, vector<16xi32>,
      %gather3A_1036 = tpu.vector_load_idx %arg11[%get3A_1035] : memref<100000xf32, #tpu.memory_space<vmem>>[vector<16xi32>], vector<16xf32>,
      %add3A_1037 = arith.constant 48 : i32
      %add3A_1038 = arith.addi %mul3A_1007, %add3A_1037 : i32
      %swap3A_1039 = arith.index_cast %add3A_1038 : i32 to index
      %swap3A_1040 = tpu.vector_load %arg23[%swap3A_1039] {strides = array<i32>} : memref<2048xf32, #tpu.memory_space<vmem>>, vector<16xf32>,
      tpu.vector_store %arg23[%swap3A_1039], %gather3A_1036 {strides = array<i32>} : memref<2048xf32, #tpu.memory_space<vmem>>, vector<16xf32>,
      %add3A_1041 = arith.constant 64 : i32
      %add3A_1042 = arith.addi %mul3A_1007, %add3A_1041 : i32
      %get3A_1043 = arith.index_cast %add3A_1042 : i32 to index
      %get3A_1044 = tpu.vector_load %arg18[%get3A_1043] {strides = array<i32>} : memref<2048xi32, #tpu.memory_space<vmem>>, vector<16xi32>,
      %gather3A_1045 = tpu.vector_load_idx %arg11[%get3A_1044] : memref<100000xf32, #tpu.memory_space<vmem>>[vector<16xi32>], vector<16xf32>,
      %add3A_1046 = arith.constant 64 : i32
      %add3A_1047 = arith.addi %mul3A_1007, %add3A_1046 : i32
      %swap3A_1048 = arith.index_cast %add3A_1047 : i32 to index
      %swap3A_1049 = tpu.vector_load %arg23[%swap3A_1048] {strides = array<i32>} : memref<2048xf32, #tpu.memory_space<vmem>>, vector<16xf32>,
      tpu.vector_store %arg23[%swap3A_1048], %gather3A_1045 {strides = array<i32>} : memref<2048xf32, #tpu.memory_space<vmem>>, vector<16xf32>,
      %add3A_1050 = arith.constant 80 : i32
      %add3A_1051 = arith.addi %mul3A_1007, %add3A_1050 : i32
      %get3A_1052 = arith.index_cast %add3A_1051 : i32 to index
      %get3A_1053 = tpu.vector_load %arg18[%get3A_1052] {strides = array<i32>} : memref<2048xi32, #tpu.memory_space<vmem>>, vector<16xi32>,
      %gather3A_1054 = tpu.vector_load_idx %arg11[%get3A_1053] : memref<100000xf32, #tpu.memory_space<vmem>>[vector<16xi32>], vector<16xf32>,
      %add3A_1055 = arith.constant 80 : i32
      %add3A_1056 = arith.addi %mul3A_1007, %add3A_1055 : i32
      %swap3A_1057 = arith.index_cast %add3A_1056 : i32 to index
      %swap3A_1058 = tpu.vector_load %arg23[%swap3A_1057] {strides = array<i32>} : memref<2048xf32, #tpu.memory_space<vmem>>, vector<16xf32>,
      tpu.vector_store %arg23[%swap3A_1057], %gather3A_1054 {strides = array<i32>} : memref<2048xf32, #tpu.memory_space<vmem>>, vector<16xf32>,
      %add3A_1059 = arith.constant 96 : i32
      %add3A_1060 = arith.addi %mul3A_1007, %add3A_1059 : i32
      %get3A_1061 = arith.index_cast %add3A_1060 : i32 to index
      %get3A_1062 = tpu.vector_load %arg18[%get3A_1061] {strides = array<i32>} : memref<2048xi32, #tpu.memory_space<vmem>>, vector<16xi32>,
      %gather3A_1063 = tpu.vector_load_idx %arg11[%get3A_1062] : memref<100000xf32, #tpu.memory_space<vmem>>[vector<16xi32>], vector<16xf32>,
      %add3A_1064 = arith.constant 96 : i32
      %add3A_1065 = arith.addi %mul3A_1007, %add3A_1064 : i32
      %swap3A_1066 = arith.index_cast %add3A_1065 : i32 to index
      %swap3A_1067 = tpu.vector_load %arg23[%swap3A_1066] {strides = array<i32>} : memref<2048xf32, #tpu.memory_space<vmem>>, vector<16xf32>,
      tpu.vector_store %arg23[%swap3A_1066], %gather3A_1063 {strides = array<i32>} : memref<2048xf32, #tpu.memory_space<vmem>>, vector<16xf32>,
      %add3A_1068 = arith.constant 112 : i32
      %add3A_1069 = arith.addi %mul3A_1007, %add3A_1068 : i32
      %get3A_1070 = arith.index_cast %add3A_1069 : i32 to index
      %get3A_1071 = tpu.vector_load %arg18[%get3A_1070] {strides = array<i32>} : memref<2048xi32, #tpu.memory_space<vmem>>, vector<16xi32>,
      %gather3A_1072 = tpu.vector_load_idx %arg11[%get3A_1071] : memref<100000xf32, #tpu.memory_space<vmem>>[vector<16xi32>], vector<16xf32>,
      %add3A_1073 = arith.constant 112 : i32
      %add3A_1074 = arith.addi %mul3A_1007, %add3A_1073 : i32
      %swap3A_1075 = arith.index_cast %add3A_1074 : i32 to index
      %swap3A_1076 = tpu.vector_load %arg23[%swap3A_1075] {strides = array<i32>} : memref<2048xf32, #tpu.memory_space<vmem>>, vector<16xf32>,
      tpu.vector_store %arg23[%swap3A_1075], %gather3A_1072 {strides = array<i32>} : memref<2048xf32, #tpu.memory_space<vmem>>, vector<16xf32>,
      %scan3A_1077 = arith.constant 0 : i32
      scf.yield %scan3A_1077 : i32
    }
    %scan3A_900 = arith.constant 16 : i32
    %dma_start3A_901 = arith.constant 3 : i32
    %dma_start3A_902 = arith.constant 12288 : i32
    %dma_start3A_903 = tpu.memref_slice %arg10[%dma_start3A_901, %add3A, %dma_start3A_902] : memref<4x32x16384xf32, #tpu.memory_space<hbm>> -> memref<1x1x2048xf32, #tpu.memory_space<hbm>>
    %dma_start3A_904 = tpu.memref_squeeze %dma_start3A_903 : memref<1x1x2048xf32, #tpu.memory_space<hbm>> -> memref<2048xf32, #tpu.memory_space<hbm>>
    %dma_start3A_905 = arith.constant 12288 : i32
    %dma_start3A_906 = tpu.memref_slice %arg10[%dma_start3A_901, %add3A, %dma_start3A_905] : memref<4x32x16384xf32, #tpu.memory_space<hbm>> -> memref<1x1x2048xf32, #tpu.memory_space<hbm>>
    %dma_start3A_907 = tpu.memref_squeeze %dma_start3A_906 : memref<1x1x2048xf32, #tpu.memory_space<hbm>> -> memref<2048xf32, #tpu.memory_space<hbm>>
    tpu.enqueue_dma source(%arg23 : memref<2048xf32, #tpu.memory_space<vmem>>) target(%dma_start3A_907 : memref<2048xf32, #tpu.memory_space<hbm>>) target_semaphore(%arg39 : memref<!tpu.dma_semaphore, #tpu.memory_space<semaphore_mem>>)
    %dma_wait3A_908 = arith.constant 1 : i32
    %dma_wait3A_909 = arith.constant 8192 : i32
    %dma_wait3A_910 = tpu.memref_slice %arg10[%dma_wait3A_908, %add3A, %dma_wait3A_909] : memref<4x32x16384xf32, #tpu.memory_space<hbm>> -> memref<1x1x2048xf32, #tpu.memory_space<hbm>>
    %dma_wait3A_911 = tpu.memref_squeeze %dma_wait3A_910 : memref<1x1x2048xf32, #tpu.memory_space<hbm>> -> memref<2048xf32, #tpu.memory_space<hbm>>
    %dma_wait3A_912 = arith.constant 8192 : i32
    %dma_wait3A_913 = tpu.memref_slice %arg10[%dma_wait3A_908, %add3A, %dma_wait3A_912] : memref<4x32x16384xf32, #tpu.memory_space<hbm>> -> memref<1x1x2048xf32, #tpu.memory_space<hbm>>
    %dma_wait3A_914 = tpu.memref_squeeze %dma_wait3A_913 : memref<1x1x2048xf32, #tpu.memory_space<hbm>> -> memref<2048xf32, #tpu.memory_space<hbm>>
    tpu.wait_dma2 semaphore(%arg41 : memref<!tpu.dma_semaphore, #tpu.memory_space<semaphore_mem>>) src(%arg25 : memref<2048xf32, #tpu.memory_space<vmem>>) dst(%dma_wait3A_914 : memref<2048xf32, #tpu.memory_space<hbm>>)
    %dma_wait3A_915 = arith.constant 30720 : i32
    %dma_wait3A_916 = tpu.memref_slice %arg17[%dma_wait3A_915] : memref<65536xi32, #tpu.memory_space<vmem_shared>> -> memref<2048xi32, #tpu.memory_space<vmem_shared>>
    %dma_wait3A_917 = arith.constant 30720 : i32
    %dma_wait3A_918 = tpu.memref_slice %arg17[%dma_wait3A_917] : memref<65536xi32, #tpu.memory_space<vmem_shared>> -> memref<2048xi32, #tpu.memory_space<vmem_shared>>
    tpu.wait_dma2 semaphore(%arg36 : memref<!tpu.dma_semaphore, #tpu.memory_space<semaphore_mem>>) src(%dma_wait3A_918 : memref<2048xi32, #tpu.memory_space<vmem_shared>>) dst(%arg20 : memref<2048xi32, #tpu.memory_space<vmem>>)
    %mul3A_919 = arith.constant 1000 : i32
    %mul3A_920 = arith.muli %arg1, %mul3A_919 : i32
    %dma_start3A_921 = tpu.memref_slice %arg16[%mul3A_920] : memref<16000xf32, #tpu.memory_space<vmem_shared>> -> memref<1000xf32, #tpu.memory_space<vmem_shared>>
    %dma_start3A_922 = arith.constant 0 : i32
    %dma_start3A_923 = tpu.memref_slice %dma_start3A_921[%dma_start3A_922] : memref<1000xf32, #tpu.memory_space<vmem_shared>> -> memref<1000xf32, #tpu.memory_space<vmem_shared>>
    tpu.enqueue_indirect_dma source(%dma_start3A_923 : memref<1000xf32, #tpu.memory_space<vmem_shared>>) target(%arg25 : memref<2048xf32, #tpu.memory_space<vmem>>) offsets(%arg20 : memref<2048xi32, #tpu.memory_space<vmem>>) semaphore(%arg44 : memref<!tpu.dma_semaphore, #tpu.memory_space<semaphore_mem>>)
    %dma_wait3A_924 = tpu.memref_slice %arg16[%mul3A_865] : memref<16000xf32, #tpu.memory_space<vmem_shared>> -> memref<1000xf32, #tpu.memory_space<vmem_shared>>
    %dma_wait3A_925 = arith.constant 0 : i32
    %dma_wait3A_926 = tpu.memref_slice %dma_wait3A_924[%dma_wait3A_925] : memref<1000xf32, #tpu.memory_space<vmem_shared>> -> memref<1000xf32, #tpu.memory_space<vmem_shared>>
    tpu.wait_indirect_dma semaphore(%arg46 : memref<!tpu.dma_semaphore, #tpu.memory_space<semaphore_mem>>) src(%dma_wait3A_926 : memref<1000xf32, #tpu.memory_space<vmem_shared>>) dst(%arg27 : memref<2048xf32, #tpu.memory_space<vmem>>)
    %dma_start3A_927 = arith.constant 1 : i32
    %dma_start3A_928 = arith.constant 12288 : i32
    %dma_start3A_929 = tpu.memref_slice %arg10[%dma_start3A_927, %add3A, %dma_start3A_928] : memref<4x32x16384xf32, #tpu.memory_space<hbm>> -> memref<1x1x2048xf32, #tpu.memory_space<hbm>>
    %dma_start3A_930 = tpu.memref_squeeze %dma_start3A_929 : memref<1x1x2048xf32, #tpu.memory_space<hbm>> -> memref<2048xf32, #tpu.memory_space<hbm>>
    %dma_start3A_931 = arith.constant 12288 : i32
    %dma_start3A_932 = tpu.memref_slice %arg10[%dma_start3A_927, %add3A, %dma_start3A_931] : memref<4x32x16384xf32, #tpu.memory_space<hbm>> -> memref<1x1x2048xf32, #tpu.memory_space<hbm>>
    %dma_start3A_933 = tpu.memref_squeeze %dma_start3A_932 : memref<1x1x2048xf32, #tpu.memory_space<hbm>> -> memref<2048xf32, #tpu.memory_space<hbm>>
    tpu.enqueue_dma source(%arg27 : memref<2048xf32, #tpu.memory_space<vmem>>) target(%dma_start3A_933 : memref<2048xf32, #tpu.memory_space<hbm>>) target_semaphore(%arg43 : memref<!tpu.dma_semaphore, #tpu.memory_space<semaphore_mem>>)
    %dma_wait3A_934 = arith.constant 3 : i32
    %dma_wait3A_935 = arith.constant 10240 : i32
    %dma_wait3A_936 = tpu.memref_slice %arg10[%dma_wait3A_934, %add3A, %dma_wait3A_935] : memref<4x32x16384xf32, #tpu.memory_space<hbm>> -> memref<1x1x2048xf32, #tpu.memory_space<hbm>>
    %dma_wait3A_937 = tpu.memref_squeeze %dma_wait3A_936 : memref<1x1x2048xf32, #tpu.memory_space<hbm>> -> memref<2048xf32, #tpu.memory_space<hbm>>
    %dma_wait3A_938 = arith.constant 10240 : i32
    %dma_wait3A_939 = tpu.memref_slice %arg10[%dma_wait3A_934, %add3A, %dma_wait3A_938] : memref<4x32x16384xf32, #tpu.memory_space<hbm>> -> memref<1x1x2048xf32, #tpu.memory_space<hbm>>
    %dma_wait3A_940 = tpu.memref_squeeze %dma_wait3A_939 : memref<1x1x2048xf32, #tpu.memory_space<hbm>> -> memref<2048xf32, #tpu.memory_space<hbm>>
    tpu.wait_dma2 semaphore(%arg40 : memref<!tpu.dma_semaphore, #tpu.memory_space<semaphore_mem>>) src(%arg24 : memref<2048xf32, #tpu.memory_space<vmem>>) dst(%dma_wait3A_940 : memref<2048xf32, #tpu.memory_space<hbm>>)
    %dma_wait3A_941 = arith.constant 63488 : i32
    %dma_wait3A_942 = tpu.memref_slice %arg17[%dma_wait3A_941] : memref<65536xi32, #tpu.memory_space<vmem_shared>> -> memref<2048xi32, #tpu.memory_space<vmem_shared>>
    %dma_wait3A_943 = arith.constant 63488 : i32
    %dma_wait3A_944 = tpu.memref_slice %arg17[%dma_wait3A_943] : memref<65536xi32, #tpu.memory_space<vmem_shared>> -> memref<2048xi32, #tpu.memory_space<vmem_shared>>
    tpu.wait_dma2 semaphore(%arg35 : memref<!tpu.dma_semaphore, #tpu.memory_space<semaphore_mem>>) src(%dma_wait3A_944 : memref<2048xi32, #tpu.memory_space<vmem_shared>>) dst(%arg19 : memref<2048xi32, #tpu.memory_space<vmem>>)
    %scan3A_945 = arith.constant 0 : i32
    %scan3A_946 = arith.constant 0 : i32
    %scan3A_947 = arith.constant 16 : i32
    %scan3A_948 = arith.addi %scan3A_946, %scan3A_947 : i32
    %scan3A_949 = arith.constant 1 : i32
    %scan3A_950 = scf.for %scan3A_1004 = %scan3A_946 to %scan3A_948 step %scan3A_949 iter_args(%scan3A_1005 = %scan3A_945) -> (i32)  : i32 {
      %mul3A_1006 = arith.constant 128 : i32
      %mul3A_1007 = arith.muli %scan3A_1004, %mul3A_1006 : i32
      %add3A_1008 = arith.constant 0 : i32
      %add3A_1009 = arith.addi %mul3A_1007, %add3A_1008 : i32
      %get3A = arith.index_cast %add3A_1009 : i32 to index
      %get3A_1010 = tpu.vector_load %arg19[%get3A] {strides = array<i32>} : memref<2048xi32, #tpu.memory_space<vmem>>, vector<16xi32>,
      %gather3A = tpu.vector_load_idx %arg11[%get3A_1010] : memref<100000xf32, #tpu.memory_space<vmem>>[vector<16xi32>], vector<16xf32>,
      %add3A_1011 = arith.constant 0 : i32
      %add3A_1012 = arith.addi %mul3A_1007, %add3A_1011 : i32
      %swap3A = arith.index_cast %add3A_1012 : i32 to index
      %swap3A_1013 = tpu.vector_load %arg24[%swap3A] {strides = array<i32>} : memref<2048xf32, #tpu.memory_space<vmem>>, vector<16xf32>,
      tpu.vector_store %arg24[%swap3A], %gather3A {strides = array<i32>} : memref<2048xf32, #tpu.memory_space<vmem>>, vector<16xf32>,
      %add3A_1014 = arith.constant 16 : i32
      %add3A_1015 = arith.addi %mul3A_1007, %add3A_1014 : i32
      %get3A_1016 = arith.index_cast %add3A_1015 : i32 to index
      %get3A_1017 = tpu.vector_load %arg19[%get3A_1016] {strides = array<i32>} : memref<2048xi32, #tpu.memory_space<vmem>>, vector<16xi32>,
      %gather3A_1018 = tpu.vector_load_idx %arg11[%get3A_1017] : memref<100000xf32, #tpu.memory_space<vmem>>[vector<16xi32>], vector<16xf32>,
      %add3A_1019 = arith.constant 16 : i32
      %add3A_1020 = arith.addi %mul3A_1007, %add3A_1019 : i32
      %swap3A_1021 = arith.index_cast %add3A_1020 : i32 to index
      %swap3A_1022 = tpu.vector_load %arg24[%swap3A_1021] {strides = array<i32>} : memref<2048xf32, #tpu.memory_space<vmem>>, vector<16xf32>,
      tpu.vector_store %arg24[%swap3A_1021], %gather3A_1018 {strides = array<i32>} : memref<2048xf32, #tpu.memory_space<vmem>>, vector<16xf32>,
      %add3A_1023 = arith.constant 32 : i32
      %add3A_1024 = arith.addi %mul3A_1007, %add3A_1023 : i32
      %get3A_1025 = arith.index_cast %add3A_1024 : i32 to index
      %get3A_1026 = tpu.vector_load %arg19[%get3A_1025] {strides = array<i32>} : memref<2048xi32, #tpu.memory_space<vmem>>, vector<16xi32>,
      %gather3A_1027 = tpu.vector_load_idx %arg11[%get3A_1026] : memref<100000xf32, #tpu.memory_space<vmem>>[vector<16xi32>], vector<16xf32>,
      %add3A_1028 = arith.constant 32 : i32
      %add3A_1029 = arith.addi %mul3A_1007, %add3A_1028 : i32
      %swap3A_1030 = arith.index_cast %add3A_1029 : i32 to index
      %swap3A_1031 = tpu.vector_load %arg24[%swap3A_1030] {strides = array<i32>} : memref<2048xf32, #tpu.memory_space<vmem>>, vector<16xf32>,
      tpu.vector_store %arg24[%swap3A_1030], %gather3A_1027 {strides = array<i32>} : memref<2048xf32, #tpu.memory_space<vmem>>, vector<16xf32>,
      %add3A_1032 = arith.constant 48 : i32
      %add3A_1033 = arith.addi %mul3A_1007, %add3A_1032 : i32
      %get3A_1034 = arith.index_cast %add3A_1033 : i32 to index
      %get3A_1035 = tpu.vector_load %arg19[%get3A_1034] {strides = array<i32>} : memref<2048xi32, #tpu.memory_space<vmem>>, vector<16xi32>,
      %gather3A_1036 = tpu.vector_load_idx %arg11[%get3A_1035] : memref<100000xf32, #tpu.memory_space<vmem>>[vector<16xi32>], vector<16xf32>,
      %add3A_1037 = arith.constant 48 : i32
      %add3A_1038 = arith.addi %mul3A_1007, %add3A_1037 : i32
      %swap3A_1039 = arith.index_cast %add3A_1038 : i32 to index
      %swap3A_1040 = tpu.vector_load %arg24[%swap3A_1039] {strides = array<i32>} : memref<2048xf32, #tpu.memory_space<vmem>>, vector<16xf32>,
      tpu.vector_store %arg24[%swap3A_1039], %gather3A_1036 {strides = array<i32>} : memref<2048xf32, #tpu.memory_space<vmem>>, vector<16xf32>,
      %add3A_1041 = arith.constant 64 : i32
      %add3A_1042 = arith.addi %mul3A_1007, %add3A_1041 : i32
      %get3A_1043 = arith.index_cast %add3A_1042 : i32 to index
      %get3A_1044 = tpu.vector_load %arg19[%get3A_1043] {strides = array<i32>} : memref<2048xi32, #tpu.memory_space<vmem>>, vector<16xi32>,
      %gather3A_1045 = tpu.vector_load_idx %arg11[%get3A_1044] : memref<100000xf32, #tpu.memory_space<vmem>>[vector<16xi32>], vector<16xf32>,
      %add3A_1046 = arith.constant 64 : i32
      %add3A_1047 = arith.addi %mul3A_1007, %add3A_1046 : i32
      %swap3A_1048 = arith.index_cast %add3A_1047 : i32 to index
      %swap3A_1049 = tpu.vector_load %arg24[%swap3A_1048] {strides = array<i32>} : memref<2048xf32, #tpu.memory_space<vmem>>, vector<16xf32>,
      tpu.vector_store %arg24[%swap3A_1048], %gather3A_1045 {strides = array<i32>} : memref<2048xf32, #tpu.memory_space<vmem>>, vector<16xf32>,
      %add3A_1050 = arith.constant 80 : i32
      %add3A_1051 = arith.addi %mul3A_1007, %add3A_1050 : i32
      %get3A_1052 = arith.index_cast %add3A_1051 : i32 to index
      %get3A_1053 = tpu.vector_load %arg19[%get3A_1052] {strides = array<i32>} : memref<2048xi32, #tpu.memory_space<vmem>>, vector<16xi32>,
      %gather3A_1054 = tpu.vector_load_idx %arg11[%get3A_1053] : memref<100000xf32, #tpu.memory_space<vmem>>[vector<16xi32>], vector<16xf32>,
      %add3A_1055 = arith.constant 80 : i32
      %add3A_1056 = arith.addi %mul3A_1007, %add3A_1055 : i32
      %swap3A_1057 = arith.index_cast %add3A_1056 : i32 to index
      %swap3A_1058 = tpu.vector_load %arg24[%swap3A_1057] {strides = array<i32>} : memref<2048xf32, #tpu.memory_space<vmem>>, vector<16xf32>,
      tpu.vector_store %arg24[%swap3A_1057], %gather3A_1054 {strides = array<i32>} : memref<2048xf32, #tpu.memory_space<vmem>>, vector<16xf32>,
      %add3A_1059 = arith.constant 96 : i32
      %add3A_1060 = arith.addi %mul3A_1007, %add3A_1059 : i32
      %get3A_1061 = arith.index_cast %add3A_1060 : i32 to index
      %get3A_1062 = tpu.vector_load %arg19[%get3A_1061] {strides = array<i32>} : memref<2048xi32, #tpu.memory_space<vmem>>, vector<16xi32>,
      %gather3A_1063 = tpu.vector_load_idx %arg11[%get3A_1062] : memref<100000xf32, #tpu.memory_space<vmem>>[vector<16xi32>], vector<16xf32>,
      %add3A_1064 = arith.constant 96 : i32
      %add3A_1065 = arith.addi %mul3A_1007, %add3A_1064 : i32
      %swap3A_1066 = arith.index_cast %add3A_1065 : i32 to index
      %swap3A_1067 = tpu.vector_load %arg24[%swap3A_1066] {strides = array<i32>} : memref<2048xf32, #tpu.memory_space<vmem>>, vector<16xf32>,
      tpu.vector_store %arg24[%swap3A_1066], %gather3A_1063 {strides = array<i32>} : memref<2048xf32, #tpu.memory_space<vmem>>, vector<16xf32>,
      %add3A_1068 = arith.constant 112 : i32
      %add3A_1069 = arith.addi %mul3A_1007, %add3A_1068 : i32
      %get3A_1070 = arith.index_cast %add3A_1069 : i32 to index
      %get3A_1071 = tpu.vector_load %arg19[%get3A_1070] {strides = array<i32>} : memref<2048xi32, #tpu.memory_space<vmem>>, vector<16xi32>,
      %gather3A_1072 = tpu.vector_load_idx %arg11[%get3A_1071] : memref<100000xf32, #tpu.memory_space<vmem>>[vector<16xi32>], vector<16xf32>,
      %add3A_1073 = arith.constant 112 : i32
      %add3A_1074 = arith.addi %mul3A_1007, %add3A_1073 : i32
      %swap3A_1075 = arith.index_cast %add3A_1074 : i32 to index
      %swap3A_1076 = tpu.vector_load %arg24[%swap3A_1075] {strides = array<i32>} : memref<2048xf32, #tpu.memory_space<vmem>>, vector<16xf32>,
      tpu.vector_store %arg24[%swap3A_1075], %gather3A_1072 {strides = array<i32>} : memref<2048xf32, #tpu.memory_space<vmem>>, vector<16xf32>,
      %scan3A_1077 = arith.constant 0 : i32
      scf.yield %scan3A_1077 : i32
    }
    %scan3A_951 = arith.constant 16 : i32
    %dma_start3A_952 = arith.constant 3 : i32
    %dma_start3A_953 = arith.constant 14336 : i32
    %dma_start3A_954 = tpu.memref_slice %arg10[%dma_start3A_952, %add3A, %dma_start3A_953] : memref<4x32x16384xf32, #tpu.memory_space<hbm>> -> memref<1x1x2048xf32, #tpu.memory_space<hbm>>
    %dma_start3A_955 = tpu.memref_squeeze %dma_start3A_954 : memref<1x1x2048xf32, #tpu.memory_space<hbm>> -> memref<2048xf32, #tpu.memory_space<hbm>>
    %dma_start3A_956 = arith.constant 14336 : i32
    %dma_start3A_957 = tpu.memref_slice %arg10[%dma_start3A_952, %add3A, %dma_start3A_956] : memref<4x32x16384xf32, #tpu.memory_space<hbm>> -> memref<1x1x2048xf32, #tpu.memory_space<hbm>>
    %dma_start3A_958 = tpu.memref_squeeze %dma_start3A_957 : memref<1x1x2048xf32, #tpu.memory_space<hbm>> -> memref<2048xf32, #tpu.memory_space<hbm>>
    tpu.enqueue_dma source(%arg24 : memref<2048xf32, #tpu.memory_space<vmem>>) target(%dma_start3A_958 : memref<2048xf32, #tpu.memory_space<hbm>>) target_semaphore(%arg40 : memref<!tpu.dma_semaphore, #tpu.memory_space<semaphore_mem>>)
    %dma_wait3A_959 = tpu.memref_slice %arg16[%mul3A_920] : memref<16000xf32, #tpu.memory_space<vmem_shared>> -> memref<1000xf32, #tpu.memory_space<vmem_shared>>
    %dma_wait3A_960 = arith.constant 0 : i32
    %dma_wait3A_961 = tpu.memref_slice %dma_wait3A_959[%dma_wait3A_960] : memref<1000xf32, #tpu.memory_space<vmem_shared>> -> memref<1000xf32, #tpu.memory_space<vmem_shared>>
    tpu.wait_indirect_dma semaphore(%arg44 : memref<!tpu.dma_semaphore, #tpu.memory_space<semaphore_mem>>) src(%dma_wait3A_961 : memref<1000xf32, #tpu.memory_space<vmem_shared>>) dst(%arg25 : memref<2048xf32, #tpu.memory_space<vmem>>)
    %dma_start3A_962 = arith.constant 1 : i32
    %dma_start3A_963 = arith.constant 14336 : i32
    %dma_start3A_964 = tpu.memref_slice %arg10[%dma_start3A_962, %add3A, %dma_start3A_963] : memref<4x32x16384xf32, #tpu.memory_space<hbm>> -> memref<1x1x2048xf32, #tpu.memory_space<hbm>>
    %dma_start3A_965 = tpu.memref_squeeze %dma_start3A_964 : memref<1x1x2048xf32, #tpu.memory_space<hbm>> -> memref<2048xf32, #tpu.memory_space<hbm>>
    %dma_start3A_966 = arith.constant 14336 : i32
    %dma_start3A_967 = tpu.memref_slice %arg10[%dma_start3A_962, %add3A, %dma_start3A_966] : memref<4x32x16384xf32, #tpu.memory_space<hbm>> -> memref<1x1x2048xf32, #tpu.memory_space<hbm>>
    %dma_start3A_968 = tpu.memref_squeeze %dma_start3A_967 : memref<1x1x2048xf32, #tpu.memory_space<hbm>> -> memref<2048xf32, #tpu.memory_space<hbm>>
    tpu.enqueue_dma source(%arg25 : memref<2048xf32, #tpu.memory_space<vmem>>) target(%dma_start3A_968 : memref<2048xf32, #tpu.memory_space<hbm>>) target_semaphore(%arg41 : memref<!tpu.dma_semaphore, #tpu.memory_space<semaphore_mem>>)
    %dma_wait3A_969 = arith.constant 1 : i32
    %dma_wait3A_970 = arith.constant 10240 : i32
    %dma_wait3A_971 = tpu.memref_slice %arg10[%dma_wait3A_969, %add3A, %dma_wait3A_970] : memref<4x32x16384xf32, #tpu.memory_space<hbm>> -> memref<1x1x2048xf32, #tpu.memory_space<hbm>>
    %dma_wait3A_972 = tpu.memref_squeeze %dma_wait3A_971 : memref<1x1x2048xf32, #tpu.memory_space<hbm>> -> memref<2048xf32, #tpu.memory_space<hbm>>
    %dma_wait3A_973 = arith.constant 10240 : i32
    %dma_wait3A_974 = tpu.memref_slice %arg10[%dma_wait3A_969, %add3A, %dma_wait3A_973] : memref<4x32x16384xf32, #tpu.memory_space<hbm>> -> memref<1x1x2048xf32, #tpu.memory_space<hbm>>
    %dma_wait3A_975 = tpu.memref_squeeze %dma_wait3A_974 : memref<1x1x2048xf32, #tpu.memory_space<hbm>> -> memref<2048xf32, #tpu.memory_space<hbm>>
    tpu.wait_dma2 semaphore(%arg42 : memref<!tpu.dma_semaphore, #tpu.memory_space<semaphore_mem>>) src(%arg26 : memref<2048xf32, #tpu.memory_space<vmem>>) dst(%dma_wait3A_975 : memref<2048xf32, #tpu.memory_space<hbm>>)
    %dma_wait3A_976 = arith.constant 1 : i32
    %dma_wait3A_977 = arith.constant 12288 : i32
    %dma_wait3A_978 = tpu.memref_slice %arg10[%dma_wait3A_976, %add3A, %dma_wait3A_977] : memref<4x32x16384xf32, #tpu.memory_space<hbm>> -> memref<1x1x2048xf32, #tpu.memory_space<hbm>>
    %dma_wait3A_979 = tpu.memref_squeeze %dma_wait3A_978 : memref<1x1x2048xf32, #tpu.memory_space<hbm>> -> memref<2048xf32, #tpu.memory_space<hbm>>
    %dma_wait3A_980 = arith.constant 12288 : i32
    %dma_wait3A_981 = tpu.memref_slice %arg10[%dma_wait3A_976, %add3A, %dma_wait3A_980] : memref<4x32x16384xf32, #tpu.memory_space<hbm>> -> memref<1x1x2048xf32, #tpu.memory_space<hbm>>
    %dma_wait3A_982 = tpu.memref_squeeze %dma_wait3A_981 : memref<1x1x2048xf32, #tpu.memory_space<hbm>> -> memref<2048xf32, #tpu.memory_space<hbm>>
    tpu.wait_dma2 semaphore(%arg43 : memref<!tpu.dma_semaphore, #tpu.memory_space<semaphore_mem>>) src(%arg27 : memref<2048xf32, #tpu.memory_space<vmem>>) dst(%dma_wait3A_982 : memref<2048xf32, #tpu.memory_space<hbm>>)
    %dma_wait3A_983 = arith.constant 1 : i32
    %dma_wait3A_984 = arith.constant 14336 : i32
    %dma_wait3A_985 = tpu.memref_slice %arg10[%dma_wait3A_983, %add3A, %dma_wait3A_984] : memref<4x32x16384xf32, #tpu.memory_space<hbm>> -> memref<1x1x2048xf32, #tpu.memory_space<hbm>>
    %dma_wait3A_986 = tpu.memref_squeeze %dma_wait3A_985 : memref<1x1x2048xf32, #tpu.memory_space<hbm>> -> memref<2048xf32, #tpu.memory_space<hbm>>
    %dma_wait3A_987 = arith.constant 14336 : i32
    %dma_wait3A_988 = tpu.memref_slice %arg10[%dma_wait3A_983, %add3A, %dma_wait3A_987] : memref<4x32x16384xf32, #tpu.memory_space<hbm>> -> memref<1x1x2048xf32, #tpu.memory_space<hbm>>
    %dma_wait3A_989 = tpu.memref_squeeze %dma_wait3A_988 : memref<1x1x2048xf32, #tpu.memory_space<hbm>> -> memref<2048xf32, #tpu.memory_space<hbm>>
    tpu.wait_dma2 semaphore(%arg41 : memref<!tpu.dma_semaphore, #tpu.memory_space<semaphore_mem>>) src(%arg25 : memref<2048xf32, #tpu.memory_space<vmem>>) dst(%dma_wait3A_989 : memref<2048xf32, #tpu.memory_space<hbm>>)
    %dma_wait3A_990 = arith.constant 3 : i32
    %dma_wait3A_991 = arith.constant 12288 : i32
    %dma_wait3A_992 = tpu.memref_slice %arg10[%dma_wait3A_990, %add3A, %dma_wait3A_991] : memref<4x32x16384xf32, #tpu.memory_space<hbm>> -> memref<1x1x2048xf32, #tpu.memory_space<hbm>>
    %dma_wait3A_993 = tpu.memref_squeeze %dma_wait3A_992 : memref<1x1x2048xf32, #tpu.memory_space<hbm>> -> memref<2048xf32, #tpu.memory_space<hbm>>
    %dma_wait3A_994 = arith.constant 12288 : i32
    %dma_wait3A_995 = tpu.memref_slice %arg10[%dma_wait3A_990, %add3A, %dma_wait3A_994] : memref<4x32x16384xf32, #tpu.memory_space<hbm>> -> memref<1x1x2048xf32, #tpu.memory_space<hbm>>
    %dma_wait3A_996 = tpu.memref_squeeze %dma_wait3A_995 : memref<1x1x2048xf32, #tpu.memory_space<hbm>> -> memref<2048xf32, #tpu.memory_space<hbm>>
    tpu.wait_dma2 semaphore(%arg39 : memref<!tpu.dma_semaphore, #tpu.memory_space<semaphore_mem>>) src(%arg23 : memref<2048xf32, #tpu.memory_space<vmem>>) dst(%dma_wait3A_996 : memref<2048xf32, #tpu.memory_space<hbm>>)
    %dma_wait3A_997 = arith.constant 3 : i32
    %dma_wait3A_998 = arith.constant 14336 : i32
    %dma_wait3A_999 = tpu.memref_slice %arg10[%dma_wait3A_997, %add3A, %dma_wait3A_998] : memref<4x32x16384xf32, #tpu.memory_space<hbm>> -> memref<1x1x2048xf32, #tpu.memory_space<hbm>>
    %dma_wait3A_1000 = tpu.memref_squeeze %dma_wait3A_999 : memref<1x1x2048xf32, #tpu.memory_space<hbm>> -> memref<2048xf32, #tpu.memory_space<hbm>>
    %dma_wait3A_1001 = arith.constant 14336 : i32
    %dma_wait3A_1002 = tpu.memref_slice %arg10[%dma_wait3A_997, %add3A, %dma_wait3A_1001] : memref<4x32x16384xf32, #tpu.memory_space<hbm>> -> memref<1x1x2048xf32, #tpu.memory_space<hbm>>
    %dma_wait3A_1003 = tpu.memref_squeeze %dma_wait3A_1002 : memref<1x1x2048xf32, #tpu.memory_space<hbm>> -> memref<2048xf32, #tpu.memory_space<hbm>>
    tpu.wait_dma2 semaphore(%arg40 : memref<!tpu.dma_semaphore, #tpu.memory_space<semaphore_mem>>) src(%arg24 : memref<2048xf32, #tpu.memory_space<vmem>>) dst(%dma_wait3A_1003 : memref<2048xf32, #tpu.memory_space<hbm>>)
    return
  }
}

</mosaic_0001>

<sc_bundles>
// kernel: kernel.3.cloned.1.call-start
scs
__scs_entry_jumppad:
0x0: {  	(pc) =	sbr.rel $0x88, $3  }
0x1: {  	(tag) =	ssettag $0x0;
	lr =	simm.s32 $0x1  }
0x2: {  	[smem:$0x3F99] =	sst lr;
	_ =	strace $0xD0000000  }
0x3: {  	_ = 	snop  }
0x4: {  	_ = 	snop  }
0x5: {  	_ = 	snop  }
0x6: {  	_ = 	snop  }
0x7: {  	_ = 	snop  }
__scs_overlays_trampoline_lowered:
0x8: {  	[smem:$0x3FA8] =	sst s0  }
0x9: {  	[smem:$0x3FA9] =	sst s1  }
0xa: {  	[smem:$0x3FAA] =	sst s2  }
0xb: {  	[smem:$0x3FAB] =	sst s3  }
0xc: {  	[smem:$0x3FAC] =	sst s4  }
0xd: {  	[smem:$0x3FAD] =	sst s5  }
0xe: {  	[smem:$0x3FAE] =	sst s6  }
0xf: {  	[smem:$0x3FAF] =	sst s7  }
0x10: {  	[smem:$0x3FB0] =	sst s8  }
0x11: {  	[smem:$0x3FB1] =	sst s9;
	s0 =	simm.s32 @!p0 $0x0  }
0x12: {  	s1 =	sld [smem:$0x3F97];
	s0 =	simm.s32 @p0 $0x1  }
0x13: {  	[smem:$0x3FB2] =	sst s0;
	s0 =	simm.s32 @!p1 $0x0  }
0x14: {  	s2 =	sld [smem:$0x3F96];
	s0 =	simm.s32 @p1 $0x1  }
0x15: {  	[smem:$0x3FB3] =	sst s0;
	s0 =	simm.s32 @!p2 $0x0  }
0x16: {  	s3 =	sld [smem:$0x3FDB];
	s0 =	simm.s32 @p2 $0x1  }
0x17: {  	s4 =	simm.s32 $0x1BF5;
	[smem:$0x3FB5] =	sst s0  }
0x18: {  	s0 =	sld [smem:$0x3F98];
	_ =	swait.ge [sflag:s4], $0x0  }
0x19: {  	s7 =	sld [smem:$0x3F99]  }
0x1a: {  	s8 =	sadd.s32 $0xFFFFE003, lr  }
0x1b: {  	s9 =	sadd.s32 $0xFFFFFEF7, lr;
	s5 =	simm.s32 $0xFFFFFFFF;
	p2 =	slt.u32 s8, $0xFFFFF086  }
0x1c: {  	p1 =	slt.u32 s9, $0xF7A;
	s5 =	simm.s32 @!p2 $0x0  }
0x1d: {  	s5 =	simm.s32 @p1 $0x1;
	p0 =	seq.s32 s7, s2  }
0x1e: {  	s7 =	smul.u32 @!p0 $0xF7A, s2;
	p2 =	seq.s32 @!p0 s5, $0x0  }
0x1f: {  	s9 =	smul.u32 $0xF7A, s1;
	s8 =	simm.s32 @!p0 $0x1BF5;
	p2 =	por !p2, p0  }
0x20: {  	[sflag:s8] =	ssyncset.s32 @!p0 $0xFFFFF086;
	s6 =	sadd.s32 @!p0 s3, s7;
	s7 =	simm.s32 @!p0 $0x108  }
0x21: {  	s3 =	sadd.s32 s3, s9;
	s6 =	sadd.s32 @!p0 $0x88, s6;
	s7 =	simm.s32 @p2 $0x1082  }
0x22: {  	[simem:s7], [sflag:s8] =	dma.local @!p0 [hbm:s6], $0xF7A  }
0x23: {  	s9 =	sor.u32 $0xD0000000, s2;
	s6 =	simm.s32 $0x108;
	_ =	swait.ge @!p0 [sflag:s8], $0x0  }
0x24: {  	s3 =	sadd.s32 $0x88, s3;
	s6 =	simm.s32 @!p1 $0x1082;
	[sflag:s4] =	ssyncset.s32 $0xFFFFF086  }
0x25: {  	[simem:s6], [sflag:s4] =	dma.local [hbm:s3], $0xF7A  }
0x26: {  	[smem:$0x3F99] =	sst s1;
	(tag) =	ssettag s2;
	_ =	strace s9  }
0x27: {  	s1 =	sld [smem:$0x3FA9]  }
0x28: {  	s2 =	sld [smem:$0x3FAA]  }
0x29: {  	s4 =	sld [smem:$0x3FAC]  }
0x2a: {  	p0 =	seq.s32 s5, $0x0;
	s5 =	sld [smem:$0x3FAD]  }
0x2b: {  	s6 =	sld [smem:$0x3FAE]  }
0x2c: {  	s7 =	sld [smem:$0x3FAF]  }
0x2d: {  	s3 =	simm.s32 $0x108;
	s8 =	sld [smem:$0x3FB0]  }
0x2e: {  	s3 =	simm.s32 @!p0 $0x1082;
	s9 =	sld [smem:$0x3FB1]  }
0x2f: {  	lr =	sadd.s32 s0, s3;
	s0 =	sld [smem:$0x3FA8]  }
0x30: {  	s3 =	sld [smem:$0x3FAB]  }
0x31: {  	[smem:$0x3FB4] =	sst s10  }
0x32: {  	s10 =	sld [smem:$0x3FB2];
	_ =	sdelay $0x3  }
0x33: {  	p0 =	seq.s32 s10, $0x1;
	s10 =	sld [smem:$0x3FB4];
	_ =	sdelay $0x3  }
0x34: {  	[smem:$0x3FB4] =	sst s10  }
0x35: {  	s10 =	sld [smem:$0x3FB3];
	_ =	sdelay $0x3  }
0x36: {  	p1 =	seq.s32 s10, $0x1;
	s10 =	sld [smem:$0x3FB4];
	_ =	sdelay $0x3  }
0x37: {  	[smem:$0x3FB4] =	sst s10  }
0x38: {  	s10 =	sld [smem:$0x3FB5]  }
0x39: {  	_ = 	snop;
	(pc) =	sbr.ind lr, $3  }
0x3a: {  	_ = 	snop  }
0x3b: {  	_ = 	snop  }
0x3c: {  	p2 =	seq.s32 s10, $0x1;
	s10 =	sld [smem:$0x3FB4]  }
0x3d: {  	_ =	shalt  }
0x3e: {  	_ =	shalt  }
0x3f: {  	_ =	shalt  }
0x40: {  	_ =	shalt  }
0x41: {  	_ =	shalt  }
0x42: {  	_ =	shalt  }
0x43: {  	_ =	shalt  }
0x44: {  	_ =	shalt  }
0x45: {  	_ =	shalt  }
0x46: {  	_ =	shalt  }
0x47: {  	_ =	shalt  }
0x48: {  	_ =	shalt  }
0x49: {  	_ =	shalt  }
0x4a: {  	_ =	shalt  }
0x4b: {  	_ =	shalt  }
0x4c: {  	_ =	shalt  }
0x4d: {  	_ =	shalt  }
0x4e: {  	_ =	shalt  }
0x4f: {  	_ =	shalt  }
0x50: {  	_ =	shalt  }
0x51: {  	_ =	shalt  }
0x52: {  	_ =	shalt  }
0x53: {  	_ =	shalt  }
0x54: {  	_ =	shalt  }
0x55: {  	_ =	shalt  }
0x56: {  	_ =	shalt  }
0x57: {  	_ =	shalt  }
0x58: {  	_ =	shalt  }
0x59: {  	_ =	shalt  }
0x5a: {  	_ =	shalt  }
0x5b: {  	_ =	shalt  }
0x5c: {  	_ =	shalt  }
0x5d: {  	_ =	shalt  }
0x5e: {  	_ =	shalt  }
0x5f: {  	_ =	shalt  }
0x60: {  	_ =	shalt  }
0x61: {  	_ =	shalt  }
0x62: {  	_ =	shalt  }
0x63: {  	_ =	shalt  }
0x64: {  	_ =	shalt  }
0x65: {  	_ =	shalt  }
0x66: {  	_ =	shalt  }
0x67: {  	_ =	shalt  }
0x68: {  	_ =	shalt  }
0x69: {  	_ =	shalt  }
0x6a: {  	_ =	shalt  }
0x6b: {  	_ =	shalt  }
0x6c: {  	_ =	shalt  }
0x6d: {  	_ =	shalt  }
0x6e: {  	_ =	shalt  }
0x6f: {  	_ =	shalt  }
0x70: {  	_ =	shalt  }
0x71: {  	_ =	shalt  }
0x72: {  	_ =	shalt  }
0x73: {  	_ =	shalt  }
0x74: {  	_ =	shalt  }
0x75: {  	_ =	shalt  }
0x76: {  	_ =	shalt  }
0x77: {  	_ =	shalt  }
0x78: {  	_ =	shalt  }
0x79: {  	_ =	shalt  }
0x7a: {  	_ =	shalt  }
0x7b: {  	_ =	shalt  }
0x7c: {  	_ =	shalt  }
0x7d: {  	_ =	shalt  }
0x7e: {  	_ =	shalt  }
0x7f: {  	_ =	shalt  }
0x80: {  	_ =	shalt  }
0x81: {  	_ =	shalt  }
0x82: {  	_ =	shalt  }
0x83: {  	_ =	shalt  }
0x84: {  	_ =	shalt  }
0x85: {  	_ =	shalt  }
0x86: {  	_ =	shalt  }
0x87: {  	_ =	shalt  }
.Lfunc_end0:
.L_simem_size_0:
called_computation_lowered:
.L_overlay_start_0:
0x88: {  	s2 =	sld [smem:$0x3FD9]  }
0x89: {  	s3 =	sld [smem:$0x3FFE];
	_ =	sdelay $0x1  }
0x8a: {  	s1 =	srdreg.scid  }
0x8b: {  	s0 =	sand.u32 $0x1, s1  }
0x8c: {  	s18 =	sshll.u32 s0, $0xA;
	s2 =	sadd.s32 s3, s2  }
0x8d: {  	s2 =	sadd.s32 s2, s18  }
0x8e: {  	[smem:$0x3FC0] =	sst s2  }
0x8f: {  	_ = 	snop  }
0x90: {  	s2 =	sld [smem:$0x3FC9]  }
0x91: {  	s19 =	sld [smem:$0x3FC8]  }
0x92: {  	s4 =	sld [smem:$0x3FC7]  }
0x93: {  	s5 =	sld [smem:$0x3FC6]  }
0x94: {  	s6 =	sld [smem:$0x3FC5]  }
0x95: {  	s7 =	sld [smem:$0x3FC4]  }
0x96: {  	s8 =	sld [smem:$0x3FC3]  }
0x97: {  	s9 =	sld [smem:$0x3FC2]  }
0x98: {  	s10 =	sld [smem:$0x3FD0];
	(tm) =	ssettm $0x1  }
0x99: {  	s11 =	sld [smem:$0x3FFB];
	_ =	sdelay $0x3  }
0x9a: {  	_ =	strace s11  }
0x9b: {  	s11 =	sld [smem:$0x3FFC];
	_ =	sdelay $0x3  }
0x9c: {  	_ =	strace s11  }
0x9d: {  	s11 =	sld [smem:$0x3FFD];
	_ =	sdelay $0x3  }
0x9e: {  	_ =	strace s11  }
0x9f: {  	_ =	strace $0x8FFFFFFF  }
0xa0: {  	s20 =	sld [smem:$0x3FDB];
	_ =	sdelay $0x1  }
0xa1: {  	s12 =	simm.s32 $_scs_section_size  }
0xa2: {  	s13 =	simm.s32 $_size__tile_overlayer_lowered;
	s14 =	simm.s32 $_tile_overlayer_lowered  }
0xa3: {  	s23 =	simm.s32 $0x1BFF;
	s22 =	sshll.u32 s14, $0x1;
	s11 =	sadd.s32 s12, s20  }
0xa4: {  	s15 =	simm.s32 $0x0;
	s21 =	sshll.u32 s13, $0x1;
	s13 =	sadd.s32 s22, s11  }
0xa5: {  	[timem:s15], [sflag:s23] =	dma.local [hbm:s13], s21  }
0xa6: {  	_ =	swait.ge [sflag:s23], s21  }
0xa7: {  	s12 =	ssub.s32 $0x0, s21;
	[sflag:s23] =	ssyncset.done $0x0  }
0xa8: {  	[sflag:s23] =	ssyncadd.s32 s12;
	_ =	sdelay $0x1  }
0xa9: {  	s24 =	simm.s32 $0x1B8B  }
0xaa: {  	_ =	swait.ge [sflag:s24], $0x1  }
0xab: {  	[sflag:s24] =	ssyncset.done $0x0  }
0xac: {  	s25 =	simm.s32 $0x1B8E;
	[sflag:s24] =	ssyncadd.s32 $0xFFFFFFFF  }
0xad: {  	s26 =	simm.s32 $execute0_lowered;
	[smem:$0x3FD2] =	sst s25  }
0xae: {  	s12 =	sshll.u32 s26, $0x1;
	_ =	strace $0x80000046;
	[dreg:$0x1] =	wrdreg $0xFFFFFFFF  }
0xaf: {  	s28 =	simm.s32 $_size_execute0_lowered;
	s11 =	sadd.s32 s11, s12;
	[dreg:$0x0] =	wrdreg $0x0  }
0xb0: {  	s12 =	sshll.u32 s28, $0x1;
	[dreg:$0x2] =	wrdreg s11  }
0xb1: {  	[dreg:$0x3] =	wrdreg s12  }
0xb2: {  	[dreg:$0x4] =	wrdreg $0xC0  }
0xb3: {  	_ =	task [dreg:s15], $0x5FFFF  }
0xb4: {  	[dreg:$0x1] =	wrdreg $0xFFFFFFFF  }
0xb5: {  	[dreg:$0x0] =	wrdreg $0x60  }
0xb6: {  	[dreg:$0x2] =	wrdreg s2  }
0xb7: {  	[dreg:$0x3] =	wrdreg s19  }
0xb8: {  	[dreg:$0x4] =	wrdreg s4  }
0xb9: {  	[dreg:$0x5] =	wrdreg s5  }
0xba: {  	[dreg:$0x6] =	wrdreg s6  }
0xbb: {  	[dreg:$0x7] =	wrdreg s7  }
0xbc: {  	[dreg:$0x8] =	wrdreg s8  }
0xbd: {  	[dreg:$0x9] =	wrdreg s9  }
0xbe: {  	[dreg:$0xa] =	wrdreg s10  }
0xbf: {  	[dreg:$0xb] =	wrdreg $0x19AD00  }
0xc0: {  	[dreg:$0xc] =	wrdreg $0x193000  }
0xc1: {  	[dreg:$0xd] =	wrdreg $0x196E80  }
0xc2: {  	[dreg:$0xe] =	wrdreg $0x9  }
0xc3: {  	_ =	task.clear_ibuf [dreg:s15], $0xFFFFF;
	_ =	strace $0x90000046  }
0xc4: {  	s29 =	simm.s32 $0x9;
	_ =	strace $0x80000048  }
0xc5: {  	_ =	swait.ge [sflag:s29], $0x1  }
0xc6: {  	[sflag:s29] =	ssyncadd.s32 $0xFFFFFFFF  }
0xc7: {  	_ =	strace $0x90000048  }
0xc8: {  	_ =	sfence  }
0xc9: {  	s30 =	sld [smem:$0x0];
	_ =	sdelay $0x2  }
0xca: {  	s31 =	sshll.u32 s1, $0xD;
	s1 =	sshrl.u32 s1, $0x2  }
0xcb: {  	s3 =	sand.u32 $0x4000, s31;
	s1 =	sadd.s32 s1, s30  }
0xcc: {  	s0 =	sor.u32 s3, s0;
	s1 =	sshll.u32 s1, $0x11  }
0xcd: {  	s0 =	sor.u32 s1, s0  }
0xce: {  	s0 =	sadd.s32 $0x8F2B, s0  }
0xcf: {  	[sflag:s0] =	ssyncadd.remote.s32 $0x1  }
0xd0: {  	_ =	sfence.sel $0xFFFF  }
0xd1: {  	[dreg:$0x0] =	wrdreg $0xFFFFFFFF;
	(pc) =	sbr.abs _section_cstart, $3  }
0xd2: {  	[dreg:$0x1] =	wrdreg $0xFFFFFFFF  }
0xd3: {  	_ =	task.clear_ibuf [dreg:s15], $0x2FFFF;
	_ =	strace $0x9FFFFFFF  }
0xd4: {  	(tm) =	ssettm $0x7FFFFFFF  }
0xd5: {  	_ =	shalt  }
tec
execute0_lowered:
.L_overlay_start_1:
0x0: {  	(tag) =	ssettag $0x1  }
0x1: {  	s0 =	rddreg [dreg:$0x4]  }
0x2: {  	s1 =	rddreg [dreg:$0x5]  }
0x3: {  	s2 =	rddreg [dreg:$0x6]  }
0x4: {  	s3 =	rddreg [dreg:$0x7]  }
0x5: {  	s4 =	rddreg [dreg:$0x8]  }
0x6: {  	s16 =	rddreg [dreg:$0x9]  }
0x7: {  	s5 =	rddreg [dreg:$0xa]  }
0x8: {  	s7 =	rddreg [dreg:$0xb]  }
0x9: {  	s8 =	srdreg.scid;
	s9 =	stileid.u32  }
0xa: {  	s6 =	simm.s32 $0x0;
	s8 =	sand.u32 $0x1, s8;
	s10 =	sshll.u32 s9, $0x8  }
0xb: {  	s11 =	sshrl.u32 s9, $0x2;
	[smem:$0x7FF] =	sst s6;
	s24 =	smul.u32 $0x3E8, s9  }
0xc: {  	s26 =	sadd.s32 $0x4000, s16;
	s30 =	sadd.s32 $0x8000, s16;
	s17 =	sadd.s32 $0x9000, s16  }
0xd: {  	s19 =	sadd.s32 $0x1800, s16;
	_ =	strace $0x80000047;
	[dreg:$0x11] =	wrdreg s26  }
0xe: {  	p0 =	sne.s32 s9, $0x0;
	s9 =	sadd.s32 $0xB000, s16;
	[dreg:$0x12] =	wrdreg s30  }
0xf: {  	s12 =	sshll.u32 s8, $0x7;
	s10 =	sand.u32 $0x300, s10;
	[dreg:$0x19] =	wrdreg s17  }
0x10: {  	s21 =	sshll.u32 s11, $0xD;
	s13 =	smul.u32 $0xC3800, s11;
	[dreg:$0x1b] =	wrdreg s19  }
0x11: {  	s25 =	sshll.u32 s11, $0x11;
	s11 =	sadd.s32 $0x8800, s16;
	[smem:$0x7D7] =	sst s9  }
0x12: {  	s8 =	ssub.s32 $0x2, s8;
	s26 =	sadd.s32 $0xA000, s16;
	[dreg:$0x16] =	wrdreg s11  }
0x13: {  	s9 =	sadd.s32 $0xE000, s16;
	s10 =	sor.u32 s12, s10;
	[smem:$0x7CF] =	sst s26  }
0x14: {  	s15 =	sadd.s32 s24, s7;
	s7 =	sadd.s32 $0x3000, s16;
	[smem:$0x7ED] =	sst s9  }
0x15: {  	s14 =	sshrl.u32 s8, $0x1;
	s11 =	sadd.s32 $0x3800, s16;
	[smem:$0x7D5] =	sst s7  }
0x16: {  	s26 =	sadd.s32 $0xD000, s16;
	s8 =	ssub.s32 s8, s14;
	[smem:$0x7D9] =	sst s11  }
0x17: {  	s22 =	sor.u32 s13, s10;
	s13 =	sadd.s32 $0x1000, s16;
	[smem:$0x7E5] =	sst s26  }
0x18: {  	s14 =	sadd.s32 s24, s5;
	s24 =	sadd.s32 $0x2000, s16;
	[dreg:$0x18] =	wrdreg s13  }
0x19: {  	s7 =	sadd.s32 $0x6000, s16;
	[smem:$0x7CD] =	sst s24  }
0x1a: {  	s11 =	sadd.s32 $0x6800, s16;
	[smem:$0x7EB] =	sst s7  }
0x1b: {  	s12 =	sor.u32 s21, s10;
	s21 =	smax.u32 s8, $0x1;
	[smem:$0x7EF] =	sst s11  }
0x1c: {  	s13 =	sadd.s32 $0xB800, s16;
	[dreg:$0x1d] =	wrdreg s21  }
0x1d: {  	s12 =	sshrl.u32 s12, $0x3;
	s24 =	sadd.s32 $0x5000, s16;
	[smem:$0x7DB] =	sst s13  }
0x1e: {  	s0 =	sadd.s32 s0, s12;
	[smem:$0x7E3] =	sst s24  }
0x1f: {  	s1 =	sadd.s32 s1, s12;
	[dreg:$0xd] =	wrdreg s0  }
0x20: {  	s23 =	sadd.s32 s2, s12;
	[dreg:$0xe] =	wrdreg s1  }
0x21: {  	s2 =	sadd.s32 $0x2800, s16;
	[dreg:$0xf] =	wrdreg s23  }
0x22: {  	s13 =	sadd.s32 $0xE800, s16;
	[smem:$0x7D1] =	sst s2  }
0x23: {  	s24 =	sadd.s32 $0xF800, s16;
	[smem:$0x7F1] =	sst s13  }
0x24: {  	s1 =	sor.u32 s25, s10;
	s10 =	sadd.s32 $0x800, s16;
	[smem:$0x7F9] =	sst s24  }
0x25: {  	s0 =	sshrl.u32 s22, $0x3;
	s22 =	sadd.s32 $0x9800, s16;
	[dreg:$0x14] =	wrdreg s10  }
0x26: {  	s2 =	sadd.s32 $0x5800, s16;
	[dreg:$0x1e] =	wrdreg s22  }
0x27: {  	s0 =	sadd.s32 s3, s0;
	[smem:$0x7E7] =	sst s2  }
0x28: {  	s3 =	sadd.s32 $0xC000, s16;
	[dreg:$0x10] =	wrdreg s0  }
0x29: {  	s1 =	sshrl.u32 s1, $0x3;
	s22 =	sadd.s32 $0xC800, s16;
	[dreg:$0x13] =	wrdreg s3  }
0x2a: {  	s0 =	sadd.s32 s4, s1;
	s4 =	sadd.s32 $0xA800, s16;
	[smem:$0x7E1] =	sst s22  }
0x2b: {  	s22 =	sadd.s32 $0x7800, s16;
	[smem:$0x7D3] =	sst s4  }
0x2c: {  	[smem:$0x7F7] =	sst s22  }
0x2d: {  	s12 =	sadd.s32 $0x20000, s0;
	[dreg:$0x15] =	wrdreg s0  }
0x2e: {  	s18 =	sadd.s32 $0x20800, s0;
	[dreg:$0x17] =	wrdreg s12  }
0x2f: {  	s20 =	sadd.s32 $0x800, s0;
	[dreg:$0x1a] =	wrdreg s18  }
0x30: {  	s23 =	sadd.s32 $0x21000, s0;
	[dreg:$0x1c] =	wrdreg s20  }
0x31: {  	s25 =	sadd.s32 $0x1000, s0;
	[dreg:$0x1f] =	wrdreg s23  }
0x32: {  	s30 =	sadd.s32 $0x21800, s0;
	[smem:$0x7CE] =	sst s25  }
0x33: {  	s3 =	sadd.s32 $0x1800, s0;
	[smem:$0x7D0] =	sst s30  }
0x34: {  	s5 =	sadd.s32 $0x22000, s0;
	[smem:$0x7D2] =	sst s3  }
0x35: {  	s8 =	sadd.s32 $0x2000, s0;
	[smem:$0x7D4] =	sst s5  }
0x36: {  	s10 =	sadd.s32 $0x22800, s0;
	[smem:$0x7D6] =	sst s8  }
0x37: {  	s17 =	sadd.s32 $0x23000, s0;
	[smem:$0x7D8] =	sst s10  }
0x38: {  	s19 =	sadd.s32 $0x23800, s0;
	[smem:$0x7DC] =	sst s17  }
0x39: {  	s21 =	sadd.s32 $0x3800, s0;
	[smem:$0x7DE] =	sst s19  }
0x3a: {  	s4 =	sadd.s32 $0xD800, s16;
	[smem:$0x7E0] =	sst s21  }
0x3b: {  	s26 =	sadd.s32 $0x13000, s0;
	[smem:$0x7E9] =	sst s4  }
0x3c: {  	s12 =	sadd.s32 $0x2800, s0;
	[smem:$0x7FB] =	sst s26  }
0x3d: {  	s18 =	sadd.s32 $0x3000, s0;
	[smem:$0x7DA] =	sst s12  }
0x3e: {  	s20 =	sadd.s32 $0x4800, s16;
	[smem:$0x7DD] =	sst s18  }
0x3f: {  	s23 =	sadd.s32 $0x30000, s0;
	[smem:$0x7DF] =	sst s20  }
0x40: {  	s25 =	sadd.s32 $0x10000, s0;
	[smem:$0x7E2] =	sst s23  }
0x41: {  	s28 =	simm.s32 $0x11;
	s30 =	sadd.s32 $0x30800, s0;
	[smem:$0x7E4] =	sst s25  }
0x42: {  	s29 =	simm.s32 $0x8;
	s3 =	sadd.s32 $0x10800, s0;
	[smem:$0x7E6] =	sst s30  }
0x43: {  	s31 =	simm.s32 $0xB;
	s5 =	sadd.s32 $0x31000, s0;
	[smem:$0x7E8] =	sst s3  }
0x44: {  	s7 =	simm.s32 $0x1BAD0;
	s8 =	sadd.s32 $0x11000, s0;
	[smem:$0x7EA] =	sst s5  }
0x45: {  	s11 =	simm.s32 $0xF;
	s10 =	sadd.s32 $0x31800, s0;
	[smem:$0x7EC] =	sst s8  }
0x46: {  	s13 =	simm.s32 $0x0;
	s17 =	sadd.s32 $0x32000, s0;
	[smem:$0x7EE] =	sst s10  }
0x47: {  	s2 =	simm.s32 $0x12;
	s19 =	sadd.s32 $0x12000, s0;
	[smem:$0x7F2] =	sst s17  }
0x48: {  	s1 =	simm.s32 $0x18700;
	s21 =	sadd.s32 $0x32800, s0;
	[smem:$0x7F4] =	sst s19  }
0x49: {  	s22 =	simm.s32 $0x7;
	s12 =	sadd.s32 $0x11800, s0;
	[smem:$0x7F6] =	sst s21  }
0x4a: {  	s4 =	simm.s32 $0x80;
	s18 =	sadd.s32 $0x7000, s16;
	[smem:$0x7F0] =	sst s12  }
0x4b: {  	s20 =	sadd.s32 $0xF000, s16;
	s23 =	sadd.s32 $0x12800, s0;
	[smem:$0x7F3] =	sst s18  }
0x4c: {  	s25 =	sadd.s32 $0x33000, s0;
	s30 =	sadd.s32 $0x33800, s0;
	[smem:$0x7F5] =	sst s20  }
0x4d: {  	s0 =	sadd.s32 $0x13800, s0;
	s16 =	simm.s32 $0x9;
	[smem:$0x7F8] =	sst s23  }
0x4e: {  	s19 =	simm.s32 $0x1E2D0;
	s3 =	simm.s32 $0xC;
	[smem:$0x7FA] =	sst s25  }
0x4f: {  	s10 =	simm.s32 $0xE;
	s21 =	simm.s32 $0x13;
	[smem:$0x7FC] =	sst s30  }
0x50: {  	s17 =	simm.s32 $0xD;
	[smem:$0x7FD] =	sst s0;
	s0 =	simm.s32 $0x400  }
0x51: {  	s18 =	simm.s32 $0x800;
	s25 =	simm.s32 $0xA;
	s12 =	simm.s32 $0x10  }
.LBB2_1:
0x52: {  	s8 =	rddreg [dreg:$0xd]  }
0x53: {  	s30 =	rddreg [dreg:$0xe]  }
0x54: {  	s24 =	simm.s32 $0x18B00;
	s5 =	rddreg [dreg:$0xf]  }
0x55: {  	[tilespmem:s24], [sflag:$0x1] =	stream.strided.gather [hbm4b:s8+s4], $0x400, s0, s4, $0x38;
	[tilespmem:$0x1FAD0] =	vst v63  }
0x56: {  	s26 =	simm.s32 $0x18F00;
	s9 =	rddreg [dreg:$0x10]  }
0x57: {  	[tilespmem:s26], [sflag:$0x2] =	stream.strided.gather [hbm4b:s30+s4], $0x400, s0, s4, $0x38;
	[tilespmem:$0x1FAD0] =	vst v63  }
0x58: {  	s30 =	rddreg [dreg:$0x9]  }
0x59: {  	[tilespmem:s1], [sflag:$0x3] =	stream.strided.gather [hbm4b:s5+s4], $0x400, s0, s4, $0x38;
	[tilespmem:$0x1FAD0] =	vst v63  }
0x5a: {  	s20 =	simm.s32 @!p0 $0x1C14;
	s23 =	rddreg [dreg:$0x0];
	s8 =	sshrl.u32 @!p0 s30, $0x3  }
0x5b: {  	[tilespmem:s6], [sflag:$0x4] =	stream.strided.gather [hbm4b:s9+s4], $0x18700, s0, s4, $0x38;
	[tilespmem:$0x1FAD0] =	vst v63  }
0x5c: {  	[spmem:s8], [sflag:s20] =	dma.local @!p0 [hbm:s23], $0x800  }
0x5d: {  	s8 =	rddreg [dreg:$0x11]  }
0x5e: {  	s23 =	rddreg [dreg:$0x1];
	s8 =	sshrl.u32 @!p0 s8, $0x3  }
0x5f: {  	[spmem:s8], [sflag:s20] =	dma.local @!p0 [hbm:s23], $0x800  }
0x60: {  	s9 =	rddreg [dreg:$0x12]  }
0x61: {  	s23 =	rddreg [dreg:$0x2];
	s8 =	sshrl.u32 @!p0 s9, $0x3  }
0x62: {  	[spmem:s8], [sflag:s20] =	dma.local @!p0 [hbm:s23], $0x800  }
0x63: {  	s8 =	rddreg [dreg:$0x13]  }
0x64: {  	s23 =	rddreg [dreg:$0x3];
	s8 =	sshrl.u32 @!p0 s8, $0x3  }
0x65: {  	[spmem:s8], [sflag:s20] =	dma.local @!p0 [hbm:s23], $0x800  }
0x66: {  	s8 =	simm.s32 @!p0 $0x14  }
0x67: {  	_ =	swait.ge @!p0 [sflag:s8], $0x800  }
0x68: {  	[sflag:s8] =	ssyncset.done @!p0 $0x0  }
0x69: {  	[sflag:s8] =	ssyncadd.s32 @!p0 $0xFFFFF800  }
0x6a: {  	_ =	swait.ge @!p0 [sflag:s8], $0x800  }
0x6b: {  	[sflag:s8] =	ssyncset.done @!p0 $0x0  }
0x6c: {  	[sflag:s8] =	ssyncadd.s32 @!p0 $0xFFFFF800  }
0x6d: {  	_ =	swait.ge @!p0 [sflag:s8], $0x800  }
0x6e: {  	[sflag:s8] =	ssyncset.done @!p0 $0x0  }
0x6f: {  	[sflag:s8] =	ssyncadd.s32 @!p0 $0xFFFFF800  }
0x70: {  	_ =	swait.ge @!p0 [sflag:s8], $0x800  }
0x71: {  	[sflag:s8] =	ssyncset.done @!p0 $0x0  }
0x72: {  	[sflag:s8] =	ssyncadd.s32 @!p0 $0xFFFFF800  }
0x73: {  	s20 =	simm.s32 $0x1;
	[bflag:$0x0] =	sbarrier.arrive $0xFFFF  }
0x74: {  	_ =	swait.ge [sflag:s20], $0x400  }
0x75: {  	[sflag:s20] =	ssyncset.done $0x0  }
0x76: {  	s23 =	simm.s32 $0x2;
	[sflag:s20] =	ssyncadd.s32 $0xFFFFFC00  }
0x77: {  	[spmem:s14] =	stream.linear.scatter [tilespmem:s24], [sflag:$0x5], $0x3E8, $0x38;
	[tilespmem:$0x1FAD0] =	vst v63  }
0x78: {  	_ =	swait.ge [sflag:s23], $0x400  }
0x79: {  	[sflag:s23] =	ssyncset.done $0x0  }
0x7a: {  	[sflag:s23] =	ssyncadd.s32 $0xFFFFFC00  }
0x7b: {  	[spmem:s15] =	stream.linear.scatter [tilespmem:s26], [sflag:$0x6], $0x3E8, $0x38;
	[tilespmem:$0x1FAD0] =	vst v63  }
0x7c: {  	_ = 	snop  }
0x7d: {  	[tilespmem:s7], [sflag:$0x9] =	stream.linear.gather [spmem:s30], $0x800, $0x38;
	[tilespmem:$0x1FAD0] =	vst v63  }
0x7e: {  	s5 =	simm.s32 $0x1AAD0  }
0x7f: {  	[tilespmem:s5], [sflag:$0x7] =	stream.linear.gather [spmem:s9], $0x800, $0x38;
	[tilespmem:$0x1FAD0] =	vst v63  }
0x80: {  	s20 =	rddreg [dreg:$0x14];
	s23 =	simm.s32 $0x5;
	s5 =	simm.s32 $0x1C2D0  }
0x81: {  	[tilespmem:s5], [sflag:$0xA] =	stream.linear.gather [spmem:s20], $0x800, $0x38;
	[tilespmem:$0x1FAD0] =	vst v63  }
0x82: {  	_ =	swait.ge [sflag:s23], $0x3E8  }
0x83: {  	[sflag:s23] =	ssyncset.done $0x0  }
0x84: {  	[sflag:s23] =	ssyncadd.s32 $0xFFFFFC18  }
0x85: {  	_ =	swait.ge [sflag:s16], $0x800  }
0x86: {  	[sflag:s16] =	ssyncset.done $0x0  }
0x87: {  	[sflag:s16] =	ssyncadd.s32 $0xFFFFF800  }
0x88: {  	[tilespmem:s19], [sflag:$0x11] =	stream.indirect.gather [spmem:s14], $0x1, s7, s18, $0xb8;
	[tilespmem:$0x1FAD0] =	vst v63  }
0x89: {  	s24 =	simm.s32 $0x1B2D0;
	s30 =	simm.s32 $0x3;
	s26 =	rddreg [dreg:$0x16]  }
0x8a: {  	[tilespmem:s24], [sflag:$0x8] =	stream.linear.gather [spmem:s26], $0x800, $0x38;
	[tilespmem:$0x1FAD0] =	vst v63  }
0x8b: {  	_ =	swait.ge [sflag:s30], $0x400  }
0x8c: {  	[sflag:s30] =	ssyncset.done $0x0  }
0x8d: {  	[sflag:s30] =	ssyncadd.s32 $0xFFFFFC00  }
0x8e: {  	_ =	swait.ge [sflag:s22], $0x800  }
0x8f: {  	[sflag:s22] =	ssyncset.done $0x0  }
0x90: {  	s8 =	simm.s32 $0x0;
	[sflag:s22] =	ssyncadd.s32 $0xFFFFF800  }
0x91: {  	v0 =	vld [tilespmem:s8+$0x1AAD0];
	_ =	sdelay $0x5  }
0x92: {  	v1 =	vld [tilespmem:s8+$0x1AAE0];
	_ =	sdelay $0x1  }
0x93: {  	v0 =	vld.idx.msk [tilespmem:v0+s1+$0x0], $0xffff;
	_ =	sdelay $0x4  }
0x94: {  	[tilespmem:s8+$0x1D2D0] =	vst v0;
	v0 =	vld [tilespmem:s8+$0x1AAF0]  }
0x95: {  	v1 =	vld.idx.msk [tilespmem:v1+s1+$0x0], $0xffff;
	_ =	sdelay $0x4  }
0x96: {  	[tilespmem:s8+$0x1D2E0] =	vst v1;
	v1 =	vld [tilespmem:s8+$0x1AB00];
	_ =	sdelay $0x1  }
0x97: {  	v0 =	vld.idx.msk [tilespmem:v0+s1+$0x0], $0xffff;
	_ =	sdelay $0x4  }
0x98: {  	[tilespmem:s8+$0x1D2F0] =	vst v0;
	v0 =	vld [tilespmem:s8+$0x1AB10]  }
0x99: {  	v1 =	vld.idx.msk [tilespmem:v1+s1+$0x0], $0xffff;
	_ =	sdelay $0x4  }
0x9a: {  	[tilespmem:s8+$0x1D300] =	vst v1;
	v1 =	vld [tilespmem:s8+$0x1AB20];
	_ =	sdelay $0x1  }
0x9b: {  	v0 =	vld.idx.msk [tilespmem:v0+s1+$0x0], $0xffff;
	_ =	sdelay $0x4  }
0x9c: {  	v2 =	vld [tilespmem:s8+$0x1AB30];
	[tilespmem:s8+$0x1D310] =	vst v0  }
0x9d: {  	v0 =	vld.idx.msk [tilespmem:v1+s1+$0x0], $0xffff;
	_ =	sdelay $0x4  }
0x9e: {  	[tilespmem:s8+$0x1D320] =	vst v0;
	v0 =	vld [tilespmem:s8+$0x1AB40];
	_ =	sdelay $0x1  }
0x9f: {  	v1 =	vld.idx.msk [tilespmem:v2+s1+$0x0], $0xffff;
	_ =	sdelay $0x3  }
0xa0: {  	s9 =	simm.s32 $0x1AAD0;
	s20 =	simm.s32 $0x400;
	s23 =	simm.s32 $0x80  }
.LBB2_2:
0xa1: {  	p1 =	sne.s32 s20, $0x1E00;
	v2 =	vld [tilespmem:s23+$0x1AAD0];
	[tilespmem:s8+$0x1D330] =	vst v1  }
0xa2: {  	v0 =	vld.idx.msk [tilespmem:v0+s1+$0x0], $0xffff;
	_ =	sdelay $0x5  }
0xa3: {  	v1 =	vld [tilespmem:s23+$0x1AAE0];
	[tilespmem:s8+$0x1D340] =	vst v0;
	s8 =	smov.u32 s23  }
0xa4: {  	v0 =	vld.idx.msk [tilespmem:v2+s1+$0x0], $0xffff;
	_ =	sdelay $0x5  }
0xa5: {  	[tilespmem:s8+$0x1D2D0] =	vst v0;
	v0 =	vld [tilespmem:s8+$0x1AAF0]  }
0xa6: {  	v1 =	vld.idx.msk [tilespmem:v1+s1+$0x0], $0xffff;
	_ =	sdelay $0x5  }
0xa7: {  	[tilespmem:s8+$0x1D2E0] =	vst v1;
	v1 =	vld [tilespmem:s8+$0x1AB00]  }
0xa8: {  	v0 =	vld.idx.msk [tilespmem:v0+s1+$0x0], $0xffff;
	_ =	sdelay $0x5  }
0xa9: {  	[tilespmem:s8+$0x1D2F0] =	vst v0;
	v0 =	vld [tilespmem:s8+$0x1AB10]  }
0xaa: {  	v1 =	vld.idx.msk [tilespmem:v1+s1+$0x0], $0xffff;
	_ =	sdelay $0x5  }
0xab: {  	[tilespmem:s8+$0x1D300] =	vst v1;
	v1 =	vld [tilespmem:s8+$0x1AB20]  }
0xac: {  	v0 =	vld.idx.msk [tilespmem:v0+s1+$0x0], $0xffff;
	_ =	sdelay $0x5  }
0xad: {  	[tilespmem:s8+$0x1D310] =	vst v0;
	v2 =	vld [tilespmem:s8+$0x1AB30]  }
0xae: {  	v0 =	vld.idx.msk [tilespmem:v1+s1+$0x0], $0xffff;
	_ =	sdelay $0x5  }
0xaf: {  	[tilespmem:s8+$0x1D320] =	vst v0;
	v0 =	vld [tilespmem:s8+$0x1AB40]  }
0xb0: {  	v1 =	vld.idx.msk [tilespmem:v2+s1+$0x0], $0xffff  }
.Ltmp0:
0xb1: {  	(pc) =	sbr.rel @p1 .LBB2_2-.Ltmp0, $2  }
0xb2: {  	_ =	sdelay $0x2  }
0xb3: {  	s23 =	sshra.s32 s20, $0x2;
	s20 =	sadd.s32 $0x200, s20  }
0xb4: {  	_ =	sdelay $0x1  }
0xb5: {  	v2 =	vld [tilespmem:s23+$0x1AAD0]  }
0xb6: {  	[tilespmem:s8+$0x1D330] =	vst v1  }
0xb7: {  	v0 =	vld.idx.msk [tilespmem:v0+s1+$0x0], $0xffff;
	_ =	sdelay $0x3  }
0xb8: {  	v1 =	vld [tilespmem:s23+$0x1AAE0]  }
0xb9: {  	[tilespmem:s8+$0x1D340] =	vst v0  }
0xba: {  	v0 =	vld.idx.msk [tilespmem:v2+s1+$0x0], $0xffff;
	_ =	sdelay $0x4  }
0xbb: {  	[tilespmem:s23+$0x1D2D0] =	vst v0;
	v0 =	vld [tilespmem:s23+$0x1AAF0]  }
0xbc: {  	v1 =	vld.idx.msk [tilespmem:v1+s1+$0x0], $0xffff;
	_ =	sdelay $0x4  }
0xbd: {  	[tilespmem:s23+$0x1D2E0] =	vst v1;
	v1 =	vld [tilespmem:s23+$0x1AB00];
	_ =	sdelay $0x1  }
0xbe: {  	v0 =	vld.idx.msk [tilespmem:v0+s1+$0x0], $0xffff;
	_ =	sdelay $0x4  }
0xbf: {  	[tilespmem:s23+$0x1D2F0] =	vst v0;
	v0 =	vld [tilespmem:s23+$0x1AB10]  }
0xc0: {  	v1 =	vld.idx.msk [tilespmem:v1+s1+$0x0], $0xffff;
	_ =	sdelay $0x4  }
0xc1: {  	[tilespmem:s23+$0x1D300] =	vst v1;
	v1 =	vld [tilespmem:s23+$0x1AB20];
	_ =	sdelay $0x1  }
0xc2: {  	v0 =	vld.idx.msk [tilespmem:v0+s1+$0x0], $0xffff;
	_ =	sdelay $0x4  }
0xc3: {  	[tilespmem:s23+$0x1D310] =	vst v0;
	v0 =	vld [tilespmem:s23+$0x1AB30]  }
0xc4: {  	v1 =	vld.idx.msk [tilespmem:v1+s1+$0x0], $0xffff;
	_ =	sdelay $0x4  }
0xc5: {  	[tilespmem:s23+$0x1D320] =	vst v1;
	v1 =	vld [tilespmem:s23+$0x1AB40];
	_ =	sdelay $0x1  }
0xc6: {  	v0 =	vld.idx.msk [tilespmem:v0+s1+$0x0], $0xffff;
	_ =	sdelay $0x4  }
0xc7: {  	[tilespmem:s23+$0x1D330] =	vst v0  }
0xc8: {  	v0 =	vld.idx.msk [tilespmem:v1+s1+$0x0], $0xffff;
	_ =	sdelay $0x4  }
0xc9: {  	s26 =	simm.s32 $0x1D2D0;
	[tilespmem:s23+$0x1D340] =	vst v0;
	s23 =	rddreg [dreg:$0x17]  }
0xca: {  	[hbm4b:s23+s4] =	stream.strided.scatter [tilespmem:s26], [sflag:$0xC], $0x800, s0, s4, $0x38;
	[tilespmem:$0x1FAD0] =	vst v63  }
0xcb: {  	s20 =	rddreg [dreg:$0x18];
	s30 =	simm.s32 $0x1CAD0  }
0xcc: {  	[tilespmem:s30], [sflag:$0xB] =	stream.linear.gather [spmem:s20], $0x800, $0x38;
	[tilespmem:$0x1FAD0] =	vst v63  }
0xcd: {  	_ =	swait.ge [sflag:s25], $0x800  }
0xce: {  	[sflag:s25] =	ssyncset.done $0x0  }
0xcf: {  	s23 =	simm.s32 $0x1EAD0;
	[sflag:s25] =	ssyncadd.s32 $0xFFFFF800  }
0xd0: {  	[tilespmem:s23], [sflag:$0x12] =	stream.indirect.gather [spmem:s14], $0x1, s5, s18, $0xb8;
	[tilespmem:$0x1FAD0] =	vst v63  }
0xd1: {  	_ =	swait.ge [sflag:s28], $0x800  }
0xd2: {  	[sflag:s28] =	ssyncset.done $0x0  }
0xd3: {  	s20 =	rddreg [dreg:$0x15];
	[sflag:s28] =	ssyncadd.s32 $0xFFFFF800  }
0xd4: {  	[hbm4b:s20+s4] =	stream.strided.scatter [tilespmem:s19], [sflag:$0xE], $0x800, s0, s4, $0x38;
	[tilespmem:$0x1FAD0] =	vst v63  }
0xd5: {  	s23 =	rddreg [dreg:$0x19]  }
0xd6: {  	[tilespmem:s9], [sflag:$0x7] =	stream.linear.gather [spmem:s23], $0x800, $0x38;
	[tilespmem:$0x1FAD0] =	vst v63  }
0xd7: {  	_ =	swait.ge [sflag:s29], $0x800  }
0xd8: {  	[sflag:s29] =	ssyncset.done $0x0  }
0xd9: {  	s8 =	simm.s32 $0x0;
	[sflag:s29] =	ssyncadd.s32 $0xFFFFF800  }
0xda: {  	v0 =	vld [tilespmem:s8+$0x1B2D0];
	_ =	sdelay $0x5  }
0xdb: {  	v1 =	vld [tilespmem:s8+$0x1B2E0];
	_ =	sdelay $0x1  }
0xdc: {  	v0 =	vld.idx.msk [tilespmem:v0+s1+$0x0], $0xffff;
	_ =	sdelay $0x4  }
0xdd: {  	[tilespmem:s8+$0x1DAD0] =	vst v0;
	v0 =	vld [tilespmem:s8+$0x1B2F0]  }
0xde: {  	v1 =	vld.idx.msk [tilespmem:v1+s1+$0x0], $0xffff;
	_ =	sdelay $0x4  }
0xdf: {  	[tilespmem:s8+$0x1DAE0] =	vst v1;
	v1 =	vld [tilespmem:s8+$0x1B300];
	_ =	sdelay $0x1  }
0xe0: {  	v0 =	vld.idx.msk [tilespmem:v0+s1+$0x0], $0xffff;
	_ =	sdelay $0x4  }
0xe1: {  	[tilespmem:s8+$0x1DAF0] =	vst v0;
	v0 =	vld [tilespmem:s8+$0x1B310]  }
0xe2: {  	v1 =	vld.idx.msk [tilespmem:v1+s1+$0x0], $0xffff;
	_ =	sdelay $0x4  }
0xe3: {  	[tilespmem:s8+$0x1DB00] =	vst v1;
	v1 =	vld [tilespmem:s8+$0x1B320];
	_ =	sdelay $0x1  }
0xe4: {  	v0 =	vld.idx.msk [tilespmem:v0+s1+$0x0], $0xffff;
	_ =	sdelay $0x4  }
0xe5: {  	v2 =	vld [tilespmem:s8+$0x1B330];
	[tilespmem:s8+$0x1DB10] =	vst v0  }
0xe6: {  	v0 =	vld.idx.msk [tilespmem:v1+s1+$0x0], $0xffff;
	_ =	sdelay $0x4  }
0xe7: {  	[tilespmem:s8+$0x1DB20] =	vst v0;
	v0 =	vld [tilespmem:s8+$0x1B340];
	_ =	sdelay $0x1  }
0xe8: {  	v1 =	vld.idx.msk [tilespmem:v2+s1+$0x0], $0xffff;
	_ =	sdelay $0x3  }
0xe9: {  	s20 =	simm.s32 $0x400;
	s23 =	simm.s32 $0x80  }
.LBB2_4:
0xea: {  	p1 =	sne.s32 s20, $0x1E00;
	v2 =	vld [tilespmem:s23+$0x1B2D0];
	[tilespmem:s8+$0x1DB30] =	vst v1  }
0xeb: {  	v0 =	vld.idx.msk [tilespmem:v0+s1+$0x0], $0xffff;
	_ =	sdelay $0x5  }
0xec: {  	v1 =	vld [tilespmem:s23+$0x1B2E0];
	[tilespmem:s8+$0x1DB40] =	vst v0;
	s8 =	smov.u32 s23  }
0xed: {  	v0 =	vld.idx.msk [tilespmem:v2+s1+$0x0], $0xffff;
	_ =	sdelay $0x5  }
0xee: {  	[tilespmem:s8+$0x1DAD0] =	vst v0;
	v0 =	vld [tilespmem:s8+$0x1B2F0]  }
0xef: {  	v1 =	vld.idx.msk [tilespmem:v1+s1+$0x0], $0xffff;
	_ =	sdelay $0x5  }
0xf0: {  	[tilespmem:s8+$0x1DAE0] =	vst v1;
	v1 =	vld [tilespmem:s8+$0x1B300]  }
0xf1: {  	v0 =	vld.idx.msk [tilespmem:v0+s1+$0x0], $0xffff;
	_ =	sdelay $0x5  }
0xf2: {  	[tilespmem:s8+$0x1DAF0] =	vst v0;
	v0 =	vld [tilespmem:s8+$0x1B310]  }
0xf3: {  	v1 =	vld.idx.msk [tilespmem:v1+s1+$0x0], $0xffff;
	_ =	sdelay $0x5  }
0xf4: {  	[tilespmem:s8+$0x1DB00] =	vst v1;
	v1 =	vld [tilespmem:s8+$0x1B320]  }
0xf5: {  	v0 =	vld.idx.msk [tilespmem:v0+s1+$0x0], $0xffff;
	_ =	sdelay $0x5  }
0xf6: {  	[tilespmem:s8+$0x1DB10] =	vst v0;
	v2 =	vld [tilespmem:s8+$0x1B330]  }
0xf7: {  	v0 =	vld.idx.msk [tilespmem:v1+s1+$0x0], $0xffff;
	_ =	sdelay $0x5  }
0xf8: {  	[tilespmem:s8+$0x1DB20] =	vst v0;
	v0 =	vld [tilespmem:s8+$0x1B340]  }
0xf9: {  	v1 =	vld.idx.msk [tilespmem:v2+s1+$0x0], $0xffff  }
.Ltmp1:
0xfa: {  	(pc) =	sbr.rel @p1 .LBB2_4-.Ltmp1, $2  }
0xfb: {  	_ =	sdelay $0x2  }
0xfc: {  	s23 =	sshra.s32 s20, $0x2;
	s20 =	sadd.s32 $0x200, s20  }
0xfd: {  	_ =	sdelay $0x1  }
0xfe: {  	v2 =	vld [tilespmem:s23+$0x1B2D0]  }
0xff: {  	[tilespmem:s8+$0x1DB30] =	vst v1  }
0x100: {  	v0 =	vld.idx.msk [tilespmem:v0+s1+$0x0], $0xffff;
	_ =	sdelay $0x3  }
0x101: {  	v1 =	vld [tilespmem:s23+$0x1B2E0]  }
0x102: {  	[tilespmem:s8+$0x1DB40] =	vst v0  }
0x103: {  	v0 =	vld.idx.msk [tilespmem:v2+s1+$0x0], $0xffff;
	_ =	sdelay $0x4  }
0x104: {  	[tilespmem:s23+$0x1DAD0] =	vst v0;
	v0 =	vld [tilespmem:s23+$0x1B2F0]  }
0x105: {  	v1 =	vld.idx.msk [tilespmem:v1+s1+$0x0], $0xffff;
	_ =	sdelay $0x4  }
0x106: {  	[tilespmem:s23+$0x1DAE0] =	vst v1;
	v1 =	vld [tilespmem:s23+$0x1B300];
	_ =	sdelay $0x1  }
0x107: {  	v0 =	vld.idx.msk [tilespmem:v0+s1+$0x0], $0xffff;
	_ =	sdelay $0x4  }
0x108: {  	[tilespmem:s23+$0x1DAF0] =	vst v0;
	v0 =	vld [tilespmem:s23+$0x1B310]  }
0x109: {  	v1 =	vld.idx.msk [tilespmem:v1+s1+$0x0], $0xffff;
	_ =	sdelay $0x4  }
0x10a: {  	[tilespmem:s23+$0x1DB00] =	vst v1;
	v1 =	vld [tilespmem:s23+$0x1B320];
	_ =	sdelay $0x1  }
0x10b: {  	v0 =	vld.idx.msk [tilespmem:v0+s1+$0x0], $0xffff;
	_ =	sdelay $0x4  }
0x10c: {  	[tilespmem:s23+$0x1DB10] =	vst v0;
	v0 =	vld [tilespmem:s23+$0x1B330]  }
0x10d: {  	v1 =	vld.idx.msk [tilespmem:v1+s1+$0x0], $0xffff;
	_ =	sdelay $0x4  }
0x10e: {  	[tilespmem:s23+$0x1DB20] =	vst v1;
	v1 =	vld [tilespmem:s23+$0x1B340];
	_ =	sdelay $0x1  }
0x10f: {  	v0 =	vld.idx.msk [tilespmem:v0+s1+$0x0], $0xffff;
	_ =	sdelay $0x4  }
0x110: {  	[tilespmem:s23+$0x1DB30] =	vst v0  }
0x111: {  	v0 =	vld.idx.msk [tilespmem:v1+s1+$0x0], $0xffff;
	_ =	sdelay $0x4  }
0x112: {  	s20 =	simm.s32 $0x1DAD0;
	[tilespmem:s23+$0x1DB40] =	vst v0;
	s23 =	rddreg [dreg:$0x1a]  }
0x113: {  	[hbm4b:s23+s4] =	stream.strided.scatter [tilespmem:s20], [sflag:$0xD], $0x800, s0, s4, $0x38;
	[tilespmem:$0x1FAD0] =	vst v63  }
0x114: {  	s20 =	rddreg [dreg:$0x1b]  }
0x115: {  	[tilespmem:s7], [sflag:$0x9] =	stream.linear.gather [spmem:s20], $0x800, $0x38;
	[tilespmem:$0x1FAD0] =	vst v63  }
0x116: {  	_ =	swait.ge [sflag:s31], $0x800  }
0x117: {  	[sflag:s31] =	ssyncset.done $0x0  }
0x118: {  	s23 =	simm.s32 $0x1F2D0;
	[sflag:s31] =	ssyncadd.s32 $0xFFFFF800  }
0x119: {  	[tilespmem:s23], [sflag:$0x13] =	stream.indirect.gather [spmem:s14], $0x1, s30, s18, $0xb8;
	[tilespmem:$0x1FAD0] =	vst v63  }
0x11a: {  	_ =	swait.ge [sflag:s2], $0x800  }
0x11b: {  	[sflag:s2] =	ssyncset.done $0x0  }
0x11c: {  	s23 =	simm.s32 $0x1EAD0;
	s20 =	rddreg [dreg:$0x1c];
	[sflag:s2] =	ssyncadd.s32 $0xFFFFF800  }
0x11d: {  	[hbm4b:s20+s4] =	stream.strided.scatter [tilespmem:s23], [sflag:$0xF], $0x800, s0, s4, $0x38;
	[tilespmem:$0x1FAD0] =	vst v63  }
0x11e: {  	s23 =	rddreg [dreg:$0x1e]  }
0x11f: {  	[tilespmem:s24], [sflag:$0x8] =	stream.linear.gather [spmem:s23], $0x800, $0x38;
	[tilespmem:$0x1FAD0] =	vst v63  }
0x120: {  	_ =	swait.ge [sflag:s3], $0x800  }
0x121: {  	[sflag:s3] =	ssyncset.done $0x0  }
0x122: {  	[sflag:s3] =	ssyncadd.s32 $0xFFFFF800  }
0x123: {  	_ =	swait.ge [sflag:s22], $0x800  }
0x124: {  	[sflag:s22] =	ssyncset.done $0x0  }
0x125: {  	s8 =	simm.s32 $0x0;
	[sflag:s22] =	ssyncadd.s32 $0xFFFFF800  }
0x126: {  	v0 =	vld [tilespmem:s8+$0x1AAD0];
	_ =	sdelay $0x5  }
0x127: {  	v1 =	vld [tilespmem:s8+$0x1AAE0];
	_ =	sdelay $0x1  }
0x128: {  	v0 =	vld.idx.msk [tilespmem:v0+s1+$0x0], $0xffff;
	_ =	sdelay $0x4  }
0x129: {  	[tilespmem:s8+$0x1D2D0] =	vst v0;
	v0 =	vld [tilespmem:s8+$0x1AAF0]  }
0x12a: {  	v1 =	vld.idx.msk [tilespmem:v1+s1+$0x0], $0xffff;
	_ =	sdelay $0x4  }
0x12b: {  	[tilespmem:s8+$0x1D2E0] =	vst v1;
	v1 =	vld [tilespmem:s8+$0x1AB00];
	_ =	sdelay $0x1  }
0x12c: {  	v0 =	vld.idx.msk [tilespmem:v0+s1+$0x0], $0xffff;
	_ =	sdelay $0x4  }
0x12d: {  	[tilespmem:s8+$0x1D2F0] =	vst v0;
	v0 =	vld [tilespmem:s8+$0x1AB10]  }
0x12e: {  	v1 =	vld.idx.msk [tilespmem:v1+s1+$0x0], $0xffff;
	_ =	sdelay $0x4  }
0x12f: {  	[tilespmem:s8+$0x1D300] =	vst v1;
	v1 =	vld [tilespmem:s8+$0x1AB20];
	_ =	sdelay $0x1  }
0x130: {  	v0 =	vld.idx.msk [tilespmem:v0+s1+$0x0], $0xffff;
	_ =	sdelay $0x4  }
0x131: {  	v2 =	vld [tilespmem:s8+$0x1AB30];
	[tilespmem:s8+$0x1D310] =	vst v0  }
0x132: {  	v0 =	vld.idx.msk [tilespmem:v1+s1+$0x0], $0xffff;
	_ =	sdelay $0x4  }
0x133: {  	[tilespmem:s8+$0x1D320] =	vst v0;
	v0 =	vld [tilespmem:s8+$0x1AB40];
	_ =	sdelay $0x1  }
0x134: {  	v1 =	vld.idx.msk [tilespmem:v2+s1+$0x0], $0xffff;
	_ =	sdelay $0x3  }
0x135: {  	s20 =	simm.s32 $0x400;
	s23 =	simm.s32 $0x80  }
.LBB2_6:
0x136: {  	p1 =	sne.s32 s20, $0x1E00;
	v2 =	vld [tilespmem:s23+$0x1AAD0];
	[tilespmem:s8+$0x1D330] =	vst v1  }
0x137: {  	v0 =	vld.idx.msk [tilespmem:v0+s1+$0x0], $0xffff;
	_ =	sdelay $0x5  }
0x138: {  	v1 =	vld [tilespmem:s23+$0x1AAE0];
	[tilespmem:s8+$0x1D340] =	vst v0;
	s8 =	smov.u32 s23  }
0x139: {  	v0 =	vld.idx.msk [tilespmem:v2+s1+$0x0], $0xffff;
	_ =	sdelay $0x5  }
0x13a: {  	[tilespmem:s8+$0x1D2D0] =	vst v0;
	v0 =	vld [tilespmem:s8+$0x1AAF0]  }
0x13b: {  	v1 =	vld.idx.msk [tilespmem:v1+s1+$0x0], $0xffff;
	_ =	sdelay $0x5  }
0x13c: {  	[tilespmem:s8+$0x1D2E0] =	vst v1;
	v1 =	vld [tilespmem:s8+$0x1AB00]  }
0x13d: {  	v0 =	vld.idx.msk [tilespmem:v0+s1+$0x0], $0xffff;
	_ =	sdelay $0x5  }
0x13e: {  	[tilespmem:s8+$0x1D2F0] =	vst v0;
	v0 =	vld [tilespmem:s8+$0x1AB10]  }
0x13f: {  	v1 =	vld.idx.msk [tilespmem:v1+s1+$0x0], $0xffff;
	_ =	sdelay $0x5  }
0x140: {  	[tilespmem:s8+$0x1D300] =	vst v1;
	v1 =	vld [tilespmem:s8+$0x1AB20]  }
0x141: {  	v0 =	vld.idx.msk [tilespmem:v0+s1+$0x0], $0xffff;
	_ =	sdelay $0x5  }
0x142: {  	[tilespmem:s8+$0x1D310] =	vst v0;
	v2 =	vld [tilespmem:s8+$0x1AB30]  }
0x143: {  	v0 =	vld.idx.msk [tilespmem:v1+s1+$0x0], $0xffff;
	_ =	sdelay $0x5  }
0x144: {  	[tilespmem:s8+$0x1D320] =	vst v0;
	v0 =	vld [tilespmem:s8+$0x1AB40]  }
0x145: {  	v1 =	vld.idx.msk [tilespmem:v2+s1+$0x0], $0xffff  }
.Ltmp2:
0x146: {  	(pc) =	sbr.rel @p1 .LBB2_6-.Ltmp2, $2  }
0x147: {  	_ =	sdelay $0x2  }
0x148: {  	s23 =	sshra.s32 s20, $0x2;
	s20 =	sadd.s32 $0x200, s20  }
0x149: {  	_ =	sdelay $0x1  }
0x14a: {  	v2 =	vld [tilespmem:s23+$0x1AAD0]  }
0x14b: {  	[tilespmem:s8+$0x1D330] =	vst v1  }
0x14c: {  	v0 =	vld.idx.msk [tilespmem:v0+s1+$0x0], $0xffff;
	_ =	sdelay $0x3  }
0x14d: {  	v1 =	vld [tilespmem:s23+$0x1AAE0]  }
0x14e: {  	[tilespmem:s8+$0x1D340] =	vst v0  }
0x14f: {  	v0 =	vld.idx.msk [tilespmem:v2+s1+$0x0], $0xffff;
	_ =	sdelay $0x4  }
0x150: {  	[tilespmem:s23+$0x1D2D0] =	vst v0;
	v0 =	vld [tilespmem:s23+$0x1AAF0]  }
0x151: {  	v1 =	vld.idx.msk [tilespmem:v1+s1+$0x0], $0xffff;
	_ =	sdelay $0x4  }
0x152: {  	[tilespmem:s23+$0x1D2E0] =	vst v1;
	v1 =	vld [tilespmem:s23+$0x1AB00];
	_ =	sdelay $0x1  }
0x153: {  	v0 =	vld.idx.msk [tilespmem:v0+s1+$0x0], $0xffff;
	_ =	sdelay $0x4  }
0x154: {  	[tilespmem:s23+$0x1D2F0] =	vst v0;
	v0 =	vld [tilespmem:s23+$0x1AB10]  }
0x155: {  	v1 =	vld.idx.msk [tilespmem:v1+s1+$0x0], $0xffff;
	_ =	sdelay $0x4  }
0x156: {  	[tilespmem:s23+$0x1D300] =	vst v1;
	v1 =	vld [tilespmem:s23+$0x1AB20];
	_ =	sdelay $0x1  }
0x157: {  	v0 =	vld.idx.msk [tilespmem:v0+s1+$0x0], $0xffff;
	_ =	sdelay $0x4  }
0x158: {  	[tilespmem:s23+$0x1D310] =	vst v0;
	v0 =	vld [tilespmem:s23+$0x1AB30]  }
0x159: {  	v1 =	vld.idx.msk [tilespmem:v1+s1+$0x0], $0xffff;
	_ =	sdelay $0x4  }
0x15a: {  	[tilespmem:s23+$0x1D320] =	vst v1;
	v1 =	vld [tilespmem:s23+$0x1AB40];
	_ =	sdelay $0x1  }
0x15b: {  	v0 =	vld.idx.msk [tilespmem:v0+s1+$0x0], $0xffff;
	_ =	sdelay $0x4  }
0x15c: {  	[tilespmem:s23+$0x1D330] =	vst v0  }
0x15d: {  	v0 =	vld.idx.msk [tilespmem:v1+s1+$0x0], $0xffff;
	_ =	sdelay $0x3  }
0x15e: {  	s20 =	sld [smem:$0x7CD]  }
0x15f: {  	[tilespmem:s23+$0x1D340] =	vst v0;
	s23 =	rddreg [dreg:$0x1f]  }
0x160: {  	[hbm4b:s23+s4] =	stream.strided.scatter [tilespmem:s26], [sflag:$0xC], $0x800, s0, s4, $0x38;
	[tilespmem:$0x1FAD0] =	vst v63  }
0x161: {  	_ = 	snop  }
0x162: {  	[tilespmem:s5], [sflag:$0xA] =	stream.linear.gather [spmem:s20], $0x800, $0x38;
	[tilespmem:$0x1FAD0] =	vst v63  }
0x163: {  	_ =	swait.ge [sflag:s10], $0x800  }
0x164: {  	[sflag:s10] =	ssyncset.done $0x0  }
0x165: {  	[sflag:s10] =	ssyncadd.s32 $0xFFFFF800  }
0x166: {  	_ =	swait.ge [sflag:s16], $0x800  }
0x167: {  	[sflag:s16] =	ssyncset.done $0x0  }
0x168: {  	[sflag:s16] =	ssyncadd.s32 $0xFFFFF800  }
0x169: {  	[tilespmem:s19], [sflag:$0x11] =	stream.indirect.gather [spmem:s14], $0x1, s7, s18, $0xb8;
	[tilespmem:$0x1FAD0] =	vst v63  }
0x16a: {  	_ =	swait.ge [sflag:s21], $0x800  }
0x16b: {  	s23 =	sld [smem:$0x7CE]  }
0x16c: {  	[sflag:s21] =	ssyncset.done $0x0  }
0x16d: {  	s20 =	simm.s32 $0x1F2D0;
	[sflag:s21] =	ssyncadd.s32 $0xFFFFF800  }
0x16e: {  	[hbm4b:s23+s4] =	stream.strided.scatter [tilespmem:s20], [sflag:$0x10], $0x800, s0, s4, $0x38;
	[tilespmem:$0x1FAD0] =	vst v63  }
0x16f: {  	s23 =	sld [smem:$0x7CF];
	_ =	sdelay $0x2  }
0x170: {  	[tilespmem:s9], [sflag:$0x7] =	stream.linear.gather [spmem:s23], $0x800, $0x38;
	[tilespmem:$0x1FAD0] =	vst v63  }
0x171: {  	_ =	swait.ge [sflag:s17], $0x800  }
0x172: {  	[sflag:s17] =	ssyncset.done $0x0  }
0x173: {  	[sflag:s17] =	ssyncadd.s32 $0xFFFFF800  }
0x174: {  	_ =	swait.ge [sflag:s29], $0x800  }
0x175: {  	[sflag:s29] =	ssyncset.done $0x0  }
0x176: {  	s8 =	simm.s32 $0x0;
	[sflag:s29] =	ssyncadd.s32 $0xFFFFF800  }
0x177: {  	v0 =	vld [tilespmem:s8+$0x1B2D0];
	_ =	sdelay $0x5  }
0x178: {  	v1 =	vld [tilespmem:s8+$0x1B2E0];
	_ =	sdelay $0x1  }
0x179: {  	v0 =	vld.idx.msk [tilespmem:v0+s1+$0x0], $0xffff;
	_ =	sdelay $0x4  }
0x17a: {  	[tilespmem:s8+$0x1DAD0] =	vst v0;
	v0 =	vld [tilespmem:s8+$0x1B2F0]  }
0x17b: {  	v1 =	vld.idx.msk [tilespmem:v1+s1+$0x0], $0xffff;
	_ =	sdelay $0x4  }
0x17c: {  	[tilespmem:s8+$0x1DAE0] =	vst v1;
	v1 =	vld [tilespmem:s8+$0x1B300];
	_ =	sdelay $0x1  }
0x17d: {  	v0 =	vld.idx.msk [tilespmem:v0+s1+$0x0], $0xffff;
	_ =	sdelay $0x4  }
0x17e: {  	[tilespmem:s8+$0x1DAF0] =	vst v0;
	v0 =	vld [tilespmem:s8+$0x1B310]  }
0x17f: {  	v1 =	vld.idx.msk [tilespmem:v1+s1+$0x0], $0xffff;
	_ =	sdelay $0x4  }
0x180: {  	[tilespmem:s8+$0x1DB00] =	vst v1;
	v1 =	vld [tilespmem:s8+$0x1B320];
	_ =	sdelay $0x1  }
0x181: {  	v0 =	vld.idx.msk [tilespmem:v0+s1+$0x0], $0xffff;
	_ =	sdelay $0x4  }
0x182: {  	v2 =	vld [tilespmem:s8+$0x1B330];
	[tilespmem:s8+$0x1DB10] =	vst v0  }
0x183: {  	v0 =	vld.idx.msk [tilespmem:v1+s1+$0x0], $0xffff;
	_ =	sdelay $0x4  }
0x184: {  	[tilespmem:s8+$0x1DB20] =	vst v0;
	v0 =	vld [tilespmem:s8+$0x1B340];
	_ =	sdelay $0x1  }
0x185: {  	v1 =	vld.idx.msk [tilespmem:v2+s1+$0x0], $0xffff;
	_ =	sdelay $0x3  }
0x186: {  	s20 =	simm.s32 $0x400;
	s23 =	simm.s32 $0x80  }
.LBB2_8:
0x187: {  	p1 =	sne.s32 s20, $0x1E00;
	v2 =	vld [tilespmem:s23+$0x1B2D0];
	[tilespmem:s8+$0x1DB30] =	vst v1  }
0x188: {  	v0 =	vld.idx.msk [tilespmem:v0+s1+$0x0], $0xffff;
	_ =	sdelay $0x5  }
0x189: {  	v1 =	vld [tilespmem:s23+$0x1B2E0];
	[tilespmem:s8+$0x1DB40] =	vst v0;
	s8 =	smov.u32 s23  }
0x18a: {  	v0 =	vld.idx.msk [tilespmem:v2+s1+$0x0], $0xffff;
	_ =	sdelay $0x5  }
0x18b: {  	[tilespmem:s8+$0x1DAD0] =	vst v0;
	v0 =	vld [tilespmem:s8+$0x1B2F0]  }
0x18c: {  	v1 =	vld.idx.msk [tilespmem:v1+s1+$0x0], $0xffff;
	_ =	sdelay $0x5  }
0x18d: {  	[tilespmem:s8+$0x1DAE0] =	vst v1;
	v1 =	vld [tilespmem:s8+$0x1B300]  }
0x18e: {  	v0 =	vld.idx.msk [tilespmem:v0+s1+$0x0], $0xffff;
	_ =	sdelay $0x5  }
0x18f: {  	[tilespmem:s8+$0x1DAF0] =	vst v0;
	v0 =	vld [tilespmem:s8+$0x1B310]  }
0x190: {  	v1 =	vld.idx.msk [tilespmem:v1+s1+$0x0], $0xffff;
	_ =	sdelay $0x5  }
0x191: {  	[tilespmem:s8+$0x1DB00] =	vst v1;
	v1 =	vld [tilespmem:s8+$0x1B320]  }
0x192: {  	v0 =	vld.idx.msk [tilespmem:v0+s1+$0x0], $0xffff;
	_ =	sdelay $0x5  }
0x193: {  	[tilespmem:s8+$0x1DB10] =	vst v0;
	v2 =	vld [tilespmem:s8+$0x1B330]  }
0x194: {  	v0 =	vld.idx.msk [tilespmem:v1+s1+$0x0], $0xffff;
	_ =	sdelay $0x5  }
0x195: {  	[tilespmem:s8+$0x1DB20] =	vst v0;
	v0 =	vld [tilespmem:s8+$0x1B340]  }
0x196: {  	v1 =	vld.idx.msk [tilespmem:v2+s1+$0x0], $0xffff  }
.Ltmp3:
0x197: {  	(pc) =	sbr.rel @p1 .LBB2_8-.Ltmp3, $2  }
0x198: {  	_ =	sdelay $0x2  }
0x199: {  	s23 =	sshra.s32 s20, $0x2;
	s20 =	sadd.s32 $0x200, s20  }
0x19a: {  	_ =	sdelay $0x1  }
0x19b: {  	v2 =	vld [tilespmem:s23+$0x1B2D0]  }
0x19c: {  	[tilespmem:s8+$0x1DB30] =	vst v1  }
0x19d: {  	v0 =	vld.idx.msk [tilespmem:v0+s1+$0x0], $0xffff;
	_ =	sdelay $0x3  }
0x19e: {  	v1 =	vld [tilespmem:s23+$0x1B2E0]  }
0x19f: {  	[tilespmem:s8+$0x1DB40] =	vst v0  }
0x1a0: {  	v0 =	vld.idx.msk [tilespmem:v2+s1+$0x0], $0xffff;
	_ =	sdelay $0x4  }
0x1a1: {  	[tilespmem:s23+$0x1DAD0] =	vst v0;
	v0 =	vld [tilespmem:s23+$0x1B2F0]  }
0x1a2: {  	v1 =	vld.idx.msk [tilespmem:v1+s1+$0x0], $0xffff;
	_ =	sdelay $0x4  }
0x1a3: {  	[tilespmem:s23+$0x1DAE0] =	vst v1;
	v1 =	vld [tilespmem:s23+$0x1B300];
	_ =	sdelay $0x1  }
0x1a4: {  	v0 =	vld.idx.msk [tilespmem:v0+s1+$0x0], $0xffff;
	_ =	sdelay $0x4  }
0x1a5: {  	[tilespmem:s23+$0x1DAF0] =	vst v0;
	v0 =	vld [tilespmem:s23+$0x1B310]  }
0x1a6: {  	v1 =	vld.idx.msk [tilespmem:v1+s1+$0x0], $0xffff;
	_ =	sdelay $0x4  }
0x1a7: {  	[tilespmem:s23+$0x1DB00] =	vst v1;
	v1 =	vld [tilespmem:s23+$0x1B320];
	_ =	sdelay $0x1  }
0x1a8: {  	v0 =	vld.idx.msk [tilespmem:v0+s1+$0x0], $0xffff;
	_ =	sdelay $0x4  }
0x1a9: {  	[tilespmem:s23+$0x1DB10] =	vst v0;
	v0 =	vld [tilespmem:s23+$0x1B330]  }
0x1aa: {  	v1 =	vld.idx.msk [tilespmem:v1+s1+$0x0], $0xffff;
	_ =	sdelay $0x4  }
0x1ab: {  	[tilespmem:s23+$0x1DB20] =	vst v1;
	v1 =	vld [tilespmem:s23+$0x1B340];
	_ =	sdelay $0x1  }
0x1ac: {  	v0 =	vld.idx.msk [tilespmem:v0+s1+$0x0], $0xffff;
	_ =	sdelay $0x4  }
0x1ad: {  	[tilespmem:s23+$0x1DB30] =	vst v0  }
0x1ae: {  	v0 =	vld.idx.msk [tilespmem:v1+s1+$0x0], $0xffff;
	_ =	sdelay $0x4  }
0x1af: {  	[tilespmem:s23+$0x1DB40] =	vst v0;
	s23 =	sld [smem:$0x7D0];
	_ =	sdelay $0x1  }
0x1b0: {  	s20 =	simm.s32 $0x1DAD0  }
0x1b1: {  	[hbm4b:s23+s4] =	stream.strided.scatter [tilespmem:s20], [sflag:$0xD], $0x800, s0, s4, $0x38;
	[tilespmem:$0x1FAD0] =	vst v63  }
0x1b2: {  	s20 =	sld [smem:$0x7D1];
	_ =	sdelay $0x2  }
0x1b3: {  	[tilespmem:s30], [sflag:$0xB] =	stream.linear.gather [spmem:s20], $0x800, $0x38;
	[tilespmem:$0x1FAD0] =	vst v63  }
0x1b4: {  	_ =	swait.ge [sflag:s11], $0x800  }
0x1b5: {  	[sflag:s11] =	ssyncset.done $0x0  }
0x1b6: {  	[sflag:s11] =	ssyncadd.s32 $0xFFFFF800  }
0x1b7: {  	_ =	swait.ge [sflag:s25], $0x800  }
0x1b8: {  	[sflag:s25] =	ssyncset.done $0x0  }
0x1b9: {  	s23 =	simm.s32 $0x1EAD0;
	[sflag:s25] =	ssyncadd.s32 $0xFFFFF800  }
0x1ba: {  	[tilespmem:s23], [sflag:$0x12] =	stream.indirect.gather [spmem:s14], $0x1, s5, s18, $0xb8;
	[tilespmem:$0x1FAD0] =	vst v63  }
0x1bb: {  	_ =	swait.ge [sflag:s28], $0x800  }
0x1bc: {  	s20 =	sld [smem:$0x7D2]  }
0x1bd: {  	[sflag:s28] =	ssyncset.done $0x0  }
0x1be: {  	s23 =	sld [smem:$0x7D3];
	[sflag:s28] =	ssyncadd.s32 $0xFFFFF800  }
0x1bf: {  	[hbm4b:s20+s4] =	stream.strided.scatter [tilespmem:s19], [sflag:$0xE], $0x800, s0, s4, $0x38;
	[tilespmem:$0x1FAD0] =	vst v63  }
0x1c0: {  	_ = 	snop  }
0x1c1: {  	[tilespmem:s24], [sflag:$0x8] =	stream.linear.gather [spmem:s23], $0x800, $0x38;
	[tilespmem:$0x1FAD0] =	vst v63  }
0x1c2: {  	_ =	swait.ge [sflag:s3], $0x800  }
0x1c3: {  	[sflag:s3] =	ssyncset.done $0x0  }
0x1c4: {  	[sflag:s3] =	ssyncadd.s32 $0xFFFFF800  }
0x1c5: {  	_ =	swait.ge [sflag:s22], $0x800  }
0x1c6: {  	[sflag:s22] =	ssyncset.done $0x0  }
0x1c7: {  	s8 =	simm.s32 $0x0;
	[sflag:s22] =	ssyncadd.s32 $0xFFFFF800  }
0x1c8: {  	v0 =	vld [tilespmem:s8+$0x1AAD0];
	_ =	sdelay $0x5  }
0x1c9: {  	v1 =	vld [tilespmem:s8+$0x1AAE0];
	_ =	sdelay $0x1  }
0x1ca: {  	v0 =	vld.idx.msk [tilespmem:v0+s1+$0x0], $0xffff;
	_ =	sdelay $0x4  }
0x1cb: {  	[tilespmem:s8+$0x1D2D0] =	vst v0;
	v0 =	vld [tilespmem:s8+$0x1AAF0]  }
0x1cc: {  	v1 =	vld.idx.msk [tilespmem:v1+s1+$0x0], $0xffff;
	_ =	sdelay $0x4  }
0x1cd: {  	[tilespmem:s8+$0x1D2E0] =	vst v1;
	v1 =	vld [tilespmem:s8+$0x1AB00];
	_ =	sdelay $0x1  }
0x1ce: {  	v0 =	vld.idx.msk [tilespmem:v0+s1+$0x0], $0xffff;
	_ =	sdelay $0x4  }
0x1cf: {  	[tilespmem:s8+$0x1D2F0] =	vst v0;
	v0 =	vld [tilespmem:s8+$0x1AB10]  }
0x1d0: {  	v1 =	vld.idx.msk [tilespmem:v1+s1+$0x0], $0xffff;
	_ =	sdelay $0x4  }
0x1d1: {  	[tilespmem:s8+$0x1D300] =	vst v1;
	v1 =	vld [tilespmem:s8+$0x1AB20];
	_ =	sdelay $0x1  }
0x1d2: {  	v0 =	vld.idx.msk [tilespmem:v0+s1+$0x0], $0xffff;
	_ =	sdelay $0x4  }
0x1d3: {  	v2 =	vld [tilespmem:s8+$0x1AB30];
	[tilespmem:s8+$0x1D310] =	vst v0  }
0x1d4: {  	v0 =	vld.idx.msk [tilespmem:v1+s1+$0x0], $0xffff;
	_ =	sdelay $0x4  }
0x1d5: {  	[tilespmem:s8+$0x1D320] =	vst v0;
	v0 =	vld [tilespmem:s8+$0x1AB40];
	_ =	sdelay $0x1  }
0x1d6: {  	v1 =	vld.idx.msk [tilespmem:v2+s1+$0x0], $0xffff;
	_ =	sdelay $0x3  }
0x1d7: {  	s20 =	simm.s32 $0x400;
	s23 =	simm.s32 $0x80  }
.LBB2_10:
0x1d8: {  	p1 =	sne.s32 s20, $0x1E00;
	v2 =	vld [tilespmem:s23+$0x1AAD0];
	[tilespmem:s8+$0x1D330] =	vst v1  }
0x1d9: {  	v0 =	vld.idx.msk [tilespmem:v0+s1+$0x0], $0xffff;
	_ =	sdelay $0x5  }
0x1da: {  	v1 =	vld [tilespmem:s23+$0x1AAE0];
	[tilespmem:s8+$0x1D340] =	vst v0;
	s8 =	smov.u32 s23  }
0x1db: {  	v0 =	vld.idx.msk [tilespmem:v2+s1+$0x0], $0xffff;
	_ =	sdelay $0x5  }
0x1dc: {  	[tilespmem:s8+$0x1D2D0] =	vst v0;
	v0 =	vld [tilespmem:s8+$0x1AAF0]  }
0x1dd: {  	v1 =	vld.idx.msk [tilespmem:v1+s1+$0x0], $0xffff;
	_ =	sdelay $0x5  }
0x1de: {  	[tilespmem:s8+$0x1D2E0] =	vst v1;
	v1 =	vld [tilespmem:s8+$0x1AB00]  }
0x1df: {  	v0 =	vld.idx.msk [tilespmem:v0+s1+$0x0], $0xffff;
	_ =	sdelay $0x5  }
0x1e0: {  	[tilespmem:s8+$0x1D2F0] =	vst v0;
	v0 =	vld [tilespmem:s8+$0x1AB10]  }
0x1e1: {  	v1 =	vld.idx.msk [tilespmem:v1+s1+$0x0], $0xffff;
	_ =	sdelay $0x5  }
0x1e2: {  	[tilespmem:s8+$0x1D300] =	vst v1;
	v1 =	vld [tilespmem:s8+$0x1AB20]  }
0x1e3: {  	v0 =	vld.idx.msk [tilespmem:v0+s1+$0x0], $0xffff;
	_ =	sdelay $0x5  }
0x1e4: {  	[tilespmem:s8+$0x1D310] =	vst v0;
	v2 =	vld [tilespmem:s8+$0x1AB30]  }
0x1e5: {  	v0 =	vld.idx.msk [tilespmem:v1+s1+$0x0], $0xffff;
	_ =	sdelay $0x5  }
0x1e6: {  	[tilespmem:s8+$0x1D320] =	vst v0;
	v0 =	vld [tilespmem:s8+$0x1AB40]  }
0x1e7: {  	v1 =	vld.idx.msk [tilespmem:v2+s1+$0x0], $0xffff  }
.Ltmp4:
0x1e8: {  	(pc) =	sbr.rel @p1 .LBB2_10-.Ltmp4, $2  }
0x1e9: {  	_ =	sdelay $0x2  }
0x1ea: {  	s23 =	sshra.s32 s20, $0x2;
	s20 =	sadd.s32 $0x200, s20  }
0x1eb: {  	_ =	sdelay $0x1  }
0x1ec: {  	v2 =	vld [tilespmem:s23+$0x1AAD0]  }
0x1ed: {  	[tilespmem:s8+$0x1D330] =	vst v1  }
0x1ee: {  	v0 =	vld.idx.msk [tilespmem:v0+s1+$0x0], $0xffff;
	_ =	sdelay $0x3  }
0x1ef: {  	v1 =	vld [tilespmem:s23+$0x1AAE0]  }
0x1f0: {  	[tilespmem:s8+$0x1D340] =	vst v0  }
0x1f1: {  	v0 =	vld.idx.msk [tilespmem:v2+s1+$0x0], $0xffff;
	_ =	sdelay $0x4  }
0x1f2: {  	[tilespmem:s23+$0x1D2D0] =	vst v0;
	v0 =	vld [tilespmem:s23+$0x1AAF0]  }
0x1f3: {  	v1 =	vld.idx.msk [tilespmem:v1+s1+$0x0], $0xffff;
	_ =	sdelay $0x4  }
0x1f4: {  	[tilespmem:s23+$0x1D2E0] =	vst v1;
	v1 =	vld [tilespmem:s23+$0x1AB00];
	_ =	sdelay $0x1  }
0x1f5: {  	v0 =	vld.idx.msk [tilespmem:v0+s1+$0x0], $0xffff;
	_ =	sdelay $0x4  }
0x1f6: {  	[tilespmem:s23+$0x1D2F0] =	vst v0;
	v0 =	vld [tilespmem:s23+$0x1AB10]  }
0x1f7: {  	v1 =	vld.idx.msk [tilespmem:v1+s1+$0x0], $0xffff;
	_ =	sdelay $0x4  }
0x1f8: {  	[tilespmem:s23+$0x1D300] =	vst v1;
	v1 =	vld [tilespmem:s23+$0x1AB20];
	_ =	sdelay $0x1  }
0x1f9: {  	v0 =	vld.idx.msk [tilespmem:v0+s1+$0x0], $0xffff;
	_ =	sdelay $0x4  }
0x1fa: {  	[tilespmem:s23+$0x1D310] =	vst v0;
	v0 =	vld [tilespmem:s23+$0x1AB30]  }
0x1fb: {  	v1 =	vld.idx.msk [tilespmem:v1+s1+$0x0], $0xffff;
	_ =	sdelay $0x4  }
0x1fc: {  	[tilespmem:s23+$0x1D320] =	vst v1;
	v1 =	vld [tilespmem:s23+$0x1AB40];
	_ =	sdelay $0x1  }
0x1fd: {  	v0 =	vld.idx.msk [tilespmem:v0+s1+$0x0], $0xffff;
	_ =	sdelay $0x4  }
0x1fe: {  	[tilespmem:s23+$0x1D330] =	vst v0  }
0x1ff: {  	v0 =	vld.idx.msk [tilespmem:v1+s1+$0x0], $0xffff;
	_ =	sdelay $0x2  }
0x200: {  	s20 =	sld [smem:$0x7D4];
	_ =	sdelay $0x1  }
0x201: {  	[tilespmem:s23+$0x1D340] =	vst v0;
	s23 =	sld [smem:$0x7D5]  }
0x202: {  	[hbm4b:s20+s4] =	stream.strided.scatter [tilespmem:s26], [sflag:$0xC], $0x800, s0, s4, $0x38;
	[tilespmem:$0x1FAD0] =	vst v63  }
0x203: {  	_ = 	snop  }
0x204: {  	[tilespmem:s7], [sflag:$0x9] =	stream.linear.gather [spmem:s23], $0x800, $0x38;
	[tilespmem:$0x1FAD0] =	vst v63  }
0x205: {  	_ =	swait.ge [sflag:s12], $0x800  }
0x206: {  	[sflag:s12] =	ssyncset.done $0x0  }
0x207: {  	[sflag:s12] =	ssyncadd.s32 $0xFFFFF800  }
0x208: {  	_ =	swait.ge [sflag:s31], $0x800  }
0x209: {  	[sflag:s31] =	ssyncset.done $0x0  }
0x20a: {  	s20 =	simm.s32 $0x1F2D0;
	[sflag:s31] =	ssyncadd.s32 $0xFFFFF800  }
0x20b: {  	[tilespmem:s20], [sflag:$0x13] =	stream.indirect.gather [spmem:s14], $0x1, s30, s18, $0xb8;
	[tilespmem:$0x1FAD0] =	vst v63  }
0x20c: {  	_ =	swait.ge [sflag:s2], $0x800  }
0x20d: {  	s23 =	sld [smem:$0x7D6]  }
0x20e: {  	[sflag:s2] =	ssyncset.done $0x0  }
0x20f: {  	s20 =	simm.s32 $0x1EAD0;
	[sflag:s2] =	ssyncadd.s32 $0xFFFFF800  }
0x210: {  	[hbm4b:s23+s4] =	stream.strided.scatter [tilespmem:s20], [sflag:$0xF], $0x800, s0, s4, $0x38;
	[tilespmem:$0x1FAD0] =	vst v63  }
0x211: {  	s23 =	sld [smem:$0x7D7];
	_ =	sdelay $0x2  }
0x212: {  	[tilespmem:s9], [sflag:$0x7] =	stream.linear.gather [spmem:s23], $0x800, $0x38;
	[tilespmem:$0x1FAD0] =	vst v63  }
0x213: {  	_ =	swait.ge [sflag:s17], $0x800  }
0x214: {  	[sflag:s17] =	ssyncset.done $0x0  }
0x215: {  	[sflag:s17] =	ssyncadd.s32 $0xFFFFF800  }
0x216: {  	_ =	swait.ge [sflag:s29], $0x800  }
0x217: {  	[sflag:s29] =	ssyncset.done $0x0  }
0x218: {  	s8 =	simm.s32 $0x0;
	[sflag:s29] =	ssyncadd.s32 $0xFFFFF800  }
0x219: {  	v0 =	vld [tilespmem:s8+$0x1B2D0];
	_ =	sdelay $0x5  }
0x21a: {  	v1 =	vld [tilespmem:s8+$0x1B2E0];
	_ =	sdelay $0x1  }
0x21b: {  	v0 =	vld.idx.msk [tilespmem:v0+s1+$0x0], $0xffff;
	_ =	sdelay $0x4  }
0x21c: {  	[tilespmem:s8+$0x1DAD0] =	vst v0;
	v0 =	vld [tilespmem:s8+$0x1B2F0]  }
0x21d: {  	v1 =	vld.idx.msk [tilespmem:v1+s1+$0x0], $0xffff;
	_ =	sdelay $0x4  }
0x21e: {  	[tilespmem:s8+$0x1DAE0] =	vst v1;
	v1 =	vld [tilespmem:s8+$0x1B300];
	_ =	sdelay $0x1  }
0x21f: {  	v0 =	vld.idx.msk [tilespmem:v0+s1+$0x0], $0xffff;
	_ =	sdelay $0x4  }
0x220: {  	[tilespmem:s8+$0x1DAF0] =	vst v0;
	v0 =	vld [tilespmem:s8+$0x1B310]  }
0x221: {  	v1 =	vld.idx.msk [tilespmem:v1+s1+$0x0], $0xffff;
	_ =	sdelay $0x4  }
0x222: {  	[tilespmem:s8+$0x1DB00] =	vst v1;
	v1 =	vld [tilespmem:s8+$0x1B320];
	_ =	sdelay $0x1  }
0x223: {  	v0 =	vld.idx.msk [tilespmem:v0+s1+$0x0], $0xffff;
	_ =	sdelay $0x4  }
0x224: {  	v2 =	vld [tilespmem:s8+$0x1B330];
	[tilespmem:s8+$0x1DB10] =	vst v0  }
0x225: {  	v0 =	vld.idx.msk [tilespmem:v1+s1+$0x0], $0xffff;
	_ =	sdelay $0x4  }
0x226: {  	[tilespmem:s8+$0x1DB20] =	vst v0;
	v0 =	vld [tilespmem:s8+$0x1B340];
	_ =	sdelay $0x1  }
0x227: {  	v1 =	vld.idx.msk [tilespmem:v2+s1+$0x0], $0xffff;
	_ =	sdelay $0x3  }
0x228: {  	s20 =	simm.s32 $0x400;
	s23 =	simm.s32 $0x80  }
.LBB2_12:
0x229: {  	p1 =	sne.s32 s20, $0x1E00;
	v2 =	vld [tilespmem:s23+$0x1B2D0];
	[tilespmem:s8+$0x1DB30] =	vst v1  }
0x22a: {  	v0 =	vld.idx.msk [tilespmem:v0+s1+$0x0], $0xffff;
	_ =	sdelay $0x5  }
0x22b: {  	v1 =	vld [tilespmem:s23+$0x1B2E0];
	[tilespmem:s8+$0x1DB40] =	vst v0;
	s8 =	smov.u32 s23  }
0x22c: {  	v0 =	vld.idx.msk [tilespmem:v2+s1+$0x0], $0xffff;
	_ =	sdelay $0x5  }
0x22d: {  	[tilespmem:s8+$0x1DAD0] =	vst v0;
	v0 =	vld [tilespmem:s8+$0x1B2F0]  }
0x22e: {  	v1 =	vld.idx.msk [tilespmem:v1+s1+$0x0], $0xffff;
	_ =	sdelay $0x5  }
0x22f: {  	[tilespmem:s8+$0x1DAE0] =	vst v1;
	v1 =	vld [tilespmem:s8+$0x1B300]  }
0x230: {  	v0 =	vld.idx.msk [tilespmem:v0+s1+$0x0], $0xffff;
	_ =	sdelay $0x5  }
0x231: {  	[tilespmem:s8+$0x1DAF0] =	vst v0;
	v0 =	vld [tilespmem:s8+$0x1B310]  }
0x232: {  	v1 =	vld.idx.msk [tilespmem:v1+s1+$0x0], $0xffff;
	_ =	sdelay $0x5  }
0x233: {  	[tilespmem:s8+$0x1DB00] =	vst v1;
	v1 =	vld [tilespmem:s8+$0x1B320]  }
0x234: {  	v0 =	vld.idx.msk [tilespmem:v0+s1+$0x0], $0xffff;
	_ =	sdelay $0x5  }
0x235: {  	[tilespmem:s8+$0x1DB10] =	vst v0;
	v2 =	vld [tilespmem:s8+$0x1B330]  }
0x236: {  	v0 =	vld.idx.msk [tilespmem:v1+s1+$0x0], $0xffff;
	_ =	sdelay $0x5  }
0x237: {  	[tilespmem:s8+$0x1DB20] =	vst v0;
	v0 =	vld [tilespmem:s8+$0x1B340]  }
0x238: {  	v1 =	vld.idx.msk [tilespmem:v2+s1+$0x0], $0xffff  }
.Ltmp5:
0x239: {  	(pc) =	sbr.rel @p1 .LBB2_12-.Ltmp5, $2  }
0x23a: {  	_ =	sdelay $0x2  }
0x23b: {  	s23 =	sshra.s32 s20, $0x2;
	s20 =	sadd.s32 $0x200, s20  }
0x23c: {  	_ =	sdelay $0x1  }
0x23d: {  	v2 =	vld [tilespmem:s23+$0x1B2D0]  }
0x23e: {  	[tilespmem:s8+$0x1DB30] =	vst v1  }
0x23f: {  	v0 =	vld.idx.msk [tilespmem:v0+s1+$0x0], $0xffff;
	_ =	sdelay $0x3  }
0x240: {  	v1 =	vld [tilespmem:s23+$0x1B2E0]  }
0x241: {  	[tilespmem:s8+$0x1DB40] =	vst v0  }
0x242: {  	v0 =	vld.idx.msk [tilespmem:v2+s1+$0x0], $0xffff;
	_ =	sdelay $0x4  }
0x243: {  	[tilespmem:s23+$0x1DAD0] =	vst v0;
	v0 =	vld [tilespmem:s23+$0x1B2F0]  }
0x244: {  	v1 =	vld.idx.msk [tilespmem:v1+s1+$0x0], $0xffff;
	_ =	sdelay $0x4  }
0x245: {  	[tilespmem:s23+$0x1DAE0] =	vst v1;
	v1 =	vld [tilespmem:s23+$0x1B300];
	_ =	sdelay $0x1  }
0x246: {  	v0 =	vld.idx.msk [tilespmem:v0+s1+$0x0], $0xffff;
	_ =	sdelay $0x4  }
0x247: {  	[tilespmem:s23+$0x1DAF0] =	vst v0;
	v0 =	vld [tilespmem:s23+$0x1B310]  }
0x248: {  	v1 =	vld.idx.msk [tilespmem:v1+s1+$0x0], $0xffff;
	_ =	sdelay $0x4  }
0x249: {  	[tilespmem:s23+$0x1DB00] =	vst v1;
	v1 =	vld [tilespmem:s23+$0x1B320];
	_ =	sdelay $0x1  }
0x24a: {  	v0 =	vld.idx.msk [tilespmem:v0+s1+$0x0], $0xffff;
	_ =	sdelay $0x4  }
0x24b: {  	[tilespmem:s23+$0x1DB10] =	vst v0;
	v0 =	vld [tilespmem:s23+$0x1B330]  }
0x24c: {  	v1 =	vld.idx.msk [tilespmem:v1+s1+$0x0], $0xffff;
	_ =	sdelay $0x4  }
0x24d: {  	[tilespmem:s23+$0x1DB20] =	vst v1;
	v1 =	vld [tilespmem:s23+$0x1B340];
	_ =	sdelay $0x1  }
0x24e: {  	v0 =	vld.idx.msk [tilespmem:v0+s1+$0x0], $0xffff;
	_ =	sdelay $0x4  }
0x24f: {  	[tilespmem:s23+$0x1DB30] =	vst v0  }
0x250: {  	v0 =	vld.idx.msk [tilespmem:v1+s1+$0x0], $0xffff;
	_ =	sdelay $0x4  }
0x251: {  	[tilespmem:s23+$0x1DB40] =	vst v0;
	s23 =	sld [smem:$0x7D8];
	_ =	sdelay $0x1  }
0x252: {  	s20 =	simm.s32 $0x1DAD0  }
0x253: {  	[hbm4b:s23+s4] =	stream.strided.scatter [tilespmem:s20], [sflag:$0xD], $0x800, s0, s4, $0x38;
	[tilespmem:$0x1FAD0] =	vst v63  }
0x254: {  	s23 =	sld [smem:$0x7D9];
	_ =	sdelay $0x2  }
0x255: {  	[tilespmem:s5], [sflag:$0xA] =	stream.linear.gather [spmem:s23], $0x800, $0x38;
	[tilespmem:$0x1FAD0] =	vst v63  }
0x256: {  	_ =	swait.ge [sflag:s10], $0x800  }
0x257: {  	[sflag:s10] =	ssyncset.done $0x0  }
0x258: {  	[sflag:s10] =	ssyncadd.s32 $0xFFFFF800  }
0x259: {  	_ =	swait.ge [sflag:s16], $0x800  }
0x25a: {  	[sflag:s16] =	ssyncset.done $0x0  }
0x25b: {  	[sflag:s16] =	ssyncadd.s32 $0xFFFFF800  }
0x25c: {  	[tilespmem:s19], [sflag:$0x11] =	stream.indirect.gather [spmem:s14], $0x1, s7, s18, $0xb8;
	[tilespmem:$0x1FAD0] =	vst v63  }
0x25d: {  	_ =	swait.ge [sflag:s21], $0x800  }
0x25e: {  	s20 =	sld [smem:$0x7DA]  }
0x25f: {  	[sflag:s21] =	ssyncset.done $0x0  }
0x260: {  	s23 =	simm.s32 $0x1F2D0;
	[sflag:s21] =	ssyncadd.s32 $0xFFFFF800  }
0x261: {  	[hbm4b:s20+s4] =	stream.strided.scatter [tilespmem:s23], [sflag:$0x10], $0x800, s0, s4, $0x38;
	[tilespmem:$0x1FAD0] =	vst v63  }
0x262: {  	s23 =	sld [smem:$0x7DB];
	_ =	sdelay $0x2  }
0x263: {  	[tilespmem:s24], [sflag:$0x8] =	stream.linear.gather [spmem:s23], $0x800, $0x38;
	[tilespmem:$0x1FAD0] =	vst v63  }
0x264: {  	_ =	swait.ge [sflag:s3], $0x800  }
0x265: {  	[sflag:s3] =	ssyncset.done $0x0  }
0x266: {  	[sflag:s3] =	ssyncadd.s32 $0xFFFFF800  }
0x267: {  	_ =	swait.ge [sflag:s22], $0x800  }
0x268: {  	[sflag:s22] =	ssyncset.done $0x0  }
0x269: {  	s8 =	simm.s32 $0x0;
	[sflag:s22] =	ssyncadd.s32 $0xFFFFF800  }
0x26a: {  	v0 =	vld [tilespmem:s8+$0x1AAD0];
	_ =	sdelay $0x5  }
0x26b: {  	v1 =	vld [tilespmem:s8+$0x1AAE0];
	_ =	sdelay $0x1  }
0x26c: {  	v0 =	vld.idx.msk [tilespmem:v0+s1+$0x0], $0xffff;
	_ =	sdelay $0x4  }
0x26d: {  	[tilespmem:s8+$0x1D2D0] =	vst v0;
	v0 =	vld [tilespmem:s8+$0x1AAF0]  }
0x26e: {  	v1 =	vld.idx.msk [tilespmem:v1+s1+$0x0], $0xffff;
	_ =	sdelay $0x4  }
0x26f: {  	[tilespmem:s8+$0x1D2E0] =	vst v1;
	v1 =	vld [tilespmem:s8+$0x1AB00];
	_ =	sdelay $0x1  }
0x270: {  	v0 =	vld.idx.msk [tilespmem:v0+s1+$0x0], $0xffff;
	_ =	sdelay $0x4  }
0x271: {  	[tilespmem:s8+$0x1D2F0] =	vst v0;
	v0 =	vld [tilespmem:s8+$0x1AB10]  }
0x272: {  	v1 =	vld.idx.msk [tilespmem:v1+s1+$0x0], $0xffff;
	_ =	sdelay $0x4  }
0x273: {  	[tilespmem:s8+$0x1D300] =	vst v1;
	v1 =	vld [tilespmem:s8+$0x1AB20];
	_ =	sdelay $0x1  }
0x274: {  	v0 =	vld.idx.msk [tilespmem:v0+s1+$0x0], $0xffff;
	_ =	sdelay $0x4  }
0x275: {  	v2 =	vld [tilespmem:s8+$0x1AB30];
	[tilespmem:s8+$0x1D310] =	vst v0  }
0x276: {  	v0 =	vld.idx.msk [tilespmem:v1+s1+$0x0], $0xffff;
	_ =	sdelay $0x4  }
0x277: {  	[tilespmem:s8+$0x1D320] =	vst v0;
	v0 =	vld [tilespmem:s8+$0x1AB40];
	_ =	sdelay $0x1  }
0x278: {  	v1 =	vld.idx.msk [tilespmem:v2+s1+$0x0], $0xffff;
	_ =	sdelay $0x3  }
0x279: {  	s20 =	simm.s32 $0x400;
	s23 =	simm.s32 $0x80  }
.LBB2_14:
0x27a: {  	p1 =	sne.s32 s20, $0x1E00;
	v2 =	vld [tilespmem:s23+$0x1AAD0];
	[tilespmem:s8+$0x1D330] =	vst v1  }
0x27b: {  	v0 =	vld.idx.msk [tilespmem:v0+s1+$0x0], $0xffff;
	_ =	sdelay $0x5  }
0x27c: {  	v1 =	vld [tilespmem:s23+$0x1AAE0];
	[tilespmem:s8+$0x1D340] =	vst v0;
	s8 =	smov.u32 s23  }
0x27d: {  	v0 =	vld.idx.msk [tilespmem:v2+s1+$0x0], $0xffff;
	_ =	sdelay $0x5  }
0x27e: {  	[tilespmem:s8+$0x1D2D0] =	vst v0;
	v0 =	vld [tilespmem:s8+$0x1AAF0]  }
0x27f: {  	v1 =	vld.idx.msk [tilespmem:v1+s1+$0x0], $0xffff;
	_ =	sdelay $0x5  }
0x280: {  	[tilespmem:s8+$0x1D2E0] =	vst v1;
	v1 =	vld [tilespmem:s8+$0x1AB00]  }
0x281: {  	v0 =	vld.idx.msk [tilespmem:v0+s1+$0x0], $0xffff;
	_ =	sdelay $0x5  }
0x282: {  	[tilespmem:s8+$0x1D2F0] =	vst v0;
	v0 =	vld [tilespmem:s8+$0x1AB10]  }
0x283: {  	v1 =	vld.idx.msk [tilespmem:v1+s1+$0x0], $0xffff;
	_ =	sdelay $0x5  }
0x284: {  	[tilespmem:s8+$0x1D300] =	vst v1;
	v1 =	vld [tilespmem:s8+$0x1AB20]  }
0x285: {  	v0 =	vld.idx.msk [tilespmem:v0+s1+$0x0], $0xffff;
	_ =	sdelay $0x5  }
0x286: {  	[tilespmem:s8+$0x1D310] =	vst v0;
	v2 =	vld [tilespmem:s8+$0x1AB30]  }
0x287: {  	v0 =	vld.idx.msk [tilespmem:v1+s1+$0x0], $0xffff;
	_ =	sdelay $0x5  }
0x288: {  	[tilespmem:s8+$0x1D320] =	vst v0;
	v0 =	vld [tilespmem:s8+$0x1AB40]  }
0x289: {  	v1 =	vld.idx.msk [tilespmem:v2+s1+$0x0], $0xffff  }
.Ltmp6:
0x28a: {  	(pc) =	sbr.rel @p1 .LBB2_14-.Ltmp6, $2  }
0x28b: {  	_ =	sdelay $0x2  }
0x28c: {  	s23 =	sshra.s32 s20, $0x2;
	s20 =	sadd.s32 $0x200, s20  }
0x28d: {  	_ =	sdelay $0x1  }
0x28e: {  	v2 =	vld [tilespmem:s23+$0x1AAD0]  }
0x28f: {  	[tilespmem:s8+$0x1D330] =	vst v1  }
0x290: {  	v0 =	vld.idx.msk [tilespmem:v0+s1+$0x0], $0xffff;
	_ =	sdelay $0x3  }
0x291: {  	v1 =	vld [tilespmem:s23+$0x1AAE0]  }
0x292: {  	[tilespmem:s8+$0x1D340] =	vst v0  }
0x293: {  	v0 =	vld.idx.msk [tilespmem:v2+s1+$0x0], $0xffff;
	_ =	sdelay $0x4  }
0x294: {  	[tilespmem:s23+$0x1D2D0] =	vst v0;
	v0 =	vld [tilespmem:s23+$0x1AAF0]  }
0x295: {  	v1 =	vld.idx.msk [tilespmem:v1+s1+$0x0], $0xffff;
	_ =	sdelay $0x4  }
0x296: {  	[tilespmem:s23+$0x1D2E0] =	vst v1;
	v1 =	vld [tilespmem:s23+$0x1AB00];
	_ =	sdelay $0x1  }
0x297: {  	v0 =	vld.idx.msk [tilespmem:v0+s1+$0x0], $0xffff;
	_ =	sdelay $0x4  }
0x298: {  	[tilespmem:s23+$0x1D2F0] =	vst v0;
	v0 =	vld [tilespmem:s23+$0x1AB10]  }
0x299: {  	v1 =	vld.idx.msk [tilespmem:v1+s1+$0x0], $0xffff;
	_ =	sdelay $0x4  }
0x29a: {  	[tilespmem:s23+$0x1D300] =	vst v1;
	v1 =	vld [tilespmem:s23+$0x1AB20];
	_ =	sdelay $0x1  }
0x29b: {  	v0 =	vld.idx.msk [tilespmem:v0+s1+$0x0], $0xffff;
	_ =	sdelay $0x4  }
0x29c: {  	[tilespmem:s23+$0x1D310] =	vst v0;
	v0 =	vld [tilespmem:s23+$0x1AB30]  }
0x29d: {  	v1 =	vld.idx.msk [tilespmem:v1+s1+$0x0], $0xffff;
	_ =	sdelay $0x4  }
0x29e: {  	[tilespmem:s23+$0x1D320] =	vst v1;
	v1 =	vld [tilespmem:s23+$0x1AB40];
	_ =	sdelay $0x1  }
0x29f: {  	v0 =	vld.idx.msk [tilespmem:v0+s1+$0x0], $0xffff;
	_ =	sdelay $0x4  }
0x2a0: {  	[tilespmem:s23+$0x1D330] =	vst v0  }
0x2a1: {  	v0 =	vld.idx.msk [tilespmem:v1+s1+$0x0], $0xffff;
	_ =	sdelay $0x4  }
0x2a2: {  	[tilespmem:s23+$0x1D340] =	vst v0;
	s23 =	sld [smem:$0x7DC];
	_ =	sdelay $0x2  }
0x2a3: {  	[hbm4b:s23+s4] =	stream.strided.scatter [tilespmem:s26], [sflag:$0xC], $0x800, s0, s4, $0x38;
	[tilespmem:$0x1FAD0] =	vst v63  }
0x2a4: {  	s20 =	rddreg [dreg:$0x11]  }
0x2a5: {  	[tilespmem:s30], [sflag:$0xB] =	stream.linear.gather [spmem:s20], $0x800, $0x38;
	[tilespmem:$0x1FAD0] =	vst v63  }
0x2a6: {  	_ =	swait.ge [sflag:s11], $0x800  }
0x2a7: {  	[sflag:s11] =	ssyncset.done $0x0  }
0x2a8: {  	[sflag:s11] =	ssyncadd.s32 $0xFFFFF800  }
0x2a9: {  	_ =	swait.ge [sflag:s25], $0x800  }
0x2aa: {  	[sflag:s25] =	ssyncset.done $0x0  }
0x2ab: {  	s23 =	simm.s32 $0x1EAD0;
	[sflag:s25] =	ssyncadd.s32 $0xFFFFF800  }
0x2ac: {  	[tilespmem:s23], [sflag:$0x12] =	stream.indirect.gather [spmem:s14], $0x1, s5, s18, $0xb8;
	[tilespmem:$0x1FAD0] =	vst v63  }
0x2ad: {  	_ =	swait.ge [sflag:s28], $0x800  }
0x2ae: {  	s20 =	sld [smem:$0x7DD]  }
0x2af: {  	[sflag:s28] =	ssyncset.done $0x0  }
0x2b0: {  	[sflag:s28] =	ssyncadd.s32 $0xFFFFF800  }
0x2b1: {  	[hbm4b:s20+s4] =	stream.strided.scatter [tilespmem:s19], [sflag:$0xE], $0x800, s0, s4, $0x38;
	[tilespmem:$0x1FAD0] =	vst v63  }
0x2b2: {  	s23 =	rddreg [dreg:$0x13]  }
0x2b3: {  	[tilespmem:s9], [sflag:$0x7] =	stream.linear.gather [spmem:s23], $0x800, $0x38;
	[tilespmem:$0x1FAD0] =	vst v63  }
0x2b4: {  	_ =	swait.ge [sflag:s17], $0x800  }
0x2b5: {  	[sflag:s17] =	ssyncset.done $0x0  }
0x2b6: {  	[sflag:s17] =	ssyncadd.s32 $0xFFFFF800  }
0x2b7: {  	_ =	swait.ge [sflag:s29], $0x800  }
0x2b8: {  	[sflag:s29] =	ssyncset.done $0x0  }
0x2b9: {  	s8 =	simm.s32 $0x0;
	[sflag:s29] =	ssyncadd.s32 $0xFFFFF800  }
0x2ba: {  	v0 =	vld [tilespmem:s8+$0x1B2D0];
	_ =	sdelay $0x5  }
0x2bb: {  	v1 =	vld [tilespmem:s8+$0x1B2E0];
	_ =	sdelay $0x1  }
0x2bc: {  	v0 =	vld.idx.msk [tilespmem:v0+s1+$0x0], $0xffff;
	_ =	sdelay $0x4  }
0x2bd: {  	[tilespmem:s8+$0x1DAD0] =	vst v0;
	v0 =	vld [tilespmem:s8+$0x1B2F0]  }
0x2be: {  	v1 =	vld.idx.msk [tilespmem:v1+s1+$0x0], $0xffff;
	_ =	sdelay $0x4  }
0x2bf: {  	[tilespmem:s8+$0x1DAE0] =	vst v1;
	v1 =	vld [tilespmem:s8+$0x1B300];
	_ =	sdelay $0x1  }
0x2c0: {  	v0 =	vld.idx.msk [tilespmem:v0+s1+$0x0], $0xffff;
	_ =	sdelay $0x4  }
0x2c1: {  	[tilespmem:s8+$0x1DAF0] =	vst v0;
	v0 =	vld [tilespmem:s8+$0x1B310]  }
0x2c2: {  	v1 =	vld.idx.msk [tilespmem:v1+s1+$0x0], $0xffff;
	_ =	sdelay $0x4  }
0x2c3: {  	[tilespmem:s8+$0x1DB00] =	vst v1;
	v1 =	vld [tilespmem:s8+$0x1B320];
	_ =	sdelay $0x1  }
0x2c4: {  	v0 =	vld.idx.msk [tilespmem:v0+s1+$0x0], $0xffff;
	_ =	sdelay $0x4  }
0x2c5: {  	v2 =	vld [tilespmem:s8+$0x1B330];
	[tilespmem:s8+$0x1DB10] =	vst v0  }
0x2c6: {  	v0 =	vld.idx.msk [tilespmem:v1+s1+$0x0], $0xffff;
	_ =	sdelay $0x4  }
0x2c7: {  	[tilespmem:s8+$0x1DB20] =	vst v0;
	v0 =	vld [tilespmem:s8+$0x1B340];
	_ =	sdelay $0x1  }
0x2c8: {  	v1 =	vld.idx.msk [tilespmem:v2+s1+$0x0], $0xffff;
	_ =	sdelay $0x3  }
0x2c9: {  	s20 =	simm.s32 $0x400;
	s23 =	simm.s32 $0x80  }
.LBB2_16:
0x2ca: {  	p1 =	sne.s32 s20, $0x1E00;
	v2 =	vld [tilespmem:s23+$0x1B2D0];
	[tilespmem:s8+$0x1DB30] =	vst v1  }
0x2cb: {  	v0 =	vld.idx.msk [tilespmem:v0+s1+$0x0], $0xffff;
	_ =	sdelay $0x5  }
0x2cc: {  	v1 =	vld [tilespmem:s23+$0x1B2E0];
	[tilespmem:s8+$0x1DB40] =	vst v0;
	s8 =	smov.u32 s23  }
0x2cd: {  	v0 =	vld.idx.msk [tilespmem:v2+s1+$0x0], $0xffff;
	_ =	sdelay $0x5  }
0x2ce: {  	[tilespmem:s8+$0x1DAD0] =	vst v0;
	v0 =	vld [tilespmem:s8+$0x1B2F0]  }
0x2cf: {  	v1 =	vld.idx.msk [tilespmem:v1+s1+$0x0], $0xffff;
	_ =	sdelay $0x5  }
0x2d0: {  	[tilespmem:s8+$0x1DAE0] =	vst v1;
	v1 =	vld [tilespmem:s8+$0x1B300]  }
0x2d1: {  	v0 =	vld.idx.msk [tilespmem:v0+s1+$0x0], $0xffff;
	_ =	sdelay $0x5  }
0x2d2: {  	[tilespmem:s8+$0x1DAF0] =	vst v0;
	v0 =	vld [tilespmem:s8+$0x1B310]  }
0x2d3: {  	v1 =	vld.idx.msk [tilespmem:v1+s1+$0x0], $0xffff;
	_ =	sdelay $0x5  }
0x2d4: {  	[tilespmem:s8+$0x1DB00] =	vst v1;
	v1 =	vld [tilespmem:s8+$0x1B320]  }
0x2d5: {  	v0 =	vld.idx.msk [tilespmem:v0+s1+$0x0], $0xffff;
	_ =	sdelay $0x5  }
0x2d6: {  	[tilespmem:s8+$0x1DB10] =	vst v0;
	v2 =	vld [tilespmem:s8+$0x1B330]  }
0x2d7: {  	v0 =	vld.idx.msk [tilespmem:v1+s1+$0x0], $0xffff;
	_ =	sdelay $0x5  }
0x2d8: {  	[tilespmem:s8+$0x1DB20] =	vst v0;
	v0 =	vld [tilespmem:s8+$0x1B340]  }
0x2d9: {  	v1 =	vld.idx.msk [tilespmem:v2+s1+$0x0], $0xffff  }
.Ltmp7:
0x2da: {  	(pc) =	sbr.rel @p1 .LBB2_16-.Ltmp7, $2  }
0x2db: {  	_ =	sdelay $0x2  }
0x2dc: {  	s23 =	sshra.s32 s20, $0x2;
	s20 =	sadd.s32 $0x200, s20  }
0x2dd: {  	_ =	sdelay $0x1  }
0x2de: {  	v2 =	vld [tilespmem:s23+$0x1B2D0]  }
0x2df: {  	[tilespmem:s8+$0x1DB30] =	vst v1  }
0x2e0: {  	v0 =	vld.idx.msk [tilespmem:v0+s1+$0x0], $0xffff;
	_ =	sdelay $0x3  }
0x2e1: {  	v1 =	vld [tilespmem:s23+$0x1B2E0]  }
0x2e2: {  	[tilespmem:s8+$0x1DB40] =	vst v0  }
0x2e3: {  	v0 =	vld.idx.msk [tilespmem:v2+s1+$0x0], $0xffff;
	_ =	sdelay $0x4  }
0x2e4: {  	[tilespmem:s23+$0x1DAD0] =	vst v0;
	v0 =	vld [tilespmem:s23+$0x1B2F0]  }
0x2e5: {  	v1 =	vld.idx.msk [tilespmem:v1+s1+$0x0], $0xffff;
	_ =	sdelay $0x4  }
0x2e6: {  	[tilespmem:s23+$0x1DAE0] =	vst v1;
	v1 =	vld [tilespmem:s23+$0x1B300];
	_ =	sdelay $0x1  }
0x2e7: {  	v0 =	vld.idx.msk [tilespmem:v0+s1+$0x0], $0xffff;
	_ =	sdelay $0x4  }
0x2e8: {  	[tilespmem:s23+$0x1DAF0] =	vst v0;
	v0 =	vld [tilespmem:s23+$0x1B310]  }
0x2e9: {  	v1 =	vld.idx.msk [tilespmem:v1+s1+$0x0], $0xffff;
	_ =	sdelay $0x4  }
0x2ea: {  	[tilespmem:s23+$0x1DB00] =	vst v1;
	v1 =	vld [tilespmem:s23+$0x1B320];
	_ =	sdelay $0x1  }
0x2eb: {  	v0 =	vld.idx.msk [tilespmem:v0+s1+$0x0], $0xffff;
	_ =	sdelay $0x4  }
0x2ec: {  	[tilespmem:s23+$0x1DB10] =	vst v0;
	v0 =	vld [tilespmem:s23+$0x1B330]  }
0x2ed: {  	v1 =	vld.idx.msk [tilespmem:v1+s1+$0x0], $0xffff;
	_ =	sdelay $0x4  }
0x2ee: {  	[tilespmem:s23+$0x1DB20] =	vst v1;
	v1 =	vld [tilespmem:s23+$0x1B340];
	_ =	sdelay $0x1  }
0x2ef: {  	v0 =	vld.idx.msk [tilespmem:v0+s1+$0x0], $0xffff;
	_ =	sdelay $0x4  }
0x2f0: {  	[tilespmem:s23+$0x1DB30] =	vst v0  }
0x2f1: {  	v0 =	vld.idx.msk [tilespmem:v1+s1+$0x0], $0xffff;
	_ =	sdelay $0x4  }
0x2f2: {  	[tilespmem:s23+$0x1DB40] =	vst v0;
	s23 =	sld [smem:$0x7DE];
	_ =	sdelay $0x1  }
0x2f3: {  	s20 =	simm.s32 $0x1DAD0  }
0x2f4: {  	[hbm4b:s23+s4] =	stream.strided.scatter [tilespmem:s20], [sflag:$0xD], $0x800, s0, s4, $0x38;
	[tilespmem:$0x1FAD0] =	vst v63  }
0x2f5: {  	s23 =	sld [smem:$0x7DF];
	_ =	sdelay $0x1  }
0x2f6: {  	s20 =	simm.s32 $0x6  }
0x2f7: {  	[tilespmem:s7], [sflag:$0x9] =	stream.linear.gather [spmem:s23], $0x800, $0x38;
	[tilespmem:$0x1FAD0] =	vst v63  }
0x2f8: {  	_ =	swait.ge [sflag:s20], $0x3E8  }
0x2f9: {  	[sflag:s20] =	ssyncset.done $0x0  }
0x2fa: {  	[sflag:s20] =	ssyncadd.s32 $0xFFFFFC18  }
0x2fb: {  	_ =	swait.ge [sflag:s12], $0x800  }
0x2fc: {  	[sflag:s12] =	ssyncset.done $0x0  }
0x2fd: {  	[sflag:s12] =	ssyncadd.s32 $0xFFFFF800  }
0x2fe: {  	_ =	swait.ge [sflag:s31], $0x800  }
0x2ff: {  	[sflag:s31] =	ssyncset.done $0x0  }
0x300: {  	s23 =	simm.s32 $0x1F2D0;
	[sflag:s31] =	ssyncadd.s32 $0xFFFFF800  }
0x301: {  	[tilespmem:s23], [sflag:$0x13] =	stream.indirect.gather [spmem:s15], $0x1, s30, s18, $0xb8;
	[tilespmem:$0x1FAD0] =	vst v63  }
0x302: {  	_ =	swait.ge [sflag:s2], $0x800  }
0x303: {  	s20 =	sld [smem:$0x7E0]  }
0x304: {  	[sflag:s2] =	ssyncset.done $0x0  }
0x305: {  	s23 =	simm.s32 $0x1EAD0;
	[sflag:s2] =	ssyncadd.s32 $0xFFFFF800  }
0x306: {  	[hbm4b:s20+s4] =	stream.strided.scatter [tilespmem:s23], [sflag:$0xF], $0x800, s0, s4, $0x38;
	[tilespmem:$0x1FAD0] =	vst v63  }
0x307: {  	s20 =	sld [smem:$0x7E1];
	_ =	sdelay $0x1  }
0x308: {  	s23 =	simm.s32 $0x4  }
0x309: {  	[tilespmem:s24], [sflag:$0x8] =	stream.linear.gather [spmem:s20], $0x800, $0x38;
	[tilespmem:$0x1FAD0] =	vst v63  }
0x30a: {  	_ =	swait.ge [sflag:s23], $0x18700  }
0x30b: {  	[sflag:s23] =	ssyncset.done $0x0  }
0x30c: {  	[sflag:s23] =	ssyncadd.s32 $0xFFFE7900  }
0x30d: {  	_ =	swait.ge [sflag:s3], $0x800  }
0x30e: {  	[sflag:s3] =	ssyncset.done $0x0  }
0x30f: {  	[sflag:s3] =	ssyncadd.s32 $0xFFFFF800  }
0x310: {  	_ =	swait.ge [sflag:s22], $0x800  }
0x311: {  	[sflag:s22] =	ssyncset.done $0x0  }
0x312: {  	s8 =	simm.s32 $0x0;
	[sflag:s22] =	ssyncadd.s32 $0xFFFFF800  }
0x313: {  	v0 =	vld [tilespmem:s8+$0x1AAD0];
	_ =	sdelay $0x5  }
0x314: {  	v1 =	vld [tilespmem:s8+$0x1AAE0];
	_ =	sdelay $0x1  }
0x315: {  	v0 =	vld.idx.msk [tilespmem:v0+s6+$0x0], $0xffff;
	_ =	sdelay $0x4  }
0x316: {  	[tilespmem:s8+$0x1D2D0] =	vst v0;
	v0 =	vld [tilespmem:s8+$0x1AAF0]  }
0x317: {  	v1 =	vld.idx.msk [tilespmem:v1+s6+$0x0], $0xffff;
	_ =	sdelay $0x4  }
0x318: {  	[tilespmem:s8+$0x1D2E0] =	vst v1;
	v1 =	vld [tilespmem:s8+$0x1AB00];
	_ =	sdelay $0x1  }
0x319: {  	v0 =	vld.idx.msk [tilespmem:v0+s6+$0x0], $0xffff;
	_ =	sdelay $0x4  }
0x31a: {  	[tilespmem:s8+$0x1D2F0] =	vst v0;
	v0 =	vld [tilespmem:s8+$0x1AB10]  }
0x31b: {  	v1 =	vld.idx.msk [tilespmem:v1+s6+$0x0], $0xffff;
	_ =	sdelay $0x4  }
0x31c: {  	[tilespmem:s8+$0x1D300] =	vst v1;
	v1 =	vld [tilespmem:s8+$0x1AB20];
	_ =	sdelay $0x1  }
0x31d: {  	v0 =	vld.idx.msk [tilespmem:v0+s6+$0x0], $0xffff;
	_ =	sdelay $0x4  }
0x31e: {  	v2 =	vld [tilespmem:s8+$0x1AB30];
	[tilespmem:s8+$0x1D310] =	vst v0  }
0x31f: {  	v0 =	vld.idx.msk [tilespmem:v1+s6+$0x0], $0xffff;
	_ =	sdelay $0x4  }
0x320: {  	[tilespmem:s8+$0x1D320] =	vst v0;
	v0 =	vld [tilespmem:s8+$0x1AB40];
	_ =	sdelay $0x1  }
0x321: {  	v1 =	vld.idx.msk [tilespmem:v2+s6+$0x0], $0xffff;
	_ =	sdelay $0x3  }
0x322: {  	s20 =	simm.s32 $0x400;
	s23 =	simm.s32 $0x80  }
.LBB2_18:
0x323: {  	p1 =	sne.s32 s20, $0x1E00;
	v2 =	vld [tilespmem:s23+$0x1AAD0];
	[tilespmem:s8+$0x1D330] =	vst v1  }
0x324: {  	v0 =	vld.idx.msk [tilespmem:v0+s6+$0x0], $0xffff;
	_ =	sdelay $0x5  }
0x325: {  	v1 =	vld [tilespmem:s23+$0x1AAE0];
	[tilespmem:s8+$0x1D340] =	vst v0;
	s8 =	smov.u32 s23  }
0x326: {  	v0 =	vld.idx.msk [tilespmem:v2+s6+$0x0], $0xffff;
	_ =	sdelay $0x5  }
0x327: {  	[tilespmem:s8+$0x1D2D0] =	vst v0;
	v0 =	vld [tilespmem:s8+$0x1AAF0]  }
0x328: {  	v1 =	vld.idx.msk [tilespmem:v1+s6+$0x0], $0xffff;
	_ =	sdelay $0x5  }
0x329: {  	[tilespmem:s8+$0x1D2E0] =	vst v1;
	v1 =	vld [tilespmem:s8+$0x1AB00]  }
0x32a: {  	v0 =	vld.idx.msk [tilespmem:v0+s6+$0x0], $0xffff;
	_ =	sdelay $0x5  }
0x32b: {  	[tilespmem:s8+$0x1D2F0] =	vst v0;
	v0 =	vld [tilespmem:s8+$0x1AB10]  }
0x32c: {  	v1 =	vld.idx.msk [tilespmem:v1+s6+$0x0], $0xffff;
	_ =	sdelay $0x5  }
0x32d: {  	[tilespmem:s8+$0x1D300] =	vst v1;
	v1 =	vld [tilespmem:s8+$0x1AB20]  }
0x32e: {  	v0 =	vld.idx.msk [tilespmem:v0+s6+$0x0], $0xffff;
	_ =	sdelay $0x5  }
0x32f: {  	[tilespmem:s8+$0x1D310] =	vst v0;
	v2 =	vld [tilespmem:s8+$0x1AB30]  }
0x330: {  	v0 =	vld.idx.msk [tilespmem:v1+s6+$0x0], $0xffff;
	_ =	sdelay $0x5  }
0x331: {  	[tilespmem:s8+$0x1D320] =	vst v0;
	v0 =	vld [tilespmem:s8+$0x1AB40]  }
0x332: {  	v1 =	vld.idx.msk [tilespmem:v2+s6+$0x0], $0xffff  }
.Ltmp8:
0x333: {  	(pc) =	sbr.rel @p1 .LBB2_18-.Ltmp8, $2  }
0x334: {  	_ =	sdelay $0x2  }
0x335: {  	s23 =	sshra.s32 s20, $0x2;
	s20 =	sadd.s32 $0x200, s20  }
0x336: {  	_ =	sdelay $0x1  }
0x337: {  	v2 =	vld [tilespmem:s23+$0x1AAD0]  }
0x338: {  	[tilespmem:s8+$0x1D330] =	vst v1  }
0x339: {  	v0 =	vld.idx.msk [tilespmem:v0+s6+$0x0], $0xffff;
	_ =	sdelay $0x3  }
0x33a: {  	v1 =	vld [tilespmem:s23+$0x1AAE0]  }
0x33b: {  	[tilespmem:s8+$0x1D340] =	vst v0  }
0x33c: {  	v0 =	vld.idx.msk [tilespmem:v2+s6+$0x0], $0xffff;
	_ =	sdelay $0x4  }
0x33d: {  	[tilespmem:s23+$0x1D2D0] =	vst v0;
	v0 =	vld [tilespmem:s23+$0x1AAF0]  }
0x33e: {  	v1 =	vld.idx.msk [tilespmem:v1+s6+$0x0], $0xffff;
	_ =	sdelay $0x4  }
0x33f: {  	[tilespmem:s23+$0x1D2E0] =	vst v1;
	v1 =	vld [tilespmem:s23+$0x1AB00];
	_ =	sdelay $0x1  }
0x340: {  	v0 =	vld.idx.msk [tilespmem:v0+s6+$0x0], $0xffff;
	_ =	sdelay $0x4  }
0x341: {  	[tilespmem:s23+$0x1D2F0] =	vst v0;
	v0 =	vld [tilespmem:s23+$0x1AB10]  }
0x342: {  	v1 =	vld.idx.msk [tilespmem:v1+s6+$0x0], $0xffff;
	_ =	sdelay $0x4  }
0x343: {  	[tilespmem:s23+$0x1D300] =	vst v1;
	v1 =	vld [tilespmem:s23+$0x1AB20];
	_ =	sdelay $0x1  }
0x344: {  	v0 =	vld.idx.msk [tilespmem:v0+s6+$0x0], $0xffff;
	_ =	sdelay $0x4  }
0x345: {  	[tilespmem:s23+$0x1D310] =	vst v0;
	v0 =	vld [tilespmem:s23+$0x1AB30]  }
0x346: {  	v1 =	vld.idx.msk [tilespmem:v1+s6+$0x0], $0xffff;
	_ =	sdelay $0x4  }
0x347: {  	[tilespmem:s23+$0x1D320] =	vst v1;
	v1 =	vld [tilespmem:s23+$0x1AB40];
	_ =	sdelay $0x1  }
0x348: {  	v0 =	vld.idx.msk [tilespmem:v0+s6+$0x0], $0xffff;
	_ =	sdelay $0x4  }
0x349: {  	[tilespmem:s23+$0x1D330] =	vst v0  }
0x34a: {  	v0 =	vld.idx.msk [tilespmem:v1+s6+$0x0], $0xffff;
	_ =	sdelay $0x4  }
0x34b: {  	[tilespmem:s23+$0x1D340] =	vst v0;
	s23 =	sld [smem:$0x7E2];
	_ =	sdelay $0x1  }
0x34c: {  	s20 =	sld [smem:$0x7E3]  }
0x34d: {  	[hbm4b:s23+s4] =	stream.strided.scatter [tilespmem:s26], [sflag:$0xC], $0x800, s0, s4, $0x38;
	[tilespmem:$0x1FAD0] =	vst v63  }
0x34e: {  	_ = 	snop  }
0x34f: {  	[tilespmem:s5], [sflag:$0xA] =	stream.linear.gather [spmem:s20], $0x800, $0x38;
	[tilespmem:$0x1FAD0] =	vst v63  }
0x350: {  	_ =	swait.ge [sflag:s10], $0x800  }
0x351: {  	[sflag:s10] =	ssyncset.done $0x0  }
0x352: {  	[sflag:s10] =	ssyncadd.s32 $0xFFFFF800  }
0x353: {  	_ =	swait.ge [sflag:s16], $0x800  }
0x354: {  	[sflag:s16] =	ssyncset.done $0x0  }
0x355: {  	[sflag:s16] =	ssyncadd.s32 $0xFFFFF800  }
0x356: {  	[tilespmem:s19], [sflag:$0x11] =	stream.indirect.gather [spmem:s15], $0x1, s7, s18, $0xb8;
	[tilespmem:$0x1FAD0] =	vst v63  }
0x357: {  	_ =	swait.ge [sflag:s21], $0x800  }
0x358: {  	s23 =	sld [smem:$0x7E4]  }
0x359: {  	[sflag:s21] =	ssyncset.done $0x0  }
0x35a: {  	s20 =	simm.s32 $0x1F2D0;
	[sflag:s21] =	ssyncadd.s32 $0xFFFFF800  }
0x35b: {  	[hbm4b:s23+s4] =	stream.strided.scatter [tilespmem:s20], [sflag:$0x10], $0x800, s0, s4, $0x38;
	[tilespmem:$0x1FAD0] =	vst v63  }
0x35c: {  	s23 =	sld [smem:$0x7E5];
	_ =	sdelay $0x2  }
0x35d: {  	[tilespmem:s9], [sflag:$0x7] =	stream.linear.gather [spmem:s23], $0x800, $0x38;
	[tilespmem:$0x1FAD0] =	vst v63  }
0x35e: {  	_ =	swait.ge [sflag:s17], $0x800  }
0x35f: {  	[sflag:s17] =	ssyncset.done $0x0  }
0x360: {  	[sflag:s17] =	ssyncadd.s32 $0xFFFFF800  }
0x361: {  	_ =	swait.ge [sflag:s29], $0x800  }
0x362: {  	[sflag:s29] =	ssyncset.done $0x0  }
0x363: {  	s8 =	simm.s32 $0x0;
	[sflag:s29] =	ssyncadd.s32 $0xFFFFF800  }
0x364: {  	v0 =	vld [tilespmem:s8+$0x1B2D0];
	_ =	sdelay $0x5  }
0x365: {  	v1 =	vld [tilespmem:s8+$0x1B2E0];
	_ =	sdelay $0x1  }
0x366: {  	v0 =	vld.idx.msk [tilespmem:v0+s6+$0x0], $0xffff;
	_ =	sdelay $0x4  }
0x367: {  	[tilespmem:s8+$0x1DAD0] =	vst v0;
	v0 =	vld [tilespmem:s8+$0x1B2F0]  }
0x368: {  	v1 =	vld.idx.msk [tilespmem:v1+s6+$0x0], $0xffff;
	_ =	sdelay $0x4  }
0x369: {  	[tilespmem:s8+$0x1DAE0] =	vst v1;
	v1 =	vld [tilespmem:s8+$0x1B300];
	_ =	sdelay $0x1  }
0x36a: {  	v0 =	vld.idx.msk [tilespmem:v0+s6+$0x0], $0xffff;
	_ =	sdelay $0x4  }
0x36b: {  	[tilespmem:s8+$0x1DAF0] =	vst v0;
	v0 =	vld [tilespmem:s8+$0x1B310]  }
0x36c: {  	v1 =	vld.idx.msk [tilespmem:v1+s6+$0x0], $0xffff;
	_ =	sdelay $0x4  }
0x36d: {  	[tilespmem:s8+$0x1DB00] =	vst v1;
	v1 =	vld [tilespmem:s8+$0x1B320];
	_ =	sdelay $0x1  }
0x36e: {  	v0 =	vld.idx.msk [tilespmem:v0+s6+$0x0], $0xffff;
	_ =	sdelay $0x4  }
0x36f: {  	v2 =	vld [tilespmem:s8+$0x1B330];
	[tilespmem:s8+$0x1DB10] =	vst v0  }
0x370: {  	v0 =	vld.idx.msk [tilespmem:v1+s6+$0x0], $0xffff;
	_ =	sdelay $0x4  }
0x371: {  	[tilespmem:s8+$0x1DB20] =	vst v0;
	v0 =	vld [tilespmem:s8+$0x1B340];
	_ =	sdelay $0x1  }
0x372: {  	v1 =	vld.idx.msk [tilespmem:v2+s6+$0x0], $0xffff;
	_ =	sdelay $0x3  }
0x373: {  	s20 =	simm.s32 $0x400;
	s23 =	simm.s32 $0x80  }
.LBB2_20:
0x374: {  	p1 =	sne.s32 s20, $0x1E00;
	v2 =	vld [tilespmem:s23+$0x1B2D0];
	[tilespmem:s8+$0x1DB30] =	vst v1  }
0x375: {  	v0 =	vld.idx.msk [tilespmem:v0+s6+$0x0], $0xffff;
	_ =	sdelay $0x5  }
0x376: {  	v1 =	vld [tilespmem:s23+$0x1B2E0];
	[tilespmem:s8+$0x1DB40] =	vst v0;
	s8 =	smov.u32 s23  }
0x377: {  	v0 =	vld.idx.msk [tilespmem:v2+s6+$0x0], $0xffff;
	_ =	sdelay $0x5  }
0x378: {  	[tilespmem:s8+$0x1DAD0] =	vst v0;
	v0 =	vld [tilespmem:s8+$0x1B2F0]  }
0x379: {  	v1 =	vld.idx.msk [tilespmem:v1+s6+$0x0], $0xffff;
	_ =	sdelay $0x5  }
0x37a: {  	[tilespmem:s8+$0x1DAE0] =	vst v1;
	v1 =	vld [tilespmem:s8+$0x1B300]  }
0x37b: {  	v0 =	vld.idx.msk [tilespmem:v0+s6+$0x0], $0xffff;
	_ =	sdelay $0x5  }
0x37c: {  	[tilespmem:s8+$0x1DAF0] =	vst v0;
	v0 =	vld [tilespmem:s8+$0x1B310]  }
0x37d: {  	v1 =	vld.idx.msk [tilespmem:v1+s6+$0x0], $0xffff;
	_ =	sdelay $0x5  }
0x37e: {  	[tilespmem:s8+$0x1DB00] =	vst v1;
	v1 =	vld [tilespmem:s8+$0x1B320]  }
0x37f: {  	v0 =	vld.idx.msk [tilespmem:v0+s6+$0x0], $0xffff;
	_ =	sdelay $0x5  }
0x380: {  	[tilespmem:s8+$0x1DB10] =	vst v0;
	v2 =	vld [tilespmem:s8+$0x1B330]  }
0x381: {  	v0 =	vld.idx.msk [tilespmem:v1+s6+$0x0], $0xffff;
	_ =	sdelay $0x5  }
0x382: {  	[tilespmem:s8+$0x1DB20] =	vst v0;
	v0 =	vld [tilespmem:s8+$0x1B340]  }
0x383: {  	v1 =	vld.idx.msk [tilespmem:v2+s6+$0x0], $0xffff  }
.Ltmp9:
0x384: {  	(pc) =	sbr.rel @p1 .LBB2_20-.Ltmp9, $2  }
0x385: {  	_ =	sdelay $0x2  }
0x386: {  	s23 =	sshra.s32 s20, $0x2;
	s20 =	sadd.s32 $0x200, s20  }
0x387: {  	_ =	sdelay $0x1  }
0x388: {  	v2 =	vld [tilespmem:s23+$0x1B2D0]  }
0x389: {  	[tilespmem:s8+$0x1DB30] =	vst v1  }
0x38a: {  	v0 =	vld.idx.msk [tilespmem:v0+s6+$0x0], $0xffff;
	_ =	sdelay $0x3  }
0x38b: {  	v1 =	vld [tilespmem:s23+$0x1B2E0]  }
0x38c: {  	[tilespmem:s8+$0x1DB40] =	vst v0  }
0x38d: {  	v0 =	vld.idx.msk [tilespmem:v2+s6+$0x0], $0xffff;
	_ =	sdelay $0x4  }
0x38e: {  	[tilespmem:s23+$0x1DAD0] =	vst v0;
	v0 =	vld [tilespmem:s23+$0x1B2F0]  }
0x38f: {  	v1 =	vld.idx.msk [tilespmem:v1+s6+$0x0], $0xffff;
	_ =	sdelay $0x4  }
0x390: {  	[tilespmem:s23+$0x1DAE0] =	vst v1;
	v1 =	vld [tilespmem:s23+$0x1B300];
	_ =	sdelay $0x1  }
0x391: {  	v0 =	vld.idx.msk [tilespmem:v0+s6+$0x0], $0xffff;
	_ =	sdelay $0x4  }
0x392: {  	[tilespmem:s23+$0x1DAF0] =	vst v0;
	v0 =	vld [tilespmem:s23+$0x1B310]  }
0x393: {  	v1 =	vld.idx.msk [tilespmem:v1+s6+$0x0], $0xffff;
	_ =	sdelay $0x4  }
0x394: {  	[tilespmem:s23+$0x1DB00] =	vst v1;
	v1 =	vld [tilespmem:s23+$0x1B320];
	_ =	sdelay $0x1  }
0x395: {  	v0 =	vld.idx.msk [tilespmem:v0+s6+$0x0], $0xffff;
	_ =	sdelay $0x4  }
0x396: {  	[tilespmem:s23+$0x1DB10] =	vst v0;
	v0 =	vld [tilespmem:s23+$0x1B330]  }
0x397: {  	v1 =	vld.idx.msk [tilespmem:v1+s6+$0x0], $0xffff;
	_ =	sdelay $0x4  }
0x398: {  	[tilespmem:s23+$0x1DB20] =	vst v1;
	v1 =	vld [tilespmem:s23+$0x1B340];
	_ =	sdelay $0x1  }
0x399: {  	v0 =	vld.idx.msk [tilespmem:v0+s6+$0x0], $0xffff;
	_ =	sdelay $0x4  }
0x39a: {  	[tilespmem:s23+$0x1DB30] =	vst v0  }
0x39b: {  	v0 =	vld.idx.msk [tilespmem:v1+s6+$0x0], $0xffff;
	_ =	sdelay $0x4  }
0x39c: {  	[tilespmem:s23+$0x1DB40] =	vst v0;
	s23 =	sld [smem:$0x7E6];
	_ =	sdelay $0x1  }
0x39d: {  	s20 =	simm.s32 $0x1DAD0  }
0x39e: {  	[hbm4b:s23+s4] =	stream.strided.scatter [tilespmem:s20], [sflag:$0xD], $0x800, s0, s4, $0x38;
	[tilespmem:$0x1FAD0] =	vst v63  }
0x39f: {  	s20 =	sld [smem:$0x7E7];
	_ =	sdelay $0x2  }
0x3a0: {  	[tilespmem:s30], [sflag:$0xB] =	stream.linear.gather [spmem:s20], $0x800, $0x38;
	[tilespmem:$0x1FAD0] =	vst v63  }
0x3a1: {  	_ =	swait.ge [sflag:s11], $0x800  }
0x3a2: {  	[sflag:s11] =	ssyncset.done $0x0  }
0x3a3: {  	[sflag:s11] =	ssyncadd.s32 $0xFFFFF800  }
0x3a4: {  	_ =	swait.ge [sflag:s25], $0x800  }
0x3a5: {  	[sflag:s25] =	ssyncset.done $0x0  }
0x3a6: {  	s23 =	simm.s32 $0x1EAD0;
	[sflag:s25] =	ssyncadd.s32 $0xFFFFF800  }
0x3a7: {  	[tilespmem:s23], [sflag:$0x12] =	stream.indirect.gather [spmem:s15], $0x1, s5, s18, $0xb8;
	[tilespmem:$0x1FAD0] =	vst v63  }
0x3a8: {  	_ =	swait.ge [sflag:s28], $0x800  }
0x3a9: {  	s20 =	sld [smem:$0x7E8]  }
0x3aa: {  	[sflag:s28] =	ssyncset.done $0x0  }
0x3ab: {  	s23 =	sld [smem:$0x7E9];
	[sflag:s28] =	ssyncadd.s32 $0xFFFFF800  }
0x3ac: {  	[hbm4b:s20+s4] =	stream.strided.scatter [tilespmem:s19], [sflag:$0xE], $0x800, s0, s4, $0x38;
	[tilespmem:$0x1FAD0] =	vst v63  }
0x3ad: {  	_ = 	snop  }
0x3ae: {  	[tilespmem:s24], [sflag:$0x8] =	stream.linear.gather [spmem:s23], $0x800, $0x38;
	[tilespmem:$0x1FAD0] =	vst v63  }
0x3af: {  	_ =	swait.ge [sflag:s3], $0x800  }
0x3b0: {  	[sflag:s3] =	ssyncset.done $0x0  }
0x3b1: {  	[sflag:s3] =	ssyncadd.s32 $0xFFFFF800  }
0x3b2: {  	_ =	swait.ge [sflag:s22], $0x800  }
0x3b3: {  	[sflag:s22] =	ssyncset.done $0x0  }
0x3b4: {  	s8 =	simm.s32 $0x0;
	[sflag:s22] =	ssyncadd.s32 $0xFFFFF800  }
0x3b5: {  	v0 =	vld [tilespmem:s8+$0x1AAD0];
	_ =	sdelay $0x5  }
0x3b6: {  	v1 =	vld [tilespmem:s8+$0x1AAE0];
	_ =	sdelay $0x1  }
0x3b7: {  	v0 =	vld.idx.msk [tilespmem:v0+s6+$0x0], $0xffff;
	_ =	sdelay $0x4  }
0x3b8: {  	[tilespmem:s8+$0x1D2D0] =	vst v0;
	v0 =	vld [tilespmem:s8+$0x1AAF0]  }
0x3b9: {  	v1 =	vld.idx.msk [tilespmem:v1+s6+$0x0], $0xffff;
	_ =	sdelay $0x4  }
0x3ba: {  	[tilespmem:s8+$0x1D2E0] =	vst v1;
	v1 =	vld [tilespmem:s8+$0x1AB00];
	_ =	sdelay $0x1  }
0x3bb: {  	v0 =	vld.idx.msk [tilespmem:v0+s6+$0x0], $0xffff;
	_ =	sdelay $0x4  }
0x3bc: {  	[tilespmem:s8+$0x1D2F0] =	vst v0;
	v0 =	vld [tilespmem:s8+$0x1AB10]  }
0x3bd: {  	v1 =	vld.idx.msk [tilespmem:v1+s6+$0x0], $0xffff;
	_ =	sdelay $0x4  }
0x3be: {  	[tilespmem:s8+$0x1D300] =	vst v1;
	v1 =	vld [tilespmem:s8+$0x1AB20];
	_ =	sdelay $0x1  }
0x3bf: {  	v0 =	vld.idx.msk [tilespmem:v0+s6+$0x0], $0xffff;
	_ =	sdelay $0x4  }
0x3c0: {  	v2 =	vld [tilespmem:s8+$0x1AB30];
	[tilespmem:s8+$0x1D310] =	vst v0  }
0x3c1: {  	v0 =	vld.idx.msk [tilespmem:v1+s6+$0x0], $0xffff;
	_ =	sdelay $0x4  }
0x3c2: {  	[tilespmem:s8+$0x1D320] =	vst v0;
	v0 =	vld [tilespmem:s8+$0x1AB40];
	_ =	sdelay $0x1  }
0x3c3: {  	v1 =	vld.idx.msk [tilespmem:v2+s6+$0x0], $0xffff;
	_ =	sdelay $0x3  }
0x3c4: {  	s20 =	simm.s32 $0x400;
	s23 =	simm.s32 $0x80  }
.LBB2_22:
0x3c5: {  	p1 =	sne.s32 s20, $0x1E00;
	v2 =	vld [tilespmem:s23+$0x1AAD0];
	[tilespmem:s8+$0x1D330] =	vst v1  }
0x3c6: {  	v0 =	vld.idx.msk [tilespmem:v0+s6+$0x0], $0xffff;
	_ =	sdelay $0x5  }
0x3c7: {  	v1 =	vld [tilespmem:s23+$0x1AAE0];
	[tilespmem:s8+$0x1D340] =	vst v0;
	s8 =	smov.u32 s23  }
0x3c8: {  	v0 =	vld.idx.msk [tilespmem:v2+s6+$0x0], $0xffff;
	_ =	sdelay $0x5  }
0x3c9: {  	[tilespmem:s8+$0x1D2D0] =	vst v0;
	v0 =	vld [tilespmem:s8+$0x1AAF0]  }
0x3ca: {  	v1 =	vld.idx.msk [tilespmem:v1+s6+$0x0], $0xffff;
	_ =	sdelay $0x5  }
0x3cb: {  	[tilespmem:s8+$0x1D2E0] =	vst v1;
	v1 =	vld [tilespmem:s8+$0x1AB00]  }
0x3cc: {  	v0 =	vld.idx.msk [tilespmem:v0+s6+$0x0], $0xffff;
	_ =	sdelay $0x5  }
0x3cd: {  	[tilespmem:s8+$0x1D2F0] =	vst v0;
	v0 =	vld [tilespmem:s8+$0x1AB10]  }
0x3ce: {  	v1 =	vld.idx.msk [tilespmem:v1+s6+$0x0], $0xffff;
	_ =	sdelay $0x5  }
0x3cf: {  	[tilespmem:s8+$0x1D300] =	vst v1;
	v1 =	vld [tilespmem:s8+$0x1AB20]  }
0x3d0: {  	v0 =	vld.idx.msk [tilespmem:v0+s6+$0x0], $0xffff;
	_ =	sdelay $0x5  }
0x3d1: {  	[tilespmem:s8+$0x1D310] =	vst v0;
	v2 =	vld [tilespmem:s8+$0x1AB30]  }
0x3d2: {  	v0 =	vld.idx.msk [tilespmem:v1+s6+$0x0], $0xffff;
	_ =	sdelay $0x5  }
0x3d3: {  	[tilespmem:s8+$0x1D320] =	vst v0;
	v0 =	vld [tilespmem:s8+$0x1AB40]  }
0x3d4: {  	v1 =	vld.idx.msk [tilespmem:v2+s6+$0x0], $0xffff  }
.Ltmp10:
0x3d5: {  	(pc) =	sbr.rel @p1 .LBB2_22-.Ltmp10, $2  }
0x3d6: {  	_ =	sdelay $0x2  }
0x3d7: {  	s23 =	sshra.s32 s20, $0x2;
	s20 =	sadd.s32 $0x200, s20  }
0x3d8: {  	_ =	sdelay $0x1  }
0x3d9: {  	v2 =	vld [tilespmem:s23+$0x1AAD0]  }
0x3da: {  	[tilespmem:s8+$0x1D330] =	vst v1  }
0x3db: {  	v0 =	vld.idx.msk [tilespmem:v0+s6+$0x0], $0xffff;
	_ =	sdelay $0x3  }
0x3dc: {  	v1 =	vld [tilespmem:s23+$0x1AAE0]  }
0x3dd: {  	[tilespmem:s8+$0x1D340] =	vst v0  }
0x3de: {  	v0 =	vld.idx.msk [tilespmem:v2+s6+$0x0], $0xffff;
	_ =	sdelay $0x4  }
0x3df: {  	[tilespmem:s23+$0x1D2D0] =	vst v0;
	v0 =	vld [tilespmem:s23+$0x1AAF0]  }
0x3e0: {  	v1 =	vld.idx.msk [tilespmem:v1+s6+$0x0], $0xffff;
	_ =	sdelay $0x4  }
0x3e1: {  	[tilespmem:s23+$0x1D2E0] =	vst v1;
	v1 =	vld [tilespmem:s23+$0x1AB00];
	_ =	sdelay $0x1  }
0x3e2: {  	v0 =	vld.idx.msk [tilespmem:v0+s6+$0x0], $0xffff;
	_ =	sdelay $0x4  }
0x3e3: {  	[tilespmem:s23+$0x1D2F0] =	vst v0;
	v0 =	vld [tilespmem:s23+$0x1AB10]  }
0x3e4: {  	v1 =	vld.idx.msk [tilespmem:v1+s6+$0x0], $0xffff;
	_ =	sdelay $0x4  }
0x3e5: {  	[tilespmem:s23+$0x1D300] =	vst v1;
	v1 =	vld [tilespmem:s23+$0x1AB20];
	_ =	sdelay $0x1  }
0x3e6: {  	v0 =	vld.idx.msk [tilespmem:v0+s6+$0x0], $0xffff;
	_ =	sdelay $0x4  }
0x3e7: {  	[tilespmem:s23+$0x1D310] =	vst v0;
	v0 =	vld [tilespmem:s23+$0x1AB30]  }
0x3e8: {  	v1 =	vld.idx.msk [tilespmem:v1+s6+$0x0], $0xffff;
	_ =	sdelay $0x4  }
0x3e9: {  	[tilespmem:s23+$0x1D320] =	vst v1;
	v1 =	vld [tilespmem:s23+$0x1AB40];
	_ =	sdelay $0x1  }
0x3ea: {  	v0 =	vld.idx.msk [tilespmem:v0+s6+$0x0], $0xffff;
	_ =	sdelay $0x4  }
0x3eb: {  	[tilespmem:s23+$0x1D330] =	vst v0  }
0x3ec: {  	v0 =	vld.idx.msk [tilespmem:v1+s6+$0x0], $0xffff;
	_ =	sdelay $0x2  }
0x3ed: {  	s20 =	sld [smem:$0x7EA];
	_ =	sdelay $0x1  }
0x3ee: {  	[tilespmem:s23+$0x1D340] =	vst v0;
	s23 =	sld [smem:$0x7EB]  }
0x3ef: {  	[hbm4b:s20+s4] =	stream.strided.scatter [tilespmem:s26], [sflag:$0xC], $0x800, s0, s4, $0x38;
	[tilespmem:$0x1FAD0] =	vst v63  }
0x3f0: {  	_ = 	snop  }
0x3f1: {  	[tilespmem:s7], [sflag:$0x9] =	stream.linear.gather [spmem:s23], $0x800, $0x38;
	[tilespmem:$0x1FAD0] =	vst v63  }
0x3f2: {  	_ =	swait.ge [sflag:s12], $0x800  }
0x3f3: {  	[sflag:s12] =	ssyncset.done $0x0  }
0x3f4: {  	[sflag:s12] =	ssyncadd.s32 $0xFFFFF800  }
0x3f5: {  	_ =	swait.ge [sflag:s31], $0x800  }
0x3f6: {  	[sflag:s31] =	ssyncset.done $0x0  }
0x3f7: {  	s20 =	simm.s32 $0x1F2D0;
	[sflag:s31] =	ssyncadd.s32 $0xFFFFF800  }
0x3f8: {  	[tilespmem:s20], [sflag:$0x13] =	stream.indirect.gather [spmem:s15], $0x1, s30, s18, $0xb8;
	[tilespmem:$0x1FAD0] =	vst v63  }
0x3f9: {  	_ =	swait.ge [sflag:s2], $0x800  }
0x3fa: {  	s23 =	sld [smem:$0x7EC]  }
0x3fb: {  	[sflag:s2] =	ssyncset.done $0x0  }
0x3fc: {  	s20 =	simm.s32 $0x1EAD0;
	[sflag:s2] =	ssyncadd.s32 $0xFFFFF800  }
0x3fd: {  	[hbm4b:s23+s4] =	stream.strided.scatter [tilespmem:s20], [sflag:$0xF], $0x800, s0, s4, $0x38;
	[tilespmem:$0x1FAD0] =	vst v63  }
0x3fe: {  	s23 =	sld [smem:$0x7ED];
	_ =	sdelay $0x2  }
0x3ff: {  	[tilespmem:s9], [sflag:$0x7] =	stream.linear.gather [spmem:s23], $0x800, $0x38;
	[tilespmem:$0x1FAD0] =	vst v63  }
0x400: {  	_ =	swait.ge [sflag:s17], $0x800  }
0x401: {  	[sflag:s17] =	ssyncset.done $0x0  }
0x402: {  	[sflag:s17] =	ssyncadd.s32 $0xFFFFF800  }
0x403: {  	_ =	swait.ge [sflag:s29], $0x800  }
0x404: {  	[sflag:s29] =	ssyncset.done $0x0  }
0x405: {  	s8 =	simm.s32 $0x0;
	[sflag:s29] =	ssyncadd.s32 $0xFFFFF800  }
0x406: {  	v0 =	vld [tilespmem:s8+$0x1B2D0];
	_ =	sdelay $0x5  }
0x407: {  	v1 =	vld [tilespmem:s8+$0x1B2E0];
	_ =	sdelay $0x1  }
0x408: {  	v0 =	vld.idx.msk [tilespmem:v0+s6+$0x0], $0xffff;
	_ =	sdelay $0x4  }
0x409: {  	[tilespmem:s8+$0x1DAD0] =	vst v0;
	v0 =	vld [tilespmem:s8+$0x1B2F0]  }
0x40a: {  	v1 =	vld.idx.msk [tilespmem:v1+s6+$0x0], $0xffff;
	_ =	sdelay $0x4  }
0x40b: {  	[tilespmem:s8+$0x1DAE0] =	vst v1;
	v1 =	vld [tilespmem:s8+$0x1B300];
	_ =	sdelay $0x1  }
0x40c: {  	v0 =	vld.idx.msk [tilespmem:v0+s6+$0x0], $0xffff;
	_ =	sdelay $0x4  }
0x40d: {  	[tilespmem:s8+$0x1DAF0] =	vst v0;
	v0 =	vld [tilespmem:s8+$0x1B310]  }
0x40e: {  	v1 =	vld.idx.msk [tilespmem:v1+s6+$0x0], $0xffff;
	_ =	sdelay $0x4  }
0x40f: {  	[tilespmem:s8+$0x1DB00] =	vst v1;
	v1 =	vld [tilespmem:s8+$0x1B320];
	_ =	sdelay $0x1  }
0x410: {  	v0 =	vld.idx.msk [tilespmem:v0+s6+$0x0], $0xffff;
	_ =	sdelay $0x4  }
0x411: {  	v2 =	vld [tilespmem:s8+$0x1B330];
	[tilespmem:s8+$0x1DB10] =	vst v0  }
0x412: {  	v0 =	vld.idx.msk [tilespmem:v1+s6+$0x0], $0xffff;
	_ =	sdelay $0x4  }
0x413: {  	[tilespmem:s8+$0x1DB20] =	vst v0;
	v0 =	vld [tilespmem:s8+$0x1B340];
	_ =	sdelay $0x1  }
0x414: {  	v1 =	vld.idx.msk [tilespmem:v2+s6+$0x0], $0xffff;
	_ =	sdelay $0x3  }
0x415: {  	s20 =	simm.s32 $0x400;
	s23 =	simm.s32 $0x80  }
.LBB2_24:
0x416: {  	p1 =	sne.s32 s20, $0x1E00;
	v2 =	vld [tilespmem:s23+$0x1B2D0];
	[tilespmem:s8+$0x1DB30] =	vst v1  }
0x417: {  	v0 =	vld.idx.msk [tilespmem:v0+s6+$0x0], $0xffff;
	_ =	sdelay $0x5  }
0x418: {  	v1 =	vld [tilespmem:s23+$0x1B2E0];
	[tilespmem:s8+$0x1DB40] =	vst v0;
	s8 =	smov.u32 s23  }
0x419: {  	v0 =	vld.idx.msk [tilespmem:v2+s6+$0x0], $0xffff;
	_ =	sdelay $0x5  }
0x41a: {  	[tilespmem:s8+$0x1DAD0] =	vst v0;
	v0 =	vld [tilespmem:s8+$0x1B2F0]  }
0x41b: {  	v1 =	vld.idx.msk [tilespmem:v1+s6+$0x0], $0xffff;
	_ =	sdelay $0x5  }
0x41c: {  	[tilespmem:s8+$0x1DAE0] =	vst v1;
	v1 =	vld [tilespmem:s8+$0x1B300]  }
0x41d: {  	v0 =	vld.idx.msk [tilespmem:v0+s6+$0x0], $0xffff;
	_ =	sdelay $0x5  }
0x41e: {  	[tilespmem:s8+$0x1DAF0] =	vst v0;
	v0 =	vld [tilespmem:s8+$0x1B310]  }
0x41f: {  	v1 =	vld.idx.msk [tilespmem:v1+s6+$0x0], $0xffff;
	_ =	sdelay $0x5  }
0x420: {  	[tilespmem:s8+$0x1DB00] =	vst v1;
	v1 =	vld [tilespmem:s8+$0x1B320]  }
0x421: {  	v0 =	vld.idx.msk [tilespmem:v0+s6+$0x0], $0xffff;
	_ =	sdelay $0x5  }
0x422: {  	[tilespmem:s8+$0x1DB10] =	vst v0;
	v2 =	vld [tilespmem:s8+$0x1B330]  }
0x423: {  	v0 =	vld.idx.msk [tilespmem:v1+s6+$0x0], $0xffff;
	_ =	sdelay $0x5  }
0x424: {  	[tilespmem:s8+$0x1DB20] =	vst v0;
	v0 =	vld [tilespmem:s8+$0x1B340]  }
0x425: {  	v1 =	vld.idx.msk [tilespmem:v2+s6+$0x0], $0xffff  }
.Ltmp11:
0x426: {  	(pc) =	sbr.rel @p1 .LBB2_24-.Ltmp11, $2  }
0x427: {  	_ =	sdelay $0x2  }
0x428: {  	s23 =	sshra.s32 s20, $0x2;
	s20 =	sadd.s32 $0x200, s20  }
0x429: {  	_ =	sdelay $0x1  }
0x42a: {  	v2 =	vld [tilespmem:s23+$0x1B2D0]  }
0x42b: {  	[tilespmem:s8+$0x1DB30] =	vst v1  }
0x42c: {  	v0 =	vld.idx.msk [tilespmem:v0+s6+$0x0], $0xffff;
	_ =	sdelay $0x3  }
0x42d: {  	v1 =	vld [tilespmem:s23+$0x1B2E0]  }
0x42e: {  	[tilespmem:s8+$0x1DB40] =	vst v0  }
0x42f: {  	v0 =	vld.idx.msk [tilespmem:v2+s6+$0x0], $0xffff;
	_ =	sdelay $0x4  }
0x430: {  	[tilespmem:s23+$0x1DAD0] =	vst v0;
	v0 =	vld [tilespmem:s23+$0x1B2F0]  }
0x431: {  	v1 =	vld.idx.msk [tilespmem:v1+s6+$0x0], $0xffff;
	_ =	sdelay $0x4  }
0x432: {  	[tilespmem:s23+$0x1DAE0] =	vst v1;
	v1 =	vld [tilespmem:s23+$0x1B300];
	_ =	sdelay $0x1  }
0x433: {  	v0 =	vld.idx.msk [tilespmem:v0+s6+$0x0], $0xffff;
	_ =	sdelay $0x4  }
0x434: {  	[tilespmem:s23+$0x1DAF0] =	vst v0;
	v0 =	vld [tilespmem:s23+$0x1B310]  }
0x435: {  	v1 =	vld.idx.msk [tilespmem:v1+s6+$0x0], $0xffff;
	_ =	sdelay $0x4  }
0x436: {  	[tilespmem:s23+$0x1DB00] =	vst v1;
	v1 =	vld [tilespmem:s23+$0x1B320];
	_ =	sdelay $0x1  }
0x437: {  	v0 =	vld.idx.msk [tilespmem:v0+s6+$0x0], $0xffff;
	_ =	sdelay $0x4  }
0x438: {  	[tilespmem:s23+$0x1DB10] =	vst v0;
	v0 =	vld [tilespmem:s23+$0x1B330]  }
0x439: {  	v1 =	vld.idx.msk [tilespmem:v1+s6+$0x0], $0xffff;
	_ =	sdelay $0x4  }
0x43a: {  	[tilespmem:s23+$0x1DB20] =	vst v1;
	v1 =	vld [tilespmem:s23+$0x1B340];
	_ =	sdelay $0x1  }
0x43b: {  	v0 =	vld.idx.msk [tilespmem:v0+s6+$0x0], $0xffff;
	_ =	sdelay $0x4  }
0x43c: {  	[tilespmem:s23+$0x1DB30] =	vst v0  }
0x43d: {  	v0 =	vld.idx.msk [tilespmem:v1+s6+$0x0], $0xffff;
	_ =	sdelay $0x4  }
0x43e: {  	[tilespmem:s23+$0x1DB40] =	vst v0;
	s23 =	sld [smem:$0x7EE];
	_ =	sdelay $0x1  }
0x43f: {  	s20 =	simm.s32 $0x1DAD0  }
0x440: {  	[hbm4b:s23+s4] =	stream.strided.scatter [tilespmem:s20], [sflag:$0xD], $0x800, s0, s4, $0x38;
	[tilespmem:$0x1FAD0] =	vst v63  }
0x441: {  	s23 =	sld [smem:$0x7EF];
	_ =	sdelay $0x2  }
0x442: {  	[tilespmem:s5], [sflag:$0xA] =	stream.linear.gather [spmem:s23], $0x800, $0x38;
	[tilespmem:$0x1FAD0] =	vst v63  }
0x443: {  	_ =	swait.ge [sflag:s10], $0x800  }
0x444: {  	[sflag:s10] =	ssyncset.done $0x0  }
0x445: {  	[sflag:s10] =	ssyncadd.s32 $0xFFFFF800  }
0x446: {  	_ =	swait.ge [sflag:s16], $0x800  }
0x447: {  	[sflag:s16] =	ssyncset.done $0x0  }
0x448: {  	[sflag:s16] =	ssyncadd.s32 $0xFFFFF800  }
0x449: {  	[tilespmem:s19], [sflag:$0x11] =	stream.indirect.gather [spmem:s15], $0x1, s7, s18, $0xb8;
	[tilespmem:$0x1FAD0] =	vst v63  }
0x44a: {  	_ =	swait.ge [sflag:s21], $0x800  }
0x44b: {  	s20 =	sld [smem:$0x7F0]  }
0x44c: {  	[sflag:s21] =	ssyncset.done $0x0  }
0x44d: {  	s23 =	simm.s32 $0x1F2D0;
	[sflag:s21] =	ssyncadd.s32 $0xFFFFF800  }
0x44e: {  	[hbm4b:s20+s4] =	stream.strided.scatter [tilespmem:s23], [sflag:$0x10], $0x800, s0, s4, $0x38;
	[tilespmem:$0x1FAD0] =	vst v63  }
0x44f: {  	s23 =	sld [smem:$0x7F1];
	_ =	sdelay $0x2  }
0x450: {  	[tilespmem:s24], [sflag:$0x8] =	stream.linear.gather [spmem:s23], $0x800, $0x38;
	[tilespmem:$0x1FAD0] =	vst v63  }
0x451: {  	_ =	swait.ge [sflag:s3], $0x800  }
0x452: {  	[sflag:s3] =	ssyncset.done $0x0  }
0x453: {  	[sflag:s3] =	ssyncadd.s32 $0xFFFFF800  }
0x454: {  	_ =	swait.ge [sflag:s22], $0x800  }
0x455: {  	[sflag:s22] =	ssyncset.done $0x0  }
0x456: {  	s8 =	simm.s32 $0x0;
	[sflag:s22] =	ssyncadd.s32 $0xFFFFF800  }
0x457: {  	v0 =	vld [tilespmem:s8+$0x1AAD0];
	_ =	sdelay $0x5  }
0x458: {  	v1 =	vld [tilespmem:s8+$0x1AAE0];
	_ =	sdelay $0x1  }
0x459: {  	v0 =	vld.idx.msk [tilespmem:v0+s6+$0x0], $0xffff;
	_ =	sdelay $0x4  }
0x45a: {  	[tilespmem:s8+$0x1D2D0] =	vst v0;
	v0 =	vld [tilespmem:s8+$0x1AAF0]  }
0x45b: {  	v1 =	vld.idx.msk [tilespmem:v1+s6+$0x0], $0xffff;
	_ =	sdelay $0x4  }
0x45c: {  	[tilespmem:s8+$0x1D2E0] =	vst v1;
	v1 =	vld [tilespmem:s8+$0x1AB00];
	_ =	sdelay $0x1  }
0x45d: {  	v0 =	vld.idx.msk [tilespmem:v0+s6+$0x0], $0xffff;
	_ =	sdelay $0x4  }
0x45e: {  	[tilespmem:s8+$0x1D2F0] =	vst v0;
	v0 =	vld [tilespmem:s8+$0x1AB10]  }
0x45f: {  	v1 =	vld.idx.msk [tilespmem:v1+s6+$0x0], $0xffff;
	_ =	sdelay $0x4  }
0x460: {  	[tilespmem:s8+$0x1D300] =	vst v1;
	v1 =	vld [tilespmem:s8+$0x1AB20];
	_ =	sdelay $0x1  }
0x461: {  	v0 =	vld.idx.msk [tilespmem:v0+s6+$0x0], $0xffff;
	_ =	sdelay $0x4  }
0x462: {  	v2 =	vld [tilespmem:s8+$0x1AB30];
	[tilespmem:s8+$0x1D310] =	vst v0  }
0x463: {  	v0 =	vld.idx.msk [tilespmem:v1+s6+$0x0], $0xffff;
	_ =	sdelay $0x4  }
0x464: {  	[tilespmem:s8+$0x1D320] =	vst v0;
	v0 =	vld [tilespmem:s8+$0x1AB40];
	_ =	sdelay $0x1  }
0x465: {  	v1 =	vld.idx.msk [tilespmem:v2+s6+$0x0], $0xffff;
	_ =	sdelay $0x3  }
0x466: {  	s20 =	simm.s32 $0x400;
	s23 =	simm.s32 $0x80  }
.LBB2_26:
0x467: {  	p1 =	sne.s32 s20, $0x1E00;
	v2 =	vld [tilespmem:s23+$0x1AAD0];
	[tilespmem:s8+$0x1D330] =	vst v1  }
0x468: {  	v0 =	vld.idx.msk [tilespmem:v0+s6+$0x0], $0xffff;
	_ =	sdelay $0x5  }
0x469: {  	v1 =	vld [tilespmem:s23+$0x1AAE0];
	[tilespmem:s8+$0x1D340] =	vst v0;
	s8 =	smov.u32 s23  }
0x46a: {  	v0 =	vld.idx.msk [tilespmem:v2+s6+$0x0], $0xffff;
	_ =	sdelay $0x5  }
0x46b: {  	[tilespmem:s8+$0x1D2D0] =	vst v0;
	v0 =	vld [tilespmem:s8+$0x1AAF0]  }
0x46c: {  	v1 =	vld.idx.msk [tilespmem:v1+s6+$0x0], $0xffff;
	_ =	sdelay $0x5  }
0x46d: {  	[tilespmem:s8+$0x1D2E0] =	vst v1;
	v1 =	vld [tilespmem:s8+$0x1AB00]  }
0x46e: {  	v0 =	vld.idx.msk [tilespmem:v0+s6+$0x0], $0xffff;
	_ =	sdelay $0x5  }
0x46f: {  	[tilespmem:s8+$0x1D2F0] =	vst v0;
	v0 =	vld [tilespmem:s8+$0x1AB10]  }
0x470: {  	v1 =	vld.idx.msk [tilespmem:v1+s6+$0x0], $0xffff;
	_ =	sdelay $0x5  }
0x471: {  	[tilespmem:s8+$0x1D300] =	vst v1;
	v1 =	vld [tilespmem:s8+$0x1AB20]  }
0x472: {  	v0 =	vld.idx.msk [tilespmem:v0+s6+$0x0], $0xffff;
	_ =	sdelay $0x5  }
0x473: {  	[tilespmem:s8+$0x1D310] =	vst v0;
	v2 =	vld [tilespmem:s8+$0x1AB30]  }
0x474: {  	v0 =	vld.idx.msk [tilespmem:v1+s6+$0x0], $0xffff;
	_ =	sdelay $0x5  }
0x475: {  	[tilespmem:s8+$0x1D320] =	vst v0;
	v0 =	vld [tilespmem:s8+$0x1AB40]  }
0x476: {  	v1 =	vld.idx.msk [tilespmem:v2+s6+$0x0], $0xffff  }
.Ltmp12:
0x477: {  	(pc) =	sbr.rel @p1 .LBB2_26-.Ltmp12, $2  }
0x478: {  	_ =	sdelay $0x2  }
0x479: {  	s23 =	sshra.s32 s20, $0x2;
	s20 =	sadd.s32 $0x200, s20  }
0x47a: {  	_ =	sdelay $0x1  }
0x47b: {  	v2 =	vld [tilespmem:s23+$0x1AAD0]  }
0x47c: {  	[tilespmem:s8+$0x1D330] =	vst v1  }
0x47d: {  	v0 =	vld.idx.msk [tilespmem:v0+s6+$0x0], $0xffff;
	_ =	sdelay $0x3  }
0x47e: {  	v1 =	vld [tilespmem:s23+$0x1AAE0]  }
0x47f: {  	[tilespmem:s8+$0x1D340] =	vst v0  }
0x480: {  	v0 =	vld.idx.msk [tilespmem:v2+s6+$0x0], $0xffff;
	_ =	sdelay $0x4  }
0x481: {  	[tilespmem:s23+$0x1D2D0] =	vst v0;
	v0 =	vld [tilespmem:s23+$0x1AAF0]  }
0x482: {  	v1 =	vld.idx.msk [tilespmem:v1+s6+$0x0], $0xffff;
	_ =	sdelay $0x4  }
0x483: {  	[tilespmem:s23+$0x1D2E0] =	vst v1;
	v1 =	vld [tilespmem:s23+$0x1AB00];
	_ =	sdelay $0x1  }
0x484: {  	v0 =	vld.idx.msk [tilespmem:v0+s6+$0x0], $0xffff;
	_ =	sdelay $0x4  }
0x485: {  	[tilespmem:s23+$0x1D2F0] =	vst v0;
	v0 =	vld [tilespmem:s23+$0x1AB10]  }
0x486: {  	v1 =	vld.idx.msk [tilespmem:v1+s6+$0x0], $0xffff;
	_ =	sdelay $0x4  }
0x487: {  	[tilespmem:s23+$0x1D300] =	vst v1;
	v1 =	vld [tilespmem:s23+$0x1AB20];
	_ =	sdelay $0x1  }
0x488: {  	v0 =	vld.idx.msk [tilespmem:v0+s6+$0x0], $0xffff;
	_ =	sdelay $0x4  }
0x489: {  	[tilespmem:s23+$0x1D310] =	vst v0;
	v0 =	vld [tilespmem:s23+$0x1AB30]  }
0x48a: {  	v1 =	vld.idx.msk [tilespmem:v1+s6+$0x0], $0xffff;
	_ =	sdelay $0x4  }
0x48b: {  	[tilespmem:s23+$0x1D320] =	vst v1;
	v1 =	vld [tilespmem:s23+$0x1AB40];
	_ =	sdelay $0x1  }
0x48c: {  	v0 =	vld.idx.msk [tilespmem:v0+s6+$0x0], $0xffff;
	_ =	sdelay $0x4  }
0x48d: {  	[tilespmem:s23+$0x1D330] =	vst v0  }
0x48e: {  	v0 =	vld.idx.msk [tilespmem:v1+s6+$0x0], $0xffff;
	_ =	sdelay $0x4  }
0x48f: {  	[tilespmem:s23+$0x1D340] =	vst v0;
	s23 =	sld [smem:$0x7F2];
	_ =	sdelay $0x1  }
0x490: {  	s20 =	sld [smem:$0x7F3]  }
0x491: {  	[hbm4b:s23+s4] =	stream.strided.scatter [tilespmem:s26], [sflag:$0xC], $0x800, s0, s4, $0x38;
	[tilespmem:$0x1FAD0] =	vst v63  }
0x492: {  	_ = 	snop  }
0x493: {  	[tilespmem:s30], [sflag:$0xB] =	stream.linear.gather [spmem:s20], $0x800, $0x38;
	[tilespmem:$0x1FAD0] =	vst v63  }
0x494: {  	_ =	swait.ge [sflag:s11], $0x800  }
0x495: {  	[sflag:s11] =	ssyncset.done $0x0  }
0x496: {  	[sflag:s11] =	ssyncadd.s32 $0xFFFFF800  }
0x497: {  	_ =	swait.ge [sflag:s25], $0x800  }
0x498: {  	[sflag:s25] =	ssyncset.done $0x0  }
0x499: {  	s23 =	simm.s32 $0x1EAD0;
	[sflag:s25] =	ssyncadd.s32 $0xFFFFF800  }
0x49a: {  	[tilespmem:s23], [sflag:$0x12] =	stream.indirect.gather [spmem:s15], $0x1, s5, s18, $0xb8;
	[tilespmem:$0x1FAD0] =	vst v63  }
0x49b: {  	_ =	swait.ge [sflag:s28], $0x800  }
0x49c: {  	s20 =	sld [smem:$0x7F4]  }
0x49d: {  	[sflag:s28] =	ssyncset.done $0x0  }
0x49e: {  	s23 =	sld [smem:$0x7F5];
	[sflag:s28] =	ssyncadd.s32 $0xFFFFF800  }
0x49f: {  	[hbm4b:s20+s4] =	stream.strided.scatter [tilespmem:s19], [sflag:$0xE], $0x800, s0, s4, $0x38;
	[tilespmem:$0x1FAD0] =	vst v63  }
0x4a0: {  	_ = 	snop  }
0x4a1: {  	[tilespmem:s9], [sflag:$0x7] =	stream.linear.gather [spmem:s23], $0x800, $0x38;
	[tilespmem:$0x1FAD0] =	vst v63  }
0x4a2: {  	_ =	swait.ge [sflag:s17], $0x800  }
0x4a3: {  	[sflag:s17] =	ssyncset.done $0x0  }
0x4a4: {  	[sflag:s17] =	ssyncadd.s32 $0xFFFFF800  }
0x4a5: {  	_ =	swait.ge [sflag:s29], $0x800  }
0x4a6: {  	[sflag:s29] =	ssyncset.done $0x0  }
0x4a7: {  	s8 =	simm.s32 $0x0;
	[sflag:s29] =	ssyncadd.s32 $0xFFFFF800  }
0x4a8: {  	v0 =	vld [tilespmem:s8+$0x1B2D0];
	_ =	sdelay $0x5  }
0x4a9: {  	v1 =	vld [tilespmem:s8+$0x1B2E0];
	_ =	sdelay $0x1  }
0x4aa: {  	v0 =	vld.idx.msk [tilespmem:v0+s6+$0x0], $0xffff;
	_ =	sdelay $0x4  }
0x4ab: {  	[tilespmem:s8+$0x1DAD0] =	vst v0;
	v0 =	vld [tilespmem:s8+$0x1B2F0]  }
0x4ac: {  	v1 =	vld.idx.msk [tilespmem:v1+s6+$0x0], $0xffff;
	_ =	sdelay $0x4  }
0x4ad: {  	[tilespmem:s8+$0x1DAE0] =	vst v1;
	v1 =	vld [tilespmem:s8+$0x1B300];
	_ =	sdelay $0x1  }
0x4ae: {  	v0 =	vld.idx.msk [tilespmem:v0+s6+$0x0], $0xffff;
	_ =	sdelay $0x4  }
0x4af: {  	[tilespmem:s8+$0x1DAF0] =	vst v0;
	v0 =	vld [tilespmem:s8+$0x1B310]  }
0x4b0: {  	v1 =	vld.idx.msk [tilespmem:v1+s6+$0x0], $0xffff;
	_ =	sdelay $0x4  }
0x4b1: {  	[tilespmem:s8+$0x1DB00] =	vst v1;
	v1 =	vld [tilespmem:s8+$0x1B320];
	_ =	sdelay $0x1  }
0x4b2: {  	v0 =	vld.idx.msk [tilespmem:v0+s6+$0x0], $0xffff;
	_ =	sdelay $0x4  }
0x4b3: {  	v2 =	vld [tilespmem:s8+$0x1B330];
	[tilespmem:s8+$0x1DB10] =	vst v0  }
0x4b4: {  	v0 =	vld.idx.msk [tilespmem:v1+s6+$0x0], $0xffff;
	_ =	sdelay $0x4  }
0x4b5: {  	[tilespmem:s8+$0x1DB20] =	vst v0;
	v0 =	vld [tilespmem:s8+$0x1B340];
	_ =	sdelay $0x1  }
0x4b6: {  	v1 =	vld.idx.msk [tilespmem:v2+s6+$0x0], $0xffff;
	_ =	sdelay $0x3  }
0x4b7: {  	s20 =	simm.s32 $0x400;
	s23 =	simm.s32 $0x80  }
.LBB2_28:
0x4b8: {  	p1 =	sne.s32 s20, $0x1E00;
	v2 =	vld [tilespmem:s23+$0x1B2D0];
	[tilespmem:s8+$0x1DB30] =	vst v1  }
0x4b9: {  	v0 =	vld.idx.msk [tilespmem:v0+s6+$0x0], $0xffff;
	_ =	sdelay $0x5  }
0x4ba: {  	v1 =	vld [tilespmem:s23+$0x1B2E0];
	[tilespmem:s8+$0x1DB40] =	vst v0;
	s8 =	smov.u32 s23  }
0x4bb: {  	v0 =	vld.idx.msk [tilespmem:v2+s6+$0x0], $0xffff;
	_ =	sdelay $0x5  }
0x4bc: {  	[tilespmem:s8+$0x1DAD0] =	vst v0;
	v0 =	vld [tilespmem:s8+$0x1B2F0]  }
0x4bd: {  	v1 =	vld.idx.msk [tilespmem:v1+s6+$0x0], $0xffff;
	_ =	sdelay $0x5  }
0x4be: {  	[tilespmem:s8+$0x1DAE0] =	vst v1;
	v1 =	vld [tilespmem:s8+$0x1B300]  }
0x4bf: {  	v0 =	vld.idx.msk [tilespmem:v0+s6+$0x0], $0xffff;
	_ =	sdelay $0x5  }
0x4c0: {  	[tilespmem:s8+$0x1DAF0] =	vst v0;
	v0 =	vld [tilespmem:s8+$0x1B310]  }
0x4c1: {  	v1 =	vld.idx.msk [tilespmem:v1+s6+$0x0], $0xffff;
	_ =	sdelay $0x5  }
0x4c2: {  	[tilespmem:s8+$0x1DB00] =	vst v1;
	v1 =	vld [tilespmem:s8+$0x1B320]  }
0x4c3: {  	v0 =	vld.idx.msk [tilespmem:v0+s6+$0x0], $0xffff;
	_ =	sdelay $0x5  }
0x4c4: {  	[tilespmem:s8+$0x1DB10] =	vst v0;
	v2 =	vld [tilespmem:s8+$0x1B330]  }
0x4c5: {  	v0 =	vld.idx.msk [tilespmem:v1+s6+$0x0], $0xffff;
	_ =	sdelay $0x5  }
0x4c6: {  	[tilespmem:s8+$0x1DB20] =	vst v0;
	v0 =	vld [tilespmem:s8+$0x1B340]  }
0x4c7: {  	v1 =	vld.idx.msk [tilespmem:v2+s6+$0x0], $0xffff  }
.Ltmp13:
0x4c8: {  	(pc) =	sbr.rel @p1 .LBB2_28-.Ltmp13, $2  }
0x4c9: {  	_ =	sdelay $0x2  }
0x4ca: {  	s23 =	sshra.s32 s20, $0x2;
	s20 =	sadd.s32 $0x200, s20  }
0x4cb: {  	_ =	sdelay $0x1  }
0x4cc: {  	v2 =	vld [tilespmem:s23+$0x1B2D0]  }
0x4cd: {  	[tilespmem:s8+$0x1DB30] =	vst v1  }
0x4ce: {  	v0 =	vld.idx.msk [tilespmem:v0+s6+$0x0], $0xffff;
	_ =	sdelay $0x3  }
0x4cf: {  	v1 =	vld [tilespmem:s23+$0x1B2E0]  }
0x4d0: {  	[tilespmem:s8+$0x1DB40] =	vst v0  }
0x4d1: {  	v0 =	vld.idx.msk [tilespmem:v2+s6+$0x0], $0xffff;
	_ =	sdelay $0x4  }
0x4d2: {  	[tilespmem:s23+$0x1DAD0] =	vst v0;
	v0 =	vld [tilespmem:s23+$0x1B2F0]  }
0x4d3: {  	v1 =	vld.idx.msk [tilespmem:v1+s6+$0x0], $0xffff;
	_ =	sdelay $0x4  }
0x4d4: {  	[tilespmem:s23+$0x1DAE0] =	vst v1;
	v1 =	vld [tilespmem:s23+$0x1B300];
	_ =	sdelay $0x1  }
0x4d5: {  	v0 =	vld.idx.msk [tilespmem:v0+s6+$0x0], $0xffff;
	_ =	sdelay $0x4  }
0x4d6: {  	[tilespmem:s23+$0x1DAF0] =	vst v0;
	v0 =	vld [tilespmem:s23+$0x1B310]  }
0x4d7: {  	v1 =	vld.idx.msk [tilespmem:v1+s6+$0x0], $0xffff;
	_ =	sdelay $0x4  }
0x4d8: {  	[tilespmem:s23+$0x1DB00] =	vst v1;
	v1 =	vld [tilespmem:s23+$0x1B320];
	_ =	sdelay $0x1  }
0x4d9: {  	v0 =	vld.idx.msk [tilespmem:v0+s6+$0x0], $0xffff;
	_ =	sdelay $0x4  }
0x4da: {  	[tilespmem:s23+$0x1DB10] =	vst v0;
	v0 =	vld [tilespmem:s23+$0x1B330]  }
0x4db: {  	v1 =	vld.idx.msk [tilespmem:v1+s6+$0x0], $0xffff;
	_ =	sdelay $0x4  }
0x4dc: {  	[tilespmem:s23+$0x1DB20] =	vst v1;
	v1 =	vld [tilespmem:s23+$0x1B340];
	_ =	sdelay $0x1  }
0x4dd: {  	v0 =	vld.idx.msk [tilespmem:v0+s6+$0x0], $0xffff;
	_ =	sdelay $0x4  }
0x4de: {  	[tilespmem:s23+$0x1DB30] =	vst v0  }
0x4df: {  	v0 =	vld.idx.msk [tilespmem:v1+s6+$0x0], $0xffff;
	_ =	sdelay $0x4  }
0x4e0: {  	[tilespmem:s23+$0x1DB40] =	vst v0;
	s23 =	sld [smem:$0x7F6];
	_ =	sdelay $0x1  }
0x4e1: {  	s5 =	simm.s32 $0x1DAD0  }
0x4e2: {  	[hbm4b:s23+s4] =	stream.strided.scatter [tilespmem:s5], [sflag:$0xD], $0x800, s0, s4, $0x38;
	[tilespmem:$0x1FAD0] =	vst v63  }
0x4e3: {  	s5 =	sld [smem:$0x7F7];
	_ =	sdelay $0x2  }
0x4e4: {  	[tilespmem:s7], [sflag:$0x9] =	stream.linear.gather [spmem:s5], $0x800, $0x38;
	[tilespmem:$0x1FAD0] =	vst v63  }
0x4e5: {  	_ =	swait.ge [sflag:s12], $0x800  }
0x4e6: {  	[sflag:s12] =	ssyncset.done $0x0  }
0x4e7: {  	[sflag:s12] =	ssyncadd.s32 $0xFFFFF800  }
0x4e8: {  	_ =	swait.ge [sflag:s31], $0x800  }
0x4e9: {  	[sflag:s31] =	ssyncset.done $0x0  }
0x4ea: {  	s9 =	simm.s32 $0x1F2D0;
	[sflag:s31] =	ssyncadd.s32 $0xFFFFF800  }
0x4eb: {  	[tilespmem:s9], [sflag:$0x13] =	stream.indirect.gather [spmem:s15], $0x1, s30, s18, $0xb8;
	[tilespmem:$0x1FAD0] =	vst v63  }
0x4ec: {  	_ =	swait.ge [sflag:s2], $0x800  }
0x4ed: {  	s20 =	sld [smem:$0x7F8]  }
0x4ee: {  	[sflag:s2] =	ssyncset.done $0x0  }
0x4ef: {  	s23 =	simm.s32 $0x1EAD0;
	s30 =	sld [smem:$0x7F9];
	[sflag:s2] =	ssyncadd.s32 $0xFFFFF800  }
0x4f0: {  	[hbm4b:s20+s4] =	stream.strided.scatter [tilespmem:s23], [sflag:$0xF], $0x800, s0, s4, $0x38;
	[tilespmem:$0x1FAD0] =	vst v63  }
0x4f1: {  	_ = 	snop  }
0x4f2: {  	[tilespmem:s24], [sflag:$0x8] =	stream.linear.gather [spmem:s30], $0x800, $0x38;
	[tilespmem:$0x1FAD0] =	vst v63  }
0x4f3: {  	_ =	swait.ge [sflag:s3], $0x800  }
0x4f4: {  	[sflag:s3] =	ssyncset.done $0x0  }
0x4f5: {  	[sflag:s3] =	ssyncadd.s32 $0xFFFFF800  }
0x4f6: {  	_ =	swait.ge [sflag:s22], $0x800  }
0x4f7: {  	[sflag:s22] =	ssyncset.done $0x0  }
0x4f8: {  	s8 =	simm.s32 $0x0;
	[sflag:s22] =	ssyncadd.s32 $0xFFFFF800  }
0x4f9: {  	v0 =	vld [tilespmem:s8+$0x1AAD0];
	_ =	sdelay $0x5  }
0x4fa: {  	v1 =	vld [tilespmem:s8+$0x1AAE0];
	_ =	sdelay $0x1  }
0x4fb: {  	v0 =	vld.idx.msk [tilespmem:v0+s6+$0x0], $0xffff;
	_ =	sdelay $0x4  }
0x4fc: {  	[tilespmem:s8+$0x1D2D0] =	vst v0;
	v0 =	vld [tilespmem:s8+$0x1AAF0]  }
0x4fd: {  	v1 =	vld.idx.msk [tilespmem:v1+s6+$0x0], $0xffff;
	_ =	sdelay $0x4  }
0x4fe: {  	[tilespmem:s8+$0x1D2E0] =	vst v1;
	v1 =	vld [tilespmem:s8+$0x1AB00];
	_ =	sdelay $0x1  }
0x4ff: {  	v0 =	vld.idx.msk [tilespmem:v0+s6+$0x0], $0xffff;
	_ =	sdelay $0x4  }
0x500: {  	[tilespmem:s8+$0x1D2F0] =	vst v0;
	v0 =	vld [tilespmem:s8+$0x1AB10]  }
0x501: {  	v1 =	vld.idx.msk [tilespmem:v1+s6+$0x0], $0xffff;
	_ =	sdelay $0x4  }
0x502: {  	[tilespmem:s8+$0x1D300] =	vst v1;
	v1 =	vld [tilespmem:s8+$0x1AB20];
	_ =	sdelay $0x1  }
0x503: {  	v0 =	vld.idx.msk [tilespmem:v0+s6+$0x0], $0xffff;
	_ =	sdelay $0x4  }
0x504: {  	v2 =	vld [tilespmem:s8+$0x1AB30];
	[tilespmem:s8+$0x1D310] =	vst v0  }
0x505: {  	v0 =	vld.idx.msk [tilespmem:v1+s6+$0x0], $0xffff;
	_ =	sdelay $0x4  }
0x506: {  	[tilespmem:s8+$0x1D320] =	vst v0;
	v0 =	vld [tilespmem:s8+$0x1AB40];
	_ =	sdelay $0x1  }
0x507: {  	v1 =	vld.idx.msk [tilespmem:v2+s6+$0x0], $0xffff;
	_ =	sdelay $0x3  }
0x508: {  	s23 =	simm.s32 $0x80;
	s20 =	simm.s32 $0x400  }
.LBB2_30:
0x509: {  	p1 =	sne.s32 s20, $0x1E00;
	v2 =	vld [tilespmem:s23+$0x1AAD0];
	[tilespmem:s8+$0x1D330] =	vst v1  }
0x50a: {  	v0 =	vld.idx.msk [tilespmem:v0+s6+$0x0], $0xffff;
	_ =	sdelay $0x5  }
0x50b: {  	v1 =	vld [tilespmem:s23+$0x1AAE0];
	[tilespmem:s8+$0x1D340] =	vst v0;
	s8 =	smov.u32 s23  }
0x50c: {  	v0 =	vld.idx.msk [tilespmem:v2+s6+$0x0], $0xffff;
	_ =	sdelay $0x5  }
0x50d: {  	[tilespmem:s8+$0x1D2D0] =	vst v0;
	v0 =	vld [tilespmem:s8+$0x1AAF0]  }
0x50e: {  	v1 =	vld.idx.msk [tilespmem:v1+s6+$0x0], $0xffff;
	_ =	sdelay $0x5  }
0x50f: {  	[tilespmem:s8+$0x1D2E0] =	vst v1;
	v1 =	vld [tilespmem:s8+$0x1AB00]  }
0x510: {  	v0 =	vld.idx.msk [tilespmem:v0+s6+$0x0], $0xffff;
	_ =	sdelay $0x5  }
0x511: {  	[tilespmem:s8+$0x1D2F0] =	vst v0;
	v0 =	vld [tilespmem:s8+$0x1AB10]  }
0x512: {  	v1 =	vld.idx.msk [tilespmem:v1+s6+$0x0], $0xffff;
	_ =	sdelay $0x5  }
0x513: {  	[tilespmem:s8+$0x1D300] =	vst v1;
	v1 =	vld [tilespmem:s8+$0x1AB20]  }
0x514: {  	v0 =	vld.idx.msk [tilespmem:v0+s6+$0x0], $0xffff;
	_ =	sdelay $0x5  }
0x515: {  	[tilespmem:s8+$0x1D310] =	vst v0;
	v2 =	vld [tilespmem:s8+$0x1AB30]  }
0x516: {  	v0 =	vld.idx.msk [tilespmem:v1+s6+$0x0], $0xffff;
	_ =	sdelay $0x5  }
0x517: {  	[tilespmem:s8+$0x1D320] =	vst v0;
	v0 =	vld [tilespmem:s8+$0x1AB40]  }
0x518: {  	v1 =	vld.idx.msk [tilespmem:v2+s6+$0x0], $0xffff  }
.Ltmp14:
0x519: {  	(pc) =	sbr.rel @p1 .LBB2_30-.Ltmp14, $2  }
0x51a: {  	_ =	sdelay $0x2  }
0x51b: {  	s23 =	sshra.s32 s20, $0x2;
	s20 =	sadd.s32 $0x200, s20  }
0x51c: {  	_ =	sdelay $0x1  }
0x51d: {  	v2 =	vld [tilespmem:s23+$0x1AAD0]  }
0x51e: {  	[tilespmem:s8+$0x1D330] =	vst v1  }
0x51f: {  	v0 =	vld.idx.msk [tilespmem:v0+s6+$0x0], $0xffff;
	_ =	sdelay $0x3  }
0x520: {  	v1 =	vld [tilespmem:s23+$0x1AAE0]  }
0x521: {  	[tilespmem:s8+$0x1D340] =	vst v0  }
0x522: {  	v0 =	vld.idx.msk [tilespmem:v2+s6+$0x0], $0xffff;
	_ =	sdelay $0x4  }
0x523: {  	[tilespmem:s23+$0x1D2D0] =	vst v0;
	v0 =	vld [tilespmem:s23+$0x1AAF0]  }
0x524: {  	v1 =	vld.idx.msk [tilespmem:v1+s6+$0x0], $0xffff;
	_ =	sdelay $0x4  }
0x525: {  	[tilespmem:s23+$0x1D2E0] =	vst v1;
	v1 =	vld [tilespmem:s23+$0x1AB00];
	_ =	sdelay $0x1  }
0x526: {  	v0 =	vld.idx.msk [tilespmem:v0+s6+$0x0], $0xffff;
	_ =	sdelay $0x4  }
0x527: {  	[tilespmem:s23+$0x1D2F0] =	vst v0;
	v0 =	vld [tilespmem:s23+$0x1AB10]  }
0x528: {  	v1 =	vld.idx.msk [tilespmem:v1+s6+$0x0], $0xffff;
	_ =	sdelay $0x4  }
0x529: {  	[tilespmem:s23+$0x1D300] =	vst v1;
	v1 =	vld [tilespmem:s23+$0x1AB20];
	_ =	sdelay $0x1  }
0x52a: {  	v0 =	vld.idx.msk [tilespmem:v0+s6+$0x0], $0xffff;
	_ =	sdelay $0x4  }
0x52b: {  	[tilespmem:s23+$0x1D310] =	vst v0;
	v0 =	vld [tilespmem:s23+$0x1AB30]  }
0x52c: {  	v1 =	vld.idx.msk [tilespmem:v1+s6+$0x0], $0xffff;
	_ =	sdelay $0x4  }
0x52d: {  	[tilespmem:s23+$0x1D320] =	vst v1;
	v1 =	vld [tilespmem:s23+$0x1AB40];
	_ =	sdelay $0x1  }
0x52e: {  	v0 =	vld.idx.msk [tilespmem:v0+s6+$0x0], $0xffff;
	_ =	sdelay $0x4  }
0x52f: {  	[tilespmem:s23+$0x1D330] =	vst v0  }
0x530: {  	v0 =	vld.idx.msk [tilespmem:v1+s6+$0x0], $0xffff;
	_ =	sdelay $0x2  }
0x531: {  	s24 =	sld [smem:$0x7FA];
	_ =	sdelay $0x1  }
0x532: {  	[tilespmem:s23+$0x1D340] =	vst v0  }
0x533: {  	[hbm4b:s24+s4] =	stream.strided.scatter [tilespmem:s26], [sflag:$0xC], $0x800, s0, s4, $0x38;
	[tilespmem:$0x1FAD0] =	vst v63  }
0x534: {  	_ =	swait.ge [sflag:s10], $0x800  }
0x535: {  	[sflag:s10] =	ssyncset.done $0x0  }
0x536: {  	[sflag:s10] =	ssyncadd.s32 $0xFFFFF800  }
0x537: {  	_ =	swait.ge [sflag:s16], $0x800  }
0x538: {  	[sflag:s16] =	ssyncset.done $0x0  }
0x539: {  	[sflag:s16] =	ssyncadd.s32 $0xFFFFF800  }
0x53a: {  	[tilespmem:s19], [sflag:$0x11] =	stream.indirect.gather [spmem:s15], $0x1, s7, s18, $0xb8;
	[tilespmem:$0x1FAD0] =	vst v63  }
0x53b: {  	_ =	swait.ge [sflag:s21], $0x800  }
0x53c: {  	s30 =	sld [smem:$0x7FB]  }
0x53d: {  	[sflag:s21] =	ssyncset.done $0x0  }
0x53e: {  	s5 =	simm.s32 $0x1F2D0;
	[sflag:s21] =	ssyncadd.s32 $0xFFFFF800  }
0x53f: {  	[hbm4b:s30+s4] =	stream.strided.scatter [tilespmem:s5], [sflag:$0x10], $0x800, s0, s4, $0x38;
	[tilespmem:$0x1FAD0] =	vst v63  }
0x540: {  	_ =	swait.ge [sflag:s17], $0x800  }
0x541: {  	[sflag:s17] =	ssyncset.done $0x0  }
0x542: {  	[sflag:s17] =	ssyncadd.s32 $0xFFFFF800  }
0x543: {  	_ =	swait.ge [sflag:s29], $0x800  }
0x544: {  	[sflag:s29] =	ssyncset.done $0x0  }
0x545: {  	s8 =	simm.s32 $0x0;
	[sflag:s29] =	ssyncadd.s32 $0xFFFFF800  }
0x546: {  	v0 =	vld [tilespmem:s8+$0x1B2D0];
	_ =	sdelay $0x5  }
0x547: {  	v1 =	vld [tilespmem:s8+$0x1B2E0];
	_ =	sdelay $0x1  }
0x548: {  	v0 =	vld.idx.msk [tilespmem:v0+s6+$0x0], $0xffff;
	_ =	sdelay $0x4  }
0x549: {  	[tilespmem:s8+$0x1DAD0] =	vst v0;
	v0 =	vld [tilespmem:s8+$0x1B2F0]  }
0x54a: {  	v1 =	vld.idx.msk [tilespmem:v1+s6+$0x0], $0xffff;
	_ =	sdelay $0x4  }
0x54b: {  	[tilespmem:s8+$0x1DAE0] =	vst v1;
	v1 =	vld [tilespmem:s8+$0x1B300];
	_ =	sdelay $0x1  }
0x54c: {  	v0 =	vld.idx.msk [tilespmem:v0+s6+$0x0], $0xffff;
	_ =	sdelay $0x4  }
0x54d: {  	[tilespmem:s8+$0x1DAF0] =	vst v0;
	v0 =	vld [tilespmem:s8+$0x1B310]  }
0x54e: {  	v1 =	vld.idx.msk [tilespmem:v1+s6+$0x0], $0xffff;
	_ =	sdelay $0x4  }
0x54f: {  	[tilespmem:s8+$0x1DB00] =	vst v1;
	v1 =	vld [tilespmem:s8+$0x1B320];
	_ =	sdelay $0x1  }
0x550: {  	v0 =	vld.idx.msk [tilespmem:v0+s6+$0x0], $0xffff;
	_ =	sdelay $0x4  }
0x551: {  	v2 =	vld [tilespmem:s8+$0x1B330];
	[tilespmem:s8+$0x1DB10] =	vst v0  }
0x552: {  	v0 =	vld.idx.msk [tilespmem:v1+s6+$0x0], $0xffff;
	_ =	sdelay $0x4  }
0x553: {  	[tilespmem:s8+$0x1DB20] =	vst v0;
	v0 =	vld [tilespmem:s8+$0x1B340];
	_ =	sdelay $0x1  }
0x554: {  	v1 =	vld.idx.msk [tilespmem:v2+s6+$0x0], $0xffff;
	_ =	sdelay $0x3  }
0x555: {  	s20 =	simm.s32 $0x400;
	s23 =	simm.s32 $0x80  }
.LBB2_32:
0x556: {  	p1 =	sne.s32 s20, $0x1E00;
	v2 =	vld [tilespmem:s23+$0x1B2D0];
	[tilespmem:s8+$0x1DB30] =	vst v1  }
0x557: {  	v0 =	vld.idx.msk [tilespmem:v0+s6+$0x0], $0xffff;
	_ =	sdelay $0x5  }
0x558: {  	v1 =	vld [tilespmem:s23+$0x1B2E0];
	[tilespmem:s8+$0x1DB40] =	vst v0;
	s8 =	smov.u32 s23  }
0x559: {  	v0 =	vld.idx.msk [tilespmem:v2+s6+$0x0], $0xffff;
	_ =	sdelay $0x5  }
0x55a: {  	[tilespmem:s8+$0x1DAD0] =	vst v0;
	v0 =	vld [tilespmem:s8+$0x1B2F0]  }
0x55b: {  	v1 =	vld.idx.msk [tilespmem:v1+s6+$0x0], $0xffff;
	_ =	sdelay $0x5  }
0x55c: {  	[tilespmem:s8+$0x1DAE0] =	vst v1;
	v1 =	vld [tilespmem:s8+$0x1B300]  }
0x55d: {  	v0 =	vld.idx.msk [tilespmem:v0+s6+$0x0], $0xffff;
	_ =	sdelay $0x5  }
0x55e: {  	[tilespmem:s8+$0x1DAF0] =	vst v0;
	v0 =	vld [tilespmem:s8+$0x1B310]  }
0x55f: {  	v1 =	vld.idx.msk [tilespmem:v1+s6+$0x0], $0xffff;
	_ =	sdelay $0x5  }
0x560: {  	[tilespmem:s8+$0x1DB00] =	vst v1;
	v1 =	vld [tilespmem:s8+$0x1B320]  }
0x561: {  	v0 =	vld.idx.msk [tilespmem:v0+s6+$0x0], $0xffff;
	_ =	sdelay $0x5  }
0x562: {  	[tilespmem:s8+$0x1DB10] =	vst v0;
	v2 =	vld [tilespmem:s8+$0x1B330]  }
0x563: {  	v0 =	vld.idx.msk [tilespmem:v1+s6+$0x0], $0xffff;
	_ =	sdelay $0x5  }
0x564: {  	[tilespmem:s8+$0x1DB20] =	vst v0;
	v0 =	vld [tilespmem:s8+$0x1B340]  }
0x565: {  	v1 =	vld.idx.msk [tilespmem:v2+s6+$0x0], $0xffff  }
.Ltmp15:
0x566: {  	(pc) =	sbr.rel @p1 .LBB2_32-.Ltmp15, $2  }
0x567: {  	_ =	sdelay $0x2  }
0x568: {  	s23 =	sshra.s32 s20, $0x2;
	s20 =	sadd.s32 $0x200, s20  }
0x569: {  	_ =	sdelay $0x1  }
0x56a: {  	v2 =	vld [tilespmem:s23+$0x1B2D0]  }
0x56b: {  	[tilespmem:s8+$0x1DB30] =	vst v1  }
0x56c: {  	v0 =	vld.idx.msk [tilespmem:v0+s6+$0x0], $0xffff;
	_ =	sdelay $0x3  }
0x56d: {  	v1 =	vld [tilespmem:s23+$0x1B2E0]  }
0x56e: {  	[tilespmem:s8+$0x1DB40] =	vst v0  }
0x56f: {  	v0 =	vld.idx.msk [tilespmem:v2+s6+$0x0], $0xffff;
	_ =	sdelay $0x3  }
0x570: {  	v58 =	vld [tilespmem:s23+$0x1B2F0]  }
0x571: {  	[tilespmem:s23+$0x1DAD0] =	vst v0  }
0x572: {  	v1 =	vld.idx.msk [tilespmem:v1+s6+$0x0], $0xffff;
	_ =	sdelay $0x3  }
0x573: {  	v59 =	vld [tilespmem:s23+$0x1B300]  }
0x574: {  	[tilespmem:s23+$0x1DAE0] =	vst v1  }
0x575: {  	v0 =	vld.idx.msk [tilespmem:v58+s6+$0x0], $0xffff;
	_ =	sdelay $0x3  }
0x576: {  	v60 =	vld [tilespmem:s23+$0x1B310]  }
0x577: {  	[tilespmem:s23+$0x1DAF0] =	vst v0  }
0x578: {  	v1 =	vld.idx.msk [tilespmem:v59+s6+$0x0], $0xffff;
	_ =	sdelay $0x3  }
0x579: {  	v61 =	vld [tilespmem:s23+$0x1B320]  }
0x57a: {  	[tilespmem:s23+$0x1DB00] =	vst v1  }
0x57b: {  	v0 =	vld.idx.msk [tilespmem:v60+s6+$0x0], $0xffff;
	_ =	sdelay $0x3  }
0x57c: {  	v62 =	vld [tilespmem:s23+$0x1B330]  }
0x57d: {  	[tilespmem:s23+$0x1DB10] =	vst v0  }
0x57e: {  	v1 =	vld.idx.msk [tilespmem:v61+s6+$0x0], $0xffff;
	_ =	sdelay $0x3  }
0x57f: {  	v63 =	vld [tilespmem:s23+$0x1B340]  }
0x580: {  	[tilespmem:s23+$0x1DB20] =	vst v1  }
0x581: {  	v0 =	vld.idx.msk [tilespmem:v62+s6+$0x0], $0xffff;
	_ =	sdelay $0x4  }
0x582: {  	[tilespmem:s23+$0x1DB30] =	vst v0  }
0x583: {  	v0 =	vld.idx.msk [tilespmem:v63+s6+$0x0], $0xffff;
	_ =	sdelay $0x2  }
0x584: {  	s24 =	sld [smem:$0x7FC];
	_ =	sdelay $0x1  }
0x585: {  	s5 =	simm.s32 $0x1DAD0;
	[tilespmem:s23+$0x1DB40] =	vst v0  }
0x586: {  	[hbm4b:s24+s4] =	stream.strided.scatter [tilespmem:s5], [sflag:$0xD], $0x800, s0, s4, $0x38;
	[tilespmem:$0x1FAD0] =	vst v63  }
0x587: {  	_ =	swait.ge [sflag:s28], $0x800  }
0x588: {  	s26 =	sld [smem:$0x7FD]  }
0x589: {  	[sflag:s28] =	ssyncset.done $0x0  }
0x58a: {  	[sflag:s28] =	ssyncadd.s32 $0xFFFFF800  }
0x58b: {  	[hbm4b:s26+s4] =	stream.strided.scatter [tilespmem:s19], [sflag:$0xE], $0x800, s0, s4, $0x38;
	[tilespmem:$0x1FAD0] =	vst v63  }
0x58c: {  	_ =	swait.ge [sflag:s11], $0x800  }
0x58d: {  	[sflag:s11] =	ssyncset.done $0x0  }
0x58e: {  	[sflag:s11] =	ssyncadd.s32 $0xFFFFF800  }
0x58f: {  	_ =	swait.ge [sflag:s12], $0x800  }
0x590: {  	[sflag:s12] =	ssyncset.done $0x0  }
0x591: {  	[sflag:s12] =	ssyncadd.s32 $0xFFFFF800  }
0x592: {  	_ =	swait.ge [sflag:s10], $0x800  }
0x593: {  	[sflag:s10] =	ssyncset.done $0x0  }
0x594: {  	[sflag:s10] =	ssyncadd.s32 $0xFFFFF800  }
0x595: {  	_ =	swait.ge [sflag:s3], $0x800  }
0x596: {  	[sflag:s3] =	ssyncset.done $0x0  }
0x597: {  	[sflag:s3] =	ssyncadd.s32 $0xFFFFF800  }
0x598: {  	_ =	swait.ge [sflag:s17], $0x800  }
0x599: {  	s13 =	sadd.s32 $0x1, s13;
	s30 =	rddreg [dreg:$0x1d]  }
0x59a: {  	p1 =	sne.s32 s13, s30  }
.Ltmp16:
0x59b: {  	_ = 	snop;
	(pc) =	sbr.rel @p1 .LBB2_1-.Ltmp16, $3  }
0x59c: {  	_ =	sdelay $0x1  }
0x59d: {  	[sflag:s17] =	ssyncset.done $0x0  }
0x59e: {  	[sflag:s17] =	ssyncadd.s32 $0xFFFFF800  }
0x59f: {  	_ =	sfence.sel $0x180000  }
0x5a0: {  	[bflag:$0x0] =	sbarrier.arrive $0xFFFF  }
0x5a1: {  	_ =	strace $0x90000047  }
0x5a2: {  	[bflag:$0x2] =	sbarrier.arrive $0xFFFF  }
0x5a3: {  	s0 =	rddreg [dreg:$0xc]  }
0x5a4: {  	s0 =	sadd.s32 @!p0 $0x100000, s0  }
0x5a5: {  	[sflag:s0] =	ssyncadd.tile.s32 @!p0 $0x1;
	_ =	shalt  }
.Lfunc_end2:
_tile_overlayer_lowered:
.L_overlay_start_2:
0x5a6: {  	(tag) =	ssettag $0x2  }
0x5a7: {  	s0 =	rddreg [dreg:$0x0];
	s2 =	stileid.u32  }
0x5a8: {  	s1 =	rddreg [dreg:$0x1];
	p0 =	sne.s32 s2, $0x0  }
0x5a9: {  	s3 =	rddreg [dreg:$0x2];
	[bflag:$0x3] =	sbarrier.arrive $0xFFFF;
	s2 =	simm.s32 @!p0 $0x1C15  }
0x5aa: {  	[timem:s3], [sflag:s2] =	dma.local @!p0 [hbm:s0], s1  }
0x5ab: {  	s0 =	simm.s32 @!p0 $0x15  }
0x5ac: {  	_ =	swait.ge @!p0 [sflag:s0], s1  }
0x5ad: {  	s1 =	ssub.s32 @!p0 $0x0, s1;
	[sflag:s0] =	ssyncset.done @!p0 $0x0  }
0x5ae: {  	[sflag:s0] =	ssyncadd.s32 @!p0 s1  }
0x5af: {  	[bflag:$0x3] =	sbarrier.arrive $0xFFFF  }
0x5b0: {  	_ =	shalt  }

</sc_bundles>
